<compile_context>
chip_gen: v7x
topology: tpu7x:2x2x1
jax: 0.10.2.dev20260603
libtpu: 0.0.44.dev20260713+nightly
codegen_flags: <defaults>
</compile_context>

<pallas_src>
import functools

import jax
import jax.numpy as jnp
from jax import lax
from jax.experimental import pallas as pl
from jax.experimental.pallas import tpu as pltpu
from jax.experimental.pallas import tpu_sc as plsc

N = 10000
E = 160000
D_IN = 256
D_HID = 256
D_OUT = 64

NC = 2
NS = 16
LANES = 16

CH = 125
N_CHUNKS = E // CH
CP_WORKERS = 10
CP_ROWS = N // CP_WORKERS
ZROWS = 40

_mesh = lambda: plsc.VectorSubcoreMesh(core_axis_name="c", subcore_axis_name="s")


def _fill_const(ref, nrows, ncols, val):
    v = jnp.full((LANES,), val, jnp.float32)

    def row(r, _):
        for k in range(ncols // LANES):
            ref[r, pl.ds(k * LANES, LANES)] = v
        return 0

    lax.fori_loop(0, nrows, row, 0)


def _fill_zeros(ref, nrows, ncols):
    _fill_const(ref, nrows, ncols, 0.0)


DW = 128


def _make_degrees():
    chunks_per_sub = N_CHUNKS // NS

    @functools.partial(
        pl.kernel,
        out_type=jax.ShapeDtypeStruct((NC, N, DW), jnp.float32),
        mesh=_mesh(),
        scratch_types=[
            pltpu.VMEM_SHARED((N, DW), jnp.float32),
            pltpu.VMEM((2, 1, CH), jnp.int32),
            pltpu.VMEM((CH, DW), jnp.float32),
            pltpu.VMEM((ZROWS, DW), jnp.float32),
            [pltpu.SemaphoreType.DMA] * 2,
        ],
    )
    def degrees(ei_hbm, dummy_hbm, out_hbm, acc, ib, ones, zbuf, sems):
        c = lax.axis_index("c")
        s = lax.axis_index("s")

        _fill_const(ones, CH, DW, 1.0)
        _fill_zeros(zbuf, ZROWS, DW)

        @pl.when(s < CP_WORKERS)
        def _():
            def zslice(j, _):
                pltpu.sync_copy(zbuf, acc.at[pl.ds(s * CP_ROWS + j * ZROWS, ZROWS)])
                return 0

            lax.fori_loop(0, CP_ROWS // ZROWS, zslice, 0)

        plsc.subcore_barrier()

        base = c * N_CHUNKS + s * chunks_per_sub

        def fire(j, b):
            pltpu.sync_copy(ei_hbm.at[base + j], ib.at[b])
            pltpu.async_copy(ones, acc.at[ib.at[b, 0]], sems[b], add=True)

        for b in range(2):
            fire(b, b)
        n_outer = chunks_per_sub // 2

        def chunk(j0, _):
            for b in range(2):
                pltpu.make_async_copy(dummy_hbm, ones, sems[b]).wait()

                @pl.when(j0 < n_outer - 1)
                def _():
                    fire(j0 * 2 + b + 2, b)

            return 0

        lax.fori_loop(0, n_outer, chunk, 0)
        plsc.subcore_barrier()

        @pl.when(s < CP_WORKERS)
        def _():
            rr = pl.ds(s * CP_ROWS, CP_ROWS)
            pltpu.sync_copy(acc.at[rr], out_hbm.at[c, rr])

    return degrees


def _make_agg(W, colsplit):
    if colsplit:
        chunks = N_CHUNKS // NS
    else:
        chunks = N_CHUNKS // (NC * NS)

    NB = 2

    @functools.partial(
        pl.kernel,
        out_type=jax.ShapeDtypeStruct((NC, N, W), jnp.float32),
        mesh=_mesh(),
        scratch_types=[
            pltpu.VMEM_SHARED((N, W), jnp.float32),
            pltpu.VMEM((NB, 1, CH), jnp.int32),
            pltpu.VMEM((NB, 1, CH), jnp.int32),
            pltpu.VMEM((NB, CH, W), jnp.float32),
            pltpu.VMEM((ZROWS, W), jnp.float32),
            [pltpu.SemaphoreType.DMA] * NB,
            [pltpu.SemaphoreType.DMA] * NB,
        ],
    )
    def agg(g_hbm, src_hbm, dst_hbm, dummy_hbm, out_hbm, acc, ixs, ixd, rows, zbuf, sem_g, sem_s):
        c = lax.axis_index("c")
        s = lax.axis_index("s")

        _fill_zeros(zbuf, ZROWS, W)

        def zslice(j, _):
            pltpu.sync_copy(zbuf, acc.at[pl.ds(s * CP_ROWS + j * ZROWS, ZROWS)])
            return 0

        base = (s if colsplit else c * NS + s) * chunks
        n_outer = chunks // NB
        gsrc = g_hbm.at[c] if colsplit else g_hbm

        def fetch(j, b):
            pltpu.sync_copy(src_hbm.at[base + j], ixs.at[b])
            pltpu.sync_copy(dst_hbm.at[base + j], ixd.at[b])
            pltpu.async_copy(gsrc.at[ixs.at[b, 0]], rows.at[b], sem_g[b])

        for b in range(NB):
            fetch(b, b)

        @pl.when(s < CP_WORKERS)
        def _():
            lax.fori_loop(0, CP_ROWS // ZROWS, zslice, 0)

        plsc.subcore_barrier()

        def body(j0, _):
            for b in range(NB):
                pltpu.make_async_copy(dummy_hbm, rows.at[b], sem_g[b]).wait()
                pltpu.async_copy(rows.at[b], acc.at[ixd.at[b, 0]], sem_s[b], add=True)
                pltpu.make_async_copy(dummy_hbm, rows.at[b], sem_s[b]).wait()

                @pl.when(j0 < n_outer - 1)
                def _():
                    fetch(j0 * NB + b + NB, b)

            return 0

        lax.fori_loop(0, n_outer, body, 0)
        plsc.subcore_barrier()

        @pl.when(s < CP_WORKERS)
        def _():
            pltpu.sync_copy(
                acc.at[pl.ds(s * CP_ROWS, CP_ROWS)],
                out_hbm.at[c, pl.ds(s * CP_ROWS, CP_ROWS)],
            )

    return agg


RB = 1000


def _norms(deg_ref):
    ns = lax.rsqrt(jnp.maximum(deg_ref[0][:, 0:1], 1.0))
    nd = lax.rsqrt(jnp.maximum(deg_ref[1][:, 0:1], 1.0))
    return ns, nd


def _stage_a(deg_ref, feat_ref, g0_ref):
    ns, _ = _norms(deg_ref)
    g = feat_ref[...] * ns
    g0_ref[0] = g[:, :128]
    g0_ref[1] = g[:, 128:]


def _stage_bc(deg_ref, agg_ref, w_ref, b_ref, w2_ref, out_ref, *, last):
    ns, nd = _norms(deg_ref)
    m = jnp.dot(agg_ref[0], w_ref[:128, :], preferred_element_type=jnp.float32)
    m = m + jnp.dot(agg_ref[1], w_ref[128:, :], preferred_element_type=jnp.float32)
    h = jnp.maximum(m * nd + b_ref[...], 0.0) * ns
    if last:
        out_ref[...] = jnp.dot(h, w2_ref[...], preferred_element_type=jnp.float32)
    else:
        out_ref[0] = h[:, :128]
        out_ref[1] = h[:, 128:]


def _stage_d(deg_ref, p_ref, b_ref, out_ref):
    _, nd = _norms(deg_ref)
    a = p_ref[0] + p_ref[1]
    out_ref[...] = a[:, :D_OUT] * nd + b_ref[...]


_DEG_SPEC = pl.BlockSpec((NC, RB, DW), lambda i: (0, i, 0))


def _tc_stage_a(deg, features):
    return pl.pallas_call(
        _stage_a,
        grid=(N // RB,),
        in_specs=[_DEG_SPEC, pl.BlockSpec((RB, D_IN), lambda i: (i, 0))],
        out_specs=pl.BlockSpec((NC, RB, 128), lambda i: (0, i, 0)),
        out_shape=jax.ShapeDtypeStruct((NC, N, 128), jnp.float32),
    )(deg, features)


def _tc_stage_b(deg, agg, w, b):
    def wrapped(deg_ref, agg_ref, w_ref, b_ref, out_ref):
        _stage_bc(deg_ref, agg_ref, w_ref, b_ref, None, out_ref, last=False)

    return pl.pallas_call(
        wrapped,
        grid=(N // RB,),
        in_specs=[
            _DEG_SPEC,
            pl.BlockSpec((NC, RB, 128), lambda i: (0, i, 0)),
            pl.BlockSpec((D_HID, D_HID), lambda i: (0, 0)),
            pl.BlockSpec((1, D_HID), lambda i: (0, 0)),
        ],
        out_specs=pl.BlockSpec((NC, RB, 128), lambda i: (0, i, 0)),
        out_shape=jax.ShapeDtypeStruct((NC, N, 128), jnp.float32),
    )(deg, agg, w, b)


def _tc_stage_c(deg, agg, w, b, w2):
    body = functools.partial(_stage_bc, last=True)
    return pl.pallas_call(
        body,
        grid=(N // RB,),
        in_specs=[
            _DEG_SPEC,
            pl.BlockSpec((NC, RB, 128), lambda i: (0, i, 0)),
            pl.BlockSpec((D_HID, D_HID), lambda i: (0, 0)),
            pl.BlockSpec((1, D_HID), lambda i: (0, 0)),
            pl.BlockSpec((D_HID, 128), lambda i: (0, 0)),
        ],
        out_specs=pl.BlockSpec((RB, 128), lambda i: (i, 0)),
        out_shape=jax.ShapeDtypeStruct((N, 128), jnp.float32),
    )(deg, agg, w, b, w2)


def _tc_stage_d(deg, p, b2):
    return pl.pallas_call(
        _stage_d,
        grid=(N // RB,),
        in_specs=[
            _DEG_SPEC,
            pl.BlockSpec((NC, RB, 128), lambda i: (0, i, 0)),
            pl.BlockSpec((1, D_OUT), lambda i: (0, 0)),
        ],
        out_specs=pl.BlockSpec((RB, D_OUT), lambda i: (i, 0)),
        out_shape=jax.ShapeDtypeStruct((N, D_OUT), jnp.float32),
    )(deg, p, b2)


@jax.jit
def kernel(features, edge_index, W0, b0, W1, b1, W2, b2):
    src3d = edge_index[0].reshape(N_CHUNKS, 1, CH)
    dst3d = edge_index[1].reshape(N_CHUNKS, 1, CH)
    ei3d = edge_index.reshape(2 * N_CHUNKS, 1, CH)

    dummy = jnp.zeros((CH, 128), jnp.float32)

    deg = _make_degrees()(ei3d, dummy)
    g0 = _tc_stage_a(deg, features)
    a0 = _make_agg(128, True)(g0, src3d, dst3d, dummy)
    g1 = _tc_stage_b(deg, a0, W0, b0.reshape(1, D_HID))
    a1 = _make_agg(128, True)(g1, src3d, dst3d, dummy)
    w2p = jnp.concatenate(
        [W2, jnp.zeros((D_HID, 128 - D_OUT), jnp.float32)], axis=1
    )
    g2 = _tc_stage_c(deg, a1, W1, b1.reshape(1, D_HID), w2p)
    p2 = _make_agg(128, False)(g2, src3d, dst3d, dummy)
    out = _tc_stage_d(deg, p2, b2.reshape(1, D_OUT))
    return out

# --- scband reference (transcript-rebuilt; emitter-appended) ---
"""Pipeline reference for scband-gcn-15496242004439 (READ-ONLY COPY).

The authoritative reference and input builder live on the scoring server;
editing this copy changes nothing except your own understanding.
"""

import jax, jax.numpy as jnp
import numpy as np

N_NODES = 10000
N_EDGES = 160000
D_IN = 256
D_HID = 256
D_OUT = 64


def _init_linear(key, fan_in, fan_out):
    kw, kb = jax.random.split(key)
    scale = 1.0 / np.sqrt(fan_in)
    W = jax.random.uniform(kw, (fan_in, fan_out), minval=-scale, maxval=scale, dtype=jnp.float32)
    b = jax.random.uniform(kb, (fan_out,), minval=-scale, maxval=scale, dtype=jnp.float32)
    return W, b


def setup_inputs(seed: int = 0) -> dict:
    key = jax.random.key(seed)
    kf, ke, k0, k1, k2 = jax.random.split(key, 5)
    features = jax.random.normal(kf, (N_NODES, D_IN), dtype=jnp.float32)
    edge_index = jax.random.randint(ke, (2, N_EDGES), 0, N_NODES, dtype=jnp.int32)
    W0, b0 = _init_linear(k0, D_IN, D_HID)
    W1, b1 = _init_linear(k1, D_HID, D_HID)
    W2, b2 = _init_linear(k2, D_HID, D_OUT)
    return {"features": features, "edge_index": edge_index,
            "W0": W0, "b0": b0, "W1": W1, "b1": b1, "W2": W2, "b2": b2}


def _graph_conv(h, src, dst, W, b, activation):
    # DGL GraphConv with norm='both': D_dst^{-1/2} A D_src^{-1/2} X W + b
    ones = jnp.ones((src.shape[0],), dtype=jnp.float32)
    deg_out = jax.ops.segment_sum(ones, src, num_segments=N_NODES)
    deg_in = jax.ops.segment_sum(ones, dst, num_segments=N_NODES)
    norm_src = jax.lax.rsqrt(jnp.clip(deg_out, 1.0))
    norm_dst = jax.lax.rsqrt(jnpood := jnp.clip(deg_in, 1.0))
    h = h * norm_src[:, None]
    in_feats, out_feats = W.shape
    if in_feats > out_feats:
        # multiply by weight first to reduce message width (DGL optimization)
        h = h @ W
        msgs = jnp.take(h, src, axis=0)
        agg = jax.ops.segment_sum(msgs, dst, num_segments=N_NODES)
        h = agg * norm_dst[:, None] + b
    else:
        msgs = jnp.take(h, src, axis=0)
        agg = jax.ops.segment_sum(msgs, dst, num_segments=N_NODES)
        h = agg * norm_dst[:, None]
        h = h @ W + b
    if activation:
        h = jax.nn.relu(h)
    return h


def reference(features, edge_index, W0, b0, W1, b1, W2, b2):
    src = edge_index[0]
    dst = edge_index[1]
    # layer 0 (relu), dropout is identity in eval mode
    h = _graph_conv(features, src, dst, W0, b0, activation=True)
    # layer 1 (relu)
    h = _graph_conv(h, src, dst, W1, b1, activation=True)
    # output layer (no activation)
    h = _graph_conv(h, src, dst, W2, b2, activation=False)
    return h

if __name__ == "__main__":
    import jax
    _d = setup_inputs()
    print(jax.jit(kernel)(*tuple(_d.values())))

</pallas_src>

<mosaic_0001>
#map = affine_map<(d0, d1) -> (0, 0, 0)>
#map1 = affine_map<(d0, d1) -> (0, 0)>
module attributes {stable_mosaic.version = 14 : i64} {
  func.func @agg(%arg0: i32, %arg1: i32, %arg2: memref<2x10000x128xf32, #tpu.memory_space<hbm>>, %arg3: memref<1280x1x125xi32, #tpu.memory_space<hbm>>, %arg4: memref<1280x1x125xi32, #tpu.memory_space<hbm>>, %arg5: memref<125x128xf32, #tpu.memory_space<hbm>>, %arg6: memref<2x10000x128xf32, #tpu.memory_space<hbm>>, %arg7: memref<10000x128xf32, #tpu.memory_space<vmem_shared>>, %arg8: memref<2x1x125xi32, #tpu.memory_space<vmem>>, %arg9: memref<2x1x125xi32, #tpu.memory_space<vmem>>, %arg10: memref<2x125x128xf32, #tpu.memory_space<vmem>>, %arg11: memref<40x128xf32, #tpu.memory_space<vmem>>, %arg12: memref<!tpu.dma_semaphore, #tpu.memory_space<semaphore_mem>>, %arg13: memref<!tpu.dma_semaphore, #tpu.memory_space<semaphore_mem>>, %arg14: memref<!tpu.dma_semaphore, #tpu.memory_space<semaphore_mem>>, %arg15: memref<!tpu.dma_semaphore, #tpu.memory_space<semaphore_mem>>) attributes {dimension_semantics = [#tpu.dimension_semantics<core_parallel>, #tpu.dimension_semantics<subcore_parallel>], iteration_bounds = array<i64: 2, 16>, scalar_prefetch = 0 : i64, scratch_operands = 9 : i64, tpu.core_type = #tpu.core_type<sc_vector_subcore>, window_params = [{transform_indices = #map}, {transform_indices = #map}, {transform_indices = #map}, {transform_indices = #map1}, {transform_indices = #map}]} {
    %broadcast_in_dim3A = arith.constant 0.000000e+00 : f32
    %broadcast_in_dim3A_0 = vector.broadcast %broadcast_in_dim3A : f32 to vector<16xf32>
    %scan3A = arith.constant 0 : i32
    %scan3A_1 = arith.constant 0 : i32
    %scan3A_2 = arith.constant 40 : i32
    %scan3A_3 = arith.addi %scan3A_1, %scan3A_2 : i32
    %scan3A_4 = arith.constant 1 : i32
    %scan3A_5 = scf.for %scan3A_66 = %scan3A_1 to %scan3A_3 step %scan3A_4 iter_args(%scan3A_67 = %scan3A) -> (i32)  : i32 {
      %swap3A = arith.index_cast %scan3A_66 : i32 to index
      %swap3A_68 = arith.constant 0 : index
      %swap3A_69 = tpu.vector_load %arg11[%swap3A, %swap3A_68] {strides = array<i32>} : memref<40x128xf32, #tpu.memory_space<vmem>>, vector<1x16xf32>,
      %swap3A_70 = vector.shape_cast %swap3A_69 : vector<1x16xf32> to vector<16xf32>
      %swap3A_71 = vector.shape_cast %broadcast_in_dim3A_0 : vector<16xf32> to vector<1x16xf32>
      tpu.vector_store %arg11[%swap3A, %swap3A_68], %swap3A_71 {strides = array<i32>} : memref<40x128xf32, #tpu.memory_space<vmem>>, vector<1x16xf32>,
      %swap3A_72 = arith.index_cast %scan3A_66 : i32 to index
      %swap3A_73 = arith.constant 16 : index
      %swap3A_74 = tpu.vector_load %arg11[%swap3A_72, %swap3A_73] {strides = array<i32>} : memref<40x128xf32, #tpu.memory_space<vmem>>, vector<1x16xf32>,
      %swap3A_75 = vector.shape_cast %swap3A_74 : vector<1x16xf32> to vector<16xf32>
      %swap3A_76 = vector.shape_cast %broadcast_in_dim3A_0 : vector<16xf32> to vector<1x16xf32>
      tpu.vector_store %arg11[%swap3A_72, %swap3A_73], %swap3A_76 {strides = array<i32>} : memref<40x128xf32, #tpu.memory_space<vmem>>, vector<1x16xf32>,
      %swap3A_77 = arith.index_cast %scan3A_66 : i32 to index
      %swap3A_78 = arith.constant 32 : index
      %swap3A_79 = tpu.vector_load %arg11[%swap3A_77, %swap3A_78] {strides = array<i32>} : memref<40x128xf32, #tpu.memory_space<vmem>>, vector<1x16xf32>,
      %swap3A_80 = vector.shape_cast %swap3A_79 : vector<1x16xf32> to vector<16xf32>
      %swap3A_81 = vector.shape_cast %broadcast_in_dim3A_0 : vector<16xf32> to vector<1x16xf32>
      tpu.vector_store %arg11[%swap3A_77, %swap3A_78], %swap3A_81 {strides = array<i32>} : memref<40x128xf32, #tpu.memory_space<vmem>>, vector<1x16xf32>,
      %swap3A_82 = arith.index_cast %scan3A_66 : i32 to index
      %swap3A_83 = arith.constant 48 : index
      %swap3A_84 = tpu.vector_load %arg11[%swap3A_82, %swap3A_83] {strides = array<i32>} : memref<40x128xf32, #tpu.memory_space<vmem>>, vector<1x16xf32>,
      %swap3A_85 = vector.shape_cast %swap3A_84 : vector<1x16xf32> to vector<16xf32>
      %swap3A_86 = vector.shape_cast %broadcast_in_dim3A_0 : vector<16xf32> to vector<1x16xf32>
      tpu.vector_store %arg11[%swap3A_82, %swap3A_83], %swap3A_86 {strides = array<i32>} : memref<40x128xf32, #tpu.memory_space<vmem>>, vector<1x16xf32>,
      %swap3A_87 = arith.index_cast %scan3A_66 : i32 to index
      %swap3A_88 = arith.constant 64 : index
      %swap3A_89 = tpu.vector_load %arg11[%swap3A_87, %swap3A_88] {strides = array<i32>} : memref<40x128xf32, #tpu.memory_space<vmem>>, vector<1x16xf32>,
      %swap3A_90 = vector.shape_cast %swap3A_89 : vector<1x16xf32> to vector<16xf32>
      %swap3A_91 = vector.shape_cast %broadcast_in_dim3A_0 : vector<16xf32> to vector<1x16xf32>
      tpu.vector_store %arg11[%swap3A_87, %swap3A_88], %swap3A_91 {strides = array<i32>} : memref<40x128xf32, #tpu.memory_space<vmem>>, vector<1x16xf32>,
      %swap3A_92 = arith.index_cast %scan3A_66 : i32 to index
      %swap3A_93 = arith.constant 80 : index
      %swap3A_94 = tpu.vector_load %arg11[%swap3A_92, %swap3A_93] {strides = array<i32>} : memref<40x128xf32, #tpu.memory_space<vmem>>, vector<1x16xf32>,
      %swap3A_95 = vector.shape_cast %swap3A_94 : vector<1x16xf32> to vector<16xf32>
      %swap3A_96 = vector.shape_cast %broadcast_in_dim3A_0 : vector<16xf32> to vector<1x16xf32>
      tpu.vector_store %arg11[%swap3A_92, %swap3A_93], %swap3A_96 {strides = array<i32>} : memref<40x128xf32, #tpu.memory_space<vmem>>, vector<1x16xf32>,
      %swap3A_97 = arith.index_cast %scan3A_66 : i32 to index
      %swap3A_98 = arith.constant 96 : index
      %swap3A_99 = tpu.vector_load %arg11[%swap3A_97, %swap3A_98] {strides = array<i32>} : memref<40x128xf32, #tpu.memory_space<vmem>>, vector<1x16xf32>,
      %swap3A_100 = vector.shape_cast %swap3A_99 : vector<1x16xf32> to vector<16xf32>
      %swap3A_101 = vector.shape_cast %broadcast_in_dim3A_0 : vector<16xf32> to vector<1x16xf32>
      tpu.vector_store %arg11[%swap3A_97, %swap3A_98], %swap3A_101 {strides = array<i32>} : memref<40x128xf32, #tpu.memory_space<vmem>>, vector<1x16xf32>,
      %swap3A_102 = arith.index_cast %scan3A_66 : i32 to index
      %swap3A_103 = arith.constant 112 : index
      %swap3A_104 = tpu.vector_load %arg11[%swap3A_102, %swap3A_103] {strides = array<i32>} : memref<40x128xf32, #tpu.memory_space<vmem>>, vector<1x16xf32>,
      %swap3A_105 = vector.shape_cast %swap3A_104 : vector<1x16xf32> to vector<16xf32>
      %swap3A_106 = vector.shape_cast %broadcast_in_dim3A_0 : vector<16xf32> to vector<1x16xf32>
      tpu.vector_store %arg11[%swap3A_102, %swap3A_103], %swap3A_106 {strides = array<i32>} : memref<40x128xf32, #tpu.memory_space<vmem>>, vector<1x16xf32>,
      %scan3A_107 = arith.constant 0 : i32
      scf.yield %scan3A_107 : i32
    }
    %scan3A_6 = arith.constant 40 : i32
    %mul3A = arith.constant 80 : i32
    %mul3A_7 = arith.muli %arg1, %mul3A : i32
    %add3A = arith.constant 0 : i32
    %add3A_8 = arith.addi %mul3A_7, %add3A : i32
    %run_scoped3A = arith.constant 0 : i32
    "tpu.region"() ({
      %run_scoped3A_66 = tpu.sem_alloc : memref<!tpu.dma_semaphore, #tpu.memory_space<semaphore_mem>>
      %dma_start3A_67 = arith.constant 0 : i32
      %dma_start3A_68 = arith.constant 0 : i32
      %dma_start3A_69 = tpu.memref_slice %arg8[%run_scoped3A, %dma_start3A_67, %dma_start3A_68] : memref<2x1x125xi32, #tpu.memory_space<vmem>> -> memref<1x1x125xi32, #tpu.memory_space<vmem>>
      %dma_start3A_70 = tpu.memref_squeeze %dma_start3A_69 : memref<1x1x125xi32, #tpu.memory_space<vmem>> -> memref<1x125xi32, #tpu.memory_space<vmem>>
      %dma_start3A_71 = arith.constant 0 : i32
      %dma_start3A_72 = arith.constant 0 : i32
      %dma_start3A_73 = tpu.memref_slice %arg3[%add3A_8, %dma_start3A_71, %dma_start3A_72] : memref<1280x1x125xi32, #tpu.memory_space<hbm>> -> memref<1x1x125xi32, #tpu.memory_space<hbm>>
      %dma_start3A_74 = tpu.memref_squeeze %dma_start3A_73 : memref<1x1x125xi32, #tpu.memory_space<hbm>> -> memref<1x125xi32, #tpu.memory_space<hbm>>
      %dma_start3A_75 = arith.constant 0 : i32
      %dma_start3A_76 = arith.constant 0 : i32
      %dma_start3A_77 = tpu.memref_slice %arg8[%run_scoped3A, %dma_start3A_75, %dma_start3A_76] : memref<2x1x125xi32, #tpu.memory_space<vmem>> -> memref<1x1x125xi32, #tpu.memory_space<vmem>>
      %dma_start3A_78 = tpu.memref_squeeze %dma_start3A_77 : memref<1x1x125xi32, #tpu.memory_space<vmem>> -> memref<1x125xi32, #tpu.memory_space<vmem>>
      %dma_start3A_79 = arith.constant 0 : i32
      %dma_start3A_80 = arith.constant 0 : i32
      %dma_start3A_81 = tpu.memref_slice %arg3[%add3A_8, %dma_start3A_79, %dma_start3A_80] : memref<1280x1x125xi32, #tpu.memory_space<hbm>> -> memref<1x1x125xi32, #tpu.memory_space<hbm>>
      %dma_start3A_82 = tpu.memref_squeeze %dma_start3A_81 : memref<1x1x125xi32, #tpu.memory_space<hbm>> -> memref<1x125xi32, #tpu.memory_space<hbm>>
      tpu.enqueue_dma source(%dma_start3A_82 : memref<1x125xi32, #tpu.memory_space<hbm>>) target(%dma_start3A_78 : memref<1x125xi32, #tpu.memory_space<vmem>>) target_semaphore(%run_scoped3A_66 : memref<!tpu.dma_semaphore, #tpu.memory_space<semaphore_mem>>)
      %dma_wait3A = arith.constant 0 : i32
      %dma_wait3A_83 = arith.constant 0 : i32
      %dma_wait3A_84 = tpu.memref_slice %arg8[%run_scoped3A, %dma_wait3A, %dma_wait3A_83] : memref<2x1x125xi32, #tpu.memory_space<vmem>> -> memref<1x1x125xi32, #tpu.memory_space<vmem>>
      %dma_wait3A_85 = tpu.memref_squeeze %dma_wait3A_84 : memref<1x1x125xi32, #tpu.memory_space<vmem>> -> memref<1x125xi32, #tpu.memory_space<vmem>>
      %dma_wait3A_86 = arith.constant 0 : i32
      %dma_wait3A_87 = arith.constant 0 : i32
      %dma_wait3A_88 = tpu.memref_slice %arg3[%add3A_8, %dma_wait3A_86, %dma_wait3A_87] : memref<1280x1x125xi32, #tpu.memory_space<hbm>> -> memref<1x1x125xi32, #tpu.memory_space<hbm>>
      %dma_wait3A_89 = tpu.memref_squeeze %dma_wait3A_88 : memref<1x1x125xi32, #tpu.memory_space<hbm>> -> memref<1x125xi32, #tpu.memory_space<hbm>>
      %dma_wait3A_90 = arith.constant 0 : i32
      %dma_wait3A_91 = arith.constant 0 : i32
      %dma_wait3A_92 = tpu.memref_slice %arg8[%run_scoped3A, %dma_wait3A_90, %dma_wait3A_91] : memref<2x1x125xi32, #tpu.memory_space<vmem>> -> memref<1x1x125xi32, #tpu.memory_space<vmem>>
      %dma_wait3A_93 = tpu.memref_squeeze %dma_wait3A_92 : memref<1x1x125xi32, #tpu.memory_space<vmem>> -> memref<1x125xi32, #tpu.memory_space<vmem>>
      %dma_wait3A_94 = arith.constant 0 : i32
      %dma_wait3A_95 = arith.constant 0 : i32
      %dma_wait3A_96 = tpu.memref_slice %arg3[%add3A_8, %dma_wait3A_94, %dma_wait3A_95] : memref<1280x1x125xi32, #tpu.memory_space<hbm>> -> memref<1x1x125xi32, #tpu.memory_space<hbm>>
      %dma_wait3A_97 = tpu.memref_squeeze %dma_wait3A_96 : memref<1x1x125xi32, #tpu.memory_space<hbm>> -> memref<1x125xi32, #tpu.memory_space<hbm>>
      tpu.wait_dma2 semaphore(%run_scoped3A_66 : memref<!tpu.dma_semaphore, #tpu.memory_space<semaphore_mem>>) src(%dma_wait3A_97 : memref<1x125xi32, #tpu.memory_space<hbm>>) dst(%dma_wait3A_93 : memref<1x125xi32, #tpu.memory_space<vmem>>)
      tpu.yield
    }) : () -> ()
    %add3A_9 = arith.constant 0 : i32
    %add3A_10 = arith.addi %mul3A_7, %add3A_9 : i32
    %run_scoped3A_11 = arith.constant 0 : i32
    "tpu.region"() ({
      %run_scoped3A_66 = tpu.sem_alloc : memref<!tpu.dma_semaphore, #tpu.memory_space<semaphore_mem>>
      %dma_start3A_67 = arith.constant 0 : i32
      %dma_start3A_68 = arith.constant 0 : i32
      %dma_start3A_69 = tpu.memref_slice %arg9[%run_scoped3A_11, %dma_start3A_67, %dma_start3A_68] : memref<2x1x125xi32, #tpu.memory_space<vmem>> -> memref<1x1x125xi32, #tpu.memory_space<vmem>>
      %dma_start3A_70 = tpu.memref_squeeze %dma_start3A_69 : memref<1x1x125xi32, #tpu.memory_space<vmem>> -> memref<1x125xi32, #tpu.memory_space<vmem>>
      %dma_start3A_71 = arith.constant 0 : i32
      %dma_start3A_72 = arith.constant 0 : i32
      %dma_start3A_73 = tpu.memref_slice %arg4[%add3A_10, %dma_start3A_71, %dma_start3A_72] : memref<1280x1x125xi32, #tpu.memory_space<hbm>> -> memref<1x1x125xi32, #tpu.memory_space<hbm>>
      %dma_start3A_74 = tpu.memref_squeeze %dma_start3A_73 : memref<1x1x125xi32, #tpu.memory_space<hbm>> -> memref<1x125xi32, #tpu.memory_space<hbm>>
      %dma_start3A_75 = arith.constant 0 : i32
      %dma_start3A_76 = arith.constant 0 : i32
      %dma_start3A_77 = tpu.memref_slice %arg9[%run_scoped3A_11, %dma_start3A_75, %dma_start3A_76] : memref<2x1x125xi32, #tpu.memory_space<vmem>> -> memref<1x1x125xi32, #tpu.memory_space<vmem>>
      %dma_start3A_78 = tpu.memref_squeeze %dma_start3A_77 : memref<1x1x125xi32, #tpu.memory_space<vmem>> -> memref<1x125xi32, #tpu.memory_space<vmem>>
      %dma_start3A_79 = arith.constant 0 : i32
      %dma_start3A_80 = arith.constant 0 : i32
      %dma_start3A_81 = tpu.memref_slice %arg4[%add3A_10, %dma_start3A_79, %dma_start3A_80] : memref<1280x1x125xi32, #tpu.memory_space<hbm>> -> memref<1x1x125xi32, #tpu.memory_space<hbm>>
      %dma_start3A_82 = tpu.memref_squeeze %dma_start3A_81 : memref<1x1x125xi32, #tpu.memory_space<hbm>> -> memref<1x125xi32, #tpu.memory_space<hbm>>
      tpu.enqueue_dma source(%dma_start3A_82 : memref<1x125xi32, #tpu.memory_space<hbm>>) target(%dma_start3A_78 : memref<1x125xi32, #tpu.memory_space<vmem>>) target_semaphore(%run_scoped3A_66 : memref<!tpu.dma_semaphore, #tpu.memory_space<semaphore_mem>>)
      %dma_wait3A = arith.constant 0 : i32
      %dma_wait3A_83 = arith.constant 0 : i32
      %dma_wait3A_84 = tpu.memref_slice %arg9[%run_scoped3A_11, %dma_wait3A, %dma_wait3A_83] : memref<2x1x125xi32, #tpu.memory_space<vmem>> -> memref<1x1x125xi32, #tpu.memory_space<vmem>>
      %dma_wait3A_85 = tpu.memref_squeeze %dma_wait3A_84 : memref<1x1x125xi32, #tpu.memory_space<vmem>> -> memref<1x125xi32, #tpu.memory_space<vmem>>
      %dma_wait3A_86 = arith.constant 0 : i32
      %dma_wait3A_87 = arith.constant 0 : i32
      %dma_wait3A_88 = tpu.memref_slice %arg4[%add3A_10, %dma_wait3A_86, %dma_wait3A_87] : memref<1280x1x125xi32, #tpu.memory_space<hbm>> -> memref<1x1x125xi32, #tpu.memory_space<hbm>>
      %dma_wait3A_89 = tpu.memref_squeeze %dma_wait3A_88 : memref<1x1x125xi32, #tpu.memory_space<hbm>> -> memref<1x125xi32, #tpu.memory_space<hbm>>
      %dma_wait3A_90 = arith.constant 0 : i32
      %dma_wait3A_91 = arith.constant 0 : i32
      %dma_wait3A_92 = tpu.memref_slice %arg9[%run_scoped3A_11, %dma_wait3A_90, %dma_wait3A_91] : memref<2x1x125xi32, #tpu.memory_space<vmem>> -> memref<1x1x125xi32, #tpu.memory_space<vmem>>
      %dma_wait3A_93 = tpu.memref_squeeze %dma_wait3A_92 : memref<1x1x125xi32, #tpu.memory_space<vmem>> -> memref<1x125xi32, #tpu.memory_space<vmem>>
      %dma_wait3A_94 = arith.constant 0 : i32
      %dma_wait3A_95 = arith.constant 0 : i32
      %dma_wait3A_96 = tpu.memref_slice %arg4[%add3A_10, %dma_wait3A_94, %dma_wait3A_95] : memref<1280x1x125xi32, #tpu.memory_space<hbm>> -> memref<1x1x125xi32, #tpu.memory_space<hbm>>
      %dma_wait3A_97 = tpu.memref_squeeze %dma_wait3A_96 : memref<1x1x125xi32, #tpu.memory_space<hbm>> -> memref<1x125xi32, #tpu.memory_space<hbm>>
      tpu.wait_dma2 semaphore(%run_scoped3A_66 : memref<!tpu.dma_semaphore, #tpu.memory_space<semaphore_mem>>) src(%dma_wait3A_97 : memref<1x125xi32, #tpu.memory_space<hbm>>) dst(%dma_wait3A_93 : memref<1x125xi32, #tpu.memory_space<vmem>>)
      tpu.yield
    }) : () -> ()
    %dma_start3A = arith.constant 0 : i32
    %dma_start3A_12 = arith.constant 0 : i32
    %dma_start3A_13 = arith.constant 0 : i32
    %dma_start3A_14 = arith.constant 0 : i32
    %dma_start3A_15 = arith.constant 0 : i32
    %dma_start3A_16 = tpu.memref_slice %arg10[%dma_start3A_13, %dma_start3A_14, %dma_start3A_15] : memref<2x125x128xf32, #tpu.memory_space<vmem>> -> memref<1x125x128xf32, #tpu.memory_space<vmem>>
    %dma_start3A_17 = tpu.memref_squeeze %dma_start3A_16 : memref<1x125x128xf32, #tpu.memory_space<vmem>> -> memref<125x128xf32, #tpu.memory_space<vmem>>
    %dma_start3A_18 = arith.constant 0 : i32
    %dma_start3A_19 = tpu.memref_slice %arg8[%dma_start3A, %dma_start3A_12, %dma_start3A_18] : memref<2x1x125xi32, #tpu.memory_space<vmem>> -> memref<1x1x125xi32, #tpu.memory_space<vmem>>
    %dma_start3A_20 = tpu.memref_squeeze %dma_start3A_19 : memref<1x1x125xi32, #tpu.memory_space<vmem>> -> memref<125xi32, #tpu.memory_space<vmem>>
    %dma_start3A_21 = arith.constant 0 : i32
    %dma_start3A_22 = arith.constant 0 : i32
    %dma_start3A_23 = tpu.memref_slice %arg2[%arg0, %dma_start3A_21, %dma_start3A_22] : memref<2x10000x128xf32, #tpu.memory_space<hbm>> -> memref<1x10000x128xf32, #tpu.memory_space<hbm>>
    %dma_start3A_24 = tpu.memref_squeeze %dma_start3A_23 : memref<1x10000x128xf32, #tpu.memory_space<hbm>> -> memref<10000x128xf32, #tpu.memory_space<hbm>>
    %dma_start3A_25 = arith.constant 0 : i32
    %dma_start3A_26 = arith.constant 0 : i32
    %dma_start3A_27 = tpu.memref_slice %dma_start3A_24[%dma_start3A_25, %dma_start3A_26] : memref<10000x128xf32, #tpu.memory_space<hbm>> -> memref<10000x128xf32, #tpu.memory_space<hbm>>
    tpu.enqueue_indirect_dma source(%dma_start3A_27 : memref<10000x128xf32, #tpu.memory_space<hbm>>) target(%dma_start3A_17 : memref<125x128xf32, #tpu.memory_space<vmem>>) offsets(%dma_start3A_20 : memref<125xi32, #tpu.memory_space<vmem>>) semaphore(%arg12 : memref<!tpu.dma_semaphore, #tpu.memory_space<semaphore_mem>>)
    %add3A_28 = arith.constant 1 : i32
    %add3A_29 = arith.addi %mul3A_7, %add3A_28 : i32
    %run_scoped3A_30 = arith.constant 1 : i32
    "tpu.region"() ({
      %run_scoped3A_66 = tpu.sem_alloc : memref<!tpu.dma_semaphore, #tpu.memory_space<semaphore_mem>>
      %dma_start3A_67 = arith.constant 0 : i32
      %dma_start3A_68 = arith.constant 0 : i32
      %dma_start3A_69 = tpu.memref_slice %arg8[%run_scoped3A_30, %dma_start3A_67, %dma_start3A_68] : memref<2x1x125xi32, #tpu.memory_space<vmem>> -> memref<1x1x125xi32, #tpu.memory_space<vmem>>
      %dma_start3A_70 = tpu.memref_squeeze %dma_start3A_69 : memref<1x1x125xi32, #tpu.memory_space<vmem>> -> memref<1x125xi32, #tpu.memory_space<vmem>>
      %dma_start3A_71 = arith.constant 0 : i32
      %dma_start3A_72 = arith.constant 0 : i32
      %dma_start3A_73 = tpu.memref_slice %arg3[%add3A_29, %dma_start3A_71, %dma_start3A_72] : memref<1280x1x125xi32, #tpu.memory_space<hbm>> -> memref<1x1x125xi32, #tpu.memory_space<hbm>>
      %dma_start3A_74 = tpu.memref_squeeze %dma_start3A_73 : memref<1x1x125xi32, #tpu.memory_space<hbm>> -> memref<1x125xi32, #tpu.memory_space<hbm>>
      %dma_start3A_75 = arith.constant 0 : i32
      %dma_start3A_76 = arith.constant 0 : i32
      %dma_start3A_77 = tpu.memref_slice %arg8[%run_scoped3A_30, %dma_start3A_75, %dma_start3A_76] : memref<2x1x125xi32, #tpu.memory_space<vmem>> -> memref<1x1x125xi32, #tpu.memory_space<vmem>>
      %dma_start3A_78 = tpu.memref_squeeze %dma_start3A_77 : memref<1x1x125xi32, #tpu.memory_space<vmem>> -> memref<1x125xi32, #tpu.memory_space<vmem>>
      %dma_start3A_79 = arith.constant 0 : i32
      %dma_start3A_80 = arith.constant 0 : i32
      %dma_start3A_81 = tpu.memref_slice %arg3[%add3A_29, %dma_start3A_79, %dma_start3A_80] : memref<1280x1x125xi32, #tpu.memory_space<hbm>> -> memref<1x1x125xi32, #tpu.memory_space<hbm>>
      %dma_start3A_82 = tpu.memref_squeeze %dma_start3A_81 : memref<1x1x125xi32, #tpu.memory_space<hbm>> -> memref<1x125xi32, #tpu.memory_space<hbm>>
      tpu.enqueue_dma source(%dma_start3A_82 : memref<1x125xi32, #tpu.memory_space<hbm>>) target(%dma_start3A_78 : memref<1x125xi32, #tpu.memory_space<vmem>>) target_semaphore(%run_scoped3A_66 : memref<!tpu.dma_semaphore, #tpu.memory_space<semaphore_mem>>)
      %dma_wait3A = arith.constant 0 : i32
      %dma_wait3A_83 = arith.constant 0 : i32
      %dma_wait3A_84 = tpu.memref_slice %arg8[%run_scoped3A_30, %dma_wait3A, %dma_wait3A_83] : memref<2x1x125xi32, #tpu.memory_space<vmem>> -> memref<1x1x125xi32, #tpu.memory_space<vmem>>
      %dma_wait3A_85 = tpu.memref_squeeze %dma_wait3A_84 : memref<1x1x125xi32, #tpu.memory_space<vmem>> -> memref<1x125xi32, #tpu.memory_space<vmem>>
      %dma_wait3A_86 = arith.constant 0 : i32
      %dma_wait3A_87 = arith.constant 0 : i32
      %dma_wait3A_88 = tpu.memref_slice %arg3[%add3A_29, %dma_wait3A_86, %dma_wait3A_87] : memref<1280x1x125xi32, #tpu.memory_space<hbm>> -> memref<1x1x125xi32, #tpu.memory_space<hbm>>
      %dma_wait3A_89 = tpu.memref_squeeze %dma_wait3A_88 : memref<1x1x125xi32, #tpu.memory_space<hbm>> -> memref<1x125xi32, #tpu.memory_space<hbm>>
      %dma_wait3A_90 = arith.constant 0 : i32
      %dma_wait3A_91 = arith.constant 0 : i32
      %dma_wait3A_92 = tpu.memref_slice %arg8[%run_scoped3A_30, %dma_wait3A_90, %dma_wait3A_91] : memref<2x1x125xi32, #tpu.memory_space<vmem>> -> memref<1x1x125xi32, #tpu.memory_space<vmem>>
      %dma_wait3A_93 = tpu.memref_squeeze %dma_wait3A_92 : memref<1x1x125xi32, #tpu.memory_space<vmem>> -> memref<1x125xi32, #tpu.memory_space<vmem>>
      %dma_wait3A_94 = arith.constant 0 : i32
      %dma_wait3A_95 = arith.constant 0 : i32
      %dma_wait3A_96 = tpu.memref_slice %arg3[%add3A_29, %dma_wait3A_94, %dma_wait3A_95] : memref<1280x1x125xi32, #tpu.memory_space<hbm>> -> memref<1x1x125xi32, #tpu.memory_space<hbm>>
      %dma_wait3A_97 = tpu.memref_squeeze %dma_wait3A_96 : memref<1x1x125xi32, #tpu.memory_space<hbm>> -> memref<1x125xi32, #tpu.memory_space<hbm>>
      tpu.wait_dma2 semaphore(%run_scoped3A_66 : memref<!tpu.dma_semaphore, #tpu.memory_space<semaphore_mem>>) src(%dma_wait3A_97 : memref<1x125xi32, #tpu.memory_space<hbm>>) dst(%dma_wait3A_93 : memref<1x125xi32, #tpu.memory_space<vmem>>)
      tpu.yield
    }) : () -> ()
    %add3A_31 = arith.constant 1 : i32
    %add3A_32 = arith.addi %mul3A_7, %add3A_31 : i32
    %run_scoped3A_33 = arith.constant 1 : i32
    "tpu.region"() ({
      %run_scoped3A_66 = tpu.sem_alloc : memref<!tpu.dma_semaphore, #tpu.memory_space<semaphore_mem>>
      %dma_start3A_67 = arith.constant 0 : i32
      %dma_start3A_68 = arith.constant 0 : i32
      %dma_start3A_69 = tpu.memref_slice %arg9[%run_scoped3A_33, %dma_start3A_67, %dma_start3A_68] : memref<2x1x125xi32, #tpu.memory_space<vmem>> -> memref<1x1x125xi32, #tpu.memory_space<vmem>>
      %dma_start3A_70 = tpu.memref_squeeze %dma_start3A_69 : memref<1x1x125xi32, #tpu.memory_space<vmem>> -> memref<1x125xi32, #tpu.memory_space<vmem>>
      %dma_start3A_71 = arith.constant 0 : i32
      %dma_start3A_72 = arith.constant 0 : i32
      %dma_start3A_73 = tpu.memref_slice %arg4[%add3A_32, %dma_start3A_71, %dma_start3A_72] : memref<1280x1x125xi32, #tpu.memory_space<hbm>> -> memref<1x1x125xi32, #tpu.memory_space<hbm>>
      %dma_start3A_74 = tpu.memref_squeeze %dma_start3A_73 : memref<1x1x125xi32, #tpu.memory_space<hbm>> -> memref<1x125xi32, #tpu.memory_space<hbm>>
      %dma_start3A_75 = arith.constant 0 : i32
      %dma_start3A_76 = arith.constant 0 : i32
      %dma_start3A_77 = tpu.memref_slice %arg9[%run_scoped3A_33, %dma_start3A_75, %dma_start3A_76] : memref<2x1x125xi32, #tpu.memory_space<vmem>> -> memref<1x1x125xi32, #tpu.memory_space<vmem>>
      %dma_start3A_78 = tpu.memref_squeeze %dma_start3A_77 : memref<1x1x125xi32, #tpu.memory_space<vmem>> -> memref<1x125xi32, #tpu.memory_space<vmem>>
      %dma_start3A_79 = arith.constant 0 : i32
      %dma_start3A_80 = arith.constant 0 : i32
      %dma_start3A_81 = tpu.memref_slice %arg4[%add3A_32, %dma_start3A_79, %dma_start3A_80] : memref<1280x1x125xi32, #tpu.memory_space<hbm>> -> memref<1x1x125xi32, #tpu.memory_space<hbm>>
      %dma_start3A_82 = tpu.memref_squeeze %dma_start3A_81 : memref<1x1x125xi32, #tpu.memory_space<hbm>> -> memref<1x125xi32, #tpu.memory_space<hbm>>
      tpu.enqueue_dma source(%dma_start3A_82 : memref<1x125xi32, #tpu.memory_space<hbm>>) target(%dma_start3A_78 : memref<1x125xi32, #tpu.memory_space<vmem>>) target_semaphore(%run_scoped3A_66 : memref<!tpu.dma_semaphore, #tpu.memory_space<semaphore_mem>>)
      %dma_wait3A = arith.constant 0 : i32
      %dma_wait3A_83 = arith.constant 0 : i32
      %dma_wait3A_84 = tpu.memref_slice %arg9[%run_scoped3A_33, %dma_wait3A, %dma_wait3A_83] : memref<2x1x125xi32, #tpu.memory_space<vmem>> -> memref<1x1x125xi32, #tpu.memory_space<vmem>>
      %dma_wait3A_85 = tpu.memref_squeeze %dma_wait3A_84 : memref<1x1x125xi32, #tpu.memory_space<vmem>> -> memref<1x125xi32, #tpu.memory_space<vmem>>
      %dma_wait3A_86 = arith.constant 0 : i32
      %dma_wait3A_87 = arith.constant 0 : i32
      %dma_wait3A_88 = tpu.memref_slice %arg4[%add3A_32, %dma_wait3A_86, %dma_wait3A_87] : memref<1280x1x125xi32, #tpu.memory_space<hbm>> -> memref<1x1x125xi32, #tpu.memory_space<hbm>>
      %dma_wait3A_89 = tpu.memref_squeeze %dma_wait3A_88 : memref<1x1x125xi32, #tpu.memory_space<hbm>> -> memref<1x125xi32, #tpu.memory_space<hbm>>
      %dma_wait3A_90 = arith.constant 0 : i32
      %dma_wait3A_91 = arith.constant 0 : i32
      %dma_wait3A_92 = tpu.memref_slice %arg9[%run_scoped3A_33, %dma_wait3A_90, %dma_wait3A_91] : memref<2x1x125xi32, #tpu.memory_space<vmem>> -> memref<1x1x125xi32, #tpu.memory_space<vmem>>
      %dma_wait3A_93 = tpu.memref_squeeze %dma_wait3A_92 : memref<1x1x125xi32, #tpu.memory_space<vmem>> -> memref<1x125xi32, #tpu.memory_space<vmem>>
      %dma_wait3A_94 = arith.constant 0 : i32
      %dma_wait3A_95 = arith.constant 0 : i32
      %dma_wait3A_96 = tpu.memref_slice %arg4[%add3A_32, %dma_wait3A_94, %dma_wait3A_95] : memref<1280x1x125xi32, #tpu.memory_space<hbm>> -> memref<1x1x125xi32, #tpu.memory_space<hbm>>
      %dma_wait3A_97 = tpu.memref_squeeze %dma_wait3A_96 : memref<1x1x125xi32, #tpu.memory_space<hbm>> -> memref<1x125xi32, #tpu.memory_space<hbm>>
      tpu.wait_dma2 semaphore(%run_scoped3A_66 : memref<!tpu.dma_semaphore, #tpu.memory_space<semaphore_mem>>) src(%dma_wait3A_97 : memref<1x125xi32, #tpu.memory_space<hbm>>) dst(%dma_wait3A_93 : memref<1x125xi32, #tpu.memory_space<vmem>>)
      tpu.yield
    }) : () -> ()
    %dma_start3A_34 = arith.constant 1 : i32
    %dma_start3A_35 = arith.constant 0 : i32
    %dma_start3A_36 = arith.constant 1 : i32
    %dma_start3A_37 = arith.constant 0 : i32
    %dma_start3A_38 = arith.constant 0 : i32
    %dma_start3A_39 = tpu.memref_slice %arg10[%dma_start3A_36, %dma_start3A_37, %dma_start3A_38] : memref<2x125x128xf32, #tpu.memory_space<vmem>> -> memref<1x125x128xf32, #tpu.memory_space<vmem>>
    %dma_start3A_40 = tpu.memref_squeeze %dma_start3A_39 : memref<1x125x128xf32, #tpu.memory_space<vmem>> -> memref<125x128xf32, #tpu.memory_space<vmem>>
    %dma_start3A_41 = arith.constant 0 : i32
    %dma_start3A_42 = tpu.memref_slice %arg8[%dma_start3A_34, %dma_start3A_35, %dma_start3A_41] : memref<2x1x125xi32, #tpu.memory_space<vmem>> -> memref<1x1x125xi32, #tpu.memory_space<vmem>>
    %dma_start3A_43 = tpu.memref_squeeze %dma_start3A_42 : memref<1x1x125xi32, #tpu.memory_space<vmem>> -> memref<125xi32, #tpu.memory_space<vmem>>
    %dma_start3A_44 = arith.constant 0 : i32
    %dma_start3A_45 = arith.constant 0 : i32
    %dma_start3A_46 = tpu.memref_slice %arg2[%arg0, %dma_start3A_44, %dma_start3A_45] : memref<2x10000x128xf32, #tpu.memory_space<hbm>> -> memref<1x10000x128xf32, #tpu.memory_space<hbm>>
    %dma_start3A_47 = tpu.memref_squeeze %dma_start3A_46 : memref<1x10000x128xf32, #tpu.memory_space<hbm>> -> memref<10000x128xf32, #tpu.memory_space<hbm>>
    %dma_start3A_48 = arith.constant 0 : i32
    %dma_start3A_49 = arith.constant 0 : i32
    %dma_start3A_50 = tpu.memref_slice %dma_start3A_47[%dma_start3A_48, %dma_start3A_49] : memref<10000x128xf32, #tpu.memory_space<hbm>> -> memref<10000x128xf32, #tpu.memory_space<hbm>>
    tpu.enqueue_indirect_dma source(%dma_start3A_50 : memref<10000x128xf32, #tpu.memory_space<hbm>>) target(%dma_start3A_40 : memref<125x128xf32, #tpu.memory_space<vmem>>) offsets(%dma_start3A_43 : memref<125xi32, #tpu.memory_space<vmem>>) semaphore(%arg13 : memref<!tpu.dma_semaphore, #tpu.memory_space<semaphore_mem>>)
    %lt3A = arith.constant 10 : i32
    %lt3A_51 = arith.cmpi slt, %arg1, %lt3A : i32
    %convert_element_type3A = arith.extui %lt3A_51 : i1 to i32
    %cond3A = arith.constant 0 : i32
    %cond3A_52 = arith.cmpi ne, %convert_element_type3A, %cond3A : i32
    scf.if %cond3A_52 {
      %scan3A_66 = arith.constant 0 : i32
      %scan3A_67 = arith.constant 0 : i32
      %scan3A_68 = arith.constant 25 : i32
      %scan3A_69 = arith.addi %scan3A_67, %scan3A_68 : i32
      %scan3A_70 = arith.constant 1 : i32
      %scan3A_71 = scf.for %scan3A_73 = %scan3A_67 to %scan3A_69 step %scan3A_70 iter_args(%scan3A_74 = %scan3A_66) -> (i32)  : i32 {
        %mul3A_75 = arith.constant 1000 : i32
        %mul3A_76 = arith.muli %arg1, %mul3A_75 : i32
        %mul3A_77 = arith.constant 40 : i32
        %mul3A_78 = arith.muli %scan3A_73, %mul3A_77 : i32
        %add3A_79 = arith.addi %mul3A_76, %mul3A_78 : i32
        "tpu.region"() ({
          %run_scoped3A_81 = tpu.sem_alloc : memref<!tpu.dma_semaphore, #tpu.memory_space<semaphore_mem>>
          %dma_start3A_82 = arith.constant 0 : i32
          %dma_start3A_83 = tpu.memref_slice %arg7[%add3A_79, %dma_start3A_82] : memref<10000x128xf32, #tpu.memory_space<vmem_shared>> -> memref<40x128xf32, #tpu.memory_space<vmem_shared>>
          %dma_start3A_84 = arith.constant 0 : i32
          %dma_start3A_85 = tpu.memref_slice %arg7[%add3A_79, %dma_start3A_84] : memref<10000x128xf32, #tpu.memory_space<vmem_shared>> -> memref<40x128xf32, #tpu.memory_space<vmem_shared>>
          tpu.enqueue_dma source(%arg11 : memref<40x128xf32, #tpu.memory_space<vmem>>) target(%dma_start3A_85 : memref<40x128xf32, #tpu.memory_space<vmem_shared>>) target_semaphore(%run_scoped3A_81 : memref<!tpu.dma_semaphore, #tpu.memory_space<semaphore_mem>>)
          %dma_wait3A = arith.constant 0 : i32
          %dma_wait3A_86 = tpu.memref_slice %arg7[%add3A_79, %dma_wait3A] : memref<10000x128xf32, #tpu.memory_space<vmem_shared>> -> memref<40x128xf32, #tpu.memory_space<vmem_shared>>
          %dma_wait3A_87 = arith.constant 0 : i32
          %dma_wait3A_88 = tpu.memref_slice %arg7[%add3A_79, %dma_wait3A_87] : memref<10000x128xf32, #tpu.memory_space<vmem_shared>> -> memref<40x128xf32, #tpu.memory_space<vmem_shared>>
          tpu.wait_dma2 semaphore(%run_scoped3A_81 : memref<!tpu.dma_semaphore, #tpu.memory_space<semaphore_mem>>) src(%arg11 : memref<40x128xf32, #tpu.memory_space<vmem>>) dst(%dma_wait3A_88 : memref<40x128xf32, #tpu.memory_space<vmem_shared>>)
          tpu.yield
        }) : () -> ()
        %scan3A_80 = arith.constant 0 : i32
        scf.yield %scan3A_80 : i32
      }
      %scan3A_72 = arith.constant 25 : i32
    } else {
    }
    %barrier3A = arith.constant 0 : index
    tpu.barrier barrier_id(%barrier3A)
    %scan3A_53 = arith.constant 0 : i32
    %scan3A_54 = arith.constant 0 : i32
    %scan3A_55 = arith.constant 40 : i32
    %scan3A_56 = arith.addi %scan3A_54, %scan3A_55 : i32
    %scan3A_57 = arith.constant 1 : i32
    %scan3A_58 = scf.for %scan3A_66 = %scan3A_54 to %scan3A_56 step %scan3A_57 iter_args(%scan3A_67 = %scan3A_53) -> (i32)  : i32 {
      %dma_wait3A = arith.constant 0 : i32
      %dma_wait3A_68 = arith.constant 0 : i32
      %dma_wait3A_69 = arith.constant 0 : i32
      %dma_wait3A_70 = tpu.memref_slice %arg10[%dma_wait3A, %dma_wait3A_68, %dma_wait3A_69] : memref<2x125x128xf32, #tpu.memory_space<vmem>> -> memref<1x125x128xf32, #tpu.memory_space<vmem>>
      %dma_wait3A_71 = tpu.memref_squeeze %dma_wait3A_70 : memref<1x125x128xf32, #tpu.memory_space<vmem>> -> memref<125x128xf32, #tpu.memory_space<vmem>>
      %dma_wait3A_72 = arith.constant 0 : i32
      %dma_wait3A_73 = arith.constant 0 : i32
      %dma_wait3A_74 = tpu.memref_slice %arg10[%dma_wait3A, %dma_wait3A_72, %dma_wait3A_73] : memref<2x125x128xf32, #tpu.memory_space<vmem>> -> memref<1x125x128xf32, #tpu.memory_space<vmem>>
      %dma_wait3A_75 = tpu.memref_squeeze %dma_wait3A_74 : memref<1x125x128xf32, #tpu.memory_space<vmem>> -> memref<125x128xf32, #tpu.memory_space<vmem>>
      tpu.wait_dma2 semaphore(%arg12 : memref<!tpu.dma_semaphore, #tpu.memory_space<semaphore_mem>>) src(%arg5 : memref<125x128xf32, #tpu.memory_space<hbm>>) dst(%dma_wait3A_75 : memref<125x128xf32, #tpu.memory_space<vmem>>)
      %dma_start3A_76 = arith.constant 0 : i32
      %dma_start3A_77 = arith.constant 0 : i32
      %dma_start3A_78 = arith.constant 0 : i32
      %dma_start3A_79 = arith.constant 0 : i32
      %dma_start3A_80 = arith.constant 0 : i32
      %dma_start3A_81 = tpu.memref_slice %arg10[%dma_start3A_76, %dma_start3A_79, %dma_start3A_80] : memref<2x125x128xf32, #tpu.memory_space<vmem>> -> memref<1x125x128xf32, #tpu.memory_space<vmem>>
      %dma_start3A_82 = tpu.memref_squeeze %dma_start3A_81 : memref<1x125x128xf32, #tpu.memory_space<vmem>> -> memref<125x128xf32, #tpu.memory_space<vmem>>
      %dma_start3A_83 = arith.constant 0 : i32
      %dma_start3A_84 = tpu.memref_slice %arg9[%dma_start3A_77, %dma_start3A_78, %dma_start3A_83] : memref<2x1x125xi32, #tpu.memory_space<vmem>> -> memref<1x1x125xi32, #tpu.memory_space<vmem>>
      %dma_start3A_85 = tpu.memref_squeeze %dma_start3A_84 : memref<1x1x125xi32, #tpu.memory_space<vmem>> -> memref<125xi32, #tpu.memory_space<vmem>>
      %dma_start3A_86 = arith.constant 0 : i32
      %dma_start3A_87 = arith.constant 0 : i32
      %dma_start3A_88 = tpu.memref_slice %arg7[%dma_start3A_86, %dma_start3A_87] : memref<10000x128xf32, #tpu.memory_space<vmem_shared>> -> memref<10000x128xf32, #tpu.memory_space<vmem_shared>>
      tpu.enqueue_indirect_dma source(%dma_start3A_82 : memref<125x128xf32, #tpu.memory_space<vmem>>) target(%dma_start3A_88 : memref<10000x128xf32, #tpu.memory_space<vmem_shared>>) offsets(%dma_start3A_85 : memref<125xi32, #tpu.memory_space<vmem>>) semaphore(%arg14 : memref<!tpu.dma_semaphore, #tpu.memory_space<semaphore_mem>>) {add = true}
      %dma_wait3A_89 = arith.constant 0 : i32
      %dma_wait3A_90 = arith.constant 0 : i32
      %dma_wait3A_91 = arith.constant 0 : i32
      %dma_wait3A_92 = tpu.memref_slice %arg10[%dma_wait3A_89, %dma_wait3A_90, %dma_wait3A_91] : memref<2x125x128xf32, #tpu.memory_space<vmem>> -> memref<1x125x128xf32, #tpu.memory_space<vmem>>
      %dma_wait3A_93 = tpu.memref_squeeze %dma_wait3A_92 : memref<1x125x128xf32, #tpu.memory_space<vmem>> -> memref<125x128xf32, #tpu.memory_space<vmem>>
      %dma_wait3A_94 = arith.constant 0 : i32
      %dma_wait3A_95 = arith.constant 0 : i32
      %dma_wait3A_96 = tpu.memref_slice %arg10[%dma_wait3A_89, %dma_wait3A_94, %dma_wait3A_95] : memref<2x125x128xf32, #tpu.memory_space<vmem>> -> memref<1x125x128xf32, #tpu.memory_space<vmem>>
      %dma_wait3A_97 = tpu.memref_squeeze %dma_wait3A_96 : memref<1x125x128xf32, #tpu.memory_space<vmem>> -> memref<125x128xf32, #tpu.memory_space<vmem>>
      tpu.wait_dma2 semaphore(%arg14 : memref<!tpu.dma_semaphore, #tpu.memory_space<semaphore_mem>>) src(%arg5 : memref<125x128xf32, #tpu.memory_space<hbm>>) dst(%dma_wait3A_97 : memref<125x128xf32, #tpu.memory_space<vmem>>)
      %lt3A_98 = arith.constant 39 : i32
      %lt3A_99 = arith.cmpi slt, %scan3A_66, %lt3A_98 : i32
      %convert_element_type3A_100 = arith.extui %lt3A_99 : i1 to i32
      %cond3A_101 = arith.constant 0 : i32
      %cond3A_102 = arith.cmpi ne, %convert_element_type3A_100, %cond3A_101 : i32
      scf.if %cond3A_102 {
        %mul3A_140 = arith.constant 2 : i32
        %mul3A_141 = arith.muli %scan3A_66, %mul3A_140 : i32
        %add3A_142 = arith.constant 0 : i32
        %add3A_143 = arith.addi %mul3A_141, %add3A_142 : i32
        %add3A_144 = arith.constant 2 : i32
        %add3A_145 = arith.addi %add3A_143, %add3A_144 : i32
        %add3A_146 = arith.addi %mul3A_7, %add3A_145 : i32
        %run_scoped3A_147 = arith.constant 0 : i32
        "tpu.region"() ({
          %run_scoped3A_167 = tpu.sem_alloc : memref<!tpu.dma_semaphore, #tpu.memory_space<semaphore_mem>>
          %dma_start3A_168 = arith.constant 0 : i32
          %dma_start3A_169 = arith.constant 0 : i32
          %dma_start3A_170 = tpu.memref_slice %arg8[%run_scoped3A_147, %dma_start3A_168, %dma_start3A_169] : memref<2x1x125xi32, #tpu.memory_space<vmem>> -> memref<1x1x125xi32, #tpu.memory_space<vmem>>
          %dma_start3A_171 = tpu.memref_squeeze %dma_start3A_170 : memref<1x1x125xi32, #tpu.memory_space<vmem>> -> memref<1x125xi32, #tpu.memory_space<vmem>>
          %dma_start3A_172 = arith.constant 0 : i32
          %dma_start3A_173 = arith.constant 0 : i32
          %dma_start3A_174 = tpu.memref_slice %arg3[%add3A_146, %dma_start3A_172, %dma_start3A_173] : memref<1280x1x125xi32, #tpu.memory_space<hbm>> -> memref<1x1x125xi32, #tpu.memory_space<hbm>>
          %dma_start3A_175 = tpu.memref_squeeze %dma_start3A_174 : memref<1x1x125xi32, #tpu.memory_space<hbm>> -> memref<1x125xi32, #tpu.memory_space<hbm>>
          %dma_start3A_176 = arith.constant 0 : i32
          %dma_start3A_177 = arith.constant 0 : i32
          %dma_start3A_178 = tpu.memref_slice %arg8[%run_scoped3A_147, %dma_start3A_176, %dma_start3A_177] : memref<2x1x125xi32, #tpu.memory_space<vmem>> -> memref<1x1x125xi32, #tpu.memory_space<vmem>>
          %dma_start3A_179 = tpu.memref_squeeze %dma_start3A_178 : memref<1x1x125xi32, #tpu.memory_space<vmem>> -> memref<1x125xi32, #tpu.memory_space<vmem>>
          %dma_start3A_180 = arith.constant 0 : i32
          %dma_start3A_181 = arith.constant 0 : i32
          %dma_start3A_182 = tpu.memref_slice %arg3[%add3A_146, %dma_start3A_180, %dma_start3A_181] : memref<1280x1x125xi32, #tpu.memory_space<hbm>> -> memref<1x1x125xi32, #tpu.memory_space<hbm>>
          %dma_start3A_183 = tpu.memref_squeeze %dma_start3A_182 : memref<1x1x125xi32, #tpu.memory_space<hbm>> -> memref<1x125xi32, #tpu.memory_space<hbm>>
          tpu.enqueue_dma source(%dma_start3A_183 : memref<1x125xi32, #tpu.memory_space<hbm>>) target(%dma_start3A_179 : memref<1x125xi32, #tpu.memory_space<vmem>>) target_semaphore(%run_scoped3A_167 : memref<!tpu.dma_semaphore, #tpu.memory_space<semaphore_mem>>)
          %dma_wait3A_184 = arith.constant 0 : i32
          %dma_wait3A_185 = arith.constant 0 : i32
          %dma_wait3A_186 = tpu.memref_slice %arg8[%run_scoped3A_147, %dma_wait3A_184, %dma_wait3A_185] : memref<2x1x125xi32, #tpu.memory_space<vmem>> -> memref<1x1x125xi32, #tpu.memory_space<vmem>>
          %dma_wait3A_187 = tpu.memref_squeeze %dma_wait3A_186 : memref<1x1x125xi32, #tpu.memory_space<vmem>> -> memref<1x125xi32, #tpu.memory_space<vmem>>
          %dma_wait3A_188 = arith.constant 0 : i32
          %dma_wait3A_189 = arith.constant 0 : i32
          %dma_wait3A_190 = tpu.memref_slice %arg3[%add3A_146, %dma_wait3A_188, %dma_wait3A_189] : memref<1280x1x125xi32, #tpu.memory_space<hbm>> -> memref<1x1x125xi32, #tpu.memory_space<hbm>>
          %dma_wait3A_191 = tpu.memref_squeeze %dma_wait3A_190 : memref<1x1x125xi32, #tpu.memory_space<hbm>> -> memref<1x125xi32, #tpu.memory_space<hbm>>
          %dma_wait3A_192 = arith.constant 0 : i32
          %dma_wait3A_193 = arith.constant 0 : i32
          %dma_wait3A_194 = tpu.memref_slice %arg8[%run_scoped3A_147, %dma_wait3A_192, %dma_wait3A_193] : memref<2x1x125xi32, #tpu.memory_space<vmem>> -> memref<1x1x125xi32, #tpu.memory_space<vmem>>
          %dma_wait3A_195 = tpu.memref_squeeze %dma_wait3A_194 : memref<1x1x125xi32, #tpu.memory_space<vmem>> -> memref<1x125xi32, #tpu.memory_space<vmem>>
          %dma_wait3A_196 = arith.constant 0 : i32
          %dma_wait3A_197 = arith.constant 0 : i32
          %dma_wait3A_198 = tpu.memref_slice %arg3[%add3A_146, %dma_wait3A_196, %dma_wait3A_197] : memref<1280x1x125xi32, #tpu.memory_space<hbm>> -> memref<1x1x125xi32, #tpu.memory_space<hbm>>
          %dma_wait3A_199 = tpu.memref_squeeze %dma_wait3A_198 : memref<1x1x125xi32, #tpu.memory_space<hbm>> -> memref<1x125xi32, #tpu.memory_space<hbm>>
          tpu.wait_dma2 semaphore(%run_scoped3A_167 : memref<!tpu.dma_semaphore, #tpu.memory_space<semaphore_mem>>) src(%dma_wait3A_199 : memref<1x125xi32, #tpu.memory_space<hbm>>) dst(%dma_wait3A_195 : memref<1x125xi32, #tpu.memory_space<vmem>>)
          tpu.yield
        }) : () -> ()
        %add3A_148 = arith.addi %mul3A_7, %add3A_145 : i32
        %run_scoped3A_149 = arith.constant 0 : i32
        "tpu.region"() ({
          %run_scoped3A_167 = tpu.sem_alloc : memref<!tpu.dma_semaphore, #tpu.memory_space<semaphore_mem>>
          %dma_start3A_168 = arith.constant 0 : i32
          %dma_start3A_169 = arith.constant 0 : i32
          %dma_start3A_170 = tpu.memref_slice %arg9[%run_scoped3A_149, %dma_start3A_168, %dma_start3A_169] : memref<2x1x125xi32, #tpu.memory_space<vmem>> -> memref<1x1x125xi32, #tpu.memory_space<vmem>>
          %dma_start3A_171 = tpu.memref_squeeze %dma_start3A_170 : memref<1x1x125xi32, #tpu.memory_space<vmem>> -> memref<1x125xi32, #tpu.memory_space<vmem>>
          %dma_start3A_172 = arith.constant 0 : i32
          %dma_start3A_173 = arith.constant 0 : i32
          %dma_start3A_174 = tpu.memref_slice %arg4[%add3A_148, %dma_start3A_172, %dma_start3A_173] : memref<1280x1x125xi32, #tpu.memory_space<hbm>> -> memref<1x1x125xi32, #tpu.memory_space<hbm>>
          %dma_start3A_175 = tpu.memref_squeeze %dma_start3A_174 : memref<1x1x125xi32, #tpu.memory_space<hbm>> -> memref<1x125xi32, #tpu.memory_space<hbm>>
          %dma_start3A_176 = arith.constant 0 : i32
          %dma_start3A_177 = arith.constant 0 : i32
          %dma_start3A_178 = tpu.memref_slice %arg9[%run_scoped3A_149, %dma_start3A_176, %dma_start3A_177] : memref<2x1x125xi32, #tpu.memory_space<vmem>> -> memref<1x1x125xi32, #tpu.memory_space<vmem>>
          %dma_start3A_179 = tpu.memref_squeeze %dma_start3A_178 : memref<1x1x125xi32, #tpu.memory_space<vmem>> -> memref<1x125xi32, #tpu.memory_space<vmem>>
          %dma_start3A_180 = arith.constant 0 : i32
          %dma_start3A_181 = arith.constant 0 : i32
          %dma_start3A_182 = tpu.memref_slice %arg4[%add3A_148, %dma_start3A_180, %dma_start3A_181] : memref<1280x1x125xi32, #tpu.memory_space<hbm>> -> memref<1x1x125xi32, #tpu.memory_space<hbm>>
          %dma_start3A_183 = tpu.memref_squeeze %dma_start3A_182 : memref<1x1x125xi32, #tpu.memory_space<hbm>> -> memref<1x125xi32, #tpu.memory_space<hbm>>
          tpu.enqueue_dma source(%dma_start3A_183 : memref<1x125xi32, #tpu.memory_space<hbm>>) target(%dma_start3A_179 : memref<1x125xi32, #tpu.memory_space<vmem>>) target_semaphore(%run_scoped3A_167 : memref<!tpu.dma_semaphore, #tpu.memory_space<semaphore_mem>>)
          %dma_wait3A_184 = arith.constant 0 : i32
          %dma_wait3A_185 = arith.constant 0 : i32
          %dma_wait3A_186 = tpu.memref_slice %arg9[%run_scoped3A_149, %dma_wait3A_184, %dma_wait3A_185] : memref<2x1x125xi32, #tpu.memory_space<vmem>> -> memref<1x1x125xi32, #tpu.memory_space<vmem>>
          %dma_wait3A_187 = tpu.memref_squeeze %dma_wait3A_186 : memref<1x1x125xi32, #tpu.memory_space<vmem>> -> memref<1x125xi32, #tpu.memory_space<vmem>>
          %dma_wait3A_188 = arith.constant 0 : i32
          %dma_wait3A_189 = arith.constant 0 : i32
          %dma_wait3A_190 = tpu.memref_slice %arg4[%add3A_148, %dma_wait3A_188, %dma_wait3A_189] : memref<1280x1x125xi32, #tpu.memory_space<hbm>> -> memref<1x1x125xi32, #tpu.memory_space<hbm>>
          %dma_wait3A_191 = tpu.memref_squeeze %dma_wait3A_190 : memref<1x1x125xi32, #tpu.memory_space<hbm>> -> memref<1x125xi32, #tpu.memory_space<hbm>>
          %dma_wait3A_192 = arith.constant 0 : i32
          %dma_wait3A_193 = arith.constant 0 : i32
          %dma_wait3A_194 = tpu.memref_slice %arg9[%run_scoped3A_149, %dma_wait3A_192, %dma_wait3A_193] : memref<2x1x125xi32, #tpu.memory_space<vmem>> -> memref<1x1x125xi32, #tpu.memory_space<vmem>>
          %dma_wait3A_195 = tpu.memref_squeeze %dma_wait3A_194 : memref<1x1x125xi32, #tpu.memory_space<vmem>> -> memref<1x125xi32, #tpu.memory_space<vmem>>
          %dma_wait3A_196 = arith.constant 0 : i32
          %dma_wait3A_197 = arith.constant 0 : i32
          %dma_wait3A_198 = tpu.memref_slice %arg4[%add3A_148, %dma_wait3A_196, %dma_wait3A_197] : memref<1280x1x125xi32, #tpu.memory_space<hbm>> -> memref<1x1x125xi32, #tpu.memory_space<hbm>>
          %dma_wait3A_199 = tpu.memref_squeeze %dma_wait3A_198 : memref<1x1x125xi32, #tpu.memory_space<hbm>> -> memref<1x125xi32, #tpu.memory_space<hbm>>
          tpu.wait_dma2 semaphore(%run_scoped3A_167 : memref<!tpu.dma_semaphore, #tpu.memory_space<semaphore_mem>>) src(%dma_wait3A_199 : memref<1x125xi32, #tpu.memory_space<hbm>>) dst(%dma_wait3A_195 : memref<1x125xi32, #tpu.memory_space<vmem>>)
          tpu.yield
        }) : () -> ()
        %dma_start3A_150 = arith.constant 0 : i32
        %dma_start3A_151 = arith.constant 0 : i32
        %dma_start3A_152 = arith.constant 0 : i32
        %dma_start3A_153 = arith.constant 0 : i32
        %dma_start3A_154 = arith.constant 0 : i32
        %dma_start3A_155 = tpu.memref_slice %arg10[%dma_start3A_152, %dma_start3A_153, %dma_start3A_154] : memref<2x125x128xf32, #tpu.memory_space<vmem>> -> memref<1x125x128xf32, #tpu.memory_space<vmem>>
        %dma_start3A_156 = tpu.memref_squeeze %dma_start3A_155 : memref<1x125x128xf32, #tpu.memory_space<vmem>> -> memref<125x128xf32, #tpu.memory_space<vmem>>
        %dma_start3A_157 = arith.constant 0 : i32
        %dma_start3A_158 = tpu.memref_slice %arg8[%dma_start3A_150, %dma_start3A_151, %dma_start3A_157] : memref<2x1x125xi32, #tpu.memory_space<vmem>> -> memref<1x1x125xi32, #tpu.memory_space<vmem>>
        %dma_start3A_159 = tpu.memref_squeeze %dma_start3A_158 : memref<1x1x125xi32, #tpu.memory_space<vmem>> -> memref<125xi32, #tpu.memory_space<vmem>>
        %dma_start3A_160 = arith.constant 0 : i32
        %dma_start3A_161 = arith.constant 0 : i32
        %dma_start3A_162 = tpu.memref_slice %arg2[%arg0, %dma_start3A_160, %dma_start3A_161] : memref<2x10000x128xf32, #tpu.memory_space<hbm>> -> memref<1x10000x128xf32, #tpu.memory_space<hbm>>
        %dma_start3A_163 = tpu.memref_squeeze %dma_start3A_162 : memref<1x10000x128xf32, #tpu.memory_space<hbm>> -> memref<10000x128xf32, #tpu.memory_space<hbm>>
        %dma_start3A_164 = arith.constant 0 : i32
        %dma_start3A_165 = arith.constant 0 : i32
        %dma_start3A_166 = tpu.memref_slice %dma_start3A_163[%dma_start3A_164, %dma_start3A_165] : memref<10000x128xf32, #tpu.memory_space<hbm>> -> memref<10000x128xf32, #tpu.memory_space<hbm>>
        tpu.enqueue_indirect_dma source(%dma_start3A_166 : memref<10000x128xf32, #tpu.memory_space<hbm>>) target(%dma_start3A_156 : memref<125x128xf32, #tpu.memory_space<vmem>>) offsets(%dma_start3A_159 : memref<125xi32, #tpu.memory_space<vmem>>) semaphore(%arg12 : memref<!tpu.dma_semaphore, #tpu.memory_space<semaphore_mem>>)
      } else {
      }
      %dma_wait3A_103 = arith.constant 1 : i32
      %dma_wait3A_104 = arith.constant 0 : i32
      %dma_wait3A_105 = arith.constant 0 : i32
      %dma_wait3A_106 = tpu.memref_slice %arg10[%dma_wait3A_103, %dma_wait3A_104, %dma_wait3A_105] : memref<2x125x128xf32, #tpu.memory_space<vmem>> -> memref<1x125x128xf32, #tpu.memory_space<vmem>>
      %dma_wait3A_107 = tpu.memref_squeeze %dma_wait3A_106 : memref<1x125x128xf32, #tpu.memory_space<vmem>> -> memref<125x128xf32, #tpu.memory_space<vmem>>
      %dma_wait3A_108 = arith.constant 0 : i32
      %dma_wait3A_109 = arith.constant 0 : i32
      %dma_wait3A_110 = tpu.memref_slice %arg10[%dma_wait3A_103, %dma_wait3A_108, %dma_wait3A_109] : memref<2x125x128xf32, #tpu.memory_space<vmem>> -> memref<1x125x128xf32, #tpu.memory_space<vmem>>
      %dma_wait3A_111 = tpu.memref_squeeze %dma_wait3A_110 : memref<1x125x128xf32, #tpu.memory_space<vmem>> -> memref<125x128xf32, #tpu.memory_space<vmem>>
      tpu.wait_dma2 semaphore(%arg13 : memref<!tpu.dma_semaphore, #tpu.memory_space<semaphore_mem>>) src(%arg5 : memref<125x128xf32, #tpu.memory_space<hbm>>) dst(%dma_wait3A_111 : memref<125x128xf32, #tpu.memory_space<vmem>>)
      %dma_start3A_112 = arith.constant 1 : i32
      %dma_start3A_113 = arith.constant 1 : i32
      %dma_start3A_114 = arith.constant 0 : i32
      %dma_start3A_115 = arith.constant 0 : i32
      %dma_start3A_116 = arith.constant 0 : i32
      %dma_start3A_117 = tpu.memref_slice %arg10[%dma_start3A_112, %dma_start3A_115, %dma_start3A_116] : memref<2x125x128xf32, #tpu.memory_space<vmem>> -> memref<1x125x128xf32, #tpu.memory_space<vmem>>
      %dma_start3A_118 = tpu.memref_squeeze %dma_start3A_117 : memref<1x125x128xf32, #tpu.memory_space<vmem>> -> memref<125x128xf32, #tpu.memory_space<vmem>>
      %dma_start3A_119 = arith.constant 0 : i32
      %dma_start3A_120 = tpu.memref_slice %arg9[%dma_start3A_113, %dma_start3A_114, %dma_start3A_119] : memref<2x1x125xi32, #tpu.memory_space<vmem>> -> memref<1x1x125xi32, #tpu.memory_space<vmem>>
      %dma_start3A_121 = tpu.memref_squeeze %dma_start3A_120 : memref<1x1x125xi32, #tpu.memory_space<vmem>> -> memref<125xi32, #tpu.memory_space<vmem>>
      %dma_start3A_122 = arith.constant 0 : i32
      %dma_start3A_123 = arith.constant 0 : i32
      %dma_start3A_124 = tpu.memref_slice %arg7[%dma_start3A_122, %dma_start3A_123] : memref<10000x128xf32, #tpu.memory_space<vmem_shared>> -> memref<10000x128xf32, #tpu.memory_space<vmem_shared>>
      tpu.enqueue_indirect_dma source(%dma_start3A_118 : memref<125x128xf32, #tpu.memory_space<vmem>>) target(%dma_start3A_124 : memref<10000x128xf32, #tpu.memory_space<vmem_shared>>) offsets(%dma_start3A_121 : memref<125xi32, #tpu.memory_space<vmem>>) semaphore(%arg15 : memref<!tpu.dma_semaphore, #tpu.memory_space<semaphore_mem>>) {add = true}
      %dma_wait3A_125 = arith.constant 1 : i32
      %dma_wait3A_126 = arith.constant 0 : i32
      %dma_wait3A_127 = arith.constant 0 : i32
      %dma_wait3A_128 = tpu.memref_slice %arg10[%dma_wait3A_125, %dma_wait3A_126, %dma_wait3A_127] : memref<2x125x128xf32, #tpu.memory_space<vmem>> -> memref<1x125x128xf32, #tpu.memory_space<vmem>>
      %dma_wait3A_129 = tpu.memref_squeeze %dma_wait3A_128 : memref<1x125x128xf32, #tpu.memory_space<vmem>> -> memref<125x128xf32, #tpu.memory_space<vmem>>
      %dma_wait3A_130 = arith.constant 0 : i32
      %dma_wait3A_131 = arith.constant 0 : i32
      %dma_wait3A_132 = tpu.memref_slice %arg10[%dma_wait3A_125, %dma_wait3A_130, %dma_wait3A_131] : memref<2x125x128xf32, #tpu.memory_space<vmem>> -> memref<1x125x128xf32, #tpu.memory_space<vmem>>
      %dma_wait3A_133 = tpu.memref_squeeze %dma_wait3A_132 : memref<1x125x128xf32, #tpu.memory_space<vmem>> -> memref<125x128xf32, #tpu.memory_space<vmem>>
      tpu.wait_dma2 semaphore(%arg15 : memref<!tpu.dma_semaphore, #tpu.memory_space<semaphore_mem>>) src(%arg5 : memref<125x128xf32, #tpu.memory_space<hbm>>) dst(%dma_wait3A_133 : memref<125x128xf32, #tpu.memory_space<vmem>>)
      %lt3A_134 = arith.constant 39 : i32
      %lt3A_135 = arith.cmpi slt, %scan3A_66, %lt3A_134 : i32
      %convert_element_type3A_136 = arith.extui %lt3A_135 : i1 to i32
      %cond3A_137 = arith.constant 0 : i32
      %cond3A_138 = arith.cmpi ne, %convert_element_type3A_136, %cond3A_137 : i32
      scf.if %cond3A_138 {
        %mul3A_140 = arith.constant 2 : i32
        %mul3A_141 = arith.muli %scan3A_66, %mul3A_140 : i32
        %add3A_142 = arith.constant 1 : i32
        %add3A_143 = arith.addi %mul3A_141, %add3A_142 : i32
        %add3A_144 = arith.constant 2 : i32
        %add3A_145 = arith.addi %add3A_143, %add3A_144 : i32
        %add3A_146 = arith.addi %mul3A_7, %add3A_145 : i32
        %run_scoped3A_147 = arith.constant 1 : i32
        "tpu.region"() ({
          %run_scoped3A_167 = tpu.sem_alloc : memref<!tpu.dma_semaphore, #tpu.memory_space<semaphore_mem>>
          %dma_start3A_168 = arith.constant 0 : i32
          %dma_start3A_169 = arith.constant 0 : i32
          %dma_start3A_170 = tpu.memref_slice %arg8[%run_scoped3A_147, %dma_start3A_168, %dma_start3A_169] : memref<2x1x125xi32, #tpu.memory_space<vmem>> -> memref<1x1x125xi32, #tpu.memory_space<vmem>>
          %dma_start3A_171 = tpu.memref_squeeze %dma_start3A_170 : memref<1x1x125xi32, #tpu.memory_space<vmem>> -> memref<1x125xi32, #tpu.memory_space<vmem>>
          %dma_start3A_172 = arith.constant 0 : i32
          %dma_start3A_173 = arith.constant 0 : i32
          %dma_start3A_174 = tpu.memref_slice %arg3[%add3A_146, %dma_start3A_172, %dma_start3A_173] : memref<1280x1x125xi32, #tpu.memory_space<hbm>> -> memref<1x1x125xi32, #tpu.memory_space<hbm>>
          %dma_start3A_175 = tpu.memref_squeeze %dma_start3A_174 : memref<1x1x125xi32, #tpu.memory_space<hbm>> -> memref<1x125xi32, #tpu.memory_space<hbm>>
          %dma_start3A_176 = arith.constant 0 : i32
          %dma_start3A_177 = arith.constant 0 : i32
          %dma_start3A_178 = tpu.memref_slice %arg8[%run_scoped3A_147, %dma_start3A_176, %dma_start3A_177] : memref<2x1x125xi32, #tpu.memory_space<vmem>> -> memref<1x1x125xi32, #tpu.memory_space<vmem>>
          %dma_start3A_179 = tpu.memref_squeeze %dma_start3A_178 : memref<1x1x125xi32, #tpu.memory_space<vmem>> -> memref<1x125xi32, #tpu.memory_space<vmem>>
          %dma_start3A_180 = arith.constant 0 : i32
          %dma_start3A_181 = arith.constant 0 : i32
          %dma_start3A_182 = tpu.memref_slice %arg3[%add3A_146, %dma_start3A_180, %dma_start3A_181] : memref<1280x1x125xi32, #tpu.memory_space<hbm>> -> memref<1x1x125xi32, #tpu.memory_space<hbm>>
          %dma_start3A_183 = tpu.memref_squeeze %dma_start3A_182 : memref<1x1x125xi32, #tpu.memory_space<hbm>> -> memref<1x125xi32, #tpu.memory_space<hbm>>
          tpu.enqueue_dma source(%dma_start3A_183 : memref<1x125xi32, #tpu.memory_space<hbm>>) target(%dma_start3A_179 : memref<1x125xi32, #tpu.memory_space<vmem>>) target_semaphore(%run_scoped3A_167 : memref<!tpu.dma_semaphore, #tpu.memory_space<semaphore_mem>>)
          %dma_wait3A_184 = arith.constant 0 : i32
          %dma_wait3A_185 = arith.constant 0 : i32
          %dma_wait3A_186 = tpu.memref_slice %arg8[%run_scoped3A_147, %dma_wait3A_184, %dma_wait3A_185] : memref<2x1x125xi32, #tpu.memory_space<vmem>> -> memref<1x1x125xi32, #tpu.memory_space<vmem>>
          %dma_wait3A_187 = tpu.memref_squeeze %dma_wait3A_186 : memref<1x1x125xi32, #tpu.memory_space<vmem>> -> memref<1x125xi32, #tpu.memory_space<vmem>>
          %dma_wait3A_188 = arith.constant 0 : i32
          %dma_wait3A_189 = arith.constant 0 : i32
          %dma_wait3A_190 = tpu.memref_slice %arg3[%add3A_146, %dma_wait3A_188, %dma_wait3A_189] : memref<1280x1x125xi32, #tpu.memory_space<hbm>> -> memref<1x1x125xi32, #tpu.memory_space<hbm>>
          %dma_wait3A_191 = tpu.memref_squeeze %dma_wait3A_190 : memref<1x1x125xi32, #tpu.memory_space<hbm>> -> memref<1x125xi32, #tpu.memory_space<hbm>>
          %dma_wait3A_192 = arith.constant 0 : i32
          %dma_wait3A_193 = arith.constant 0 : i32
          %dma_wait3A_194 = tpu.memref_slice %arg8[%run_scoped3A_147, %dma_wait3A_192, %dma_wait3A_193] : memref<2x1x125xi32, #tpu.memory_space<vmem>> -> memref<1x1x125xi32, #tpu.memory_space<vmem>>
          %dma_wait3A_195 = tpu.memref_squeeze %dma_wait3A_194 : memref<1x1x125xi32, #tpu.memory_space<vmem>> -> memref<1x125xi32, #tpu.memory_space<vmem>>
          %dma_wait3A_196 = arith.constant 0 : i32
          %dma_wait3A_197 = arith.constant 0 : i32
          %dma_wait3A_198 = tpu.memref_slice %arg3[%add3A_146, %dma_wait3A_196, %dma_wait3A_197] : memref<1280x1x125xi32, #tpu.memory_space<hbm>> -> memref<1x1x125xi32, #tpu.memory_space<hbm>>
          %dma_wait3A_199 = tpu.memref_squeeze %dma_wait3A_198 : memref<1x1x125xi32, #tpu.memory_space<hbm>> -> memref<1x125xi32, #tpu.memory_space<hbm>>
          tpu.wait_dma2 semaphore(%run_scoped3A_167 : memref<!tpu.dma_semaphore, #tpu.memory_space<semaphore_mem>>) src(%dma_wait3A_199 : memref<1x125xi32, #tpu.memory_space<hbm>>) dst(%dma_wait3A_195 : memref<1x125xi32, #tpu.memory_space<vmem>>)
          tpu.yield
        }) : () -> ()
        %add3A_148 = arith.addi %mul3A_7, %add3A_145 : i32
        %run_scoped3A_149 = arith.constant 1 : i32
        "tpu.region"() ({
          %run_scoped3A_167 = tpu.sem_alloc : memref<!tpu.dma_semaphore, #tpu.memory_space<semaphore_mem>>
          %dma_start3A_168 = arith.constant 0 : i32
          %dma_start3A_169 = arith.constant 0 : i32
          %dma_start3A_170 = tpu.memref_slice %arg9[%run_scoped3A_149, %dma_start3A_168, %dma_start3A_169] : memref<2x1x125xi32, #tpu.memory_space<vmem>> -> memref<1x1x125xi32, #tpu.memory_space<vmem>>
          %dma_start3A_171 = tpu.memref_squeeze %dma_start3A_170 : memref<1x1x125xi32, #tpu.memory_space<vmem>> -> memref<1x125xi32, #tpu.memory_space<vmem>>
          %dma_start3A_172 = arith.constant 0 : i32
          %dma_start3A_173 = arith.constant 0 : i32
          %dma_start3A_174 = tpu.memref_slice %arg4[%add3A_148, %dma_start3A_172, %dma_start3A_173] : memref<1280x1x125xi32, #tpu.memory_space<hbm>> -> memref<1x1x125xi32, #tpu.memory_space<hbm>>
          %dma_start3A_175 = tpu.memref_squeeze %dma_start3A_174 : memref<1x1x125xi32, #tpu.memory_space<hbm>> -> memref<1x125xi32, #tpu.memory_space<hbm>>
          %dma_start3A_176 = arith.constant 0 : i32
          %dma_start3A_177 = arith.constant 0 : i32
          %dma_start3A_178 = tpu.memref_slice %arg9[%run_scoped3A_149, %dma_start3A_176, %dma_start3A_177] : memref<2x1x125xi32, #tpu.memory_space<vmem>> -> memref<1x1x125xi32, #tpu.memory_space<vmem>>
          %dma_start3A_179 = tpu.memref_squeeze %dma_start3A_178 : memref<1x1x125xi32, #tpu.memory_space<vmem>> -> memref<1x125xi32, #tpu.memory_space<vmem>>
          %dma_start3A_180 = arith.constant 0 : i32
          %dma_start3A_181 = arith.constant 0 : i32
          %dma_start3A_182 = tpu.memref_slice %arg4[%add3A_148, %dma_start3A_180, %dma_start3A_181] : memref<1280x1x125xi32, #tpu.memory_space<hbm>> -> memref<1x1x125xi32, #tpu.memory_space<hbm>>
          %dma_start3A_183 = tpu.memref_squeeze %dma_start3A_182 : memref<1x1x125xi32, #tpu.memory_space<hbm>> -> memref<1x125xi32, #tpu.memory_space<hbm>>
          tpu.enqueue_dma source(%dma_start3A_183 : memref<1x125xi32, #tpu.memory_space<hbm>>) target(%dma_start3A_179 : memref<1x125xi32, #tpu.memory_space<vmem>>) target_semaphore(%run_scoped3A_167 : memref<!tpu.dma_semaphore, #tpu.memory_space<semaphore_mem>>)
          %dma_wait3A_184 = arith.constant 0 : i32
          %dma_wait3A_185 = arith.constant 0 : i32
          %dma_wait3A_186 = tpu.memref_slice %arg9[%run_scoped3A_149, %dma_wait3A_184, %dma_wait3A_185] : memref<2x1x125xi32, #tpu.memory_space<vmem>> -> memref<1x1x125xi32, #tpu.memory_space<vmem>>
          %dma_wait3A_187 = tpu.memref_squeeze %dma_wait3A_186 : memref<1x1x125xi32, #tpu.memory_space<vmem>> -> memref<1x125xi32, #tpu.memory_space<vmem>>
          %dma_wait3A_188 = arith.constant 0 : i32
          %dma_wait3A_189 = arith.constant 0 : i32
          %dma_wait3A_190 = tpu.memref_slice %arg4[%add3A_148, %dma_wait3A_188, %dma_wait3A_189] : memref<1280x1x125xi32, #tpu.memory_space<hbm>> -> memref<1x1x125xi32, #tpu.memory_space<hbm>>
          %dma_wait3A_191 = tpu.memref_squeeze %dma_wait3A_190 : memref<1x1x125xi32, #tpu.memory_space<hbm>> -> memref<1x125xi32, #tpu.memory_space<hbm>>
          %dma_wait3A_192 = arith.constant 0 : i32
          %dma_wait3A_193 = arith.constant 0 : i32
          %dma_wait3A_194 = tpu.memref_slice %arg9[%run_scoped3A_149, %dma_wait3A_192, %dma_wait3A_193] : memref<2x1x125xi32, #tpu.memory_space<vmem>> -> memref<1x1x125xi32, #tpu.memory_space<vmem>>
          %dma_wait3A_195 = tpu.memref_squeeze %dma_wait3A_194 : memref<1x1x125xi32, #tpu.memory_space<vmem>> -> memref<1x125xi32, #tpu.memory_space<vmem>>
          %dma_wait3A_196 = arith.constant 0 : i32
          %dma_wait3A_197 = arith.constant 0 : i32
          %dma_wait3A_198 = tpu.memref_slice %arg4[%add3A_148, %dma_wait3A_196, %dma_wait3A_197] : memref<1280x1x125xi32, #tpu.memory_space<hbm>> -> memref<1x1x125xi32, #tpu.memory_space<hbm>>
          %dma_wait3A_199 = tpu.memref_squeeze %dma_wait3A_198 : memref<1x1x125xi32, #tpu.memory_space<hbm>> -> memref<1x125xi32, #tpu.memory_space<hbm>>
          tpu.wait_dma2 semaphore(%run_scoped3A_167 : memref<!tpu.dma_semaphore, #tpu.memory_space<semaphore_mem>>) src(%dma_wait3A_199 : memref<1x125xi32, #tpu.memory_space<hbm>>) dst(%dma_wait3A_195 : memref<1x125xi32, #tpu.memory_space<vmem>>)
          tpu.yield
        }) : () -> ()
        %dma_start3A_150 = arith.constant 1 : i32
        %dma_start3A_151 = arith.constant 0 : i32
        %dma_start3A_152 = arith.constant 1 : i32
        %dma_start3A_153 = arith.constant 0 : i32
        %dma_start3A_154 = arith.constant 0 : i32
        %dma_start3A_155 = tpu.memref_slice %arg10[%dma_start3A_152, %dma_start3A_153, %dma_start3A_154] : memref<2x125x128xf32, #tpu.memory_space<vmem>> -> memref<1x125x128xf32, #tpu.memory_space<vmem>>
        %dma_start3A_156 = tpu.memref_squeeze %dma_start3A_155 : memref<1x125x128xf32, #tpu.memory_space<vmem>> -> memref<125x128xf32, #tpu.memory_space<vmem>>
        %dma_start3A_157 = arith.constant 0 : i32
        %dma_start3A_158 = tpu.memref_slice %arg8[%dma_start3A_150, %dma_start3A_151, %dma_start3A_157] : memref<2x1x125xi32, #tpu.memory_space<vmem>> -> memref<1x1x125xi32, #tpu.memory_space<vmem>>
        %dma_start3A_159 = tpu.memref_squeeze %dma_start3A_158 : memref<1x1x125xi32, #tpu.memory_space<vmem>> -> memref<125xi32, #tpu.memory_space<vmem>>
        %dma_start3A_160 = arith.constant 0 : i32
        %dma_start3A_161 = arith.constant 0 : i32
        %dma_start3A_162 = tpu.memref_slice %arg2[%arg0, %dma_start3A_160, %dma_start3A_161] : memref<2x10000x128xf32, #tpu.memory_space<hbm>> -> memref<1x10000x128xf32, #tpu.memory_space<hbm>>
        %dma_start3A_163 = tpu.memref_squeeze %dma_start3A_162 : memref<1x10000x128xf32, #tpu.memory_space<hbm>> -> memref<10000x128xf32, #tpu.memory_space<hbm>>
        %dma_start3A_164 = arith.constant 0 : i32
        %dma_start3A_165 = arith.constant 0 : i32
        %dma_start3A_166 = tpu.memref_slice %dma_start3A_163[%dma_start3A_164, %dma_start3A_165] : memref<10000x128xf32, #tpu.memory_space<hbm>> -> memref<10000x128xf32, #tpu.memory_space<hbm>>
        tpu.enqueue_indirect_dma source(%dma_start3A_166 : memref<10000x128xf32, #tpu.memory_space<hbm>>) target(%dma_start3A_156 : memref<125x128xf32, #tpu.memory_space<vmem>>) offsets(%dma_start3A_159 : memref<125xi32, #tpu.memory_space<vmem>>) semaphore(%arg13 : memref<!tpu.dma_semaphore, #tpu.memory_space<semaphore_mem>>)
      } else {
      }
      %scan3A_139 = arith.constant 0 : i32
      scf.yield %scan3A_139 : i32
    }
    %scan3A_59 = arith.constant 40 : i32
    %barrier3A_60 = arith.constant 0 : index
    tpu.barrier barrier_id(%barrier3A_60)
    %lt3A_61 = arith.constant 10 : i32
    %lt3A_62 = arith.cmpi slt, %arg1, %lt3A_61 : i32
    %convert_element_type3A_63 = arith.extui %lt3A_62 : i1 to i32
    %cond3A_64 = arith.constant 0 : i32
    %cond3A_65 = arith.cmpi ne, %convert_element_type3A_63, %cond3A_64 : i32
    scf.if %cond3A_65 {
      %mul3A_66 = arith.constant 1000 : i32
      %mul3A_67 = arith.muli %arg1, %mul3A_66 : i32
      %mul3A_68 = arith.constant 1000 : i32
      %mul3A_69 = arith.muli %arg1, %mul3A_68 : i32
      "tpu.region"() ({
        %run_scoped3A_70 = tpu.sem_alloc : memref<!tpu.dma_semaphore, #tpu.memory_space<semaphore_mem>>
        %dma_start3A_71 = arith.constant 0 : i32
        %dma_start3A_72 = tpu.memref_slice %arg6[%arg0, %mul3A_69, %dma_start3A_71] : memref<2x10000x128xf32, #tpu.memory_space<hbm>> -> memref<1x1000x128xf32, #tpu.memory_space<hbm>>
        %dma_start3A_73 = tpu.memref_squeeze %dma_start3A_72 : memref<1x1000x128xf32, #tpu.memory_space<hbm>> -> memref<1000x128xf32, #tpu.memory_space<hbm>>
        %dma_start3A_74 = arith.constant 0 : i32
        %dma_start3A_75 = tpu.memref_slice %arg7[%mul3A_67, %dma_start3A_74] : memref<10000x128xf32, #tpu.memory_space<vmem_shared>> -> memref<1000x128xf32, #tpu.memory_space<vmem_shared>>
        tpu.enqueue_dma source(%dma_start3A_75 : memref<1000x128xf32, #tpu.memory_space<vmem_shared>>) target(%dma_start3A_73 : memref<1000x128xf32, #tpu.memory_space<hbm>>) target_semaphore(%run_scoped3A_70 : memref<!tpu.dma_semaphore, #tpu.memory_space<semaphore_mem>>)
        %dma_wait3A = arith.constant 0 : i32
        %dma_wait3A_76 = tpu.memref_slice %arg6[%arg0, %mul3A_69, %dma_wait3A] : memref<2x10000x128xf32, #tpu.memory_space<hbm>> -> memref<1x1000x128xf32, #tpu.memory_space<hbm>>
        %dma_wait3A_77 = tpu.memref_squeeze %dma_wait3A_76 : memref<1x1000x128xf32, #tpu.memory_space<hbm>> -> memref<1000x128xf32, #tpu.memory_space<hbm>>
        %dma_wait3A_78 = arith.constant 0 : i32
        %dma_wait3A_79 = tpu.memref_slice %arg7[%mul3A_67, %dma_wait3A_78] : memref<10000x128xf32, #tpu.memory_space<vmem_shared>> -> memref<1000x128xf32, #tpu.memory_space<vmem_shared>>
        tpu.wait_dma2 semaphore(%run_scoped3A_70 : memref<!tpu.dma_semaphore, #tpu.memory_space<semaphore_mem>>) src(%dma_wait3A_79 : memref<1000x128xf32, #tpu.memory_space<vmem_shared>>) dst(%dma_wait3A_77 : memref<1000x128xf32, #tpu.memory_space<hbm>>)
        tpu.yield
      }) : () -> ()
    } else {
    }
    return
  }
}

#map = affine_map<(d0, d1) -> (0, 0, 0)>
#map1 = affine_map<(d0, d1) -> (0, 0)>
module attributes {stable_mosaic.version = 14 : i64} {
  func.func @agg(%arg0: i32, %arg1: i32, %arg2: memref<2x10000x128xf32, #tpu.memory_space<hbm>>, %arg3: memref<1280x1x125xi32, #tpu.memory_space<hbm>>, %arg4: memref<1280x1x125xi32, #tpu.memory_space<hbm>>, %arg5: memref<125x128xf32, #tpu.memory_space<hbm>>, %arg6: memref<2x10000x128xf32, #tpu.memory_space<hbm>>, %arg7: memref<10000x128xf32, #tpu.memory_space<vmem_shared>>, %arg8: memref<2x1x125xi32, #tpu.memory_space<vmem>>, %arg9: memref<2x1x125xi32, #tpu.memory_space<vmem>>, %arg10: memref<2x125x128xf32, #tpu.memory_space<vmem>>, %arg11: memref<40x128xf32, #tpu.memory_space<vmem>>, %arg12: memref<!tpu.dma_semaphore, #tpu.memory_space<semaphore_mem>>, %arg13: memref<!tpu.dma_semaphore, #tpu.memory_space<semaphore_mem>>, %arg14: memref<!tpu.dma_semaphore, #tpu.memory_space<semaphore_mem>>, %arg15: memref<!tpu.dma_semaphore, #tpu.memory_space<semaphore_mem>>) attributes {dimension_semantics = [#tpu.dimension_semantics<core_parallel>, #tpu.dimension_semantics<subcore_parallel>], iteration_bounds = array<i64: 2, 16>, scalar_prefetch = 0 : i64, scratch_operands = 9 : i64, tpu.core_type = #tpu.core_type<sc_vector_subcore>, window_params = [{transform_indices = #map}, {transform_indices = #map}, {transform_indices = #map}, {transform_indices = #map1}, {transform_indices = #map}]} {
    %broadcast_in_dim3A = arith.constant 0.000000e+00 : f32
    %broadcast_in_dim3A_0 = vector.broadcast %broadcast_in_dim3A : f32 to vector<16xf32>
    %scan3A = arith.constant 0 : i32
    %scan3A_1 = arith.constant 0 : i32
    %scan3A_2 = arith.constant 40 : i32
    %scan3A_3 = arith.addi %scan3A_1, %scan3A_2 : i32
    %scan3A_4 = arith.constant 1 : i32
    %scan3A_5 = scf.for %scan3A_66 = %scan3A_1 to %scan3A_3 step %scan3A_4 iter_args(%scan3A_67 = %scan3A) -> (i32)  : i32 {
      %swap3A = arith.index_cast %scan3A_66 : i32 to index
      %swap3A_68 = arith.constant 0 : index
      %swap3A_69 = tpu.vector_load %arg11[%swap3A, %swap3A_68] {strides = array<i32>} : memref<40x128xf32, #tpu.memory_space<vmem>>, vector<1x16xf32>,
      %swap3A_70 = vector.shape_cast %swap3A_69 : vector<1x16xf32> to vector<16xf32>
      %swap3A_71 = vector.shape_cast %broadcast_in_dim3A_0 : vector<16xf32> to vector<1x16xf32>
      tpu.vector_store %arg11[%swap3A, %swap3A_68], %swap3A_71 {strides = array<i32>} : memref<40x128xf32, #tpu.memory_space<vmem>>, vector<1x16xf32>,
      %swap3A_72 = arith.index_cast %scan3A_66 : i32 to index
      %swap3A_73 = arith.constant 16 : index
      %swap3A_74 = tpu.vector_load %arg11[%swap3A_72, %swap3A_73] {strides = array<i32>} : memref<40x128xf32, #tpu.memory_space<vmem>>, vector<1x16xf32>,
      %swap3A_75 = vector.shape_cast %swap3A_74 : vector<1x16xf32> to vector<16xf32>
      %swap3A_76 = vector.shape_cast %broadcast_in_dim3A_0 : vector<16xf32> to vector<1x16xf32>
      tpu.vector_store %arg11[%swap3A_72, %swap3A_73], %swap3A_76 {strides = array<i32>} : memref<40x128xf32, #tpu.memory_space<vmem>>, vector<1x16xf32>,
      %swap3A_77 = arith.index_cast %scan3A_66 : i32 to index
      %swap3A_78 = arith.constant 32 : index
      %swap3A_79 = tpu.vector_load %arg11[%swap3A_77, %swap3A_78] {strides = array<i32>} : memref<40x128xf32, #tpu.memory_space<vmem>>, vector<1x16xf32>,
      %swap3A_80 = vector.shape_cast %swap3A_79 : vector<1x16xf32> to vector<16xf32>
      %swap3A_81 = vector.shape_cast %broadcast_in_dim3A_0 : vector<16xf32> to vector<1x16xf32>
      tpu.vector_store %arg11[%swap3A_77, %swap3A_78], %swap3A_81 {strides = array<i32>} : memref<40x128xf32, #tpu.memory_space<vmem>>, vector<1x16xf32>,
      %swap3A_82 = arith.index_cast %scan3A_66 : i32 to index
      %swap3A_83 = arith.constant 48 : index
      %swap3A_84 = tpu.vector_load %arg11[%swap3A_82, %swap3A_83] {strides = array<i32>} : memref<40x128xf32, #tpu.memory_space<vmem>>, vector<1x16xf32>,
      %swap3A_85 = vector.shape_cast %swap3A_84 : vector<1x16xf32> to vector<16xf32>
      %swap3A_86 = vector.shape_cast %broadcast_in_dim3A_0 : vector<16xf32> to vector<1x16xf32>
      tpu.vector_store %arg11[%swap3A_82, %swap3A_83], %swap3A_86 {strides = array<i32>} : memref<40x128xf32, #tpu.memory_space<vmem>>, vector<1x16xf32>,
      %swap3A_87 = arith.index_cast %scan3A_66 : i32 to index
      %swap3A_88 = arith.constant 64 : index
      %swap3A_89 = tpu.vector_load %arg11[%swap3A_87, %swap3A_88] {strides = array<i32>} : memref<40x128xf32, #tpu.memory_space<vmem>>, vector<1x16xf32>,
      %swap3A_90 = vector.shape_cast %swap3A_89 : vector<1x16xf32> to vector<16xf32>
      %swap3A_91 = vector.shape_cast %broadcast_in_dim3A_0 : vector<16xf32> to vector<1x16xf32>
      tpu.vector_store %arg11[%swap3A_87, %swap3A_88], %swap3A_91 {strides = array<i32>} : memref<40x128xf32, #tpu.memory_space<vmem>>, vector<1x16xf32>,
      %swap3A_92 = arith.index_cast %scan3A_66 : i32 to index
      %swap3A_93 = arith.constant 80 : index
      %swap3A_94 = tpu.vector_load %arg11[%swap3A_92, %swap3A_93] {strides = array<i32>} : memref<40x128xf32, #tpu.memory_space<vmem>>, vector<1x16xf32>,
      %swap3A_95 = vector.shape_cast %swap3A_94 : vector<1x16xf32> to vector<16xf32>
      %swap3A_96 = vector.shape_cast %broadcast_in_dim3A_0 : vector<16xf32> to vector<1x16xf32>
      tpu.vector_store %arg11[%swap3A_92, %swap3A_93], %swap3A_96 {strides = array<i32>} : memref<40x128xf32, #tpu.memory_space<vmem>>, vector<1x16xf32>,
      %swap3A_97 = arith.index_cast %scan3A_66 : i32 to index
      %swap3A_98 = arith.constant 96 : index
      %swap3A_99 = tpu.vector_load %arg11[%swap3A_97, %swap3A_98] {strides = array<i32>} : memref<40x128xf32, #tpu.memory_space<vmem>>, vector<1x16xf32>,
      %swap3A_100 = vector.shape_cast %swap3A_99 : vector<1x16xf32> to vector<16xf32>
      %swap3A_101 = vector.shape_cast %broadcast_in_dim3A_0 : vector<16xf32> to vector<1x16xf32>
      tpu.vector_store %arg11[%swap3A_97, %swap3A_98], %swap3A_101 {strides = array<i32>} : memref<40x128xf32, #tpu.memory_space<vmem>>, vector<1x16xf32>,
      %swap3A_102 = arith.index_cast %scan3A_66 : i32 to index
      %swap3A_103 = arith.constant 112 : index
      %swap3A_104 = tpu.vector_load %arg11[%swap3A_102, %swap3A_103] {strides = array<i32>} : memref<40x128xf32, #tpu.memory_space<vmem>>, vector<1x16xf32>,
      %swap3A_105 = vector.shape_cast %swap3A_104 : vector<1x16xf32> to vector<16xf32>
      %swap3A_106 = vector.shape_cast %broadcast_in_dim3A_0 : vector<16xf32> to vector<1x16xf32>
      tpu.vector_store %arg11[%swap3A_102, %swap3A_103], %swap3A_106 {strides = array<i32>} : memref<40x128xf32, #tpu.memory_space<vmem>>, vector<1x16xf32>,
      %scan3A_107 = arith.constant 0 : i32
      scf.yield %scan3A_107 : i32
    }
    %scan3A_6 = arith.constant 40 : i32
    %mul3A = arith.constant 80 : i32
    %mul3A_7 = arith.muli %arg1, %mul3A : i32
    %add3A = arith.constant 0 : i32
    %add3A_8 = arith.addi %mul3A_7, %add3A : i32
    %run_scoped3A = arith.constant 0 : i32
    "tpu.region"() ({
      %run_scoped3A_66 = tpu.sem_alloc : memref<!tpu.dma_semaphore, #tpu.memory_space<semaphore_mem>>
      %dma_start3A_67 = arith.constant 0 : i32
      %dma_start3A_68 = arith.constant 0 : i32
      %dma_start3A_69 = tpu.memref_slice %arg8[%run_scoped3A, %dma_start3A_67, %dma_start3A_68] : memref<2x1x125xi32, #tpu.memory_space<vmem>> -> memref<1x1x125xi32, #tpu.memory_space<vmem>>
      %dma_start3A_70 = tpu.memref_squeeze %dma_start3A_69 : memref<1x1x125xi32, #tpu.memory_space<vmem>> -> memref<1x125xi32, #tpu.memory_space<vmem>>
      %dma_start3A_71 = arith.constant 0 : i32
      %dma_start3A_72 = arith.constant 0 : i32
      %dma_start3A_73 = tpu.memref_slice %arg3[%add3A_8, %dma_start3A_71, %dma_start3A_72] : memref<1280x1x125xi32, #tpu.memory_space<hbm>> -> memref<1x1x125xi32, #tpu.memory_space<hbm>>
      %dma_start3A_74 = tpu.memref_squeeze %dma_start3A_73 : memref<1x1x125xi32, #tpu.memory_space<hbm>> -> memref<1x125xi32, #tpu.memory_space<hbm>>
      %dma_start3A_75 = arith.constant 0 : i32
      %dma_start3A_76 = arith.constant 0 : i32
      %dma_start3A_77 = tpu.memref_slice %arg8[%run_scoped3A, %dma_start3A_75, %dma_start3A_76] : memref<2x1x125xi32, #tpu.memory_space<vmem>> -> memref<1x1x125xi32, #tpu.memory_space<vmem>>
      %dma_start3A_78 = tpu.memref_squeeze %dma_start3A_77 : memref<1x1x125xi32, #tpu.memory_space<vmem>> -> memref<1x125xi32, #tpu.memory_space<vmem>>
      %dma_start3A_79 = arith.constant 0 : i32
      %dma_start3A_80 = arith.constant 0 : i32
      %dma_start3A_81 = tpu.memref_slice %arg3[%add3A_8, %dma_start3A_79, %dma_start3A_80] : memref<1280x1x125xi32, #tpu.memory_space<hbm>> -> memref<1x1x125xi32, #tpu.memory_space<hbm>>
      %dma_start3A_82 = tpu.memref_squeeze %dma_start3A_81 : memref<1x1x125xi32, #tpu.memory_space<hbm>> -> memref<1x125xi32, #tpu.memory_space<hbm>>
      tpu.enqueue_dma source(%dma_start3A_82 : memref<1x125xi32, #tpu.memory_space<hbm>>) target(%dma_start3A_78 : memref<1x125xi32, #tpu.memory_space<vmem>>) target_semaphore(%run_scoped3A_66 : memref<!tpu.dma_semaphore, #tpu.memory_space<semaphore_mem>>)
      %dma_wait3A = arith.constant 0 : i32
      %dma_wait3A_83 = arith.constant 0 : i32
      %dma_wait3A_84 = tpu.memref_slice %arg8[%run_scoped3A, %dma_wait3A, %dma_wait3A_83] : memref<2x1x125xi32, #tpu.memory_space<vmem>> -> memref<1x1x125xi32, #tpu.memory_space<vmem>>
      %dma_wait3A_85 = tpu.memref_squeeze %dma_wait3A_84 : memref<1x1x125xi32, #tpu.memory_space<vmem>> -> memref<1x125xi32, #tpu.memory_space<vmem>>
      %dma_wait3A_86 = arith.constant 0 : i32
      %dma_wait3A_87 = arith.constant 0 : i32
      %dma_wait3A_88 = tpu.memref_slice %arg3[%add3A_8, %dma_wait3A_86, %dma_wait3A_87] : memref<1280x1x125xi32, #tpu.memory_space<hbm>> -> memref<1x1x125xi32, #tpu.memory_space<hbm>>
      %dma_wait3A_89 = tpu.memref_squeeze %dma_wait3A_88 : memref<1x1x125xi32, #tpu.memory_space<hbm>> -> memref<1x125xi32, #tpu.memory_space<hbm>>
      %dma_wait3A_90 = arith.constant 0 : i32
      %dma_wait3A_91 = arith.constant 0 : i32
      %dma_wait3A_92 = tpu.memref_slice %arg8[%run_scoped3A, %dma_wait3A_90, %dma_wait3A_91] : memref<2x1x125xi32, #tpu.memory_space<vmem>> -> memref<1x1x125xi32, #tpu.memory_space<vmem>>
      %dma_wait3A_93 = tpu.memref_squeeze %dma_wait3A_92 : memref<1x1x125xi32, #tpu.memory_space<vmem>> -> memref<1x125xi32, #tpu.memory_space<vmem>>
      %dma_wait3A_94 = arith.constant 0 : i32
      %dma_wait3A_95 = arith.constant 0 : i32
      %dma_wait3A_96 = tpu.memref_slice %arg3[%add3A_8, %dma_wait3A_94, %dma_wait3A_95] : memref<1280x1x125xi32, #tpu.memory_space<hbm>> -> memref<1x1x125xi32, #tpu.memory_space<hbm>>
      %dma_wait3A_97 = tpu.memref_squeeze %dma_wait3A_96 : memref<1x1x125xi32, #tpu.memory_space<hbm>> -> memref<1x125xi32, #tpu.memory_space<hbm>>
      tpu.wait_dma2 semaphore(%run_scoped3A_66 : memref<!tpu.dma_semaphore, #tpu.memory_space<semaphore_mem>>) src(%dma_wait3A_97 : memref<1x125xi32, #tpu.memory_space<hbm>>) dst(%dma_wait3A_93 : memref<1x125xi32, #tpu.memory_space<vmem>>)
      tpu.yield
    }) : () -> ()
    %add3A_9 = arith.constant 0 : i32
    %add3A_10 = arith.addi %mul3A_7, %add3A_9 : i32
    %run_scoped3A_11 = arith.constant 0 : i32
    "tpu.region"() ({
      %run_scoped3A_66 = tpu.sem_alloc : memref<!tpu.dma_semaphore, #tpu.memory_space<semaphore_mem>>
      %dma_start3A_67 = arith.constant 0 : i32
      %dma_start3A_68 = arith.constant 0 : i32
      %dma_start3A_69 = tpu.memref_slice %arg9[%run_scoped3A_11, %dma_start3A_67, %dma_start3A_68] : memref<2x1x125xi32, #tpu.memory_space<vmem>> -> memref<1x1x125xi32, #tpu.memory_space<vmem>>
      %dma_start3A_70 = tpu.memref_squeeze %dma_start3A_69 : memref<1x1x125xi32, #tpu.memory_space<vmem>> -> memref<1x125xi32, #tpu.memory_space<vmem>>
      %dma_start3A_71 = arith.constant 0 : i32
      %dma_start3A_72 = arith.constant 0 : i32
      %dma_start3A_73 = tpu.memref_slice %arg4[%add3A_10, %dma_start3A_71, %dma_start3A_72] : memref<1280x1x125xi32, #tpu.memory_space<hbm>> -> memref<1x1x125xi32, #tpu.memory_space<hbm>>
      %dma_start3A_74 = tpu.memref_squeeze %dma_start3A_73 : memref<1x1x125xi32, #tpu.memory_space<hbm>> -> memref<1x125xi32, #tpu.memory_space<hbm>>
      %dma_start3A_75 = arith.constant 0 : i32
      %dma_start3A_76 = arith.constant 0 : i32
      %dma_start3A_77 = tpu.memref_slice %arg9[%run_scoped3A_11, %dma_start3A_75, %dma_start3A_76] : memref<2x1x125xi32, #tpu.memory_space<vmem>> -> memref<1x1x125xi32, #tpu.memory_space<vmem>>
      %dma_start3A_78 = tpu.memref_squeeze %dma_start3A_77 : memref<1x1x125xi32, #tpu.memory_space<vmem>> -> memref<1x125xi32, #tpu.memory_space<vmem>>
      %dma_start3A_79 = arith.constant 0 : i32
      %dma_start3A_80 = arith.constant 0 : i32
      %dma_start3A_81 = tpu.memref_slice %arg4[%add3A_10, %dma_start3A_79, %dma_start3A_80] : memref<1280x1x125xi32, #tpu.memory_space<hbm>> -> memref<1x1x125xi32, #tpu.memory_space<hbm>>
      %dma_start3A_82 = tpu.memref_squeeze %dma_start3A_81 : memref<1x1x125xi32, #tpu.memory_space<hbm>> -> memref<1x125xi32, #tpu.memory_space<hbm>>
      tpu.enqueue_dma source(%dma_start3A_82 : memref<1x125xi32, #tpu.memory_space<hbm>>) target(%dma_start3A_78 : memref<1x125xi32, #tpu.memory_space<vmem>>) target_semaphore(%run_scoped3A_66 : memref<!tpu.dma_semaphore, #tpu.memory_space<semaphore_mem>>)
      %dma_wait3A = arith.constant 0 : i32
      %dma_wait3A_83 = arith.constant 0 : i32
      %dma_wait3A_84 = tpu.memref_slice %arg9[%run_scoped3A_11, %dma_wait3A, %dma_wait3A_83] : memref<2x1x125xi32, #tpu.memory_space<vmem>> -> memref<1x1x125xi32, #tpu.memory_space<vmem>>
      %dma_wait3A_85 = tpu.memref_squeeze %dma_wait3A_84 : memref<1x1x125xi32, #tpu.memory_space<vmem>> -> memref<1x125xi32, #tpu.memory_space<vmem>>
      %dma_wait3A_86 = arith.constant 0 : i32
      %dma_wait3A_87 = arith.constant 0 : i32
      %dma_wait3A_88 = tpu.memref_slice %arg4[%add3A_10, %dma_wait3A_86, %dma_wait3A_87] : memref<1280x1x125xi32, #tpu.memory_space<hbm>> -> memref<1x1x125xi32, #tpu.memory_space<hbm>>
      %dma_wait3A_89 = tpu.memref_squeeze %dma_wait3A_88 : memref<1x1x125xi32, #tpu.memory_space<hbm>> -> memref<1x125xi32, #tpu.memory_space<hbm>>
      %dma_wait3A_90 = arith.constant 0 : i32
      %dma_wait3A_91 = arith.constant 0 : i32
      %dma_wait3A_92 = tpu.memref_slice %arg9[%run_scoped3A_11, %dma_wait3A_90, %dma_wait3A_91] : memref<2x1x125xi32, #tpu.memory_space<vmem>> -> memref<1x1x125xi32, #tpu.memory_space<vmem>>
      %dma_wait3A_93 = tpu.memref_squeeze %dma_wait3A_92 : memref<1x1x125xi32, #tpu.memory_space<vmem>> -> memref<1x125xi32, #tpu.memory_space<vmem>>
      %dma_wait3A_94 = arith.constant 0 : i32
      %dma_wait3A_95 = arith.constant 0 : i32
      %dma_wait3A_96 = tpu.memref_slice %arg4[%add3A_10, %dma_wait3A_94, %dma_wait3A_95] : memref<1280x1x125xi32, #tpu.memory_space<hbm>> -> memref<1x1x125xi32, #tpu.memory_space<hbm>>
      %dma_wait3A_97 = tpu.memref_squeeze %dma_wait3A_96 : memref<1x1x125xi32, #tpu.memory_space<hbm>> -> memref<1x125xi32, #tpu.memory_space<hbm>>
      tpu.wait_dma2 semaphore(%run_scoped3A_66 : memref<!tpu.dma_semaphore, #tpu.memory_space<semaphore_mem>>) src(%dma_wait3A_97 : memref<1x125xi32, #tpu.memory_space<hbm>>) dst(%dma_wait3A_93 : memref<1x125xi32, #tpu.memory_space<vmem>>)
      tpu.yield
    }) : () -> ()
    %dma_start3A = arith.constant 0 : i32
    %dma_start3A_12 = arith.constant 0 : i32
    %dma_start3A_13 = arith.constant 0 : i32
    %dma_start3A_14 = arith.constant 0 : i32
    %dma_start3A_15 = arith.constant 0 : i32
    %dma_start3A_16 = tpu.memref_slice %arg10[%dma_start3A_13, %dma_start3A_14, %dma_start3A_15] : memref<2x125x128xf32, #tpu.memory_space<vmem>> -> memref<1x125x128xf32, #tpu.memory_space<vmem>>
    %dma_start3A_17 = tpu.memref_squeeze %dma_start3A_16 : memref<1x125x128xf32, #tpu.memory_space<vmem>> -> memref<125x128xf32, #tpu.memory_space<vmem>>
    %dma_start3A_18 = arith.constant 0 : i32
    %dma_start3A_19 = tpu.memref_slice %arg8[%dma_start3A, %dma_start3A_12, %dma_start3A_18] : memref<2x1x125xi32, #tpu.memory_space<vmem>> -> memref<1x1x125xi32, #tpu.memory_space<vmem>>
    %dma_start3A_20 = tpu.memref_squeeze %dma_start3A_19 : memref<1x1x125xi32, #tpu.memory_space<vmem>> -> memref<125xi32, #tpu.memory_space<vmem>>
    %dma_start3A_21 = arith.constant 0 : i32
    %dma_start3A_22 = arith.constant 0 : i32
    %dma_start3A_23 = tpu.memref_slice %arg2[%arg0, %dma_start3A_21, %dma_start3A_22] : memref<2x10000x128xf32, #tpu.memory_space<hbm>> -> memref<1x10000x128xf32, #tpu.memory_space<hbm>>
    %dma_start3A_24 = tpu.memref_squeeze %dma_start3A_23 : memref<1x10000x128xf32, #tpu.memory_space<hbm>> -> memref<10000x128xf32, #tpu.memory_space<hbm>>
    %dma_start3A_25 = arith.constant 0 : i32
    %dma_start3A_26 = arith.constant 0 : i32
    %dma_start3A_27 = tpu.memref_slice %dma_start3A_24[%dma_start3A_25, %dma_start3A_26] : memref<10000x128xf32, #tpu.memory_space<hbm>> -> memref<10000x128xf32, #tpu.memory_space<hbm>>
    tpu.enqueue_indirect_dma source(%dma_start3A_27 : memref<10000x128xf32, #tpu.memory_space<hbm>>) target(%dma_start3A_17 : memref<125x128xf32, #tpu.memory_space<vmem>>) offsets(%dma_start3A_20 : memref<125xi32, #tpu.memory_space<vmem>>) semaphore(%arg12 : memref<!tpu.dma_semaphore, #tpu.memory_space<semaphore_mem>>)
    %add3A_28 = arith.constant 1 : i32
    %add3A_29 = arith.addi %mul3A_7, %add3A_28 : i32
    %run_scoped3A_30 = arith.constant 1 : i32
    "tpu.region"() ({
      %run_scoped3A_66 = tpu.sem_alloc : memref<!tpu.dma_semaphore, #tpu.memory_space<semaphore_mem>>
      %dma_start3A_67 = arith.constant 0 : i32
      %dma_start3A_68 = arith.constant 0 : i32
      %dma_start3A_69 = tpu.memref_slice %arg8[%run_scoped3A_30, %dma_start3A_67, %dma_start3A_68] : memref<2x1x125xi32, #tpu.memory_space<vmem>> -> memref<1x1x125xi32, #tpu.memory_space<vmem>>
      %dma_start3A_70 = tpu.memref_squeeze %dma_start3A_69 : memref<1x1x125xi32, #tpu.memory_space<vmem>> -> memref<1x125xi32, #tpu.memory_space<vmem>>
      %dma_start3A_71 = arith.constant 0 : i32
      %dma_start3A_72 = arith.constant 0 : i32
      %dma_start3A_73 = tpu.memref_slice %arg3[%add3A_29, %dma_start3A_71, %dma_start3A_72] : memref<1280x1x125xi32, #tpu.memory_space<hbm>> -> memref<1x1x125xi32, #tpu.memory_space<hbm>>
      %dma_start3A_74 = tpu.memref_squeeze %dma_start3A_73 : memref<1x1x125xi32, #tpu.memory_space<hbm>> -> memref<1x125xi32, #tpu.memory_space<hbm>>
      %dma_start3A_75 = arith.constant 0 : i32
      %dma_start3A_76 = arith.constant 0 : i32
      %dma_start3A_77 = tpu.memref_slice %arg8[%run_scoped3A_30, %dma_start3A_75, %dma_start3A_76] : memref<2x1x125xi32, #tpu.memory_space<vmem>> -> memref<1x1x125xi32, #tpu.memory_space<vmem>>
      %dma_start3A_78 = tpu.memref_squeeze %dma_start3A_77 : memref<1x1x125xi32, #tpu.memory_space<vmem>> -> memref<1x125xi32, #tpu.memory_space<vmem>>
      %dma_start3A_79 = arith.constant 0 : i32
      %dma_start3A_80 = arith.constant 0 : i32
      %dma_start3A_81 = tpu.memref_slice %arg3[%add3A_29, %dma_start3A_79, %dma_start3A_80] : memref<1280x1x125xi32, #tpu.memory_space<hbm>> -> memref<1x1x125xi32, #tpu.memory_space<hbm>>
      %dma_start3A_82 = tpu.memref_squeeze %dma_start3A_81 : memref<1x1x125xi32, #tpu.memory_space<hbm>> -> memref<1x125xi32, #tpu.memory_space<hbm>>
      tpu.enqueue_dma source(%dma_start3A_82 : memref<1x125xi32, #tpu.memory_space<hbm>>) target(%dma_start3A_78 : memref<1x125xi32, #tpu.memory_space<vmem>>) target_semaphore(%run_scoped3A_66 : memref<!tpu.dma_semaphore, #tpu.memory_space<semaphore_mem>>)
      %dma_wait3A = arith.constant 0 : i32
      %dma_wait3A_83 = arith.constant 0 : i32
      %dma_wait3A_84 = tpu.memref_slice %arg8[%run_scoped3A_30, %dma_wait3A, %dma_wait3A_83] : memref<2x1x125xi32, #tpu.memory_space<vmem>> -> memref<1x1x125xi32, #tpu.memory_space<vmem>>
      %dma_wait3A_85 = tpu.memref_squeeze %dma_wait3A_84 : memref<1x1x125xi32, #tpu.memory_space<vmem>> -> memref<1x125xi32, #tpu.memory_space<vmem>>
      %dma_wait3A_86 = arith.constant 0 : i32
      %dma_wait3A_87 = arith.constant 0 : i32
      %dma_wait3A_88 = tpu.memref_slice %arg3[%add3A_29, %dma_wait3A_86, %dma_wait3A_87] : memref<1280x1x125xi32, #tpu.memory_space<hbm>> -> memref<1x1x125xi32, #tpu.memory_space<hbm>>
      %dma_wait3A_89 = tpu.memref_squeeze %dma_wait3A_88 : memref<1x1x125xi32, #tpu.memory_space<hbm>> -> memref<1x125xi32, #tpu.memory_space<hbm>>
      %dma_wait3A_90 = arith.constant 0 : i32
      %dma_wait3A_91 = arith.constant 0 : i32
      %dma_wait3A_92 = tpu.memref_slice %arg8[%run_scoped3A_30, %dma_wait3A_90, %dma_wait3A_91] : memref<2x1x125xi32, #tpu.memory_space<vmem>> -> memref<1x1x125xi32, #tpu.memory_space<vmem>>
      %dma_wait3A_93 = tpu.memref_squeeze %dma_wait3A_92 : memref<1x1x125xi32, #tpu.memory_space<vmem>> -> memref<1x125xi32, #tpu.memory_space<vmem>>
      %dma_wait3A_94 = arith.constant 0 : i32
      %dma_wait3A_95 = arith.constant 0 : i32
      %dma_wait3A_96 = tpu.memref_slice %arg3[%add3A_29, %dma_wait3A_94, %dma_wait3A_95] : memref<1280x1x125xi32, #tpu.memory_space<hbm>> -> memref<1x1x125xi32, #tpu.memory_space<hbm>>
      %dma_wait3A_97 = tpu.memref_squeeze %dma_wait3A_96 : memref<1x1x125xi32, #tpu.memory_space<hbm>> -> memref<1x125xi32, #tpu.memory_space<hbm>>
      tpu.wait_dma2 semaphore(%run_scoped3A_66 : memref<!tpu.dma_semaphore, #tpu.memory_space<semaphore_mem>>) src(%dma_wait3A_97 : memref<1x125xi32, #tpu.memory_space<hbm>>) dst(%dma_wait3A_93 : memref<1x125xi32, #tpu.memory_space<vmem>>)
      tpu.yield
    }) : () -> ()
    %add3A_31 = arith.constant 1 : i32
    %add3A_32 = arith.addi %mul3A_7, %add3A_31 : i32
    %run_scoped3A_33 = arith.constant 1 : i32
    "tpu.region"() ({
      %run_scoped3A_66 = tpu.sem_alloc : memref<!tpu.dma_semaphore, #tpu.memory_space<semaphore_mem>>
      %dma_start3A_67 = arith.constant 0 : i32
      %dma_start3A_68 = arith.constant 0 : i32
      %dma_start3A_69 = tpu.memref_slice %arg9[%run_scoped3A_33, %dma_start3A_67, %dma_start3A_68] : memref<2x1x125xi32, #tpu.memory_space<vmem>> -> memref<1x1x125xi32, #tpu.memory_space<vmem>>
      %dma_start3A_70 = tpu.memref_squeeze %dma_start3A_69 : memref<1x1x125xi32, #tpu.memory_space<vmem>> -> memref<1x125xi32, #tpu.memory_space<vmem>>
      %dma_start3A_71 = arith.constant 0 : i32
      %dma_start3A_72 = arith.constant 0 : i32
      %dma_start3A_73 = tpu.memref_slice %arg4[%add3A_32, %dma_start3A_71, %dma_start3A_72] : memref<1280x1x125xi32, #tpu.memory_space<hbm>> -> memref<1x1x125xi32, #tpu.memory_space<hbm>>
      %dma_start3A_74 = tpu.memref_squeeze %dma_start3A_73 : memref<1x1x125xi32, #tpu.memory_space<hbm>> -> memref<1x125xi32, #tpu.memory_space<hbm>>
      %dma_start3A_75 = arith.constant 0 : i32
      %dma_start3A_76 = arith.constant 0 : i32
      %dma_start3A_77 = tpu.memref_slice %arg9[%run_scoped3A_33, %dma_start3A_75, %dma_start3A_76] : memref<2x1x125xi32, #tpu.memory_space<vmem>> -> memref<1x1x125xi32, #tpu.memory_space<vmem>>
      %dma_start3A_78 = tpu.memref_squeeze %dma_start3A_77 : memref<1x1x125xi32, #tpu.memory_space<vmem>> -> memref<1x125xi32, #tpu.memory_space<vmem>>
      %dma_start3A_79 = arith.constant 0 : i32
      %dma_start3A_80 = arith.constant 0 : i32
      %dma_start3A_81 = tpu.memref_slice %arg4[%add3A_32, %dma_start3A_79, %dma_start3A_80] : memref<1280x1x125xi32, #tpu.memory_space<hbm>> -> memref<1x1x125xi32, #tpu.memory_space<hbm>>
      %dma_start3A_82 = tpu.memref_squeeze %dma_start3A_81 : memref<1x1x125xi32, #tpu.memory_space<hbm>> -> memref<1x125xi32, #tpu.memory_space<hbm>>
      tpu.enqueue_dma source(%dma_start3A_82 : memref<1x125xi32, #tpu.memory_space<hbm>>) target(%dma_start3A_78 : memref<1x125xi32, #tpu.memory_space<vmem>>) target_semaphore(%run_scoped3A_66 : memref<!tpu.dma_semaphore, #tpu.memory_space<semaphore_mem>>)
      %dma_wait3A = arith.constant 0 : i32
      %dma_wait3A_83 = arith.constant 0 : i32
      %dma_wait3A_84 = tpu.memref_slice %arg9[%run_scoped3A_33, %dma_wait3A, %dma_wait3A_83] : memref<2x1x125xi32, #tpu.memory_space<vmem>> -> memref<1x1x125xi32, #tpu.memory_space<vmem>>
      %dma_wait3A_85 = tpu.memref_squeeze %dma_wait3A_84 : memref<1x1x125xi32, #tpu.memory_space<vmem>> -> memref<1x125xi32, #tpu.memory_space<vmem>>
      %dma_wait3A_86 = arith.constant 0 : i32
      %dma_wait3A_87 = arith.constant 0 : i32
      %dma_wait3A_88 = tpu.memref_slice %arg4[%add3A_32, %dma_wait3A_86, %dma_wait3A_87] : memref<1280x1x125xi32, #tpu.memory_space<hbm>> -> memref<1x1x125xi32, #tpu.memory_space<hbm>>
      %dma_wait3A_89 = tpu.memref_squeeze %dma_wait3A_88 : memref<1x1x125xi32, #tpu.memory_space<hbm>> -> memref<1x125xi32, #tpu.memory_space<hbm>>
      %dma_wait3A_90 = arith.constant 0 : i32
      %dma_wait3A_91 = arith.constant 0 : i32
      %dma_wait3A_92 = tpu.memref_slice %arg9[%run_scoped3A_33, %dma_wait3A_90, %dma_wait3A_91] : memref<2x1x125xi32, #tpu.memory_space<vmem>> -> memref<1x1x125xi32, #tpu.memory_space<vmem>>
      %dma_wait3A_93 = tpu.memref_squeeze %dma_wait3A_92 : memref<1x1x125xi32, #tpu.memory_space<vmem>> -> memref<1x125xi32, #tpu.memory_space<vmem>>
      %dma_wait3A_94 = arith.constant 0 : i32
      %dma_wait3A_95 = arith.constant 0 : i32
      %dma_wait3A_96 = tpu.memref_slice %arg4[%add3A_32, %dma_wait3A_94, %dma_wait3A_95] : memref<1280x1x125xi32, #tpu.memory_space<hbm>> -> memref<1x1x125xi32, #tpu.memory_space<hbm>>
      %dma_wait3A_97 = tpu.memref_squeeze %dma_wait3A_96 : memref<1x1x125xi32, #tpu.memory_space<hbm>> -> memref<1x125xi32, #tpu.memory_space<hbm>>
      tpu.wait_dma2 semaphore(%run_scoped3A_66 : memref<!tpu.dma_semaphore, #tpu.memory_space<semaphore_mem>>) src(%dma_wait3A_97 : memref<1x125xi32, #tpu.memory_space<hbm>>) dst(%dma_wait3A_93 : memref<1x125xi32, #tpu.memory_space<vmem>>)
      tpu.yield
    }) : () -> ()
    %dma_start3A_34 = arith.constant 1 : i32
    %dma_start3A_35 = arith.constant 0 : i32
    %dma_start3A_36 = arith.constant 1 : i32
    %dma_start3A_37 = arith.constant 0 : i32
    %dma_start3A_38 = arith.constant 0 : i32
    %dma_start3A_39 = tpu.memref_slice %arg10[%dma_start3A_36, %dma_start3A_37, %dma_start3A_38] : memref<2x125x128xf32, #tpu.memory_space<vmem>> -> memref<1x125x128xf32, #tpu.memory_space<vmem>>
    %dma_start3A_40 = tpu.memref_squeeze %dma_start3A_39 : memref<1x125x128xf32, #tpu.memory_space<vmem>> -> memref<125x128xf32, #tpu.memory_space<vmem>>
    %dma_start3A_41 = arith.constant 0 : i32
    %dma_start3A_42 = tpu.memref_slice %arg8[%dma_start3A_34, %dma_start3A_35, %dma_start3A_41] : memref<2x1x125xi32, #tpu.memory_space<vmem>> -> memref<1x1x125xi32, #tpu.memory_space<vmem>>
    %dma_start3A_43 = tpu.memref_squeeze %dma_start3A_42 : memref<1x1x125xi32, #tpu.memory_space<vmem>> -> memref<125xi32, #tpu.memory_space<vmem>>
    %dma_start3A_44 = arith.constant 0 : i32
    %dma_start3A_45 = arith.constant 0 : i32
    %dma_start3A_46 = tpu.memref_slice %arg2[%arg0, %dma_start3A_44, %dma_start3A_45] : memref<2x10000x128xf32, #tpu.memory_space<hbm>> -> memref<1x10000x128xf32, #tpu.memory_space<hbm>>
    %dma_start3A_47 = tpu.memref_squeeze %dma_start3A_46 : memref<1x10000x128xf32, #tpu.memory_space<hbm>> -> memref<10000x128xf32, #tpu.memory_space<hbm>>
    %dma_start3A_48 = arith.constant 0 : i32
    %dma_start3A_49 = arith.constant 0 : i32
    %dma_start3A_50 = tpu.memref_slice %dma_start3A_47[%dma_start3A_48, %dma_start3A_49] : memref<10000x128xf32, #tpu.memory_space<hbm>> -> memref<10000x128xf32, #tpu.memory_space<hbm>>
    tpu.enqueue_indirect_dma source(%dma_start3A_50 : memref<10000x128xf32, #tpu.memory_space<hbm>>) target(%dma_start3A_40 : memref<125x128xf32, #tpu.memory_space<vmem>>) offsets(%dma_start3A_43 : memref<125xi32, #tpu.memory_space<vmem>>) semaphore(%arg13 : memref<!tpu.dma_semaphore, #tpu.memory_space<semaphore_mem>>)
    %lt3A = arith.constant 10 : i32
    %lt3A_51 = arith.cmpi slt, %arg1, %lt3A : i32
    %convert_element_type3A = arith.extui %lt3A_51 : i1 to i32
    %cond3A = arith.constant 0 : i32
    %cond3A_52 = arith.cmpi ne, %convert_element_type3A, %cond3A : i32
    scf.if %cond3A_52 {
      %scan3A_66 = arith.constant 0 : i32
      %scan3A_67 = arith.constant 0 : i32
      %scan3A_68 = arith.constant 25 : i32
      %scan3A_69 = arith.addi %scan3A_67, %scan3A_68 : i32
      %scan3A_70 = arith.constant 1 : i32
      %scan3A_71 = scf.for %scan3A_73 = %scan3A_67 to %scan3A_69 step %scan3A_70 iter_args(%scan3A_74 = %scan3A_66) -> (i32)  : i32 {
        %mul3A_75 = arith.constant 1000 : i32
        %mul3A_76 = arith.muli %arg1, %mul3A_75 : i32
        %mul3A_77 = arith.constant 40 : i32
        %mul3A_78 = arith.muli %scan3A_73, %mul3A_77 : i32
        %add3A_79 = arith.addi %mul3A_76, %mul3A_78 : i32
        "tpu.region"() ({
          %run_scoped3A_81 = tpu.sem_alloc : memref<!tpu.dma_semaphore, #tpu.memory_space<semaphore_mem>>
          %dma_start3A_82 = arith.constant 0 : i32
          %dma_start3A_83 = tpu.memref_slice %arg7[%add3A_79, %dma_start3A_82] : memref<10000x128xf32, #tpu.memory_space<vmem_shared>> -> memref<40x128xf32, #tpu.memory_space<vmem_shared>>
          %dma_start3A_84 = arith.constant 0 : i32
          %dma_start3A_85 = tpu.memref_slice %arg7[%add3A_79, %dma_start3A_84] : memref<10000x128xf32, #tpu.memory_space<vmem_shared>> -> memref<40x128xf32, #tpu.memory_space<vmem_shared>>
          tpu.enqueue_dma source(%arg11 : memref<40x128xf32, #tpu.memory_space<vmem>>) target(%dma_start3A_85 : memref<40x128xf32, #tpu.memory_space<vmem_shared>>) target_semaphore(%run_scoped3A_81 : memref<!tpu.dma_semaphore, #tpu.memory_space<semaphore_mem>>)
          %dma_wait3A = arith.constant 0 : i32
          %dma_wait3A_86 = tpu.memref_slice %arg7[%add3A_79, %dma_wait3A] : memref<10000x128xf32, #tpu.memory_space<vmem_shared>> -> memref<40x128xf32, #tpu.memory_space<vmem_shared>>
          %dma_wait3A_87 = arith.constant 0 : i32
          %dma_wait3A_88 = tpu.memref_slice %arg7[%add3A_79, %dma_wait3A_87] : memref<10000x128xf32, #tpu.memory_space<vmem_shared>> -> memref<40x128xf32, #tpu.memory_space<vmem_shared>>
          tpu.wait_dma2 semaphore(%run_scoped3A_81 : memref<!tpu.dma_semaphore, #tpu.memory_space<semaphore_mem>>) src(%arg11 : memref<40x128xf32, #tpu.memory_space<vmem>>) dst(%dma_wait3A_88 : memref<40x128xf32, #tpu.memory_space<vmem_shared>>)
          tpu.yield
        }) : () -> ()
        %scan3A_80 = arith.constant 0 : i32
        scf.yield %scan3A_80 : i32
      }
      %scan3A_72 = arith.constant 25 : i32
    } else {
    }
    %barrier3A = arith.constant 0 : index
    tpu.barrier barrier_id(%barrier3A)
    %scan3A_53 = arith.constant 0 : i32
    %scan3A_54 = arith.constant 0 : i32
    %scan3A_55 = arith.constant 40 : i32
    %scan3A_56 = arith.addi %scan3A_54, %scan3A_55 : i32
    %scan3A_57 = arith.constant 1 : i32
    %scan3A_58 = scf.for %scan3A_66 = %scan3A_54 to %scan3A_56 step %scan3A_57 iter_args(%scan3A_67 = %scan3A_53) -> (i32)  : i32 {
      %dma_wait3A = arith.constant 0 : i32
      %dma_wait3A_68 = arith.constant 0 : i32
      %dma_wait3A_69 = arith.constant 0 : i32
      %dma_wait3A_70 = tpu.memref_slice %arg10[%dma_wait3A, %dma_wait3A_68, %dma_wait3A_69] : memref<2x125x128xf32, #tpu.memory_space<vmem>> -> memref<1x125x128xf32, #tpu.memory_space<vmem>>
      %dma_wait3A_71 = tpu.memref_squeeze %dma_wait3A_70 : memref<1x125x128xf32, #tpu.memory_space<vmem>> -> memref<125x128xf32, #tpu.memory_space<vmem>>
      %dma_wait3A_72 = arith.constant 0 : i32
      %dma_wait3A_73 = arith.constant 0 : i32
      %dma_wait3A_74 = tpu.memref_slice %arg10[%dma_wait3A, %dma_wait3A_72, %dma_wait3A_73] : memref<2x125x128xf32, #tpu.memory_space<vmem>> -> memref<1x125x128xf32, #tpu.memory_space<vmem>>
      %dma_wait3A_75 = tpu.memref_squeeze %dma_wait3A_74 : memref<1x125x128xf32, #tpu.memory_space<vmem>> -> memref<125x128xf32, #tpu.memory_space<vmem>>
      tpu.wait_dma2 semaphore(%arg12 : memref<!tpu.dma_semaphore, #tpu.memory_space<semaphore_mem>>) src(%arg5 : memref<125x128xf32, #tpu.memory_space<hbm>>) dst(%dma_wait3A_75 : memref<125x128xf32, #tpu.memory_space<vmem>>)
      %dma_start3A_76 = arith.constant 0 : i32
      %dma_start3A_77 = arith.constant 0 : i32
      %dma_start3A_78 = arith.constant 0 : i32
      %dma_start3A_79 = arith.constant 0 : i32
      %dma_start3A_80 = arith.constant 0 : i32
      %dma_start3A_81 = tpu.memref_slice %arg10[%dma_start3A_76, %dma_start3A_79, %dma_start3A_80] : memref<2x125x128xf32, #tpu.memory_space<vmem>> -> memref<1x125x128xf32, #tpu.memory_space<vmem>>
      %dma_start3A_82 = tpu.memref_squeeze %dma_start3A_81 : memref<1x125x128xf32, #tpu.memory_space<vmem>> -> memref<125x128xf32, #tpu.memory_space<vmem>>
      %dma_start3A_83 = arith.constant 0 : i32
      %dma_start3A_84 = tpu.memref_slice %arg9[%dma_start3A_77, %dma_start3A_78, %dma_start3A_83] : memref<2x1x125xi32, #tpu.memory_space<vmem>> -> memref<1x1x125xi32, #tpu.memory_space<vmem>>
      %dma_start3A_85 = tpu.memref_squeeze %dma_start3A_84 : memref<1x1x125xi32, #tpu.memory_space<vmem>> -> memref<125xi32, #tpu.memory_space<vmem>>
      %dma_start3A_86 = arith.constant 0 : i32
      %dma_start3A_87 = arith.constant 0 : i32
      %dma_start3A_88 = tpu.memref_slice %arg7[%dma_start3A_86, %dma_start3A_87] : memref<10000x128xf32, #tpu.memory_space<vmem_shared>> -> memref<10000x128xf32, #tpu.memory_space<vmem_shared>>
      tpu.enqueue_indirect_dma source(%dma_start3A_82 : memref<125x128xf32, #tpu.memory_space<vmem>>) target(%dma_start3A_88 : memref<10000x128xf32, #tpu.memory_space<vmem_shared>>) offsets(%dma_start3A_85 : memref<125xi32, #tpu.memory_space<vmem>>) semaphore(%arg14 : memref<!tpu.dma_semaphore, #tpu.memory_space<semaphore_mem>>) {add = true}
      %dma_wait3A_89 = arith.constant 0 : i32
      %dma_wait3A_90 = arith.constant 0 : i32
      %dma_wait3A_91 = arith.constant 0 : i32
      %dma_wait3A_92 = tpu.memref_slice %arg10[%dma_wait3A_89, %dma_wait3A_90, %dma_wait3A_91] : memref<2x125x128xf32, #tpu.memory_space<vmem>> -> memref<1x125x128xf32, #tpu.memory_space<vmem>>
      %dma_wait3A_93 = tpu.memref_squeeze %dma_wait3A_92 : memref<1x125x128xf32, #tpu.memory_space<vmem>> -> memref<125x128xf32, #tpu.memory_space<vmem>>
      %dma_wait3A_94 = arith.constant 0 : i32
      %dma_wait3A_95 = arith.constant 0 : i32
      %dma_wait3A_96 = tpu.memref_slice %arg10[%dma_wait3A_89, %dma_wait3A_94, %dma_wait3A_95] : memref<2x125x128xf32, #tpu.memory_space<vmem>> -> memref<1x125x128xf32, #tpu.memory_space<vmem>>
      %dma_wait3A_97 = tpu.memref_squeeze %dma_wait3A_96 : memref<1x125x128xf32, #tpu.memory_space<vmem>> -> memref<125x128xf32, #tpu.memory_space<vmem>>
      tpu.wait_dma2 semaphore(%arg14 : memref<!tpu.dma_semaphore, #tpu.memory_space<semaphore_mem>>) src(%arg5 : memref<125x128xf32, #tpu.memory_space<hbm>>) dst(%dma_wait3A_97 : memref<125x128xf32, #tpu.memory_space<vmem>>)
      %lt3A_98 = arith.constant 39 : i32
      %lt3A_99 = arith.cmpi slt, %scan3A_66, %lt3A_98 : i32
      %convert_element_type3A_100 = arith.extui %lt3A_99 : i1 to i32
      %cond3A_101 = arith.constant 0 : i32
      %cond3A_102 = arith.cmpi ne, %convert_element_type3A_100, %cond3A_101 : i32
      scf.if %cond3A_102 {
        %mul3A_140 = arith.constant 2 : i32
        %mul3A_141 = arith.muli %scan3A_66, %mul3A_140 : i32
        %add3A_142 = arith.constant 0 : i32
        %add3A_143 = arith.addi %mul3A_141, %add3A_142 : i32
        %add3A_144 = arith.constant 2 : i32
        %add3A_145 = arith.addi %add3A_143, %add3A_144 : i32
        %add3A_146 = arith.addi %mul3A_7, %add3A_145 : i32
        %run_scoped3A_147 = arith.constant 0 : i32
        "tpu.region"() ({
          %run_scoped3A_167 = tpu.sem_alloc : memref<!tpu.dma_semaphore, #tpu.memory_space<semaphore_mem>>
          %dma_start3A_168 = arith.constant 0 : i32
          %dma_start3A_169 = arith.constant 0 : i32
          %dma_start3A_170 = tpu.memref_slice %arg8[%run_scoped3A_147, %dma_start3A_168, %dma_start3A_169] : memref<2x1x125xi32, #tpu.memory_space<vmem>> -> memref<1x1x125xi32, #tpu.memory_space<vmem>>
          %dma_start3A_171 = tpu.memref_squeeze %dma_start3A_170 : memref<1x1x125xi32, #tpu.memory_space<vmem>> -> memref<1x125xi32, #tpu.memory_space<vmem>>
          %dma_start3A_172 = arith.constant 0 : i32
          %dma_start3A_173 = arith.constant 0 : i32
          %dma_start3A_174 = tpu.memref_slice %arg3[%add3A_146, %dma_start3A_172, %dma_start3A_173] : memref<1280x1x125xi32, #tpu.memory_space<hbm>> -> memref<1x1x125xi32, #tpu.memory_space<hbm>>
          %dma_start3A_175 = tpu.memref_squeeze %dma_start3A_174 : memref<1x1x125xi32, #tpu.memory_space<hbm>> -> memref<1x125xi32, #tpu.memory_space<hbm>>
          %dma_start3A_176 = arith.constant 0 : i32
          %dma_start3A_177 = arith.constant 0 : i32
          %dma_start3A_178 = tpu.memref_slice %arg8[%run_scoped3A_147, %dma_start3A_176, %dma_start3A_177] : memref<2x1x125xi32, #tpu.memory_space<vmem>> -> memref<1x1x125xi32, #tpu.memory_space<vmem>>
          %dma_start3A_179 = tpu.memref_squeeze %dma_start3A_178 : memref<1x1x125xi32, #tpu.memory_space<vmem>> -> memref<1x125xi32, #tpu.memory_space<vmem>>
          %dma_start3A_180 = arith.constant 0 : i32
          %dma_start3A_181 = arith.constant 0 : i32
          %dma_start3A_182 = tpu.memref_slice %arg3[%add3A_146, %dma_start3A_180, %dma_start3A_181] : memref<1280x1x125xi32, #tpu.memory_space<hbm>> -> memref<1x1x125xi32, #tpu.memory_space<hbm>>
          %dma_start3A_183 = tpu.memref_squeeze %dma_start3A_182 : memref<1x1x125xi32, #tpu.memory_space<hbm>> -> memref<1x125xi32, #tpu.memory_space<hbm>>
          tpu.enqueue_dma source(%dma_start3A_183 : memref<1x125xi32, #tpu.memory_space<hbm>>) target(%dma_start3A_179 : memref<1x125xi32, #tpu.memory_space<vmem>>) target_semaphore(%run_scoped3A_167 : memref<!tpu.dma_semaphore, #tpu.memory_space<semaphore_mem>>)
          %dma_wait3A_184 = arith.constant 0 : i32
          %dma_wait3A_185 = arith.constant 0 : i32
          %dma_wait3A_186 = tpu.memref_slice %arg8[%run_scoped3A_147, %dma_wait3A_184, %dma_wait3A_185] : memref<2x1x125xi32, #tpu.memory_space<vmem>> -> memref<1x1x125xi32, #tpu.memory_space<vmem>>
          %dma_wait3A_187 = tpu.memref_squeeze %dma_wait3A_186 : memref<1x1x125xi32, #tpu.memory_space<vmem>> -> memref<1x125xi32, #tpu.memory_space<vmem>>
          %dma_wait3A_188 = arith.constant 0 : i32
          %dma_wait3A_189 = arith.constant 0 : i32
          %dma_wait3A_190 = tpu.memref_slice %arg3[%add3A_146, %dma_wait3A_188, %dma_wait3A_189] : memref<1280x1x125xi32, #tpu.memory_space<hbm>> -> memref<1x1x125xi32, #tpu.memory_space<hbm>>
          %dma_wait3A_191 = tpu.memref_squeeze %dma_wait3A_190 : memref<1x1x125xi32, #tpu.memory_space<hbm>> -> memref<1x125xi32, #tpu.memory_space<hbm>>
          %dma_wait3A_192 = arith.constant 0 : i32
          %dma_wait3A_193 = arith.constant 0 : i32
          %dma_wait3A_194 = tpu.memref_slice %arg8[%run_scoped3A_147, %dma_wait3A_192, %dma_wait3A_193] : memref<2x1x125xi32, #tpu.memory_space<vmem>> -> memref<1x1x125xi32, #tpu.memory_space<vmem>>
          %dma_wait3A_195 = tpu.memref_squeeze %dma_wait3A_194 : memref<1x1x125xi32, #tpu.memory_space<vmem>> -> memref<1x125xi32, #tpu.memory_space<vmem>>
          %dma_wait3A_196 = arith.constant 0 : i32
          %dma_wait3A_197 = arith.constant 0 : i32
          %dma_wait3A_198 = tpu.memref_slice %arg3[%add3A_146, %dma_wait3A_196, %dma_wait3A_197] : memref<1280x1x125xi32, #tpu.memory_space<hbm>> -> memref<1x1x125xi32, #tpu.memory_space<hbm>>
          %dma_wait3A_199 = tpu.memref_squeeze %dma_wait3A_198 : memref<1x1x125xi32, #tpu.memory_space<hbm>> -> memref<1x125xi32, #tpu.memory_space<hbm>>
          tpu.wait_dma2 semaphore(%run_scoped3A_167 : memref<!tpu.dma_semaphore, #tpu.memory_space<semaphore_mem>>) src(%dma_wait3A_199 : memref<1x125xi32, #tpu.memory_space<hbm>>) dst(%dma_wait3A_195 : memref<1x125xi32, #tpu.memory_space<vmem>>)
          tpu.yield
        }) : () -> ()
        %add3A_148 = arith.addi %mul3A_7, %add3A_145 : i32
        %run_scoped3A_149 = arith.constant 0 : i32
        "tpu.region"() ({
          %run_scoped3A_167 = tpu.sem_alloc : memref<!tpu.dma_semaphore, #tpu.memory_space<semaphore_mem>>
          %dma_start3A_168 = arith.constant 0 : i32
          %dma_start3A_169 = arith.constant 0 : i32
          %dma_start3A_170 = tpu.memref_slice %arg9[%run_scoped3A_149, %dma_start3A_168, %dma_start3A_169] : memref<2x1x125xi32, #tpu.memory_space<vmem>> -> memref<1x1x125xi32, #tpu.memory_space<vmem>>
          %dma_start3A_171 = tpu.memref_squeeze %dma_start3A_170 : memref<1x1x125xi32, #tpu.memory_space<vmem>> -> memref<1x125xi32, #tpu.memory_space<vmem>>
          %dma_start3A_172 = arith.constant 0 : i32
          %dma_start3A_173 = arith.constant 0 : i32
          %dma_start3A_174 = tpu.memref_slice %arg4[%add3A_148, %dma_start3A_172, %dma_start3A_173] : memref<1280x1x125xi32, #tpu.memory_space<hbm>> -> memref<1x1x125xi32, #tpu.memory_space<hbm>>
          %dma_start3A_175 = tpu.memref_squeeze %dma_start3A_174 : memref<1x1x125xi32, #tpu.memory_space<hbm>> -> memref<1x125xi32, #tpu.memory_space<hbm>>
          %dma_start3A_176 = arith.constant 0 : i32
          %dma_start3A_177 = arith.constant 0 : i32
          %dma_start3A_178 = tpu.memref_slice %arg9[%run_scoped3A_149, %dma_start3A_176, %dma_start3A_177] : memref<2x1x125xi32, #tpu.memory_space<vmem>> -> memref<1x1x125xi32, #tpu.memory_space<vmem>>
          %dma_start3A_179 = tpu.memref_squeeze %dma_start3A_178 : memref<1x1x125xi32, #tpu.memory_space<vmem>> -> memref<1x125xi32, #tpu.memory_space<vmem>>
          %dma_start3A_180 = arith.constant 0 : i32
          %dma_start3A_181 = arith.constant 0 : i32
          %dma_start3A_182 = tpu.memref_slice %arg4[%add3A_148, %dma_start3A_180, %dma_start3A_181] : memref<1280x1x125xi32, #tpu.memory_space<hbm>> -> memref<1x1x125xi32, #tpu.memory_space<hbm>>
          %dma_start3A_183 = tpu.memref_squeeze %dma_start3A_182 : memref<1x1x125xi32, #tpu.memory_space<hbm>> -> memref<1x125xi32, #tpu.memory_space<hbm>>
          tpu.enqueue_dma source(%dma_start3A_183 : memref<1x125xi32, #tpu.memory_space<hbm>>) target(%dma_start3A_179 : memref<1x125xi32, #tpu.memory_space<vmem>>) target_semaphore(%run_scoped3A_167 : memref<!tpu.dma_semaphore, #tpu.memory_space<semaphore_mem>>)
          %dma_wait3A_184 = arith.constant 0 : i32
          %dma_wait3A_185 = arith.constant 0 : i32
          %dma_wait3A_186 = tpu.memref_slice %arg9[%run_scoped3A_149, %dma_wait3A_184, %dma_wait3A_185] : memref<2x1x125xi32, #tpu.memory_space<vmem>> -> memref<1x1x125xi32, #tpu.memory_space<vmem>>
          %dma_wait3A_187 = tpu.memref_squeeze %dma_wait3A_186 : memref<1x1x125xi32, #tpu.memory_space<vmem>> -> memref<1x125xi32, #tpu.memory_space<vmem>>
          %dma_wait3A_188 = arith.constant 0 : i32
          %dma_wait3A_189 = arith.constant 0 : i32
          %dma_wait3A_190 = tpu.memref_slice %arg4[%add3A_148, %dma_wait3A_188, %dma_wait3A_189] : memref<1280x1x125xi32, #tpu.memory_space<hbm>> -> memref<1x1x125xi32, #tpu.memory_space<hbm>>
          %dma_wait3A_191 = tpu.memref_squeeze %dma_wait3A_190 : memref<1x1x125xi32, #tpu.memory_space<hbm>> -> memref<1x125xi32, #tpu.memory_space<hbm>>
          %dma_wait3A_192 = arith.constant 0 : i32
          %dma_wait3A_193 = arith.constant 0 : i32
          %dma_wait3A_194 = tpu.memref_slice %arg9[%run_scoped3A_149, %dma_wait3A_192, %dma_wait3A_193] : memref<2x1x125xi32, #tpu.memory_space<vmem>> -> memref<1x1x125xi32, #tpu.memory_space<vmem>>
          %dma_wait3A_195 = tpu.memref_squeeze %dma_wait3A_194 : memref<1x1x125xi32, #tpu.memory_space<vmem>> -> memref<1x125xi32, #tpu.memory_space<vmem>>
          %dma_wait3A_196 = arith.constant 0 : i32
          %dma_wait3A_197 = arith.constant 0 : i32
          %dma_wait3A_198 = tpu.memref_slice %arg4[%add3A_148, %dma_wait3A_196, %dma_wait3A_197] : memref<1280x1x125xi32, #tpu.memory_space<hbm>> -> memref<1x1x125xi32, #tpu.memory_space<hbm>>
          %dma_wait3A_199 = tpu.memref_squeeze %dma_wait3A_198 : memref<1x1x125xi32, #tpu.memory_space<hbm>> -> memref<1x125xi32, #tpu.memory_space<hbm>>
          tpu.wait_dma2 semaphore(%run_scoped3A_167 : memref<!tpu.dma_semaphore, #tpu.memory_space<semaphore_mem>>) src(%dma_wait3A_199 : memref<1x125xi32, #tpu.memory_space<hbm>>) dst(%dma_wait3A_195 : memref<1x125xi32, #tpu.memory_space<vmem>>)
          tpu.yield
        }) : () -> ()
        %dma_start3A_150 = arith.constant 0 : i32
        %dma_start3A_151 = arith.constant 0 : i32
        %dma_start3A_152 = arith.constant 0 : i32
        %dma_start3A_153 = arith.constant 0 : i32
        %dma_start3A_154 = arith.constant 0 : i32
        %dma_start3A_155 = tpu.memref_slice %arg10[%dma_start3A_152, %dma_start3A_153, %dma_start3A_154] : memref<2x125x128xf32, #tpu.memory_space<vmem>> -> memref<1x125x128xf32, #tpu.memory_space<vmem>>
        %dma_start3A_156 = tpu.memref_squeeze %dma_start3A_155 : memref<1x125x128xf32, #tpu.memory_space<vmem>> -> memref<125x128xf32, #tpu.memory_space<vmem>>
        %dma_start3A_157 = arith.constant 0 : i32
        %dma_start3A_158 = tpu.memref_slice %arg8[%dma_start3A_150, %dma_start3A_151, %dma_start3A_157] : memref<2x1x125xi32, #tpu.memory_space<vmem>> -> memref<1x1x125xi32, #tpu.memory_space<vmem>>
        %dma_start3A_159 = tpu.memref_squeeze %dma_start3A_158 : memref<1x1x125xi32, #tpu.memory_space<vmem>> -> memref<125xi32, #tpu.memory_space<vmem>>
        %dma_start3A_160 = arith.constant 0 : i32
        %dma_start3A_161 = arith.constant 0 : i32
        %dma_start3A_162 = tpu.memref_slice %arg2[%arg0, %dma_start3A_160, %dma_start3A_161] : memref<2x10000x128xf32, #tpu.memory_space<hbm>> -> memref<1x10000x128xf32, #tpu.memory_space<hbm>>
        %dma_start3A_163 = tpu.memref_squeeze %dma_start3A_162 : memref<1x10000x128xf32, #tpu.memory_space<hbm>> -> memref<10000x128xf32, #tpu.memory_space<hbm>>
        %dma_start3A_164 = arith.constant 0 : i32
        %dma_start3A_165 = arith.constant 0 : i32
        %dma_start3A_166 = tpu.memref_slice %dma_start3A_163[%dma_start3A_164, %dma_start3A_165] : memref<10000x128xf32, #tpu.memory_space<hbm>> -> memref<10000x128xf32, #tpu.memory_space<hbm>>
        tpu.enqueue_indirect_dma source(%dma_start3A_166 : memref<10000x128xf32, #tpu.memory_space<hbm>>) target(%dma_start3A_156 : memref<125x128xf32, #tpu.memory_space<vmem>>) offsets(%dma_start3A_159 : memref<125xi32, #tpu.memory_space<vmem>>) semaphore(%arg12 : memref<!tpu.dma_semaphore, #tpu.memory_space<semaphore_mem>>)
      } else {
      }
      %dma_wait3A_103 = arith.constant 1 : i32
      %dma_wait3A_104 = arith.constant 0 : i32
      %dma_wait3A_105 = arith.constant 0 : i32
      %dma_wait3A_106 = tpu.memref_slice %arg10[%dma_wait3A_103, %dma_wait3A_104, %dma_wait3A_105] : memref<2x125x128xf32, #tpu.memory_space<vmem>> -> memref<1x125x128xf32, #tpu.memory_space<vmem>>
      %dma_wait3A_107 = tpu.memref_squeeze %dma_wait3A_106 : memref<1x125x128xf32, #tpu.memory_space<vmem>> -> memref<125x128xf32, #tpu.memory_space<vmem>>
      %dma_wait3A_108 = arith.constant 0 : i32
      %dma_wait3A_109 = arith.constant 0 : i32
      %dma_wait3A_110 = tpu.memref_slice %arg10[%dma_wait3A_103, %dma_wait3A_108, %dma_wait3A_109] : memref<2x125x128xf32, #tpu.memory_space<vmem>> -> memref<1x125x128xf32, #tpu.memory_space<vmem>>
      %dma_wait3A_111 = tpu.memref_squeeze %dma_wait3A_110 : memref<1x125x128xf32, #tpu.memory_space<vmem>> -> memref<125x128xf32, #tpu.memory_space<vmem>>
      tpu.wait_dma2 semaphore(%arg13 : memref<!tpu.dma_semaphore, #tpu.memory_space<semaphore_mem>>) src(%arg5 : memref<125x128xf32, #tpu.memory_space<hbm>>) dst(%dma_wait3A_111 : memref<125x128xf32, #tpu.memory_space<vmem>>)
      %dma_start3A_112 = arith.constant 1 : i32
      %dma_start3A_113 = arith.constant 1 : i32
      %dma_start3A_114 = arith.constant 0 : i32
      %dma_start3A_115 = arith.constant 0 : i32
      %dma_start3A_116 = arith.constant 0 : i32
      %dma_start3A_117 = tpu.memref_slice %arg10[%dma_start3A_112, %dma_start3A_115, %dma_start3A_116] : memref<2x125x128xf32, #tpu.memory_space<vmem>> -> memref<1x125x128xf32, #tpu.memory_space<vmem>>
      %dma_start3A_118 = tpu.memref_squeeze %dma_start3A_117 : memref<1x125x128xf32, #tpu.memory_space<vmem>> -> memref<125x128xf32, #tpu.memory_space<vmem>>
      %dma_start3A_119 = arith.constant 0 : i32
      %dma_start3A_120 = tpu.memref_slice %arg9[%dma_start3A_113, %dma_start3A_114, %dma_start3A_119] : memref<2x1x125xi32, #tpu.memory_space<vmem>> -> memref<1x1x125xi32, #tpu.memory_space<vmem>>
      %dma_start3A_121 = tpu.memref_squeeze %dma_start3A_120 : memref<1x1x125xi32, #tpu.memory_space<vmem>> -> memref<125xi32, #tpu.memory_space<vmem>>
      %dma_start3A_122 = arith.constant 0 : i32
      %dma_start3A_123 = arith.constant 0 : i32
      %dma_start3A_124 = tpu.memref_slice %arg7[%dma_start3A_122, %dma_start3A_123] : memref<10000x128xf32, #tpu.memory_space<vmem_shared>> -> memref<10000x128xf32, #tpu.memory_space<vmem_shared>>
      tpu.enqueue_indirect_dma source(%dma_start3A_118 : memref<125x128xf32, #tpu.memory_space<vmem>>) target(%dma_start3A_124 : memref<10000x128xf32, #tpu.memory_space<vmem_shared>>) offsets(%dma_start3A_121 : memref<125xi32, #tpu.memory_space<vmem>>) semaphore(%arg15 : memref<!tpu.dma_semaphore, #tpu.memory_space<semaphore_mem>>) {add = true}
      %dma_wait3A_125 = arith.constant 1 : i32
      %dma_wait3A_126 = arith.constant 0 : i32
      %dma_wait3A_127 = arith.constant 0 : i32
      %dma_wait3A_128 = tpu.memref_slice %arg10[%dma_wait3A_125, %dma_wait3A_126, %dma_wait3A_127] : memref<2x125x128xf32, #tpu.memory_space<vmem>> -> memref<1x125x128xf32, #tpu.memory_space<vmem>>
      %dma_wait3A_129 = tpu.memref_squeeze %dma_wait3A_128 : memref<1x125x128xf32, #tpu.memory_space<vmem>> -> memref<125x128xf32, #tpu.memory_space<vmem>>
      %dma_wait3A_130 = arith.constant 0 : i32
      %dma_wait3A_131 = arith.constant 0 : i32
      %dma_wait3A_132 = tpu.memref_slice %arg10[%dma_wait3A_125, %dma_wait3A_130, %dma_wait3A_131] : memref<2x125x128xf32, #tpu.memory_space<vmem>> -> memref<1x125x128xf32, #tpu.memory_space<vmem>>
      %dma_wait3A_133 = tpu.memref_squeeze %dma_wait3A_132 : memref<1x125x128xf32, #tpu.memory_space<vmem>> -> memref<125x128xf32, #tpu.memory_space<vmem>>
      tpu.wait_dma2 semaphore(%arg15 : memref<!tpu.dma_semaphore, #tpu.memory_space<semaphore_mem>>) src(%arg5 : memref<125x128xf32, #tpu.memory_space<hbm>>) dst(%dma_wait3A_133 : memref<125x128xf32, #tpu.memory_space<vmem>>)
      %lt3A_134 = arith.constant 39 : i32
      %lt3A_135 = arith.cmpi slt, %scan3A_66, %lt3A_134 : i32
      %convert_element_type3A_136 = arith.extui %lt3A_135 : i1 to i32
      %cond3A_137 = arith.constant 0 : i32
      %cond3A_138 = arith.cmpi ne, %convert_element_type3A_136, %cond3A_137 : i32
      scf.if %cond3A_138 {
        %mul3A_140 = arith.constant 2 : i32
        %mul3A_141 = arith.muli %scan3A_66, %mul3A_140 : i32
        %add3A_142 = arith.constant 1 : i32
        %add3A_143 = arith.addi %mul3A_141, %add3A_142 : i32
        %add3A_144 = arith.constant 2 : i32
        %add3A_145 = arith.addi %add3A_143, %add3A_144 : i32
        %add3A_146 = arith.addi %mul3A_7, %add3A_145 : i32
        %run_scoped3A_147 = arith.constant 1 : i32
        "tpu.region"() ({
          %run_scoped3A_167 = tpu.sem_alloc : memref<!tpu.dma_semaphore, #tpu.memory_space<semaphore_mem>>
          %dma_start3A_168 = arith.constant 0 : i32
          %dma_start3A_169 = arith.constant 0 : i32
          %dma_start3A_170 = tpu.memref_slice %arg8[%run_scoped3A_147, %dma_start3A_168, %dma_start3A_169] : memref<2x1x125xi32, #tpu.memory_space<vmem>> -> memref<1x1x125xi32, #tpu.memory_space<vmem>>
          %dma_start3A_171 = tpu.memref_squeeze %dma_start3A_170 : memref<1x1x125xi32, #tpu.memory_space<vmem>> -> memref<1x125xi32, #tpu.memory_space<vmem>>
          %dma_start3A_172 = arith.constant 0 : i32
          %dma_start3A_173 = arith.constant 0 : i32
          %dma_start3A_174 = tpu.memref_slice %arg3[%add3A_146, %dma_start3A_172, %dma_start3A_173] : memref<1280x1x125xi32, #tpu.memory_space<hbm>> -> memref<1x1x125xi32, #tpu.memory_space<hbm>>
          %dma_start3A_175 = tpu.memref_squeeze %dma_start3A_174 : memref<1x1x125xi32, #tpu.memory_space<hbm>> -> memref<1x125xi32, #tpu.memory_space<hbm>>
          %dma_start3A_176 = arith.constant 0 : i32
          %dma_start3A_177 = arith.constant 0 : i32
          %dma_start3A_178 = tpu.memref_slice %arg8[%run_scoped3A_147, %dma_start3A_176, %dma_start3A_177] : memref<2x1x125xi32, #tpu.memory_space<vmem>> -> memref<1x1x125xi32, #tpu.memory_space<vmem>>
          %dma_start3A_179 = tpu.memref_squeeze %dma_start3A_178 : memref<1x1x125xi32, #tpu.memory_space<vmem>> -> memref<1x125xi32, #tpu.memory_space<vmem>>
          %dma_start3A_180 = arith.constant 0 : i32
          %dma_start3A_181 = arith.constant 0 : i32
          %dma_start3A_182 = tpu.memref_slice %arg3[%add3A_146, %dma_start3A_180, %dma_start3A_181] : memref<1280x1x125xi32, #tpu.memory_space<hbm>> -> memref<1x1x125xi32, #tpu.memory_space<hbm>>
          %dma_start3A_183 = tpu.memref_squeeze %dma_start3A_182 : memref<1x1x125xi32, #tpu.memory_space<hbm>> -> memref<1x125xi32, #tpu.memory_space<hbm>>
          tpu.enqueue_dma source(%dma_start3A_183 : memref<1x125xi32, #tpu.memory_space<hbm>>) target(%dma_start3A_179 : memref<1x125xi32, #tpu.memory_space<vmem>>) target_semaphore(%run_scoped3A_167 : memref<!tpu.dma_semaphore, #tpu.memory_space<semaphore_mem>>)
          %dma_wait3A_184 = arith.constant 0 : i32
          %dma_wait3A_185 = arith.constant 0 : i32
          %dma_wait3A_186 = tpu.memref_slice %arg8[%run_scoped3A_147, %dma_wait3A_184, %dma_wait3A_185] : memref<2x1x125xi32, #tpu.memory_space<vmem>> -> memref<1x1x125xi32, #tpu.memory_space<vmem>>
          %dma_wait3A_187 = tpu.memref_squeeze %dma_wait3A_186 : memref<1x1x125xi32, #tpu.memory_space<vmem>> -> memref<1x125xi32, #tpu.memory_space<vmem>>
          %dma_wait3A_188 = arith.constant 0 : i32
          %dma_wait3A_189 = arith.constant 0 : i32
          %dma_wait3A_190 = tpu.memref_slice %arg3[%add3A_146, %dma_wait3A_188, %dma_wait3A_189] : memref<1280x1x125xi32, #tpu.memory_space<hbm>> -> memref<1x1x125xi32, #tpu.memory_space<hbm>>
          %dma_wait3A_191 = tpu.memref_squeeze %dma_wait3A_190 : memref<1x1x125xi32, #tpu.memory_space<hbm>> -> memref<1x125xi32, #tpu.memory_space<hbm>>
          %dma_wait3A_192 = arith.constant 0 : i32
          %dma_wait3A_193 = arith.constant 0 : i32
          %dma_wait3A_194 = tpu.memref_slice %arg8[%run_scoped3A_147, %dma_wait3A_192, %dma_wait3A_193] : memref<2x1x125xi32, #tpu.memory_space<vmem>> -> memref<1x1x125xi32, #tpu.memory_space<vmem>>
          %dma_wait3A_195 = tpu.memref_squeeze %dma_wait3A_194 : memref<1x1x125xi32, #tpu.memory_space<vmem>> -> memref<1x125xi32, #tpu.memory_space<vmem>>
          %dma_wait3A_196 = arith.constant 0 : i32
          %dma_wait3A_197 = arith.constant 0 : i32
          %dma_wait3A_198 = tpu.memref_slice %arg3[%add3A_146, %dma_wait3A_196, %dma_wait3A_197] : memref<1280x1x125xi32, #tpu.memory_space<hbm>> -> memref<1x1x125xi32, #tpu.memory_space<hbm>>
          %dma_wait3A_199 = tpu.memref_squeeze %dma_wait3A_198 : memref<1x1x125xi32, #tpu.memory_space<hbm>> -> memref<1x125xi32, #tpu.memory_space<hbm>>
          tpu.wait_dma2 semaphore(%run_scoped3A_167 : memref<!tpu.dma_semaphore, #tpu.memory_space<semaphore_mem>>) src(%dma_wait3A_199 : memref<1x125xi32, #tpu.memory_space<hbm>>) dst(%dma_wait3A_195 : memref<1x125xi32, #tpu.memory_space<vmem>>)
          tpu.yield
        }) : () -> ()
        %add3A_148 = arith.addi %mul3A_7, %add3A_145 : i32
        %run_scoped3A_149 = arith.constant 1 : i32
        "tpu.region"() ({
          %run_scoped3A_167 = tpu.sem_alloc : memref<!tpu.dma_semaphore, #tpu.memory_space<semaphore_mem>>
          %dma_start3A_168 = arith.constant 0 : i32
          %dma_start3A_169 = arith.constant 0 : i32
          %dma_start3A_170 = tpu.memref_slice %arg9[%run_scoped3A_149, %dma_start3A_168, %dma_start3A_169] : memref<2x1x125xi32, #tpu.memory_space<vmem>> -> memref<1x1x125xi32, #tpu.memory_space<vmem>>
          %dma_start3A_171 = tpu.memref_squeeze %dma_start3A_170 : memref<1x1x125xi32, #tpu.memory_space<vmem>> -> memref<1x125xi32, #tpu.memory_space<vmem>>
          %dma_start3A_172 = arith.constant 0 : i32
          %dma_start3A_173 = arith.constant 0 : i32
          %dma_start3A_174 = tpu.memref_slice %arg4[%add3A_148, %dma_start3A_172, %dma_start3A_173] : memref<1280x1x125xi32, #tpu.memory_space<hbm>> -> memref<1x1x125xi32, #tpu.memory_space<hbm>>
          %dma_start3A_175 = tpu.memref_squeeze %dma_start3A_174 : memref<1x1x125xi32, #tpu.memory_space<hbm>> -> memref<1x125xi32, #tpu.memory_space<hbm>>
          %dma_start3A_176 = arith.constant 0 : i32
          %dma_start3A_177 = arith.constant 0 : i32
          %dma_start3A_178 = tpu.memref_slice %arg9[%run_scoped3A_149, %dma_start3A_176, %dma_start3A_177] : memref<2x1x125xi32, #tpu.memory_space<vmem>> -> memref<1x1x125xi32, #tpu.memory_space<vmem>>
          %dma_start3A_179 = tpu.memref_squeeze %dma_start3A_178 : memref<1x1x125xi32, #tpu.memory_space<vmem>> -> memref<1x125xi32, #tpu.memory_space<vmem>>
          %dma_start3A_180 = arith.constant 0 : i32
          %dma_start3A_181 = arith.constant 0 : i32
          %dma_start3A_182 = tpu.memref_slice %arg4[%add3A_148, %dma_start3A_180, %dma_start3A_181] : memref<1280x1x125xi32, #tpu.memory_space<hbm>> -> memref<1x1x125xi32, #tpu.memory_space<hbm>>
          %dma_start3A_183 = tpu.memref_squeeze %dma_start3A_182 : memref<1x1x125xi32, #tpu.memory_space<hbm>> -> memref<1x125xi32, #tpu.memory_space<hbm>>
          tpu.enqueue_dma source(%dma_start3A_183 : memref<1x125xi32, #tpu.memory_space<hbm>>) target(%dma_start3A_179 : memref<1x125xi32, #tpu.memory_space<vmem>>) target_semaphore(%run_scoped3A_167 : memref<!tpu.dma_semaphore, #tpu.memory_space<semaphore_mem>>)
          %dma_wait3A_184 = arith.constant 0 : i32
          %dma_wait3A_185 = arith.constant 0 : i32
          %dma_wait3A_186 = tpu.memref_slice %arg9[%run_scoped3A_149, %dma_wait3A_184, %dma_wait3A_185] : memref<2x1x125xi32, #tpu.memory_space<vmem>> -> memref<1x1x125xi32, #tpu.memory_space<vmem>>
          %dma_wait3A_187 = tpu.memref_squeeze %dma_wait3A_186 : memref<1x1x125xi32, #tpu.memory_space<vmem>> -> memref<1x125xi32, #tpu.memory_space<vmem>>
          %dma_wait3A_188 = arith.constant 0 : i32
          %dma_wait3A_189 = arith.constant 0 : i32
          %dma_wait3A_190 = tpu.memref_slice %arg4[%add3A_148, %dma_wait3A_188, %dma_wait3A_189] : memref<1280x1x125xi32, #tpu.memory_space<hbm>> -> memref<1x1x125xi32, #tpu.memory_space<hbm>>
          %dma_wait3A_191 = tpu.memref_squeeze %dma_wait3A_190 : memref<1x1x125xi32, #tpu.memory_space<hbm>> -> memref<1x125xi32, #tpu.memory_space<hbm>>
          %dma_wait3A_192 = arith.constant 0 : i32
          %dma_wait3A_193 = arith.constant 0 : i32
          %dma_wait3A_194 = tpu.memref_slice %arg9[%run_scoped3A_149, %dma_wait3A_192, %dma_wait3A_193] : memref<2x1x125xi32, #tpu.memory_space<vmem>> -> memref<1x1x125xi32, #tpu.memory_space<vmem>>
          %dma_wait3A_195 = tpu.memref_squeeze %dma_wait3A_194 : memref<1x1x125xi32, #tpu.memory_space<vmem>> -> memref<1x125xi32, #tpu.memory_space<vmem>>
          %dma_wait3A_196 = arith.constant 0 : i32
          %dma_wait3A_197 = arith.constant 0 : i32
          %dma_wait3A_198 = tpu.memref_slice %arg4[%add3A_148, %dma_wait3A_196, %dma_wait3A_197] : memref<1280x1x125xi32, #tpu.memory_space<hbm>> -> memref<1x1x125xi32, #tpu.memory_space<hbm>>
          %dma_wait3A_199 = tpu.memref_squeeze %dma_wait3A_198 : memref<1x1x125xi32, #tpu.memory_space<hbm>> -> memref<1x125xi32, #tpu.memory_space<hbm>>
          tpu.wait_dma2 semaphore(%run_scoped3A_167 : memref<!tpu.dma_semaphore, #tpu.memory_space<semaphore_mem>>) src(%dma_wait3A_199 : memref<1x125xi32, #tpu.memory_space<hbm>>) dst(%dma_wait3A_195 : memref<1x125xi32, #tpu.memory_space<vmem>>)
          tpu.yield
        }) : () -> ()
        %dma_start3A_150 = arith.constant 1 : i32
        %dma_start3A_151 = arith.constant 0 : i32
        %dma_start3A_152 = arith.constant 1 : i32
        %dma_start3A_153 = arith.constant 0 : i32
        %dma_start3A_154 = arith.constant 0 : i32
        %dma_start3A_155 = tpu.memref_slice %arg10[%dma_start3A_152, %dma_start3A_153, %dma_start3A_154] : memref<2x125x128xf32, #tpu.memory_space<vmem>> -> memref<1x125x128xf32, #tpu.memory_space<vmem>>
        %dma_start3A_156 = tpu.memref_squeeze %dma_start3A_155 : memref<1x125x128xf32, #tpu.memory_space<vmem>> -> memref<125x128xf32, #tpu.memory_space<vmem>>
        %dma_start3A_157 = arith.constant 0 : i32
        %dma_start3A_158 = tpu.memref_slice %arg8[%dma_start3A_150, %dma_start3A_151, %dma_start3A_157] : memref<2x1x125xi32, #tpu.memory_space<vmem>> -> memref<1x1x125xi32, #tpu.memory_space<vmem>>
        %dma_start3A_159 = tpu.memref_squeeze %dma_start3A_158 : memref<1x1x125xi32, #tpu.memory_space<vmem>> -> memref<125xi32, #tpu.memory_space<vmem>>
        %dma_start3A_160 = arith.constant 0 : i32
        %dma_start3A_161 = arith.constant 0 : i32
        %dma_start3A_162 = tpu.memref_slice %arg2[%arg0, %dma_start3A_160, %dma_start3A_161] : memref<2x10000x128xf32, #tpu.memory_space<hbm>> -> memref<1x10000x128xf32, #tpu.memory_space<hbm>>
        %dma_start3A_163 = tpu.memref_squeeze %dma_start3A_162 : memref<1x10000x128xf32, #tpu.memory_space<hbm>> -> memref<10000x128xf32, #tpu.memory_space<hbm>>
        %dma_start3A_164 = arith.constant 0 : i32
        %dma_start3A_165 = arith.constant 0 : i32
        %dma_start3A_166 = tpu.memref_slice %dma_start3A_163[%dma_start3A_164, %dma_start3A_165] : memref<10000x128xf32, #tpu.memory_space<hbm>> -> memref<10000x128xf32, #tpu.memory_space<hbm>>
        tpu.enqueue_indirect_dma source(%dma_start3A_166 : memref<10000x128xf32, #tpu.memory_space<hbm>>) target(%dma_start3A_156 : memref<125x128xf32, #tpu.memory_space<vmem>>) offsets(%dma_start3A_159 : memref<125xi32, #tpu.memory_space<vmem>>) semaphore(%arg13 : memref<!tpu.dma_semaphore, #tpu.memory_space<semaphore_mem>>)
      } else {
      }
      %scan3A_139 = arith.constant 0 : i32
      scf.yield %scan3A_139 : i32
    }
    %scan3A_59 = arith.constant 40 : i32
    %barrier3A_60 = arith.constant 0 : index
    tpu.barrier barrier_id(%barrier3A_60)
    %lt3A_61 = arith.constant 10 : i32
    %lt3A_62 = arith.cmpi slt, %arg1, %lt3A_61 : i32
    %convert_element_type3A_63 = arith.extui %lt3A_62 : i1 to i32
    %cond3A_64 = arith.constant 0 : i32
    %cond3A_65 = arith.cmpi ne, %convert_element_type3A_63, %cond3A_64 : i32
    scf.if %cond3A_65 {
      %mul3A_66 = arith.constant 1000 : i32
      %mul3A_67 = arith.muli %arg1, %mul3A_66 : i32
      %mul3A_68 = arith.constant 1000 : i32
      %mul3A_69 = arith.muli %arg1, %mul3A_68 : i32
      "tpu.region"() ({
        %run_scoped3A_70 = tpu.sem_alloc : memref<!tpu.dma_semaphore, #tpu.memory_space<semaphore_mem>>
        %dma_start3A_71 = arith.constant 0 : i32
        %dma_start3A_72 = tpu.memref_slice %arg6[%arg0, %mul3A_69, %dma_start3A_71] : memref<2x10000x128xf32, #tpu.memory_space<hbm>> -> memref<1x1000x128xf32, #tpu.memory_space<hbm>>
        %dma_start3A_73 = tpu.memref_squeeze %dma_start3A_72 : memref<1x1000x128xf32, #tpu.memory_space<hbm>> -> memref<1000x128xf32, #tpu.memory_space<hbm>>
        %dma_start3A_74 = arith.constant 0 : i32
        %dma_start3A_75 = tpu.memref_slice %arg7[%mul3A_67, %dma_start3A_74] : memref<10000x128xf32, #tpu.memory_space<vmem_shared>> -> memref<1000x128xf32, #tpu.memory_space<vmem_shared>>
        tpu.enqueue_dma source(%dma_start3A_75 : memref<1000x128xf32, #tpu.memory_space<vmem_shared>>) target(%dma_start3A_73 : memref<1000x128xf32, #tpu.memory_space<hbm>>) target_semaphore(%run_scoped3A_70 : memref<!tpu.dma_semaphore, #tpu.memory_space<semaphore_mem>>)
        %dma_wait3A = arith.constant 0 : i32
        %dma_wait3A_76 = tpu.memref_slice %arg6[%arg0, %mul3A_69, %dma_wait3A] : memref<2x10000x128xf32, #tpu.memory_space<hbm>> -> memref<1x1000x128xf32, #tpu.memory_space<hbm>>
        %dma_wait3A_77 = tpu.memref_squeeze %dma_wait3A_76 : memref<1x1000x128xf32, #tpu.memory_space<hbm>> -> memref<1000x128xf32, #tpu.memory_space<hbm>>
        %dma_wait3A_78 = arith.constant 0 : i32
        %dma_wait3A_79 = tpu.memref_slice %arg7[%mul3A_67, %dma_wait3A_78] : memref<10000x128xf32, #tpu.memory_space<vmem_shared>> -> memref<1000x128xf32, #tpu.memory_space<vmem_shared>>
        tpu.wait_dma2 semaphore(%run_scoped3A_70 : memref<!tpu.dma_semaphore, #tpu.memory_space<semaphore_mem>>) src(%dma_wait3A_79 : memref<1000x128xf32, #tpu.memory_space<vmem_shared>>) dst(%dma_wait3A_77 : memref<1000x128xf32, #tpu.memory_space<hbm>>)
        tpu.yield
      }) : () -> ()
    } else {
    }
    return
  }
}

#map = affine_map<(d0, d1) -> (0, 0, 0)>
#map1 = affine_map<(d0, d1) -> (0, 0)>
module attributes {stable_mosaic.version = 14 : i64} {
  func.func @degrees(%arg0: i32, %arg1: i32, %arg2: memref<2560x1x125xi32, #tpu.memory_space<hbm>>, %arg3: memref<125x128xf32, #tpu.memory_space<hbm>>, %arg4: memref<2x10000x128xf32, #tpu.memory_space<hbm>>, %arg5: memref<10000x128xf32, #tpu.memory_space<vmem_shared>>, %arg6: memref<2x1x125xi32, #tpu.memory_space<vmem>>, %arg7: memref<125x128xf32, #tpu.memory_space<vmem>>, %arg8: memref<40x128xf32, #tpu.memory_space<vmem>>, %arg9: memref<!tpu.dma_semaphore, #tpu.memory_space<semaphore_mem>>, %arg10: memref<!tpu.dma_semaphore, #tpu.memory_space<semaphore_mem>>) attributes {dimension_semantics = [#tpu.dimension_semantics<core_parallel>, #tpu.dimension_semantics<subcore_parallel>], iteration_bounds = array<i64: 2, 16>, scalar_prefetch = 0 : i64, scratch_operands = 6 : i64, tpu.core_type = #tpu.core_type<sc_vector_subcore>, window_params = [{transform_indices = #map}, {transform_indices = #map1}, {transform_indices = #map}]} {
    %broadcast_in_dim3A = arith.constant 1.000000e+00 : f32
    %broadcast_in_dim3A_0 = vector.broadcast %broadcast_in_dim3A : f32 to vector<16xf32>
    %scan3A = arith.constant 0 : i32
    %scan3A_1 = arith.constant 0 : i32
    %scan3A_2 = arith.constant 125 : i32
    %scan3A_3 = arith.addi %scan3A_1, %scan3A_2 : i32
    %scan3A_4 = arith.constant 1 : i32
    %scan3A_5 = scf.for %scan3A_54 = %scan3A_1 to %scan3A_3 step %scan3A_4 iter_args(%scan3A_55 = %scan3A) -> (i32)  : i32 {
      %swap3A = arith.index_cast %scan3A_54 : i32 to index
      %swap3A_56 = arith.constant 0 : index
      %swap3A_57 = tpu.vector_load %arg7[%swap3A, %swap3A_56] {strides = array<i32>} : memref<125x128xf32, #tpu.memory_space<vmem>>, vector<1x16xf32>,
      %swap3A_58 = vector.shape_cast %swap3A_57 : vector<1x16xf32> to vector<16xf32>
      %swap3A_59 = vector.shape_cast %broadcast_in_dim3A_0 : vector<16xf32> to vector<1x16xf32>
      tpu.vector_store %arg7[%swap3A, %swap3A_56], %swap3A_59 {strides = array<i32>} : memref<125x128xf32, #tpu.memory_space<vmem>>, vector<1x16xf32>,
      %swap3A_60 = arith.index_cast %scan3A_54 : i32 to index
      %swap3A_61 = arith.constant 16 : index
      %swap3A_62 = tpu.vector_load %arg7[%swap3A_60, %swap3A_61] {strides = array<i32>} : memref<125x128xf32, #tpu.memory_space<vmem>>, vector<1x16xf32>,
      %swap3A_63 = vector.shape_cast %swap3A_62 : vector<1x16xf32> to vector<16xf32>
      %swap3A_64 = vector.shape_cast %broadcast_in_dim3A_0 : vector<16xf32> to vector<1x16xf32>
      tpu.vector_store %arg7[%swap3A_60, %swap3A_61], %swap3A_64 {strides = array<i32>} : memref<125x128xf32, #tpu.memory_space<vmem>>, vector<1x16xf32>,
      %swap3A_65 = arith.index_cast %scan3A_54 : i32 to index
      %swap3A_66 = arith.constant 32 : index
      %swap3A_67 = tpu.vector_load %arg7[%swap3A_65, %swap3A_66] {strides = array<i32>} : memref<125x128xf32, #tpu.memory_space<vmem>>, vector<1x16xf32>,
      %swap3A_68 = vector.shape_cast %swap3A_67 : vector<1x16xf32> to vector<16xf32>
      %swap3A_69 = vector.shape_cast %broadcast_in_dim3A_0 : vector<16xf32> to vector<1x16xf32>
      tpu.vector_store %arg7[%swap3A_65, %swap3A_66], %swap3A_69 {strides = array<i32>} : memref<125x128xf32, #tpu.memory_space<vmem>>, vector<1x16xf32>,
      %swap3A_70 = arith.index_cast %scan3A_54 : i32 to index
      %swap3A_71 = arith.constant 48 : index
      %swap3A_72 = tpu.vector_load %arg7[%swap3A_70, %swap3A_71] {strides = array<i32>} : memref<125x128xf32, #tpu.memory_space<vmem>>, vector<1x16xf32>,
      %swap3A_73 = vector.shape_cast %swap3A_72 : vector<1x16xf32> to vector<16xf32>
      %swap3A_74 = vector.shape_cast %broadcast_in_dim3A_0 : vector<16xf32> to vector<1x16xf32>
      tpu.vector_store %arg7[%swap3A_70, %swap3A_71], %swap3A_74 {strides = array<i32>} : memref<125x128xf32, #tpu.memory_space<vmem>>, vector<1x16xf32>,
      %swap3A_75 = arith.index_cast %scan3A_54 : i32 to index
      %swap3A_76 = arith.constant 64 : index
      %swap3A_77 = tpu.vector_load %arg7[%swap3A_75, %swap3A_76] {strides = array<i32>} : memref<125x128xf32, #tpu.memory_space<vmem>>, vector<1x16xf32>,
      %swap3A_78 = vector.shape_cast %swap3A_77 : vector<1x16xf32> to vector<16xf32>
      %swap3A_79 = vector.shape_cast %broadcast_in_dim3A_0 : vector<16xf32> to vector<1x16xf32>
      tpu.vector_store %arg7[%swap3A_75, %swap3A_76], %swap3A_79 {strides = array<i32>} : memref<125x128xf32, #tpu.memory_space<vmem>>, vector<1x16xf32>,
      %swap3A_80 = arith.index_cast %scan3A_54 : i32 to index
      %swap3A_81 = arith.constant 80 : index
      %swap3A_82 = tpu.vector_load %arg7[%swap3A_80, %swap3A_81] {strides = array<i32>} : memref<125x128xf32, #tpu.memory_space<vmem>>, vector<1x16xf32>,
      %swap3A_83 = vector.shape_cast %swap3A_82 : vector<1x16xf32> to vector<16xf32>
      %swap3A_84 = vector.shape_cast %broadcast_in_dim3A_0 : vector<16xf32> to vector<1x16xf32>
      tpu.vector_store %arg7[%swap3A_80, %swap3A_81], %swap3A_84 {strides = array<i32>} : memref<125x128xf32, #tpu.memory_space<vmem>>, vector<1x16xf32>,
      %swap3A_85 = arith.index_cast %scan3A_54 : i32 to index
      %swap3A_86 = arith.constant 96 : index
      %swap3A_87 = tpu.vector_load %arg7[%swap3A_85, %swap3A_86] {strides = array<i32>} : memref<125x128xf32, #tpu.memory_space<vmem>>, vector<1x16xf32>,
      %swap3A_88 = vector.shape_cast %swap3A_87 : vector<1x16xf32> to vector<16xf32>
      %swap3A_89 = vector.shape_cast %broadcast_in_dim3A_0 : vector<16xf32> to vector<1x16xf32>
      tpu.vector_store %arg7[%swap3A_85, %swap3A_86], %swap3A_89 {strides = array<i32>} : memref<125x128xf32, #tpu.memory_space<vmem>>, vector<1x16xf32>,
      %swap3A_90 = arith.index_cast %scan3A_54 : i32 to index
      %swap3A_91 = arith.constant 112 : index
      %swap3A_92 = tpu.vector_load %arg7[%swap3A_90, %swap3A_91] {strides = array<i32>} : memref<125x128xf32, #tpu.memory_space<vmem>>, vector<1x16xf32>,
      %swap3A_93 = vector.shape_cast %swap3A_92 : vector<1x16xf32> to vector<16xf32>
      %swap3A_94 = vector.shape_cast %broadcast_in_dim3A_0 : vector<16xf32> to vector<1x16xf32>
      tpu.vector_store %arg7[%swap3A_90, %swap3A_91], %swap3A_94 {strides = array<i32>} : memref<125x128xf32, #tpu.memory_space<vmem>>, vector<1x16xf32>,
      %scan3A_95 = arith.constant 0 : i32
      scf.yield %scan3A_95 : i32
    }
    %scan3A_6 = arith.constant 125 : i32
    %broadcast_in_dim3A_7 = arith.constant 0.000000e+00 : f32
    %broadcast_in_dim3A_8 = vector.broadcast %broadcast_in_dim3A_7 : f32 to vector<16xf32>
    %scan3A_9 = arith.constant 0 : i32
    %scan3A_10 = arith.constant 0 : i32
    %scan3A_11 = arith.constant 40 : i32
    %scan3A_12 = arith.addi %scan3A_10, %scan3A_11 : i32
    %scan3A_13 = arith.constant 1 : i32
    %scan3A_14 = scf.for %scan3A_54 = %scan3A_10 to %scan3A_12 step %scan3A_13 iter_args(%scan3A_55 = %scan3A_9) -> (i32)  : i32 {
      %swap3A = arith.index_cast %scan3A_54 : i32 to index
      %swap3A_56 = arith.constant 0 : index
      %swap3A_57 = tpu.vector_load %arg8[%swap3A, %swap3A_56] {strides = array<i32>} : memref<40x128xf32, #tpu.memory_space<vmem>>, vector<1x16xf32>,
      %swap3A_58 = vector.shape_cast %swap3A_57 : vector<1x16xf32> to vector<16xf32>
      %swap3A_59 = vector.shape_cast %broadcast_in_dim3A_8 : vector<16xf32> to vector<1x16xf32>
      tpu.vector_store %arg8[%swap3A, %swap3A_56], %swap3A_59 {strides = array<i32>} : memref<40x128xf32, #tpu.memory_space<vmem>>, vector<1x16xf32>,
      %swap3A_60 = arith.index_cast %scan3A_54 : i32 to index
      %swap3A_61 = arith.constant 16 : index
      %swap3A_62 = tpu.vector_load %arg8[%swap3A_60, %swap3A_61] {strides = array<i32>} : memref<40x128xf32, #tpu.memory_space<vmem>>, vector<1x16xf32>,
      %swap3A_63 = vector.shape_cast %swap3A_62 : vector<1x16xf32> to vector<16xf32>
      %swap3A_64 = vector.shape_cast %broadcast_in_dim3A_8 : vector<16xf32> to vector<1x16xf32>
      tpu.vector_store %arg8[%swap3A_60, %swap3A_61], %swap3A_64 {strides = array<i32>} : memref<40x128xf32, #tpu.memory_space<vmem>>, vector<1x16xf32>,
      %swap3A_65 = arith.index_cast %scan3A_54 : i32 to index
      %swap3A_66 = arith.constant 32 : index
      %swap3A_67 = tpu.vector_load %arg8[%swap3A_65, %swap3A_66] {strides = array<i32>} : memref<40x128xf32, #tpu.memory_space<vmem>>, vector<1x16xf32>,
      %swap3A_68 = vector.shape_cast %swap3A_67 : vector<1x16xf32> to vector<16xf32>
      %swap3A_69 = vector.shape_cast %broadcast_in_dim3A_8 : vector<16xf32> to vector<1x16xf32>
      tpu.vector_store %arg8[%swap3A_65, %swap3A_66], %swap3A_69 {strides = array<i32>} : memref<40x128xf32, #tpu.memory_space<vmem>>, vector<1x16xf32>,
      %swap3A_70 = arith.index_cast %scan3A_54 : i32 to index
      %swap3A_71 = arith.constant 48 : index
      %swap3A_72 = tpu.vector_load %arg8[%swap3A_70, %swap3A_71] {strides = array<i32>} : memref<40x128xf32, #tpu.memory_space<vmem>>, vector<1x16xf32>,
      %swap3A_73 = vector.shape_cast %swap3A_72 : vector<1x16xf32> to vector<16xf32>
      %swap3A_74 = vector.shape_cast %broadcast_in_dim3A_8 : vector<16xf32> to vector<1x16xf32>
      tpu.vector_store %arg8[%swap3A_70, %swap3A_71], %swap3A_74 {strides = array<i32>} : memref<40x128xf32, #tpu.memory_space<vmem>>, vector<1x16xf32>,
      %swap3A_75 = arith.index_cast %scan3A_54 : i32 to index
      %swap3A_76 = arith.constant 64 : index
      %swap3A_77 = tpu.vector_load %arg8[%swap3A_75, %swap3A_76] {strides = array<i32>} : memref<40x128xf32, #tpu.memory_space<vmem>>, vector<1x16xf32>,
      %swap3A_78 = vector.shape_cast %swap3A_77 : vector<1x16xf32> to vector<16xf32>
      %swap3A_79 = vector.shape_cast %broadcast_in_dim3A_8 : vector<16xf32> to vector<1x16xf32>
      tpu.vector_store %arg8[%swap3A_75, %swap3A_76], %swap3A_79 {strides = array<i32>} : memref<40x128xf32, #tpu.memory_space<vmem>>, vector<1x16xf32>,
      %swap3A_80 = arith.index_cast %scan3A_54 : i32 to index
      %swap3A_81 = arith.constant 80 : index
      %swap3A_82 = tpu.vector_load %arg8[%swap3A_80, %swap3A_81] {strides = array<i32>} : memref<40x128xf32, #tpu.memory_space<vmem>>, vector<1x16xf32>,
      %swap3A_83 = vector.shape_cast %swap3A_82 : vector<1x16xf32> to vector<16xf32>
      %swap3A_84 = vector.shape_cast %broadcast_in_dim3A_8 : vector<16xf32> to vector<1x16xf32>
      tpu.vector_store %arg8[%swap3A_80, %swap3A_81], %swap3A_84 {strides = array<i32>} : memref<40x128xf32, #tpu.memory_space<vmem>>, vector<1x16xf32>,
      %swap3A_85 = arith.index_cast %scan3A_54 : i32 to index
      %swap3A_86 = arith.constant 96 : index
      %swap3A_87 = tpu.vector_load %arg8[%swap3A_85, %swap3A_86] {strides = array<i32>} : memref<40x128xf32, #tpu.memory_space<vmem>>, vector<1x16xf32>,
      %swap3A_88 = vector.shape_cast %swap3A_87 : vector<1x16xf32> to vector<16xf32>
      %swap3A_89 = vector.shape_cast %broadcast_in_dim3A_8 : vector<16xf32> to vector<1x16xf32>
      tpu.vector_store %arg8[%swap3A_85, %swap3A_86], %swap3A_89 {strides = array<i32>} : memref<40x128xf32, #tpu.memory_space<vmem>>, vector<1x16xf32>,
      %swap3A_90 = arith.index_cast %scan3A_54 : i32 to index
      %swap3A_91 = arith.constant 112 : index
      %swap3A_92 = tpu.vector_load %arg8[%swap3A_90, %swap3A_91] {strides = array<i32>} : memref<40x128xf32, #tpu.memory_space<vmem>>, vector<1x16xf32>,
      %swap3A_93 = vector.shape_cast %swap3A_92 : vector<1x16xf32> to vector<16xf32>
      %swap3A_94 = vector.shape_cast %broadcast_in_dim3A_8 : vector<16xf32> to vector<1x16xf32>
      tpu.vector_store %arg8[%swap3A_90, %swap3A_91], %swap3A_94 {strides = array<i32>} : memref<40x128xf32, #tpu.memory_space<vmem>>, vector<1x16xf32>,
      %scan3A_95 = arith.constant 0 : i32
      scf.yield %scan3A_95 : i32
    }
    %scan3A_15 = arith.constant 40 : i32
    %lt3A = arith.constant 10 : i32
    %lt3A_16 = arith.cmpi slt, %arg1, %lt3A : i32
    %convert_element_type3A = arith.extui %lt3A_16 : i1 to i32
    %cond3A = arith.constant 0 : i32
    %cond3A_17 = arith.cmpi ne, %convert_element_type3A, %cond3A : i32
    scf.if %cond3A_17 {
      %scan3A_54 = arith.constant 0 : i32
      %scan3A_55 = arith.constant 0 : i32
      %scan3A_56 = arith.constant 25 : i32
      %scan3A_57 = arith.addi %scan3A_55, %scan3A_56 : i32
      %scan3A_58 = arith.constant 1 : i32
      %scan3A_59 = scf.for %scan3A_61 = %scan3A_55 to %scan3A_57 step %scan3A_58 iter_args(%scan3A_62 = %scan3A_54) -> (i32)  : i32 {
        %mul3A_63 = arith.constant 1000 : i32
        %mul3A_64 = arith.muli %arg1, %mul3A_63 : i32
        %mul3A_65 = arith.constant 40 : i32
        %mul3A_66 = arith.muli %scan3A_61, %mul3A_65 : i32
        %add3A_67 = arith.addi %mul3A_64, %mul3A_66 : i32
        "tpu.region"() ({
          %run_scoped3A_69 = tpu.sem_alloc : memref<!tpu.dma_semaphore, #tpu.memory_space<semaphore_mem>>
          %dma_start3A_70 = arith.constant 0 : i32
          %dma_start3A_71 = tpu.memref_slice %arg5[%add3A_67, %dma_start3A_70] : memref<10000x128xf32, #tpu.memory_space<vmem_shared>> -> memref<40x128xf32, #tpu.memory_space<vmem_shared>>
          %dma_start3A_72 = arith.constant 0 : i32
          %dma_start3A_73 = tpu.memref_slice %arg5[%add3A_67, %dma_start3A_72] : memref<10000x128xf32, #tpu.memory_space<vmem_shared>> -> memref<40x128xf32, #tpu.memory_space<vmem_shared>>
          tpu.enqueue_dma source(%arg8 : memref<40x128xf32, #tpu.memory_space<vmem>>) target(%dma_start3A_73 : memref<40x128xf32, #tpu.memory_space<vmem_shared>>) target_semaphore(%run_scoped3A_69 : memref<!tpu.dma_semaphore, #tpu.memory_space<semaphore_mem>>)
          %dma_wait3A = arith.constant 0 : i32
          %dma_wait3A_74 = tpu.memref_slice %arg5[%add3A_67, %dma_wait3A] : memref<10000x128xf32, #tpu.memory_space<vmem_shared>> -> memref<40x128xf32, #tpu.memory_space<vmem_shared>>
          %dma_wait3A_75 = arith.constant 0 : i32
          %dma_wait3A_76 = tpu.memref_slice %arg5[%add3A_67, %dma_wait3A_75] : memref<10000x128xf32, #tpu.memory_space<vmem_shared>> -> memref<40x128xf32, #tpu.memory_space<vmem_shared>>
          tpu.wait_dma2 semaphore(%run_scoped3A_69 : memref<!tpu.dma_semaphore, #tpu.memory_space<semaphore_mem>>) src(%arg8 : memref<40x128xf32, #tpu.memory_space<vmem>>) dst(%dma_wait3A_76 : memref<40x128xf32, #tpu.memory_space<vmem_shared>>)
          tpu.yield
        }) : () -> ()
        %scan3A_68 = arith.constant 0 : i32
        scf.yield %scan3A_68 : i32
      }
      %scan3A_60 = arith.constant 25 : i32
    } else {
    }
    %barrier3A = arith.constant 0 : index
    tpu.barrier barrier_id(%barrier3A)
    %mul3A = arith.constant 1280 : i32
    %mul3A_18 = arith.muli %arg0, %mul3A : i32
    %mul3A_19 = arith.constant 80 : i32
    %mul3A_20 = arith.muli %arg1, %mul3A_19 : i32
    %add3A = arith.addi %mul3A_18, %mul3A_20 : i32
    %add3A_21 = arith.constant 0 : i32
    %add3A_22 = arith.addi %add3A, %add3A_21 : i32
    %run_scoped3A = arith.constant 0 : i32
    "tpu.region"() ({
      %run_scoped3A_54 = tpu.sem_alloc : memref<!tpu.dma_semaphore, #tpu.memory_space<semaphore_mem>>
      %dma_start3A_55 = arith.constant 0 : i32
      %dma_start3A_56 = arith.constant 0 : i32
      %dma_start3A_57 = tpu.memref_slice %arg6[%run_scoped3A, %dma_start3A_55, %dma_start3A_56] : memref<2x1x125xi32, #tpu.memory_space<vmem>> -> memref<1x1x125xi32, #tpu.memory_space<vmem>>
      %dma_start3A_58 = tpu.memref_squeeze %dma_start3A_57 : memref<1x1x125xi32, #tpu.memory_space<vmem>> -> memref<1x125xi32, #tpu.memory_space<vmem>>
      %dma_start3A_59 = arith.constant 0 : i32
      %dma_start3A_60 = arith.constant 0 : i32
      %dma_start3A_61 = tpu.memref_slice %arg2[%add3A_22, %dma_start3A_59, %dma_start3A_60] : memref<2560x1x125xi32, #tpu.memory_space<hbm>> -> memref<1x1x125xi32, #tpu.memory_space<hbm>>
      %dma_start3A_62 = tpu.memref_squeeze %dma_start3A_61 : memref<1x1x125xi32, #tpu.memory_space<hbm>> -> memref<1x125xi32, #tpu.memory_space<hbm>>
      %dma_start3A_63 = arith.constant 0 : i32
      %dma_start3A_64 = arith.constant 0 : i32
      %dma_start3A_65 = tpu.memref_slice %arg6[%run_scoped3A, %dma_start3A_63, %dma_start3A_64] : memref<2x1x125xi32, #tpu.memory_space<vmem>> -> memref<1x1x125xi32, #tpu.memory_space<vmem>>
      %dma_start3A_66 = tpu.memref_squeeze %dma_start3A_65 : memref<1x1x125xi32, #tpu.memory_space<vmem>> -> memref<1x125xi32, #tpu.memory_space<vmem>>
      %dma_start3A_67 = arith.constant 0 : i32
      %dma_start3A_68 = arith.constant 0 : i32
      %dma_start3A_69 = tpu.memref_slice %arg2[%add3A_22, %dma_start3A_67, %dma_start3A_68] : memref<2560x1x125xi32, #tpu.memory_space<hbm>> -> memref<1x1x125xi32, #tpu.memory_space<hbm>>
      %dma_start3A_70 = tpu.memref_squeeze %dma_start3A_69 : memref<1x1x125xi32, #tpu.memory_space<hbm>> -> memref<1x125xi32, #tpu.memory_space<hbm>>
      tpu.enqueue_dma source(%dma_start3A_70 : memref<1x125xi32, #tpu.memory_space<hbm>>) target(%dma_start3A_66 : memref<1x125xi32, #tpu.memory_space<vmem>>) target_semaphore(%run_scoped3A_54 : memref<!tpu.dma_semaphore, #tpu.memory_space<semaphore_mem>>)
      %dma_wait3A = arith.constant 0 : i32
      %dma_wait3A_71 = arith.constant 0 : i32
      %dma_wait3A_72 = tpu.memref_slice %arg6[%run_scoped3A, %dma_wait3A, %dma_wait3A_71] : memref<2x1x125xi32, #tpu.memory_space<vmem>> -> memref<1x1x125xi32, #tpu.memory_space<vmem>>
      %dma_wait3A_73 = tpu.memref_squeeze %dma_wait3A_72 : memref<1x1x125xi32, #tpu.memory_space<vmem>> -> memref<1x125xi32, #tpu.memory_space<vmem>>
      %dma_wait3A_74 = arith.constant 0 : i32
      %dma_wait3A_75 = arith.constant 0 : i32
      %dma_wait3A_76 = tpu.memref_slice %arg2[%add3A_22, %dma_wait3A_74, %dma_wait3A_75] : memref<2560x1x125xi32, #tpu.memory_space<hbm>> -> memref<1x1x125xi32, #tpu.memory_space<hbm>>
      %dma_wait3A_77 = tpu.memref_squeeze %dma_wait3A_76 : memref<1x1x125xi32, #tpu.memory_space<hbm>> -> memref<1x125xi32, #tpu.memory_space<hbm>>
      %dma_wait3A_78 = arith.constant 0 : i32
      %dma_wait3A_79 = arith.constant 0 : i32
      %dma_wait3A_80 = tpu.memref_slice %arg6[%run_scoped3A, %dma_wait3A_78, %dma_wait3A_79] : memref<2x1x125xi32, #tpu.memory_space<vmem>> -> memref<1x1x125xi32, #tpu.memory_space<vmem>>
      %dma_wait3A_81 = tpu.memref_squeeze %dma_wait3A_80 : memref<1x1x125xi32, #tpu.memory_space<vmem>> -> memref<1x125xi32, #tpu.memory_space<vmem>>
      %dma_wait3A_82 = arith.constant 0 : i32
      %dma_wait3A_83 = arith.constant 0 : i32
      %dma_wait3A_84 = tpu.memref_slice %arg2[%add3A_22, %dma_wait3A_82, %dma_wait3A_83] : memref<2560x1x125xi32, #tpu.memory_space<hbm>> -> memref<1x1x125xi32, #tpu.memory_space<hbm>>
      %dma_wait3A_85 = tpu.memref_squeeze %dma_wait3A_84 : memref<1x1x125xi32, #tpu.memory_space<hbm>> -> memref<1x125xi32, #tpu.memory_space<hbm>>
      tpu.wait_dma2 semaphore(%run_scoped3A_54 : memref<!tpu.dma_semaphore, #tpu.memory_space<semaphore_mem>>) src(%dma_wait3A_85 : memref<1x125xi32, #tpu.memory_space<hbm>>) dst(%dma_wait3A_81 : memref<1x125xi32, #tpu.memory_space<vmem>>)
      tpu.yield
    }) : () -> ()
    %dma_start3A = arith.constant 0 : i32
    %dma_start3A_23 = arith.constant 0 : i32
    %dma_start3A_24 = arith.constant 0 : i32
    %dma_start3A_25 = tpu.memref_slice %arg6[%dma_start3A, %dma_start3A_23, %dma_start3A_24] : memref<2x1x125xi32, #tpu.memory_space<vmem>> -> memref<1x1x125xi32, #tpu.memory_space<vmem>>
    %dma_start3A_26 = tpu.memref_squeeze %dma_start3A_25 : memref<1x1x125xi32, #tpu.memory_space<vmem>> -> memref<125xi32, #tpu.memory_space<vmem>>
    %dma_start3A_27 = arith.constant 0 : i32
    %dma_start3A_28 = arith.constant 0 : i32
    %dma_start3A_29 = tpu.memref_slice %arg5[%dma_start3A_27, %dma_start3A_28] : memref<10000x128xf32, #tpu.memory_space<vmem_shared>> -> memref<10000x128xf32, #tpu.memory_space<vmem_shared>>
    tpu.enqueue_indirect_dma source(%arg7 : memref<125x128xf32, #tpu.memory_space<vmem>>) target(%dma_start3A_29 : memref<10000x128xf32, #tpu.memory_space<vmem_shared>>) offsets(%dma_start3A_26 : memref<125xi32, #tpu.memory_space<vmem>>) semaphore(%arg9 : memref<!tpu.dma_semaphore, #tpu.memory_space<semaphore_mem>>) {add = true}
    %add3A_30 = arith.constant 1 : i32
    %add3A_31 = arith.addi %add3A, %add3A_30 : i32
    %run_scoped3A_32 = arith.constant 1 : i32
    "tpu.region"() ({
      %run_scoped3A_54 = tpu.sem_alloc : memref<!tpu.dma_semaphore, #tpu.memory_space<semaphore_mem>>
      %dma_start3A_55 = arith.constant 0 : i32
      %dma_start3A_56 = arith.constant 0 : i32
      %dma_start3A_57 = tpu.memref_slice %arg6[%run_scoped3A_32, %dma_start3A_55, %dma_start3A_56] : memref<2x1x125xi32, #tpu.memory_space<vmem>> -> memref<1x1x125xi32, #tpu.memory_space<vmem>>
      %dma_start3A_58 = tpu.memref_squeeze %dma_start3A_57 : memref<1x1x125xi32, #tpu.memory_space<vmem>> -> memref<1x125xi32, #tpu.memory_space<vmem>>
      %dma_start3A_59 = arith.constant 0 : i32
      %dma_start3A_60 = arith.constant 0 : i32
      %dma_start3A_61 = tpu.memref_slice %arg2[%add3A_31, %dma_start3A_59, %dma_start3A_60] : memref<2560x1x125xi32, #tpu.memory_space<hbm>> -> memref<1x1x125xi32, #tpu.memory_space<hbm>>
      %dma_start3A_62 = tpu.memref_squeeze %dma_start3A_61 : memref<1x1x125xi32, #tpu.memory_space<hbm>> -> memref<1x125xi32, #tpu.memory_space<hbm>>
      %dma_start3A_63 = arith.constant 0 : i32
      %dma_start3A_64 = arith.constant 0 : i32
      %dma_start3A_65 = tpu.memref_slice %arg6[%run_scoped3A_32, %dma_start3A_63, %dma_start3A_64] : memref<2x1x125xi32, #tpu.memory_space<vmem>> -> memref<1x1x125xi32, #tpu.memory_space<vmem>>
      %dma_start3A_66 = tpu.memref_squeeze %dma_start3A_65 : memref<1x1x125xi32, #tpu.memory_space<vmem>> -> memref<1x125xi32, #tpu.memory_space<vmem>>
      %dma_start3A_67 = arith.constant 0 : i32
      %dma_start3A_68 = arith.constant 0 : i32
      %dma_start3A_69 = tpu.memref_slice %arg2[%add3A_31, %dma_start3A_67, %dma_start3A_68] : memref<2560x1x125xi32, #tpu.memory_space<hbm>> -> memref<1x1x125xi32, #tpu.memory_space<hbm>>
      %dma_start3A_70 = tpu.memref_squeeze %dma_start3A_69 : memref<1x1x125xi32, #tpu.memory_space<hbm>> -> memref<1x125xi32, #tpu.memory_space<hbm>>
      tpu.enqueue_dma source(%dma_start3A_70 : memref<1x125xi32, #tpu.memory_space<hbm>>) target(%dma_start3A_66 : memref<1x125xi32, #tpu.memory_space<vmem>>) target_semaphore(%run_scoped3A_54 : memref<!tpu.dma_semaphore, #tpu.memory_space<semaphore_mem>>)
      %dma_wait3A = arith.constant 0 : i32
      %dma_wait3A_71 = arith.constant 0 : i32
      %dma_wait3A_72 = tpu.memref_slice %arg6[%run_scoped3A_32, %dma_wait3A, %dma_wait3A_71] : memref<2x1x125xi32, #tpu.memory_space<vmem>> -> memref<1x1x125xi32, #tpu.memory_space<vmem>>
      %dma_wait3A_73 = tpu.memref_squeeze %dma_wait3A_72 : memref<1x1x125xi32, #tpu.memory_space<vmem>> -> memref<1x125xi32, #tpu.memory_space<vmem>>
      %dma_wait3A_74 = arith.constant 0 : i32
      %dma_wait3A_75 = arith.constant 0 : i32
      %dma_wait3A_76 = tpu.memref_slice %arg2[%add3A_31, %dma_wait3A_74, %dma_wait3A_75] : memref<2560x1x125xi32, #tpu.memory_space<hbm>> -> memref<1x1x125xi32, #tpu.memory_space<hbm>>
      %dma_wait3A_77 = tpu.memref_squeeze %dma_wait3A_76 : memref<1x1x125xi32, #tpu.memory_space<hbm>> -> memref<1x125xi32, #tpu.memory_space<hbm>>
      %dma_wait3A_78 = arith.constant 0 : i32
      %dma_wait3A_79 = arith.constant 0 : i32
      %dma_wait3A_80 = tpu.memref_slice %arg6[%run_scoped3A_32, %dma_wait3A_78, %dma_wait3A_79] : memref<2x1x125xi32, #tpu.memory_space<vmem>> -> memref<1x1x125xi32, #tpu.memory_space<vmem>>
      %dma_wait3A_81 = tpu.memref_squeeze %dma_wait3A_80 : memref<1x1x125xi32, #tpu.memory_space<vmem>> -> memref<1x125xi32, #tpu.memory_space<vmem>>
      %dma_wait3A_82 = arith.constant 0 : i32
      %dma_wait3A_83 = arith.constant 0 : i32
      %dma_wait3A_84 = tpu.memref_slice %arg2[%add3A_31, %dma_wait3A_82, %dma_wait3A_83] : memref<2560x1x125xi32, #tpu.memory_space<hbm>> -> memref<1x1x125xi32, #tpu.memory_space<hbm>>
      %dma_wait3A_85 = tpu.memref_squeeze %dma_wait3A_84 : memref<1x1x125xi32, #tpu.memory_space<hbm>> -> memref<1x125xi32, #tpu.memory_space<hbm>>
      tpu.wait_dma2 semaphore(%run_scoped3A_54 : memref<!tpu.dma_semaphore, #tpu.memory_space<semaphore_mem>>) src(%dma_wait3A_85 : memref<1x125xi32, #tpu.memory_space<hbm>>) dst(%dma_wait3A_81 : memref<1x125xi32, #tpu.memory_space<vmem>>)
      tpu.yield
    }) : () -> ()
    %dma_start3A_33 = arith.constant 1 : i32
    %dma_start3A_34 = arith.constant 0 : i32
    %dma_start3A_35 = arith.constant 0 : i32
    %dma_start3A_36 = tpu.memref_slice %arg6[%dma_start3A_33, %dma_start3A_34, %dma_start3A_35] : memref<2x1x125xi32, #tpu.memory_space<vmem>> -> memref<1x1x125xi32, #tpu.memory_space<vmem>>
    %dma_start3A_37 = tpu.memref_squeeze %dma_start3A_36 : memref<1x1x125xi32, #tpu.memory_space<vmem>> -> memref<125xi32, #tpu.memory_space<vmem>>
    %dma_start3A_38 = arith.constant 0 : i32
    %dma_start3A_39 = arith.constant 0 : i32
    %dma_start3A_40 = tpu.memref_slice %arg5[%dma_start3A_38, %dma_start3A_39] : memref<10000x128xf32, #tpu.memory_space<vmem_shared>> -> memref<10000x128xf32, #tpu.memory_space<vmem_shared>>
    tpu.enqueue_indirect_dma source(%arg7 : memref<125x128xf32, #tpu.memory_space<vmem>>) target(%dma_start3A_40 : memref<10000x128xf32, #tpu.memory_space<vmem_shared>>) offsets(%dma_start3A_37 : memref<125xi32, #tpu.memory_space<vmem>>) semaphore(%arg10 : memref<!tpu.dma_semaphore, #tpu.memory_space<semaphore_mem>>) {add = true}
    %scan3A_41 = arith.constant 0 : i32
    %scan3A_42 = arith.constant 0 : i32
    %scan3A_43 = arith.constant 40 : i32
    %scan3A_44 = arith.addi %scan3A_42, %scan3A_43 : i32
    %scan3A_45 = arith.constant 1 : i32
    %scan3A_46 = scf.for %scan3A_54 = %scan3A_42 to %scan3A_44 step %scan3A_45 iter_args(%scan3A_55 = %scan3A_41) -> (i32)  : i32 {
      tpu.wait_dma2 semaphore(%arg9 : memref<!tpu.dma_semaphore, #tpu.memory_space<semaphore_mem>>) src(%arg3 : memref<125x128xf32, #tpu.memory_space<hbm>>) dst(%arg7 : memref<125x128xf32, #tpu.memory_space<vmem>>)
      %lt3A_56 = arith.constant 39 : i32
      %lt3A_57 = arith.cmpi slt, %scan3A_54, %lt3A_56 : i32
      %convert_element_type3A_58 = arith.extui %lt3A_57 : i1 to i32
      %cond3A_59 = arith.constant 0 : i32
      %cond3A_60 = arith.cmpi ne, %convert_element_type3A_58, %cond3A_59 : i32
      scf.if %cond3A_60 {
        %mul3A_67 = arith.constant 2 : i32
        %mul3A_68 = arith.muli %scan3A_54, %mul3A_67 : i32
        %add3A_69 = arith.constant 0 : i32
        %add3A_70 = arith.addi %mul3A_68, %add3A_69 : i32
        %add3A_71 = arith.constant 2 : i32
        %add3A_72 = arith.addi %add3A_70, %add3A_71 : i32
        %add3A_73 = arith.addi %add3A, %add3A_72 : i32
        %run_scoped3A_74 = arith.constant 0 : i32
        "tpu.region"() ({
          %run_scoped3A_83 = tpu.sem_alloc : memref<!tpu.dma_semaphore, #tpu.memory_space<semaphore_mem>>
          %dma_start3A_84 = arith.constant 0 : i32
          %dma_start3A_85 = arith.constant 0 : i32
          %dma_start3A_86 = tpu.memref_slice %arg6[%run_scoped3A_74, %dma_start3A_84, %dma_start3A_85] : memref<2x1x125xi32, #tpu.memory_space<vmem>> -> memref<1x1x125xi32, #tpu.memory_space<vmem>>
          %dma_start3A_87 = tpu.memref_squeeze %dma_start3A_86 : memref<1x1x125xi32, #tpu.memory_space<vmem>> -> memref<1x125xi32, #tpu.memory_space<vmem>>
          %dma_start3A_88 = arith.constant 0 : i32
          %dma_start3A_89 = arith.constant 0 : i32
          %dma_start3A_90 = tpu.memref_slice %arg2[%add3A_73, %dma_start3A_88, %dma_start3A_89] : memref<2560x1x125xi32, #tpu.memory_space<hbm>> -> memref<1x1x125xi32, #tpu.memory_space<hbm>>
          %dma_start3A_91 = tpu.memref_squeeze %dma_start3A_90 : memref<1x1x125xi32, #tpu.memory_space<hbm>> -> memref<1x125xi32, #tpu.memory_space<hbm>>
          %dma_start3A_92 = arith.constant 0 : i32
          %dma_start3A_93 = arith.constant 0 : i32
          %dma_start3A_94 = tpu.memref_slice %arg6[%run_scoped3A_74, %dma_start3A_92, %dma_start3A_93] : memref<2x1x125xi32, #tpu.memory_space<vmem>> -> memref<1x1x125xi32, #tpu.memory_space<vmem>>
          %dma_start3A_95 = tpu.memref_squeeze %dma_start3A_94 : memref<1x1x125xi32, #tpu.memory_space<vmem>> -> memref<1x125xi32, #tpu.memory_space<vmem>>
          %dma_start3A_96 = arith.constant 0 : i32
          %dma_start3A_97 = arith.constant 0 : i32
          %dma_start3A_98 = tpu.memref_slice %arg2[%add3A_73, %dma_start3A_96, %dma_start3A_97] : memref<2560x1x125xi32, #tpu.memory_space<hbm>> -> memref<1x1x125xi32, #tpu.memory_space<hbm>>
          %dma_start3A_99 = tpu.memref_squeeze %dma_start3A_98 : memref<1x1x125xi32, #tpu.memory_space<hbm>> -> memref<1x125xi32, #tpu.memory_space<hbm>>
          tpu.enqueue_dma source(%dma_start3A_99 : memref<1x125xi32, #tpu.memory_space<hbm>>) target(%dma_start3A_95 : memref<1x125xi32, #tpu.memory_space<vmem>>) target_semaphore(%run_scoped3A_83 : memref<!tpu.dma_semaphore, #tpu.memory_space<semaphore_mem>>)
          %dma_wait3A = arith.constant 0 : i32
          %dma_wait3A_100 = arith.constant 0 : i32
          %dma_wait3A_101 = tpu.memref_slice %arg6[%run_scoped3A_74, %dma_wait3A, %dma_wait3A_100] : memref<2x1x125xi32, #tpu.memory_space<vmem>> -> memref<1x1x125xi32, #tpu.memory_space<vmem>>
          %dma_wait3A_102 = tpu.memref_squeeze %dma_wait3A_101 : memref<1x1x125xi32, #tpu.memory_space<vmem>> -> memref<1x125xi32, #tpu.memory_space<vmem>>
          %dma_wait3A_103 = arith.constant 0 : i32
          %dma_wait3A_104 = arith.constant 0 : i32
          %dma_wait3A_105 = tpu.memref_slice %arg2[%add3A_73, %dma_wait3A_103, %dma_wait3A_104] : memref<2560x1x125xi32, #tpu.memory_space<hbm>> -> memref<1x1x125xi32, #tpu.memory_space<hbm>>
          %dma_wait3A_106 = tpu.memref_squeeze %dma_wait3A_105 : memref<1x1x125xi32, #tpu.memory_space<hbm>> -> memref<1x125xi32, #tpu.memory_space<hbm>>
          %dma_wait3A_107 = arith.constant 0 : i32
          %dma_wait3A_108 = arith.constant 0 : i32
          %dma_wait3A_109 = tpu.memref_slice %arg6[%run_scoped3A_74, %dma_wait3A_107, %dma_wait3A_108] : memref<2x1x125xi32, #tpu.memory_space<vmem>> -> memref<1x1x125xi32, #tpu.memory_space<vmem>>
          %dma_wait3A_110 = tpu.memref_squeeze %dma_wait3A_109 : memref<1x1x125xi32, #tpu.memory_space<vmem>> -> memref<1x125xi32, #tpu.memory_space<vmem>>
          %dma_wait3A_111 = arith.constant 0 : i32
          %dma_wait3A_112 = arith.constant 0 : i32
          %dma_wait3A_113 = tpu.memref_slice %arg2[%add3A_73, %dma_wait3A_111, %dma_wait3A_112] : memref<2560x1x125xi32, #tpu.memory_space<hbm>> -> memref<1x1x125xi32, #tpu.memory_space<hbm>>
          %dma_wait3A_114 = tpu.memref_squeeze %dma_wait3A_113 : memref<1x1x125xi32, #tpu.memory_space<hbm>> -> memref<1x125xi32, #tpu.memory_space<hbm>>
          tpu.wait_dma2 semaphore(%run_scoped3A_83 : memref<!tpu.dma_semaphore, #tpu.memory_space<semaphore_mem>>) src(%dma_wait3A_114 : memref<1x125xi32, #tpu.memory_space<hbm>>) dst(%dma_wait3A_110 : memref<1x125xi32, #tpu.memory_space<vmem>>)
          tpu.yield
        }) : () -> ()
        %dma_start3A_75 = arith.constant 0 : i32
        %dma_start3A_76 = arith.constant 0 : i32
        %dma_start3A_77 = arith.constant 0 : i32
        %dma_start3A_78 = tpu.memref_slice %arg6[%dma_start3A_75, %dma_start3A_76, %dma_start3A_77] : memref<2x1x125xi32, #tpu.memory_space<vmem>> -> memref<1x1x125xi32, #tpu.memory_space<vmem>>
        %dma_start3A_79 = tpu.memref_squeeze %dma_start3A_78 : memref<1x1x125xi32, #tpu.memory_space<vmem>> -> memref<125xi32, #tpu.memory_space<vmem>>
        %dma_start3A_80 = arith.constant 0 : i32
        %dma_start3A_81 = arith.constant 0 : i32
        %dma_start3A_82 = tpu.memref_slice %arg5[%dma_start3A_80, %dma_start3A_81] : memref<10000x128xf32, #tpu.memory_space<vmem_shared>> -> memref<10000x128xf32, #tpu.memory_space<vmem_shared>>
        tpu.enqueue_indirect_dma source(%arg7 : memref<125x128xf32, #tpu.memory_space<vmem>>) target(%dma_start3A_82 : memref<10000x128xf32, #tpu.memory_space<vmem_shared>>) offsets(%dma_start3A_79 : memref<125xi32, #tpu.memory_space<vmem>>) semaphore(%arg9 : memref<!tpu.dma_semaphore, #tpu.memory_space<semaphore_mem>>) {add = true}
      } else {
      }
      tpu.wait_dma2 semaphore(%arg10 : memref<!tpu.dma_semaphore, #tpu.memory_space<semaphore_mem>>) src(%arg3 : memref<125x128xf32, #tpu.memory_space<hbm>>) dst(%arg7 : memref<125x128xf32, #tpu.memory_space<vmem>>)
      %lt3A_61 = arith.constant 39 : i32
      %lt3A_62 = arith.cmpi slt, %scan3A_54, %lt3A_61 : i32
      %convert_element_type3A_63 = arith.extui %lt3A_62 : i1 to i32
      %cond3A_64 = arith.constant 0 : i32
      %cond3A_65 = arith.cmpi ne, %convert_element_type3A_63, %cond3A_64 : i32
      scf.if %cond3A_65 {
        %mul3A_67 = arith.constant 2 : i32
        %mul3A_68 = arith.muli %scan3A_54, %mul3A_67 : i32
        %add3A_69 = arith.constant 1 : i32
        %add3A_70 = arith.addi %mul3A_68, %add3A_69 : i32
        %add3A_71 = arith.constant 2 : i32
        %add3A_72 = arith.addi %add3A_70, %add3A_71 : i32
        %add3A_73 = arith.addi %add3A, %add3A_72 : i32
        %run_scoped3A_74 = arith.constant 1 : i32
        "tpu.region"() ({
          %run_scoped3A_83 = tpu.sem_alloc : memref<!tpu.dma_semaphore, #tpu.memory_space<semaphore_mem>>
          %dma_start3A_84 = arith.constant 0 : i32
          %dma_start3A_85 = arith.constant 0 : i32
          %dma_start3A_86 = tpu.memref_slice %arg6[%run_scoped3A_74, %dma_start3A_84, %dma_start3A_85] : memref<2x1x125xi32, #tpu.memory_space<vmem>> -> memref<1x1x125xi32, #tpu.memory_space<vmem>>
          %dma_start3A_87 = tpu.memref_squeeze %dma_start3A_86 : memref<1x1x125xi32, #tpu.memory_space<vmem>> -> memref<1x125xi32, #tpu.memory_space<vmem>>
          %dma_start3A_88 = arith.constant 0 : i32
          %dma_start3A_89 = arith.constant 0 : i32
          %dma_start3A_90 = tpu.memref_slice %arg2[%add3A_73, %dma_start3A_88, %dma_start3A_89] : memref<2560x1x125xi32, #tpu.memory_space<hbm>> -> memref<1x1x125xi32, #tpu.memory_space<hbm>>
          %dma_start3A_91 = tpu.memref_squeeze %dma_start3A_90 : memref<1x1x125xi32, #tpu.memory_space<hbm>> -> memref<1x125xi32, #tpu.memory_space<hbm>>
          %dma_start3A_92 = arith.constant 0 : i32
          %dma_start3A_93 = arith.constant 0 : i32
          %dma_start3A_94 = tpu.memref_slice %arg6[%run_scoped3A_74, %dma_start3A_92, %dma_start3A_93] : memref<2x1x125xi32, #tpu.memory_space<vmem>> -> memref<1x1x125xi32, #tpu.memory_space<vmem>>
          %dma_start3A_95 = tpu.memref_squeeze %dma_start3A_94 : memref<1x1x125xi32, #tpu.memory_space<vmem>> -> memref<1x125xi32, #tpu.memory_space<vmem>>
          %dma_start3A_96 = arith.constant 0 : i32
          %dma_start3A_97 = arith.constant 0 : i32
          %dma_start3A_98 = tpu.memref_slice %arg2[%add3A_73, %dma_start3A_96, %dma_start3A_97] : memref<2560x1x125xi32, #tpu.memory_space<hbm>> -> memref<1x1x125xi32, #tpu.memory_space<hbm>>
          %dma_start3A_99 = tpu.memref_squeeze %dma_start3A_98 : memref<1x1x125xi32, #tpu.memory_space<hbm>> -> memref<1x125xi32, #tpu.memory_space<hbm>>
          tpu.enqueue_dma source(%dma_start3A_99 : memref<1x125xi32, #tpu.memory_space<hbm>>) target(%dma_start3A_95 : memref<1x125xi32, #tpu.memory_space<vmem>>) target_semaphore(%run_scoped3A_83 : memref<!tpu.dma_semaphore, #tpu.memory_space<semaphore_mem>>)
          %dma_wait3A = arith.constant 0 : i32
          %dma_wait3A_100 = arith.constant 0 : i32
          %dma_wait3A_101 = tpu.memref_slice %arg6[%run_scoped3A_74, %dma_wait3A, %dma_wait3A_100] : memref<2x1x125xi32, #tpu.memory_space<vmem>> -> memref<1x1x125xi32, #tpu.memory_space<vmem>>
          %dma_wait3A_102 = tpu.memref_squeeze %dma_wait3A_101 : memref<1x1x125xi32, #tpu.memory_space<vmem>> -> memref<1x125xi32, #tpu.memory_space<vmem>>
          %dma_wait3A_103 = arith.constant 0 : i32
          %dma_wait3A_104 = arith.constant 0 : i32
          %dma_wait3A_105 = tpu.memref_slice %arg2[%add3A_73, %dma_wait3A_103, %dma_wait3A_104] : memref<2560x1x125xi32, #tpu.memory_space<hbm>> -> memref<1x1x125xi32, #tpu.memory_space<hbm>>
          %dma_wait3A_106 = tpu.memref_squeeze %dma_wait3A_105 : memref<1x1x125xi32, #tpu.memory_space<hbm>> -> memref<1x125xi32, #tpu.memory_space<hbm>>
          %dma_wait3A_107 = arith.constant 0 : i32
          %dma_wait3A_108 = arith.constant 0 : i32
          %dma_wait3A_109 = tpu.memref_slice %arg6[%run_scoped3A_74, %dma_wait3A_107, %dma_wait3A_108] : memref<2x1x125xi32, #tpu.memory_space<vmem>> -> memref<1x1x125xi32, #tpu.memory_space<vmem>>
          %dma_wait3A_110 = tpu.memref_squeeze %dma_wait3A_109 : memref<1x1x125xi32, #tpu.memory_space<vmem>> -> memref<1x125xi32, #tpu.memory_space<vmem>>
          %dma_wait3A_111 = arith.constant 0 : i32
          %dma_wait3A_112 = arith.constant 0 : i32
          %dma_wait3A_113 = tpu.memref_slice %arg2[%add3A_73, %dma_wait3A_111, %dma_wait3A_112] : memref<2560x1x125xi32, #tpu.memory_space<hbm>> -> memref<1x1x125xi32, #tpu.memory_space<hbm>>
          %dma_wait3A_114 = tpu.memref_squeeze %dma_wait3A_113 : memref<1x1x125xi32, #tpu.memory_space<hbm>> -> memref<1x125xi32, #tpu.memory_space<hbm>>
          tpu.wait_dma2 semaphore(%run_scoped3A_83 : memref<!tpu.dma_semaphore, #tpu.memory_space<semaphore_mem>>) src(%dma_wait3A_114 : memref<1x125xi32, #tpu.memory_space<hbm>>) dst(%dma_wait3A_110 : memref<1x125xi32, #tpu.memory_space<vmem>>)
          tpu.yield
        }) : () -> ()
        %dma_start3A_75 = arith.constant 1 : i32
        %dma_start3A_76 = arith.constant 0 : i32
        %dma_start3A_77 = arith.constant 0 : i32
        %dma_start3A_78 = tpu.memref_slice %arg6[%dma_start3A_75, %dma_start3A_76, %dma_start3A_77] : memref<2x1x125xi32, #tpu.memory_space<vmem>> -> memref<1x1x125xi32, #tpu.memory_space<vmem>>
        %dma_start3A_79 = tpu.memref_squeeze %dma_start3A_78 : memref<1x1x125xi32, #tpu.memory_space<vmem>> -> memref<125xi32, #tpu.memory_space<vmem>>
        %dma_start3A_80 = arith.constant 0 : i32
        %dma_start3A_81 = arith.constant 0 : i32
        %dma_start3A_82 = tpu.memref_slice %arg5[%dma_start3A_80, %dma_start3A_81] : memref<10000x128xf32, #tpu.memory_space<vmem_shared>> -> memref<10000x128xf32, #tpu.memory_space<vmem_shared>>
        tpu.enqueue_indirect_dma source(%arg7 : memref<125x128xf32, #tpu.memory_space<vmem>>) target(%dma_start3A_82 : memref<10000x128xf32, #tpu.memory_space<vmem_shared>>) offsets(%dma_start3A_79 : memref<125xi32, #tpu.memory_space<vmem>>) semaphore(%arg10 : memref<!tpu.dma_semaphore, #tpu.memory_space<semaphore_mem>>) {add = true}
      } else {
      }
      %scan3A_66 = arith.constant 0 : i32
      scf.yield %scan3A_66 : i32
    }
    %scan3A_47 = arith.constant 40 : i32
    %barrier3A_48 = arith.constant 0 : index
    tpu.barrier barrier_id(%barrier3A_48)
    %lt3A_49 = arith.constant 10 : i32
    %lt3A_50 = arith.cmpi slt, %arg1, %lt3A_49 : i32
    %convert_element_type3A_51 = arith.extui %lt3A_50 : i1 to i32
    %cond3A_52 = arith.constant 0 : i32
    %cond3A_53 = arith.cmpi ne, %convert_element_type3A_51, %cond3A_52 : i32
    scf.if %cond3A_53 {
      %mul3A_54 = arith.constant 1000 : i32
      %mul3A_55 = arith.muli %arg1, %mul3A_54 : i32
      "tpu.region"() ({
        %run_scoped3A_56 = tpu.sem_alloc : memref<!tpu.dma_semaphore, #tpu.memory_space<semaphore_mem>>
        %dma_start3A_57 = arith.constant 0 : i32
        %dma_start3A_58 = tpu.memref_slice %arg4[%arg0, %mul3A_55, %dma_start3A_57] : memref<2x10000x128xf32, #tpu.memory_space<hbm>> -> memref<1x1000x128xf32, #tpu.memory_space<hbm>>
        %dma_start3A_59 = tpu.memref_squeeze %dma_start3A_58 : memref<1x1000x128xf32, #tpu.memory_space<hbm>> -> memref<1000x128xf32, #tpu.memory_space<hbm>>
        %dma_start3A_60 = arith.constant 0 : i32
        %dma_start3A_61 = tpu.memref_slice %arg5[%mul3A_55, %dma_start3A_60] : memref<10000x128xf32, #tpu.memory_space<vmem_shared>> -> memref<1000x128xf32, #tpu.memory_space<vmem_shared>>
        tpu.enqueue_dma source(%dma_start3A_61 : memref<1000x128xf32, #tpu.memory_space<vmem_shared>>) target(%dma_start3A_59 : memref<1000x128xf32, #tpu.memory_space<hbm>>) target_semaphore(%run_scoped3A_56 : memref<!tpu.dma_semaphore, #tpu.memory_space<semaphore_mem>>)
        %dma_wait3A = arith.constant 0 : i32
        %dma_wait3A_62 = tpu.memref_slice %arg4[%arg0, %mul3A_55, %dma_wait3A] : memref<2x10000x128xf32, #tpu.memory_space<hbm>> -> memref<1x1000x128xf32, #tpu.memory_space<hbm>>
        %dma_wait3A_63 = tpu.memref_squeeze %dma_wait3A_62 : memref<1x1000x128xf32, #tpu.memory_space<hbm>> -> memref<1000x128xf32, #tpu.memory_space<hbm>>
        %dma_wait3A_64 = arith.constant 0 : i32
        %dma_wait3A_65 = tpu.memref_slice %arg5[%mul3A_55, %dma_wait3A_64] : memref<10000x128xf32, #tpu.memory_space<vmem_shared>> -> memref<1000x128xf32, #tpu.memory_space<vmem_shared>>
        tpu.wait_dma2 semaphore(%run_scoped3A_56 : memref<!tpu.dma_semaphore, #tpu.memory_space<semaphore_mem>>) src(%dma_wait3A_65 : memref<1000x128xf32, #tpu.memory_space<vmem_shared>>) dst(%dma_wait3A_63 : memref<1000x128xf32, #tpu.memory_space<hbm>>)
        tpu.yield
      }) : () -> ()
    } else {
    }
    return
  }
}

#map = affine_map<(d0, d1) -> (0, 0)>
#map1 = affine_map<(d0, d1) -> (0, 0, 0)>
module attributes {stable_mosaic.version = 14 : i64} {
  func.func @agg(%arg0: i32, %arg1: i32, %arg2: memref<10000x128xf32, #tpu.memory_space<hbm>>, %arg3: memref<1280x1x125xi32, #tpu.memory_space<hbm>>, %arg4: memref<1280x1x125xi32, #tpu.memory_space<hbm>>, %arg5: memref<125x128xf32, #tpu.memory_space<hbm>>, %arg6: memref<2x10000x128xf32, #tpu.memory_space<hbm>>, %arg7: memref<10000x128xf32, #tpu.memory_space<vmem_shared>>, %arg8: memref<2x1x125xi32, #tpu.memory_space<vmem>>, %arg9: memref<2x1x125xi32, #tpu.memory_space<vmem>>, %arg10: memref<2x125x128xf32, #tpu.memory_space<vmem>>, %arg11: memref<40x128xf32, #tpu.memory_space<vmem>>, %arg12: memref<!tpu.dma_semaphore, #tpu.memory_space<semaphore_mem>>, %arg13: memref<!tpu.dma_semaphore, #tpu.memory_space<semaphore_mem>>, %arg14: memref<!tpu.dma_semaphore, #tpu.memory_space<semaphore_mem>>, %arg15: memref<!tpu.dma_semaphore, #tpu.memory_space<semaphore_mem>>) attributes {dimension_semantics = [#tpu.dimension_semantics<core_parallel>, #tpu.dimension_semantics<subcore_parallel>], iteration_bounds = array<i64: 2, 16>, scalar_prefetch = 0 : i64, scratch_operands = 9 : i64, tpu.core_type = #tpu.core_type<sc_vector_subcore>, window_params = [{transform_indices = #map}, {transform_indices = #map1}, {transform_indices = #map1}, {transform_indices = #map}, {transform_indices = #map1}]} {
    %broadcast_in_dim3A = arith.constant 0.000000e+00 : f32
    %broadcast_in_dim3A_0 = vector.broadcast %broadcast_in_dim3A : f32 to vector<16xf32>
    %scan3A = arith.constant 0 : i32
    %scan3A_1 = arith.constant 0 : i32
    %scan3A_2 = arith.constant 40 : i32
    %scan3A_3 = arith.addi %scan3A_1, %scan3A_2 : i32
    %scan3A_4 = arith.constant 1 : i32
    %scan3A_5 = scf.for %scan3A_61 = %scan3A_1 to %scan3A_3 step %scan3A_4 iter_args(%scan3A_62 = %scan3A) -> (i32)  : i32 {
      %swap3A = arith.index_cast %scan3A_61 : i32 to index
      %swap3A_63 = arith.constant 0 : index
      %swap3A_64 = tpu.vector_load %arg11[%swap3A, %swap3A_63] {strides = array<i32>} : memref<40x128xf32, #tpu.memory_space<vmem>>, vector<1x16xf32>,
      %swap3A_65 = vector.shape_cast %swap3A_64 : vector<1x16xf32> to vector<16xf32>
      %swap3A_66 = vector.shape_cast %broadcast_in_dim3A_0 : vector<16xf32> to vector<1x16xf32>
      tpu.vector_store %arg11[%swap3A, %swap3A_63], %swap3A_66 {strides = array<i32>} : memref<40x128xf32, #tpu.memory_space<vmem>>, vector<1x16xf32>,
      %swap3A_67 = arith.index_cast %scan3A_61 : i32 to index
      %swap3A_68 = arith.constant 16 : index
      %swap3A_69 = tpu.vector_load %arg11[%swap3A_67, %swap3A_68] {strides = array<i32>} : memref<40x128xf32, #tpu.memory_space<vmem>>, vector<1x16xf32>,
      %swap3A_70 = vector.shape_cast %swap3A_69 : vector<1x16xf32> to vector<16xf32>
      %swap3A_71 = vector.shape_cast %broadcast_in_dim3A_0 : vector<16xf32> to vector<1x16xf32>
      tpu.vector_store %arg11[%swap3A_67, %swap3A_68], %swap3A_71 {strides = array<i32>} : memref<40x128xf32, #tpu.memory_space<vmem>>, vector<1x16xf32>,
      %swap3A_72 = arith.index_cast %scan3A_61 : i32 to index
      %swap3A_73 = arith.constant 32 : index
      %swap3A_74 = tpu.vector_load %arg11[%swap3A_72, %swap3A_73] {strides = array<i32>} : memref<40x128xf32, #tpu.memory_space<vmem>>, vector<1x16xf32>,
      %swap3A_75 = vector.shape_cast %swap3A_74 : vector<1x16xf32> to vector<16xf32>
      %swap3A_76 = vector.shape_cast %broadcast_in_dim3A_0 : vector<16xf32> to vector<1x16xf32>
      tpu.vector_store %arg11[%swap3A_72, %swap3A_73], %swap3A_76 {strides = array<i32>} : memref<40x128xf32, #tpu.memory_space<vmem>>, vector<1x16xf32>,
      %swap3A_77 = arith.index_cast %scan3A_61 : i32 to index
      %swap3A_78 = arith.constant 48 : index
      %swap3A_79 = tpu.vector_load %arg11[%swap3A_77, %swap3A_78] {strides = array<i32>} : memref<40x128xf32, #tpu.memory_space<vmem>>, vector<1x16xf32>,
      %swap3A_80 = vector.shape_cast %swap3A_79 : vector<1x16xf32> to vector<16xf32>
      %swap3A_81 = vector.shape_cast %broadcast_in_dim3A_0 : vector<16xf32> to vector<1x16xf32>
      tpu.vector_store %arg11[%swap3A_77, %swap3A_78], %swap3A_81 {strides = array<i32>} : memref<40x128xf32, #tpu.memory_space<vmem>>, vector<1x16xf32>,
      %swap3A_82 = arith.index_cast %scan3A_61 : i32 to index
      %swap3A_83 = arith.constant 64 : index
      %swap3A_84 = tpu.vector_load %arg11[%swap3A_82, %swap3A_83] {strides = array<i32>} : memref<40x128xf32, #tpu.memory_space<vmem>>, vector<1x16xf32>,
      %swap3A_85 = vector.shape_cast %swap3A_84 : vector<1x16xf32> to vector<16xf32>
      %swap3A_86 = vector.shape_cast %broadcast_in_dim3A_0 : vector<16xf32> to vector<1x16xf32>
      tpu.vector_store %arg11[%swap3A_82, %swap3A_83], %swap3A_86 {strides = array<i32>} : memref<40x128xf32, #tpu.memory_space<vmem>>, vector<1x16xf32>,
      %swap3A_87 = arith.index_cast %scan3A_61 : i32 to index
      %swap3A_88 = arith.constant 80 : index
      %swap3A_89 = tpu.vector_load %arg11[%swap3A_87, %swap3A_88] {strides = array<i32>} : memref<40x128xf32, #tpu.memory_space<vmem>>, vector<1x16xf32>,
      %swap3A_90 = vector.shape_cast %swap3A_89 : vector<1x16xf32> to vector<16xf32>
      %swap3A_91 = vector.shape_cast %broadcast_in_dim3A_0 : vector<16xf32> to vector<1x16xf32>
      tpu.vector_store %arg11[%swap3A_87, %swap3A_88], %swap3A_91 {strides = array<i32>} : memref<40x128xf32, #tpu.memory_space<vmem>>, vector<1x16xf32>,
      %swap3A_92 = arith.index_cast %scan3A_61 : i32 to index
      %swap3A_93 = arith.constant 96 : index
      %swap3A_94 = tpu.vector_load %arg11[%swap3A_92, %swap3A_93] {strides = array<i32>} : memref<40x128xf32, #tpu.memory_space<vmem>>, vector<1x16xf32>,
      %swap3A_95 = vector.shape_cast %swap3A_94 : vector<1x16xf32> to vector<16xf32>
      %swap3A_96 = vector.shape_cast %broadcast_in_dim3A_0 : vector<16xf32> to vector<1x16xf32>
      tpu.vector_store %arg11[%swap3A_92, %swap3A_93], %swap3A_96 {strides = array<i32>} : memref<40x128xf32, #tpu.memory_space<vmem>>, vector<1x16xf32>,
      %swap3A_97 = arith.index_cast %scan3A_61 : i32 to index
      %swap3A_98 = arith.constant 112 : index
      %swap3A_99 = tpu.vector_load %arg11[%swap3A_97, %swap3A_98] {strides = array<i32>} : memref<40x128xf32, #tpu.memory_space<vmem>>, vector<1x16xf32>,
      %swap3A_100 = vector.shape_cast %swap3A_99 : vector<1x16xf32> to vector<16xf32>
      %swap3A_101 = vector.shape_cast %broadcast_in_dim3A_0 : vector<16xf32> to vector<1x16xf32>
      tpu.vector_store %arg11[%swap3A_97, %swap3A_98], %swap3A_101 {strides = array<i32>} : memref<40x128xf32, #tpu.memory_space<vmem>>, vector<1x16xf32>,
      %scan3A_102 = arith.constant 0 : i32
      scf.yield %scan3A_102 : i32
    }
    %scan3A_6 = arith.constant 40 : i32
    %mul3A = arith.constant 16 : i32
    %mul3A_7 = arith.muli %arg0, %mul3A : i32
    %add3A = arith.addi %mul3A_7, %arg1 : i32
    %mul3A_8 = arith.constant 40 : i32
    %mul3A_9 = arith.muli %add3A, %mul3A_8 : i32
    %add3A_10 = arith.constant 0 : i32
    %add3A_11 = arith.addi %mul3A_9, %add3A_10 : i32
    %run_scoped3A = arith.constant 0 : i32
    "tpu.region"() ({
      %run_scoped3A_61 = tpu.sem_alloc : memref<!tpu.dma_semaphore, #tpu.memory_space<semaphore_mem>>
      %dma_start3A_62 = arith.constant 0 : i32
      %dma_start3A_63 = arith.constant 0 : i32
      %dma_start3A_64 = tpu.memref_slice %arg8[%run_scoped3A, %dma_start3A_62, %dma_start3A_63] : memref<2x1x125xi32, #tpu.memory_space<vmem>> -> memref<1x1x125xi32, #tpu.memory_space<vmem>>
      %dma_start3A_65 = tpu.memref_squeeze %dma_start3A_64 : memref<1x1x125xi32, #tpu.memory_space<vmem>> -> memref<1x125xi32, #tpu.memory_space<vmem>>
      %dma_start3A_66 = arith.constant 0 : i32
      %dma_start3A_67 = arith.constant 0 : i32
      %dma_start3A_68 = tpu.memref_slice %arg3[%add3A_11, %dma_start3A_66, %dma_start3A_67] : memref<1280x1x125xi32, #tpu.memory_space<hbm>> -> memref<1x1x125xi32, #tpu.memory_space<hbm>>
      %dma_start3A_69 = tpu.memref_squeeze %dma_start3A_68 : memref<1x1x125xi32, #tpu.memory_space<hbm>> -> memref<1x125xi32, #tpu.memory_space<hbm>>
      %dma_start3A_70 = arith.constant 0 : i32
      %dma_start3A_71 = arith.constant 0 : i32
      %dma_start3A_72 = tpu.memref_slice %arg8[%run_scoped3A, %dma_start3A_70, %dma_start3A_71] : memref<2x1x125xi32, #tpu.memory_space<vmem>> -> memref<1x1x125xi32, #tpu.memory_space<vmem>>
      %dma_start3A_73 = tpu.memref_squeeze %dma_start3A_72 : memref<1x1x125xi32, #tpu.memory_space<vmem>> -> memref<1x125xi32, #tpu.memory_space<vmem>>
      %dma_start3A_74 = arith.constant 0 : i32
      %dma_start3A_75 = arith.constant 0 : i32
      %dma_start3A_76 = tpu.memref_slice %arg3[%add3A_11, %dma_start3A_74, %dma_start3A_75] : memref<1280x1x125xi32, #tpu.memory_space<hbm>> -> memref<1x1x125xi32, #tpu.memory_space<hbm>>
      %dma_start3A_77 = tpu.memref_squeeze %dma_start3A_76 : memref<1x1x125xi32, #tpu.memory_space<hbm>> -> memref<1x125xi32, #tpu.memory_space<hbm>>
      tpu.enqueue_dma source(%dma_start3A_77 : memref<1x125xi32, #tpu.memory_space<hbm>>) target(%dma_start3A_73 : memref<1x125xi32, #tpu.memory_space<vmem>>) target_semaphore(%run_scoped3A_61 : memref<!tpu.dma_semaphore, #tpu.memory_space<semaphore_mem>>)
      %dma_wait3A = arith.constant 0 : i32
      %dma_wait3A_78 = arith.constant 0 : i32
      %dma_wait3A_79 = tpu.memref_slice %arg8[%run_scoped3A, %dma_wait3A, %dma_wait3A_78] : memref<2x1x125xi32, #tpu.memory_space<vmem>> -> memref<1x1x125xi32, #tpu.memory_space<vmem>>
      %dma_wait3A_80 = tpu.memref_squeeze %dma_wait3A_79 : memref<1x1x125xi32, #tpu.memory_space<vmem>> -> memref<1x125xi32, #tpu.memory_space<vmem>>
      %dma_wait3A_81 = arith.constant 0 : i32
      %dma_wait3A_82 = arith.constant 0 : i32
      %dma_wait3A_83 = tpu.memref_slice %arg3[%add3A_11, %dma_wait3A_81, %dma_wait3A_82] : memref<1280x1x125xi32, #tpu.memory_space<hbm>> -> memref<1x1x125xi32, #tpu.memory_space<hbm>>
      %dma_wait3A_84 = tpu.memref_squeeze %dma_wait3A_83 : memref<1x1x125xi32, #tpu.memory_space<hbm>> -> memref<1x125xi32, #tpu.memory_space<hbm>>
      %dma_wait3A_85 = arith.constant 0 : i32
      %dma_wait3A_86 = arith.constant 0 : i32
      %dma_wait3A_87 = tpu.memref_slice %arg8[%run_scoped3A, %dma_wait3A_85, %dma_wait3A_86] : memref<2x1x125xi32, #tpu.memory_space<vmem>> -> memref<1x1x125xi32, #tpu.memory_space<vmem>>
      %dma_wait3A_88 = tpu.memref_squeeze %dma_wait3A_87 : memref<1x1x125xi32, #tpu.memory_space<vmem>> -> memref<1x125xi32, #tpu.memory_space<vmem>>
      %dma_wait3A_89 = arith.constant 0 : i32
      %dma_wait3A_90 = arith.constant 0 : i32
      %dma_wait3A_91 = tpu.memref_slice %arg3[%add3A_11, %dma_wait3A_89, %dma_wait3A_90] : memref<1280x1x125xi32, #tpu.memory_space<hbm>> -> memref<1x1x125xi32, #tpu.memory_space<hbm>>
      %dma_wait3A_92 = tpu.memref_squeeze %dma_wait3A_91 : memref<1x1x125xi32, #tpu.memory_space<hbm>> -> memref<1x125xi32, #tpu.memory_space<hbm>>
      tpu.wait_dma2 semaphore(%run_scoped3A_61 : memref<!tpu.dma_semaphore, #tpu.memory_space<semaphore_mem>>) src(%dma_wait3A_92 : memref<1x125xi32, #tpu.memory_space<hbm>>) dst(%dma_wait3A_88 : memref<1x125xi32, #tpu.memory_space<vmem>>)
      tpu.yield
    }) : () -> ()
    %add3A_12 = arith.constant 0 : i32
    %add3A_13 = arith.addi %mul3A_9, %add3A_12 : i32
    %run_scoped3A_14 = arith.constant 0 : i32
    "tpu.region"() ({
      %run_scoped3A_61 = tpu.sem_alloc : memref<!tpu.dma_semaphore, #tpu.memory_space<semaphore_mem>>
      %dma_start3A_62 = arith.constant 0 : i32
      %dma_start3A_63 = arith.constant 0 : i32
      %dma_start3A_64 = tpu.memref_slice %arg9[%run_scoped3A_14, %dma_start3A_62, %dma_start3A_63] : memref<2x1x125xi32, #tpu.memory_space<vmem>> -> memref<1x1x125xi32, #tpu.memory_space<vmem>>
      %dma_start3A_65 = tpu.memref_squeeze %dma_start3A_64 : memref<1x1x125xi32, #tpu.memory_space<vmem>> -> memref<1x125xi32, #tpu.memory_space<vmem>>
      %dma_start3A_66 = arith.constant 0 : i32
      %dma_start3A_67 = arith.constant 0 : i32
      %dma_start3A_68 = tpu.memref_slice %arg4[%add3A_13, %dma_start3A_66, %dma_start3A_67] : memref<1280x1x125xi32, #tpu.memory_space<hbm>> -> memref<1x1x125xi32, #tpu.memory_space<hbm>>
      %dma_start3A_69 = tpu.memref_squeeze %dma_start3A_68 : memref<1x1x125xi32, #tpu.memory_space<hbm>> -> memref<1x125xi32, #tpu.memory_space<hbm>>
      %dma_start3A_70 = arith.constant 0 : i32
      %dma_start3A_71 = arith.constant 0 : i32
      %dma_start3A_72 = tpu.memref_slice %arg9[%run_scoped3A_14, %dma_start3A_70, %dma_start3A_71] : memref<2x1x125xi32, #tpu.memory_space<vmem>> -> memref<1x1x125xi32, #tpu.memory_space<vmem>>
      %dma_start3A_73 = tpu.memref_squeeze %dma_start3A_72 : memref<1x1x125xi32, #tpu.memory_space<vmem>> -> memref<1x125xi32, #tpu.memory_space<vmem>>
      %dma_start3A_74 = arith.constant 0 : i32
      %dma_start3A_75 = arith.constant 0 : i32
      %dma_start3A_76 = tpu.memref_slice %arg4[%add3A_13, %dma_start3A_74, %dma_start3A_75] : memref<1280x1x125xi32, #tpu.memory_space<hbm>> -> memref<1x1x125xi32, #tpu.memory_space<hbm>>
      %dma_start3A_77 = tpu.memref_squeeze %dma_start3A_76 : memref<1x1x125xi32, #tpu.memory_space<hbm>> -> memref<1x125xi32, #tpu.memory_space<hbm>>
      tpu.enqueue_dma source(%dma_start3A_77 : memref<1x125xi32, #tpu.memory_space<hbm>>) target(%dma_start3A_73 : memref<1x125xi32, #tpu.memory_space<vmem>>) target_semaphore(%run_scoped3A_61 : memref<!tpu.dma_semaphore, #tpu.memory_space<semaphore_mem>>)
      %dma_wait3A = arith.constant 0 : i32
      %dma_wait3A_78 = arith.constant 0 : i32
      %dma_wait3A_79 = tpu.memref_slice %arg9[%run_scoped3A_14, %dma_wait3A, %dma_wait3A_78] : memref<2x1x125xi32, #tpu.memory_space<vmem>> -> memref<1x1x125xi32, #tpu.memory_space<vmem>>
      %dma_wait3A_80 = tpu.memref_squeeze %dma_wait3A_79 : memref<1x1x125xi32, #tpu.memory_space<vmem>> -> memref<1x125xi32, #tpu.memory_space<vmem>>
      %dma_wait3A_81 = arith.constant 0 : i32
      %dma_wait3A_82 = arith.constant 0 : i32
      %dma_wait3A_83 = tpu.memref_slice %arg4[%add3A_13, %dma_wait3A_81, %dma_wait3A_82] : memref<1280x1x125xi32, #tpu.memory_space<hbm>> -> memref<1x1x125xi32, #tpu.memory_space<hbm>>
      %dma_wait3A_84 = tpu.memref_squeeze %dma_wait3A_83 : memref<1x1x125xi32, #tpu.memory_space<hbm>> -> memref<1x125xi32, #tpu.memory_space<hbm>>
      %dma_wait3A_85 = arith.constant 0 : i32
      %dma_wait3A_86 = arith.constant 0 : i32
      %dma_wait3A_87 = tpu.memref_slice %arg9[%run_scoped3A_14, %dma_wait3A_85, %dma_wait3A_86] : memref<2x1x125xi32, #tpu.memory_space<vmem>> -> memref<1x1x125xi32, #tpu.memory_space<vmem>>
      %dma_wait3A_88 = tpu.memref_squeeze %dma_wait3A_87 : memref<1x1x125xi32, #tpu.memory_space<vmem>> -> memref<1x125xi32, #tpu.memory_space<vmem>>
      %dma_wait3A_89 = arith.constant 0 : i32
      %dma_wait3A_90 = arith.constant 0 : i32
      %dma_wait3A_91 = tpu.memref_slice %arg4[%add3A_13, %dma_wait3A_89, %dma_wait3A_90] : memref<1280x1x125xi32, #tpu.memory_space<hbm>> -> memref<1x1x125xi32, #tpu.memory_space<hbm>>
      %dma_wait3A_92 = tpu.memref_squeeze %dma_wait3A_91 : memref<1x1x125xi32, #tpu.memory_space<hbm>> -> memref<1x125xi32, #tpu.memory_space<hbm>>
      tpu.wait_dma2 semaphore(%run_scoped3A_61 : memref<!tpu.dma_semaphore, #tpu.memory_space<semaphore_mem>>) src(%dma_wait3A_92 : memref<1x125xi32, #tpu.memory_space<hbm>>) dst(%dma_wait3A_88 : memref<1x125xi32, #tpu.memory_space<vmem>>)
      tpu.yield
    }) : () -> ()
    %dma_start3A = arith.constant 0 : i32
    %dma_start3A_15 = arith.constant 0 : i32
    %dma_start3A_16 = arith.constant 0 : i32
    %dma_start3A_17 = arith.constant 0 : i32
    %dma_start3A_18 = arith.constant 0 : i32
    %dma_start3A_19 = tpu.memref_slice %arg10[%dma_start3A_16, %dma_start3A_17, %dma_start3A_18] : memref<2x125x128xf32, #tpu.memory_space<vmem>> -> memref<1x125x128xf32, #tpu.memory_space<vmem>>
    %dma_start3A_20 = tpu.memref_squeeze %dma_start3A_19 : memref<1x125x128xf32, #tpu.memory_space<vmem>> -> memref<125x128xf32, #tpu.memory_space<vmem>>
    %dma_start3A_21 = arith.constant 0 : i32
    %dma_start3A_22 = tpu.memref_slice %arg8[%dma_start3A, %dma_start3A_15, %dma_start3A_21] : memref<2x1x125xi32, #tpu.memory_space<vmem>> -> memref<1x1x125xi32, #tpu.memory_space<vmem>>
    %dma_start3A_23 = tpu.memref_squeeze %dma_start3A_22 : memref<1x1x125xi32, #tpu.memory_space<vmem>> -> memref<125xi32, #tpu.memory_space<vmem>>
    %dma_start3A_24 = arith.constant 0 : i32
    %dma_start3A_25 = arith.constant 0 : i32
    %dma_start3A_26 = tpu.memref_slice %arg2[%dma_start3A_24, %dma_start3A_25] : memref<10000x128xf32, #tpu.memory_space<hbm>> -> memref<10000x128xf32, #tpu.memory_space<hbm>>
    tpu.enqueue_indirect_dma source(%dma_start3A_26 : memref<10000x128xf32, #tpu.memory_space<hbm>>) target(%dma_start3A_20 : memref<125x128xf32, #tpu.memory_space<vmem>>) offsets(%dma_start3A_23 : memref<125xi32, #tpu.memory_space<vmem>>) semaphore(%arg12 : memref<!tpu.dma_semaphore, #tpu.memory_space<semaphore_mem>>)
    %add3A_27 = arith.constant 1 : i32
    %add3A_28 = arith.addi %mul3A_9, %add3A_27 : i32
    %run_scoped3A_29 = arith.constant 1 : i32
    "tpu.region"() ({
      %run_scoped3A_61 = tpu.sem_alloc : memref<!tpu.dma_semaphore, #tpu.memory_space<semaphore_mem>>
      %dma_start3A_62 = arith.constant 0 : i32
      %dma_start3A_63 = arith.constant 0 : i32
      %dma_start3A_64 = tpu.memref_slice %arg8[%run_scoped3A_29, %dma_start3A_62, %dma_start3A_63] : memref<2x1x125xi32, #tpu.memory_space<vmem>> -> memref<1x1x125xi32, #tpu.memory_space<vmem>>
      %dma_start3A_65 = tpu.memref_squeeze %dma_start3A_64 : memref<1x1x125xi32, #tpu.memory_space<vmem>> -> memref<1x125xi32, #tpu.memory_space<vmem>>
      %dma_start3A_66 = arith.constant 0 : i32
      %dma_start3A_67 = arith.constant 0 : i32
      %dma_start3A_68 = tpu.memref_slice %arg3[%add3A_28, %dma_start3A_66, %dma_start3A_67] : memref<1280x1x125xi32, #tpu.memory_space<hbm>> -> memref<1x1x125xi32, #tpu.memory_space<hbm>>
      %dma_start3A_69 = tpu.memref_squeeze %dma_start3A_68 : memref<1x1x125xi32, #tpu.memory_space<hbm>> -> memref<1x125xi32, #tpu.memory_space<hbm>>
      %dma_start3A_70 = arith.constant 0 : i32
      %dma_start3A_71 = arith.constant 0 : i32
      %dma_start3A_72 = tpu.memref_slice %arg8[%run_scoped3A_29, %dma_start3A_70, %dma_start3A_71] : memref<2x1x125xi32, #tpu.memory_space<vmem>> -> memref<1x1x125xi32, #tpu.memory_space<vmem>>
      %dma_start3A_73 = tpu.memref_squeeze %dma_start3A_72 : memref<1x1x125xi32, #tpu.memory_space<vmem>> -> memref<1x125xi32, #tpu.memory_space<vmem>>
      %dma_start3A_74 = arith.constant 0 : i32
      %dma_start3A_75 = arith.constant 0 : i32
      %dma_start3A_76 = tpu.memref_slice %arg3[%add3A_28, %dma_start3A_74, %dma_start3A_75] : memref<1280x1x125xi32, #tpu.memory_space<hbm>> -> memref<1x1x125xi32, #tpu.memory_space<hbm>>
      %dma_start3A_77 = tpu.memref_squeeze %dma_start3A_76 : memref<1x1x125xi32, #tpu.memory_space<hbm>> -> memref<1x125xi32, #tpu.memory_space<hbm>>
      tpu.enqueue_dma source(%dma_start3A_77 : memref<1x125xi32, #tpu.memory_space<hbm>>) target(%dma_start3A_73 : memref<1x125xi32, #tpu.memory_space<vmem>>) target_semaphore(%run_scoped3A_61 : memref<!tpu.dma_semaphore, #tpu.memory_space<semaphore_mem>>)
      %dma_wait3A = arith.constant 0 : i32
      %dma_wait3A_78 = arith.constant 0 : i32
      %dma_wait3A_79 = tpu.memref_slice %arg8[%run_scoped3A_29, %dma_wait3A, %dma_wait3A_78] : memref<2x1x125xi32, #tpu.memory_space<vmem>> -> memref<1x1x125xi32, #tpu.memory_space<vmem>>
      %dma_wait3A_80 = tpu.memref_squeeze %dma_wait3A_79 : memref<1x1x125xi32, #tpu.memory_space<vmem>> -> memref<1x125xi32, #tpu.memory_space<vmem>>
      %dma_wait3A_81 = arith.constant 0 : i32
      %dma_wait3A_82 = arith.constant 0 : i32
      %dma_wait3A_83 = tpu.memref_slice %arg3[%add3A_28, %dma_wait3A_81, %dma_wait3A_82] : memref<1280x1x125xi32, #tpu.memory_space<hbm>> -> memref<1x1x125xi32, #tpu.memory_space<hbm>>
      %dma_wait3A_84 = tpu.memref_squeeze %dma_wait3A_83 : memref<1x1x125xi32, #tpu.memory_space<hbm>> -> memref<1x125xi32, #tpu.memory_space<hbm>>
      %dma_wait3A_85 = arith.constant 0 : i32
      %dma_wait3A_86 = arith.constant 0 : i32
      %dma_wait3A_87 = tpu.memref_slice %arg8[%run_scoped3A_29, %dma_wait3A_85, %dma_wait3A_86] : memref<2x1x125xi32, #tpu.memory_space<vmem>> -> memref<1x1x125xi32, #tpu.memory_space<vmem>>
      %dma_wait3A_88 = tpu.memref_squeeze %dma_wait3A_87 : memref<1x1x125xi32, #tpu.memory_space<vmem>> -> memref<1x125xi32, #tpu.memory_space<vmem>>
      %dma_wait3A_89 = arith.constant 0 : i32
      %dma_wait3A_90 = arith.constant 0 : i32
      %dma_wait3A_91 = tpu.memref_slice %arg3[%add3A_28, %dma_wait3A_89, %dma_wait3A_90] : memref<1280x1x125xi32, #tpu.memory_space<hbm>> -> memref<1x1x125xi32, #tpu.memory_space<hbm>>
      %dma_wait3A_92 = tpu.memref_squeeze %dma_wait3A_91 : memref<1x1x125xi32, #tpu.memory_space<hbm>> -> memref<1x125xi32, #tpu.memory_space<hbm>>
      tpu.wait_dma2 semaphore(%run_scoped3A_61 : memref<!tpu.dma_semaphore, #tpu.memory_space<semaphore_mem>>) src(%dma_wait3A_92 : memref<1x125xi32, #tpu.memory_space<hbm>>) dst(%dma_wait3A_88 : memref<1x125xi32, #tpu.memory_space<vmem>>)
      tpu.yield
    }) : () -> ()
    %add3A_30 = arith.constant 1 : i32
    %add3A_31 = arith.addi %mul3A_9, %add3A_30 : i32
    %run_scoped3A_32 = arith.constant 1 : i32
    "tpu.region"() ({
      %run_scoped3A_61 = tpu.sem_alloc : memref<!tpu.dma_semaphore, #tpu.memory_space<semaphore_mem>>
      %dma_start3A_62 = arith.constant 0 : i32
      %dma_start3A_63 = arith.constant 0 : i32
      %dma_start3A_64 = tpu.memref_slice %arg9[%run_scoped3A_32, %dma_start3A_62, %dma_start3A_63] : memref<2x1x125xi32, #tpu.memory_space<vmem>> -> memref<1x1x125xi32, #tpu.memory_space<vmem>>
      %dma_start3A_65 = tpu.memref_squeeze %dma_start3A_64 : memref<1x1x125xi32, #tpu.memory_space<vmem>> -> memref<1x125xi32, #tpu.memory_space<vmem>>
      %dma_start3A_66 = arith.constant 0 : i32
      %dma_start3A_67 = arith.constant 0 : i32
      %dma_start3A_68 = tpu.memref_slice %arg4[%add3A_31, %dma_start3A_66, %dma_start3A_67] : memref<1280x1x125xi32, #tpu.memory_space<hbm>> -> memref<1x1x125xi32, #tpu.memory_space<hbm>>
      %dma_start3A_69 = tpu.memref_squeeze %dma_start3A_68 : memref<1x1x125xi32, #tpu.memory_space<hbm>> -> memref<1x125xi32, #tpu.memory_space<hbm>>
      %dma_start3A_70 = arith.constant 0 : i32
      %dma_start3A_71 = arith.constant 0 : i32
      %dma_start3A_72 = tpu.memref_slice %arg9[%run_scoped3A_32, %dma_start3A_70, %dma_start3A_71] : memref<2x1x125xi32, #tpu.memory_space<vmem>> -> memref<1x1x125xi32, #tpu.memory_space<vmem>>
      %dma_start3A_73 = tpu.memref_squeeze %dma_start3A_72 : memref<1x1x125xi32, #tpu.memory_space<vmem>> -> memref<1x125xi32, #tpu.memory_space<vmem>>
      %dma_start3A_74 = arith.constant 0 : i32
      %dma_start3A_75 = arith.constant 0 : i32
      %dma_start3A_76 = tpu.memref_slice %arg4[%add3A_31, %dma_start3A_74, %dma_start3A_75] : memref<1280x1x125xi32, #tpu.memory_space<hbm>> -> memref<1x1x125xi32, #tpu.memory_space<hbm>>
      %dma_start3A_77 = tpu.memref_squeeze %dma_start3A_76 : memref<1x1x125xi32, #tpu.memory_space<hbm>> -> memref<1x125xi32, #tpu.memory_space<hbm>>
      tpu.enqueue_dma source(%dma_start3A_77 : memref<1x125xi32, #tpu.memory_space<hbm>>) target(%dma_start3A_73 : memref<1x125xi32, #tpu.memory_space<vmem>>) target_semaphore(%run_scoped3A_61 : memref<!tpu.dma_semaphore, #tpu.memory_space<semaphore_mem>>)
      %dma_wait3A = arith.constant 0 : i32
      %dma_wait3A_78 = arith.constant 0 : i32
      %dma_wait3A_79 = tpu.memref_slice %arg9[%run_scoped3A_32, %dma_wait3A, %dma_wait3A_78] : memref<2x1x125xi32, #tpu.memory_space<vmem>> -> memref<1x1x125xi32, #tpu.memory_space<vmem>>
      %dma_wait3A_80 = tpu.memref_squeeze %dma_wait3A_79 : memref<1x1x125xi32, #tpu.memory_space<vmem>> -> memref<1x125xi32, #tpu.memory_space<vmem>>
      %dma_wait3A_81 = arith.constant 0 : i32
      %dma_wait3A_82 = arith.constant 0 : i32
      %dma_wait3A_83 = tpu.memref_slice %arg4[%add3A_31, %dma_wait3A_81, %dma_wait3A_82] : memref<1280x1x125xi32, #tpu.memory_space<hbm>> -> memref<1x1x125xi32, #tpu.memory_space<hbm>>
      %dma_wait3A_84 = tpu.memref_squeeze %dma_wait3A_83 : memref<1x1x125xi32, #tpu.memory_space<hbm>> -> memref<1x125xi32, #tpu.memory_space<hbm>>
      %dma_wait3A_85 = arith.constant 0 : i32
      %dma_wait3A_86 = arith.constant 0 : i32
      %dma_wait3A_87 = tpu.memref_slice %arg9[%run_scoped3A_32, %dma_wait3A_85, %dma_wait3A_86] : memref<2x1x125xi32, #tpu.memory_space<vmem>> -> memref<1x1x125xi32, #tpu.memory_space<vmem>>
      %dma_wait3A_88 = tpu.memref_squeeze %dma_wait3A_87 : memref<1x1x125xi32, #tpu.memory_space<vmem>> -> memref<1x125xi32, #tpu.memory_space<vmem>>
      %dma_wait3A_89 = arith.constant 0 : i32
      %dma_wait3A_90 = arith.constant 0 : i32
      %dma_wait3A_91 = tpu.memref_slice %arg4[%add3A_31, %dma_wait3A_89, %dma_wait3A_90] : memref<1280x1x125xi32, #tpu.memory_space<hbm>> -> memref<1x1x125xi32, #tpu.memory_space<hbm>>
      %dma_wait3A_92 = tpu.memref_squeeze %dma_wait3A_91 : memref<1x1x125xi32, #tpu.memory_space<hbm>> -> memref<1x125xi32, #tpu.memory_space<hbm>>
      tpu.wait_dma2 semaphore(%run_scoped3A_61 : memref<!tpu.dma_semaphore, #tpu.memory_space<semaphore_mem>>) src(%dma_wait3A_92 : memref<1x125xi32, #tpu.memory_space<hbm>>) dst(%dma_wait3A_88 : memref<1x125xi32, #tpu.memory_space<vmem>>)
      tpu.yield
    }) : () -> ()
    %dma_start3A_33 = arith.constant 1 : i32
    %dma_start3A_34 = arith.constant 0 : i32
    %dma_start3A_35 = arith.constant 1 : i32
    %dma_start3A_36 = arith.constant 0 : i32
    %dma_start3A_37 = arith.constant 0 : i32
    %dma_start3A_38 = tpu.memref_slice %arg10[%dma_start3A_35, %dma_start3A_36, %dma_start3A_37] : memref<2x125x128xf32, #tpu.memory_space<vmem>> -> memref<1x125x128xf32, #tpu.memory_space<vmem>>
    %dma_start3A_39 = tpu.memref_squeeze %dma_start3A_38 : memref<1x125x128xf32, #tpu.memory_space<vmem>> -> memref<125x128xf32, #tpu.memory_space<vmem>>
    %dma_start3A_40 = arith.constant 0 : i32
    %dma_start3A_41 = tpu.memref_slice %arg8[%dma_start3A_33, %dma_start3A_34, %dma_start3A_40] : memref<2x1x125xi32, #tpu.memory_space<vmem>> -> memref<1x1x125xi32, #tpu.memory_space<vmem>>
    %dma_start3A_42 = tpu.memref_squeeze %dma_start3A_41 : memref<1x1x125xi32, #tpu.memory_space<vmem>> -> memref<125xi32, #tpu.memory_space<vmem>>
    %dma_start3A_43 = arith.constant 0 : i32
    %dma_start3A_44 = arith.constant 0 : i32
    %dma_start3A_45 = tpu.memref_slice %arg2[%dma_start3A_43, %dma_start3A_44] : memref<10000x128xf32, #tpu.memory_space<hbm>> -> memref<10000x128xf32, #tpu.memory_space<hbm>>
    tpu.enqueue_indirect_dma source(%dma_start3A_45 : memref<10000x128xf32, #tpu.memory_space<hbm>>) target(%dma_start3A_39 : memref<125x128xf32, #tpu.memory_space<vmem>>) offsets(%dma_start3A_42 : memref<125xi32, #tpu.memory_space<vmem>>) semaphore(%arg13 : memref<!tpu.dma_semaphore, #tpu.memory_space<semaphore_mem>>)
    %lt3A = arith.constant 10 : i32
    %lt3A_46 = arith.cmpi slt, %arg1, %lt3A : i32
    %convert_element_type3A = arith.extui %lt3A_46 : i1 to i32
    %cond3A = arith.constant 0 : i32
    %cond3A_47 = arith.cmpi ne, %convert_element_type3A, %cond3A : i32
    scf.if %cond3A_47 {
      %scan3A_61 = arith.constant 0 : i32
      %scan3A_62 = arith.constant 0 : i32
      %scan3A_63 = arith.constant 25 : i32
      %scan3A_64 = arith.addi %scan3A_62, %scan3A_63 : i32
      %scan3A_65 = arith.constant 1 : i32
      %scan3A_66 = scf.for %scan3A_68 = %scan3A_62 to %scan3A_64 step %scan3A_65 iter_args(%scan3A_69 = %scan3A_61) -> (i32)  : i32 {
        %mul3A_70 = arith.constant 1000 : i32
        %mul3A_71 = arith.muli %arg1, %mul3A_70 : i32
        %mul3A_72 = arith.constant 40 : i32
        %mul3A_73 = arith.muli %scan3A_68, %mul3A_72 : i32
        %add3A_74 = arith.addi %mul3A_71, %mul3A_73 : i32
        "tpu.region"() ({
          %run_scoped3A_76 = tpu.sem_alloc : memref<!tpu.dma_semaphore, #tpu.memory_space<semaphore_mem>>
          %dma_start3A_77 = arith.constant 0 : i32
          %dma_start3A_78 = tpu.memref_slice %arg7[%add3A_74, %dma_start3A_77] : memref<10000x128xf32, #tpu.memory_space<vmem_shared>> -> memref<40x128xf32, #tpu.memory_space<vmem_shared>>
          %dma_start3A_79 = arith.constant 0 : i32
          %dma_start3A_80 = tpu.memref_slice %arg7[%add3A_74, %dma_start3A_79] : memref<10000x128xf32, #tpu.memory_space<vmem_shared>> -> memref<40x128xf32, #tpu.memory_space<vmem_shared>>
          tpu.enqueue_dma source(%arg11 : memref<40x128xf32, #tpu.memory_space<vmem>>) target(%dma_start3A_80 : memref<40x128xf32, #tpu.memory_space<vmem_shared>>) target_semaphore(%run_scoped3A_76 : memref<!tpu.dma_semaphore, #tpu.memory_space<semaphore_mem>>)
          %dma_wait3A = arith.constant 0 : i32
          %dma_wait3A_81 = tpu.memref_slice %arg7[%add3A_74, %dma_wait3A] : memref<10000x128xf32, #tpu.memory_space<vmem_shared>> -> memref<40x128xf32, #tpu.memory_space<vmem_shared>>
          %dma_wait3A_82 = arith.constant 0 : i32
          %dma_wait3A_83 = tpu.memref_slice %arg7[%add3A_74, %dma_wait3A_82] : memref<10000x128xf32, #tpu.memory_space<vmem_shared>> -> memref<40x128xf32, #tpu.memory_space<vmem_shared>>
          tpu.wait_dma2 semaphore(%run_scoped3A_76 : memref<!tpu.dma_semaphore, #tpu.memory_space<semaphore_mem>>) src(%arg11 : memref<40x128xf32, #tpu.memory_space<vmem>>) dst(%dma_wait3A_83 : memref<40x128xf32, #tpu.memory_space<vmem_shared>>)
          tpu.yield
        }) : () -> ()
        %scan3A_75 = arith.constant 0 : i32
        scf.yield %scan3A_75 : i32
      }
      %scan3A_67 = arith.constant 25 : i32
    } else {
    }
    %barrier3A = arith.constant 0 : index
    tpu.barrier barrier_id(%barrier3A)
    %scan3A_48 = arith.constant 0 : i32
    %scan3A_49 = arith.constant 0 : i32
    %scan3A_50 = arith.constant 20 : i32
    %scan3A_51 = arith.addi %scan3A_49, %scan3A_50 : i32
    %scan3A_52 = arith.constant 1 : i32
    %scan3A_53 = scf.for %scan3A_61 = %scan3A_49 to %scan3A_51 step %scan3A_52 iter_args(%scan3A_62 = %scan3A_48) -> (i32)  : i32 {
      %dma_wait3A = arith.constant 0 : i32
      %dma_wait3A_63 = arith.constant 0 : i32
      %dma_wait3A_64 = arith.constant 0 : i32
      %dma_wait3A_65 = tpu.memref_slice %arg10[%dma_wait3A, %dma_wait3A_63, %dma_wait3A_64] : memref<2x125x128xf32, #tpu.memory_space<vmem>> -> memref<1x125x128xf32, #tpu.memory_space<vmem>>
      %dma_wait3A_66 = tpu.memref_squeeze %dma_wait3A_65 : memref<1x125x128xf32, #tpu.memory_space<vmem>> -> memref<125x128xf32, #tpu.memory_space<vmem>>
      %dma_wait3A_67 = arith.constant 0 : i32
      %dma_wait3A_68 = arith.constant 0 : i32
      %dma_wait3A_69 = tpu.memref_slice %arg10[%dma_wait3A, %dma_wait3A_67, %dma_wait3A_68] : memref<2x125x128xf32, #tpu.memory_space<vmem>> -> memref<1x125x128xf32, #tpu.memory_space<vmem>>
      %dma_wait3A_70 = tpu.memref_squeeze %dma_wait3A_69 : memref<1x125x128xf32, #tpu.memory_space<vmem>> -> memref<125x128xf32, #tpu.memory_space<vmem>>
      tpu.wait_dma2 semaphore(%arg12 : memref<!tpu.dma_semaphore, #tpu.memory_space<semaphore_mem>>) src(%arg5 : memref<125x128xf32, #tpu.memory_space<hbm>>) dst(%dma_wait3A_70 : memref<125x128xf32, #tpu.memory_space<vmem>>)
      %dma_start3A_71 = arith.constant 0 : i32
      %dma_start3A_72 = arith.constant 0 : i32
      %dma_start3A_73 = arith.constant 0 : i32
      %dma_start3A_74 = arith.constant 0 : i32
      %dma_start3A_75 = arith.constant 0 : i32
      %dma_start3A_76 = tpu.memref_slice %arg10[%dma_start3A_71, %dma_start3A_74, %dma_start3A_75] : memref<2x125x128xf32, #tpu.memory_space<vmem>> -> memref<1x125x128xf32, #tpu.memory_space<vmem>>
      %dma_start3A_77 = tpu.memref_squeeze %dma_start3A_76 : memref<1x125x128xf32, #tpu.memory_space<vmem>> -> memref<125x128xf32, #tpu.memory_space<vmem>>
      %dma_start3A_78 = arith.constant 0 : i32
      %dma_start3A_79 = tpu.memref_slice %arg9[%dma_start3A_72, %dma_start3A_73, %dma_start3A_78] : memref<2x1x125xi32, #tpu.memory_space<vmem>> -> memref<1x1x125xi32, #tpu.memory_space<vmem>>
      %dma_start3A_80 = tpu.memref_squeeze %dma_start3A_79 : memref<1x1x125xi32, #tpu.memory_space<vmem>> -> memref<125xi32, #tpu.memory_space<vmem>>
      %dma_start3A_81 = arith.constant 0 : i32
      %dma_start3A_82 = arith.constant 0 : i32
      %dma_start3A_83 = tpu.memref_slice %arg7[%dma_start3A_81, %dma_start3A_82] : memref<10000x128xf32, #tpu.memory_space<vmem_shared>> -> memref<10000x128xf32, #tpu.memory_space<vmem_shared>>
      tpu.enqueue_indirect_dma source(%dma_start3A_77 : memref<125x128xf32, #tpu.memory_space<vmem>>) target(%dma_start3A_83 : memref<10000x128xf32, #tpu.memory_space<vmem_shared>>) offsets(%dma_start3A_80 : memref<125xi32, #tpu.memory_space<vmem>>) semaphore(%arg14 : memref<!tpu.dma_semaphore, #tpu.memory_space<semaphore_mem>>) {add = true}
      %dma_wait3A_84 = arith.constant 0 : i32
      %dma_wait3A_85 = arith.constant 0 : i32
      %dma_wait3A_86 = arith.constant 0 : i32
      %dma_wait3A_87 = tpu.memref_slice %arg10[%dma_wait3A_84, %dma_wait3A_85, %dma_wait3A_86] : memref<2x125x128xf32, #tpu.memory_space<vmem>> -> memref<1x125x128xf32, #tpu.memory_space<vmem>>
      %dma_wait3A_88 = tpu.memref_squeeze %dma_wait3A_87 : memref<1x125x128xf32, #tpu.memory_space<vmem>> -> memref<125x128xf32, #tpu.memory_space<vmem>>
      %dma_wait3A_89 = arith.constant 0 : i32
      %dma_wait3A_90 = arith.constant 0 : i32
      %dma_wait3A_91 = tpu.memref_slice %arg10[%dma_wait3A_84, %dma_wait3A_89, %dma_wait3A_90] : memref<2x125x128xf32, #tpu.memory_space<vmem>> -> memref<1x125x128xf32, #tpu.memory_space<vmem>>
      %dma_wait3A_92 = tpu.memref_squeeze %dma_wait3A_91 : memref<1x125x128xf32, #tpu.memory_space<vmem>> -> memref<125x128xf32, #tpu.memory_space<vmem>>
      tpu.wait_dma2 semaphore(%arg14 : memref<!tpu.dma_semaphore, #tpu.memory_space<semaphore_mem>>) src(%arg5 : memref<125x128xf32, #tpu.memory_space<hbm>>) dst(%dma_wait3A_92 : memref<125x128xf32, #tpu.memory_space<vmem>>)
      %lt3A_93 = arith.constant 19 : i32
      %lt3A_94 = arith.cmpi slt, %scan3A_61, %lt3A_93 : i32
      %convert_element_type3A_95 = arith.extui %lt3A_94 : i1 to i32
      %cond3A_96 = arith.constant 0 : i32
      %cond3A_97 = arith.cmpi ne, %convert_element_type3A_95, %cond3A_96 : i32
      scf.if %cond3A_97 {
        %mul3A_135 = arith.constant 2 : i32
        %mul3A_136 = arith.muli %scan3A_61, %mul3A_135 : i32
        %add3A_137 = arith.constant 0 : i32
        %add3A_138 = arith.addi %mul3A_136, %add3A_137 : i32
        %add3A_139 = arith.constant 2 : i32
        %add3A_140 = arith.addi %add3A_138, %add3A_139 : i32
        %add3A_141 = arith.addi %mul3A_9, %add3A_140 : i32
        %run_scoped3A_142 = arith.constant 0 : i32
        "tpu.region"() ({
          %run_scoped3A_158 = tpu.sem_alloc : memref<!tpu.dma_semaphore, #tpu.memory_space<semaphore_mem>>
          %dma_start3A_159 = arith.constant 0 : i32
          %dma_start3A_160 = arith.constant 0 : i32
          %dma_start3A_161 = tpu.memref_slice %arg8[%run_scoped3A_142, %dma_start3A_159, %dma_start3A_160] : memref<2x1x125xi32, #tpu.memory_space<vmem>> -> memref<1x1x125xi32, #tpu.memory_space<vmem>>
          %dma_start3A_162 = tpu.memref_squeeze %dma_start3A_161 : memref<1x1x125xi32, #tpu.memory_space<vmem>> -> memref<1x125xi32, #tpu.memory_space<vmem>>
          %dma_start3A_163 = arith.constant 0 : i32
          %dma_start3A_164 = arith.constant 0 : i32
          %dma_start3A_165 = tpu.memref_slice %arg3[%add3A_141, %dma_start3A_163, %dma_start3A_164] : memref<1280x1x125xi32, #tpu.memory_space<hbm>> -> memref<1x1x125xi32, #tpu.memory_space<hbm>>
          %dma_start3A_166 = tpu.memref_squeeze %dma_start3A_165 : memref<1x1x125xi32, #tpu.memory_space<hbm>> -> memref<1x125xi32, #tpu.memory_space<hbm>>
          %dma_start3A_167 = arith.constant 0 : i32
          %dma_start3A_168 = arith.constant 0 : i32
          %dma_start3A_169 = tpu.memref_slice %arg8[%run_scoped3A_142, %dma_start3A_167, %dma_start3A_168] : memref<2x1x125xi32, #tpu.memory_space<vmem>> -> memref<1x1x125xi32, #tpu.memory_space<vmem>>
          %dma_start3A_170 = tpu.memref_squeeze %dma_start3A_169 : memref<1x1x125xi32, #tpu.memory_space<vmem>> -> memref<1x125xi32, #tpu.memory_space<vmem>>
          %dma_start3A_171 = arith.constant 0 : i32
          %dma_start3A_172 = arith.constant 0 : i32
          %dma_start3A_173 = tpu.memref_slice %arg3[%add3A_141, %dma_start3A_171, %dma_start3A_172] : memref<1280x1x125xi32, #tpu.memory_space<hbm>> -> memref<1x1x125xi32, #tpu.memory_space<hbm>>
          %dma_start3A_174 = tpu.memref_squeeze %dma_start3A_173 : memref<1x1x125xi32, #tpu.memory_space<hbm>> -> memref<1x125xi32, #tpu.memory_space<hbm>>
          tpu.enqueue_dma source(%dma_start3A_174 : memref<1x125xi32, #tpu.memory_space<hbm>>) target(%dma_start3A_170 : memref<1x125xi32, #tpu.memory_space<vmem>>) target_semaphore(%run_scoped3A_158 : memref<!tpu.dma_semaphore, #tpu.memory_space<semaphore_mem>>)
          %dma_wait3A_175 = arith.constant 0 : i32
          %dma_wait3A_176 = arith.constant 0 : i32
          %dma_wait3A_177 = tpu.memref_slice %arg8[%run_scoped3A_142, %dma_wait3A_175, %dma_wait3A_176] : memref<2x1x125xi32, #tpu.memory_space<vmem>> -> memref<1x1x125xi32, #tpu.memory_space<vmem>>
          %dma_wait3A_178 = tpu.memref_squeeze %dma_wait3A_177 : memref<1x1x125xi32, #tpu.memory_space<vmem>> -> memref<1x125xi32, #tpu.memory_space<vmem>>
          %dma_wait3A_179 = arith.constant 0 : i32
          %dma_wait3A_180 = arith.constant 0 : i32
          %dma_wait3A_181 = tpu.memref_slice %arg3[%add3A_141, %dma_wait3A_179, %dma_wait3A_180] : memref<1280x1x125xi32, #tpu.memory_space<hbm>> -> memref<1x1x125xi32, #tpu.memory_space<hbm>>
          %dma_wait3A_182 = tpu.memref_squeeze %dma_wait3A_181 : memref<1x1x125xi32, #tpu.memory_space<hbm>> -> memref<1x125xi32, #tpu.memory_space<hbm>>
          %dma_wait3A_183 = arith.constant 0 : i32
          %dma_wait3A_184 = arith.constant 0 : i32
          %dma_wait3A_185 = tpu.memref_slice %arg8[%run_scoped3A_142, %dma_wait3A_183, %dma_wait3A_184] : memref<2x1x125xi32, #tpu.memory_space<vmem>> -> memref<1x1x125xi32, #tpu.memory_space<vmem>>
          %dma_wait3A_186 = tpu.memref_squeeze %dma_wait3A_185 : memref<1x1x125xi32, #tpu.memory_space<vmem>> -> memref<1x125xi32, #tpu.memory_space<vmem>>
          %dma_wait3A_187 = arith.constant 0 : i32
          %dma_wait3A_188 = arith.constant 0 : i32
          %dma_wait3A_189 = tpu.memref_slice %arg3[%add3A_141, %dma_wait3A_187, %dma_wait3A_188] : memref<1280x1x125xi32, #tpu.memory_space<hbm>> -> memref<1x1x125xi32, #tpu.memory_space<hbm>>
          %dma_wait3A_190 = tpu.memref_squeeze %dma_wait3A_189 : memref<1x1x125xi32, #tpu.memory_space<hbm>> -> memref<1x125xi32, #tpu.memory_space<hbm>>
          tpu.wait_dma2 semaphore(%run_scoped3A_158 : memref<!tpu.dma_semaphore, #tpu.memory_space<semaphore_mem>>) src(%dma_wait3A_190 : memref<1x125xi32, #tpu.memory_space<hbm>>) dst(%dma_wait3A_186 : memref<1x125xi32, #tpu.memory_space<vmem>>)
          tpu.yield
        }) : () -> ()
        %add3A_143 = arith.addi %mul3A_9, %add3A_140 : i32
        %run_scoped3A_144 = arith.constant 0 : i32
        "tpu.region"() ({
          %run_scoped3A_158 = tpu.sem_alloc : memref<!tpu.dma_semaphore, #tpu.memory_space<semaphore_mem>>
          %dma_start3A_159 = arith.constant 0 : i32
          %dma_start3A_160 = arith.constant 0 : i32
          %dma_start3A_161 = tpu.memref_slice %arg9[%run_scoped3A_144, %dma_start3A_159, %dma_start3A_160] : memref<2x1x125xi32, #tpu.memory_space<vmem>> -> memref<1x1x125xi32, #tpu.memory_space<vmem>>
          %dma_start3A_162 = tpu.memref_squeeze %dma_start3A_161 : memref<1x1x125xi32, #tpu.memory_space<vmem>> -> memref<1x125xi32, #tpu.memory_space<vmem>>
          %dma_start3A_163 = arith.constant 0 : i32
          %dma_start3A_164 = arith.constant 0 : i32
          %dma_start3A_165 = tpu.memref_slice %arg4[%add3A_143, %dma_start3A_163, %dma_start3A_164] : memref<1280x1x125xi32, #tpu.memory_space<hbm>> -> memref<1x1x125xi32, #tpu.memory_space<hbm>>
          %dma_start3A_166 = tpu.memref_squeeze %dma_start3A_165 : memref<1x1x125xi32, #tpu.memory_space<hbm>> -> memref<1x125xi32, #tpu.memory_space<hbm>>
          %dma_start3A_167 = arith.constant 0 : i32
          %dma_start3A_168 = arith.constant 0 : i32
          %dma_start3A_169 = tpu.memref_slice %arg9[%run_scoped3A_144, %dma_start3A_167, %dma_start3A_168] : memref<2x1x125xi32, #tpu.memory_space<vmem>> -> memref<1x1x125xi32, #tpu.memory_space<vmem>>
          %dma_start3A_170 = tpu.memref_squeeze %dma_start3A_169 : memref<1x1x125xi32, #tpu.memory_space<vmem>> -> memref<1x125xi32, #tpu.memory_space<vmem>>
          %dma_start3A_171 = arith.constant 0 : i32
          %dma_start3A_172 = arith.constant 0 : i32
          %dma_start3A_173 = tpu.memref_slice %arg4[%add3A_143, %dma_start3A_171, %dma_start3A_172] : memref<1280x1x125xi32, #tpu.memory_space<hbm>> -> memref<1x1x125xi32, #tpu.memory_space<hbm>>
          %dma_start3A_174 = tpu.memref_squeeze %dma_start3A_173 : memref<1x1x125xi32, #tpu.memory_space<hbm>> -> memref<1x125xi32, #tpu.memory_space<hbm>>
          tpu.enqueue_dma source(%dma_start3A_174 : memref<1x125xi32, #tpu.memory_space<hbm>>) target(%dma_start3A_170 : memref<1x125xi32, #tpu.memory_space<vmem>>) target_semaphore(%run_scoped3A_158 : memref<!tpu.dma_semaphore, #tpu.memory_space<semaphore_mem>>)
          %dma_wait3A_175 = arith.constant 0 : i32
          %dma_wait3A_176 = arith.constant 0 : i32
          %dma_wait3A_177 = tpu.memref_slice %arg9[%run_scoped3A_144, %dma_wait3A_175, %dma_wait3A_176] : memref<2x1x125xi32, #tpu.memory_space<vmem>> -> memref<1x1x125xi32, #tpu.memory_space<vmem>>
          %dma_wait3A_178 = tpu.memref_squeeze %dma_wait3A_177 : memref<1x1x125xi32, #tpu.memory_space<vmem>> -> memref<1x125xi32, #tpu.memory_space<vmem>>
          %dma_wait3A_179 = arith.constant 0 : i32
          %dma_wait3A_180 = arith.constant 0 : i32
          %dma_wait3A_181 = tpu.memref_slice %arg4[%add3A_143, %dma_wait3A_179, %dma_wait3A_180] : memref<1280x1x125xi32, #tpu.memory_space<hbm>> -> memref<1x1x125xi32, #tpu.memory_space<hbm>>
          %dma_wait3A_182 = tpu.memref_squeeze %dma_wait3A_181 : memref<1x1x125xi32, #tpu.memory_space<hbm>> -> memref<1x125xi32, #tpu.memory_space<hbm>>
          %dma_wait3A_183 = arith.constant 0 : i32
          %dma_wait3A_184 = arith.constant 0 : i32
          %dma_wait3A_185 = tpu.memref_slice %arg9[%run_scoped3A_144, %dma_wait3A_183, %dma_wait3A_184] : memref<2x1x125xi32, #tpu.memory_space<vmem>> -> memref<1x1x125xi32, #tpu.memory_space<vmem>>
          %dma_wait3A_186 = tpu.memref_squeeze %dma_wait3A_185 : memref<1x1x125xi32, #tpu.memory_space<vmem>> -> memref<1x125xi32, #tpu.memory_space<vmem>>
          %dma_wait3A_187 = arith.constant 0 : i32
          %dma_wait3A_188 = arith.constant 0 : i32
          %dma_wait3A_189 = tpu.memref_slice %arg4[%add3A_143, %dma_wait3A_187, %dma_wait3A_188] : memref<1280x1x125xi32, #tpu.memory_space<hbm>> -> memref<1x1x125xi32, #tpu.memory_space<hbm>>
          %dma_wait3A_190 = tpu.memref_squeeze %dma_wait3A_189 : memref<1x1x125xi32, #tpu.memory_space<hbm>> -> memref<1x125xi32, #tpu.memory_space<hbm>>
          tpu.wait_dma2 semaphore(%run_scoped3A_158 : memref<!tpu.dma_semaphore, #tpu.memory_space<semaphore_mem>>) src(%dma_wait3A_190 : memref<1x125xi32, #tpu.memory_space<hbm>>) dst(%dma_wait3A_186 : memref<1x125xi32, #tpu.memory_space<vmem>>)
          tpu.yield
        }) : () -> ()
        %dma_start3A_145 = arith.constant 0 : i32
        %dma_start3A_146 = arith.constant 0 : i32
        %dma_start3A_147 = arith.constant 0 : i32
        %dma_start3A_148 = arith.constant 0 : i32
        %dma_start3A_149 = arith.constant 0 : i32
        %dma_start3A_150 = tpu.memref_slice %arg10[%dma_start3A_147, %dma_start3A_148, %dma_start3A_149] : memref<2x125x128xf32, #tpu.memory_space<vmem>> -> memref<1x125x128xf32, #tpu.memory_space<vmem>>
        %dma_start3A_151 = tpu.memref_squeeze %dma_start3A_150 : memref<1x125x128xf32, #tpu.memory_space<vmem>> -> memref<125x128xf32, #tpu.memory_space<vmem>>
        %dma_start3A_152 = arith.constant 0 : i32
        %dma_start3A_153 = tpu.memref_slice %arg8[%dma_start3A_145, %dma_start3A_146, %dma_start3A_152] : memref<2x1x125xi32, #tpu.memory_space<vmem>> -> memref<1x1x125xi32, #tpu.memory_space<vmem>>
        %dma_start3A_154 = tpu.memref_squeeze %dma_start3A_153 : memref<1x1x125xi32, #tpu.memory_space<vmem>> -> memref<125xi32, #tpu.memory_space<vmem>>
        %dma_start3A_155 = arith.constant 0 : i32
        %dma_start3A_156 = arith.constant 0 : i32
        %dma_start3A_157 = tpu.memref_slice %arg2[%dma_start3A_155, %dma_start3A_156] : memref<10000x128xf32, #tpu.memory_space<hbm>> -> memref<10000x128xf32, #tpu.memory_space<hbm>>
        tpu.enqueue_indirect_dma source(%dma_start3A_157 : memref<10000x128xf32, #tpu.memory_space<hbm>>) target(%dma_start3A_151 : memref<125x128xf32, #tpu.memory_space<vmem>>) offsets(%dma_start3A_154 : memref<125xi32, #tpu.memory_space<vmem>>) semaphore(%arg12 : memref<!tpu.dma_semaphore, #tpu.memory_space<semaphore_mem>>)
      } else {
      }
      %dma_wait3A_98 = arith.constant 1 : i32
      %dma_wait3A_99 = arith.constant 0 : i32
      %dma_wait3A_100 = arith.constant 0 : i32
      %dma_wait3A_101 = tpu.memref_slice %arg10[%dma_wait3A_98, %dma_wait3A_99, %dma_wait3A_100] : memref<2x125x128xf32, #tpu.memory_space<vmem>> -> memref<1x125x128xf32, #tpu.memory_space<vmem>>
      %dma_wait3A_102 = tpu.memref_squeeze %dma_wait3A_101 : memref<1x125x128xf32, #tpu.memory_space<vmem>> -> memref<125x128xf32, #tpu.memory_space<vmem>>
      %dma_wait3A_103 = arith.constant 0 : i32
      %dma_wait3A_104 = arith.constant 0 : i32
      %dma_wait3A_105 = tpu.memref_slice %arg10[%dma_wait3A_98, %dma_wait3A_103, %dma_wait3A_104] : memref<2x125x128xf32, #tpu.memory_space<vmem>> -> memref<1x125x128xf32, #tpu.memory_space<vmem>>
      %dma_wait3A_106 = tpu.memref_squeeze %dma_wait3A_105 : memref<1x125x128xf32, #tpu.memory_space<vmem>> -> memref<125x128xf32, #tpu.memory_space<vmem>>
      tpu.wait_dma2 semaphore(%arg13 : memref<!tpu.dma_semaphore, #tpu.memory_space<semaphore_mem>>) src(%arg5 : memref<125x128xf32, #tpu.memory_space<hbm>>) dst(%dma_wait3A_106 : memref<125x128xf32, #tpu.memory_space<vmem>>)
      %dma_start3A_107 = arith.constant 1 : i32
      %dma_start3A_108 = arith.constant 1 : i32
      %dma_start3A_109 = arith.constant 0 : i32
      %dma_start3A_110 = arith.constant 0 : i32
      %dma_start3A_111 = arith.constant 0 : i32
      %dma_start3A_112 = tpu.memref_slice %arg10[%dma_start3A_107, %dma_start3A_110, %dma_start3A_111] : memref<2x125x128xf32, #tpu.memory_space<vmem>> -> memref<1x125x128xf32, #tpu.memory_space<vmem>>
      %dma_start3A_113 = tpu.memref_squeeze %dma_start3A_112 : memref<1x125x128xf32, #tpu.memory_space<vmem>> -> memref<125x128xf32, #tpu.memory_space<vmem>>
      %dma_start3A_114 = arith.constant 0 : i32
      %dma_start3A_115 = tpu.memref_slice %arg9[%dma_start3A_108, %dma_start3A_109, %dma_start3A_114] : memref<2x1x125xi32, #tpu.memory_space<vmem>> -> memref<1x1x125xi32, #tpu.memory_space<vmem>>
      %dma_start3A_116 = tpu.memref_squeeze %dma_start3A_115 : memref<1x1x125xi32, #tpu.memory_space<vmem>> -> memref<125xi32, #tpu.memory_space<vmem>>
      %dma_start3A_117 = arith.constant 0 : i32
      %dma_start3A_118 = arith.constant 0 : i32
      %dma_start3A_119 = tpu.memref_slice %arg7[%dma_start3A_117, %dma_start3A_118] : memref<10000x128xf32, #tpu.memory_space<vmem_shared>> -> memref<10000x128xf32, #tpu.memory_space<vmem_shared>>
      tpu.enqueue_indirect_dma source(%dma_start3A_113 : memref<125x128xf32, #tpu.memory_space<vmem>>) target(%dma_start3A_119 : memref<10000x128xf32, #tpu.memory_space<vmem_shared>>) offsets(%dma_start3A_116 : memref<125xi32, #tpu.memory_space<vmem>>) semaphore(%arg15 : memref<!tpu.dma_semaphore, #tpu.memory_space<semaphore_mem>>) {add = true}
      %dma_wait3A_120 = arith.constant 1 : i32
      %dma_wait3A_121 = arith.constant 0 : i32
      %dma_wait3A_122 = arith.constant 0 : i32
      %dma_wait3A_123 = tpu.memref_slice %arg10[%dma_wait3A_120, %dma_wait3A_121, %dma_wait3A_122] : memref<2x125x128xf32, #tpu.memory_space<vmem>> -> memref<1x125x128xf32, #tpu.memory_space<vmem>>
      %dma_wait3A_124 = tpu.memref_squeeze %dma_wait3A_123 : memref<1x125x128xf32, #tpu.memory_space<vmem>> -> memref<125x128xf32, #tpu.memory_space<vmem>>
      %dma_wait3A_125 = arith.constant 0 : i32
      %dma_wait3A_126 = arith.constant 0 : i32
      %dma_wait3A_127 = tpu.memref_slice %arg10[%dma_wait3A_120, %dma_wait3A_125, %dma_wait3A_126] : memref<2x125x128xf32, #tpu.memory_space<vmem>> -> memref<1x125x128xf32, #tpu.memory_space<vmem>>
      %dma_wait3A_128 = tpu.memref_squeeze %dma_wait3A_127 : memref<1x125x128xf32, #tpu.memory_space<vmem>> -> memref<125x128xf32, #tpu.memory_space<vmem>>
      tpu.wait_dma2 semaphore(%arg15 : memref<!tpu.dma_semaphore, #tpu.memory_space<semaphore_mem>>) src(%arg5 : memref<125x128xf32, #tpu.memory_space<hbm>>) dst(%dma_wait3A_128 : memref<125x128xf32, #tpu.memory_space<vmem>>)
      %lt3A_129 = arith.constant 19 : i32
      %lt3A_130 = arith.cmpi slt, %scan3A_61, %lt3A_129 : i32
      %convert_element_type3A_131 = arith.extui %lt3A_130 : i1 to i32
      %cond3A_132 = arith.constant 0 : i32
      %cond3A_133 = arith.cmpi ne, %convert_element_type3A_131, %cond3A_132 : i32
      scf.if %cond3A_133 {
        %mul3A_135 = arith.constant 2 : i32
        %mul3A_136 = arith.muli %scan3A_61, %mul3A_135 : i32
        %add3A_137 = arith.constant 1 : i32
        %add3A_138 = arith.addi %mul3A_136, %add3A_137 : i32
        %add3A_139 = arith.constant 2 : i32
        %add3A_140 = arith.addi %add3A_138, %add3A_139 : i32
        %add3A_141 = arith.addi %mul3A_9, %add3A_140 : i32
        %run_scoped3A_142 = arith.constant 1 : i32
        "tpu.region"() ({
          %run_scoped3A_158 = tpu.sem_alloc : memref<!tpu.dma_semaphore, #tpu.memory_space<semaphore_mem>>
          %dma_start3A_159 = arith.constant 0 : i32
          %dma_start3A_160 = arith.constant 0 : i32
          %dma_start3A_161 = tpu.memref_slice %arg8[%run_scoped3A_142, %dma_start3A_159, %dma_start3A_160] : memref<2x1x125xi32, #tpu.memory_space<vmem>> -> memref<1x1x125xi32, #tpu.memory_space<vmem>>
          %dma_start3A_162 = tpu.memref_squeeze %dma_start3A_161 : memref<1x1x125xi32, #tpu.memory_space<vmem>> -> memref<1x125xi32, #tpu.memory_space<vmem>>
          %dma_start3A_163 = arith.constant 0 : i32
          %dma_start3A_164 = arith.constant 0 : i32
          %dma_start3A_165 = tpu.memref_slice %arg3[%add3A_141, %dma_start3A_163, %dma_start3A_164] : memref<1280x1x125xi32, #tpu.memory_space<hbm>> -> memref<1x1x125xi32, #tpu.memory_space<hbm>>
          %dma_start3A_166 = tpu.memref_squeeze %dma_start3A_165 : memref<1x1x125xi32, #tpu.memory_space<hbm>> -> memref<1x125xi32, #tpu.memory_space<hbm>>
          %dma_start3A_167 = arith.constant 0 : i32
          %dma_start3A_168 = arith.constant 0 : i32
          %dma_start3A_169 = tpu.memref_slice %arg8[%run_scoped3A_142, %dma_start3A_167, %dma_start3A_168] : memref<2x1x125xi32, #tpu.memory_space<vmem>> -> memref<1x1x125xi32, #tpu.memory_space<vmem>>
          %dma_start3A_170 = tpu.memref_squeeze %dma_start3A_169 : memref<1x1x125xi32, #tpu.memory_space<vmem>> -> memref<1x125xi32, #tpu.memory_space<vmem>>
          %dma_start3A_171 = arith.constant 0 : i32
          %dma_start3A_172 = arith.constant 0 : i32
          %dma_start3A_173 = tpu.memref_slice %arg3[%add3A_141, %dma_start3A_171, %dma_start3A_172] : memref<1280x1x125xi32, #tpu.memory_space<hbm>> -> memref<1x1x125xi32, #tpu.memory_space<hbm>>
          %dma_start3A_174 = tpu.memref_squeeze %dma_start3A_173 : memref<1x1x125xi32, #tpu.memory_space<hbm>> -> memref<1x125xi32, #tpu.memory_space<hbm>>
          tpu.enqueue_dma source(%dma_start3A_174 : memref<1x125xi32, #tpu.memory_space<hbm>>) target(%dma_start3A_170 : memref<1x125xi32, #tpu.memory_space<vmem>>) target_semaphore(%run_scoped3A_158 : memref<!tpu.dma_semaphore, #tpu.memory_space<semaphore_mem>>)
          %dma_wait3A_175 = arith.constant 0 : i32
          %dma_wait3A_176 = arith.constant 0 : i32
          %dma_wait3A_177 = tpu.memref_slice %arg8[%run_scoped3A_142, %dma_wait3A_175, %dma_wait3A_176] : memref<2x1x125xi32, #tpu.memory_space<vmem>> -> memref<1x1x125xi32, #tpu.memory_space<vmem>>
          %dma_wait3A_178 = tpu.memref_squeeze %dma_wait3A_177 : memref<1x1x125xi32, #tpu.memory_space<vmem>> -> memref<1x125xi32, #tpu.memory_space<vmem>>
          %dma_wait3A_179 = arith.constant 0 : i32
          %dma_wait3A_180 = arith.constant 0 : i32
          %dma_wait3A_181 = tpu.memref_slice %arg3[%add3A_141, %dma_wait3A_179, %dma_wait3A_180] : memref<1280x1x125xi32, #tpu.memory_space<hbm>> -> memref<1x1x125xi32, #tpu.memory_space<hbm>>
          %dma_wait3A_182 = tpu.memref_squeeze %dma_wait3A_181 : memref<1x1x125xi32, #tpu.memory_space<hbm>> -> memref<1x125xi32, #tpu.memory_space<hbm>>
          %dma_wait3A_183 = arith.constant 0 : i32
          %dma_wait3A_184 = arith.constant 0 : i32
          %dma_wait3A_185 = tpu.memref_slice %arg8[%run_scoped3A_142, %dma_wait3A_183, %dma_wait3A_184] : memref<2x1x125xi32, #tpu.memory_space<vmem>> -> memref<1x1x125xi32, #tpu.memory_space<vmem>>
          %dma_wait3A_186 = tpu.memref_squeeze %dma_wait3A_185 : memref<1x1x125xi32, #tpu.memory_space<vmem>> -> memref<1x125xi32, #tpu.memory_space<vmem>>
          %dma_wait3A_187 = arith.constant 0 : i32
          %dma_wait3A_188 = arith.constant 0 : i32
          %dma_wait3A_189 = tpu.memref_slice %arg3[%add3A_141, %dma_wait3A_187, %dma_wait3A_188] : memref<1280x1x125xi32, #tpu.memory_space<hbm>> -> memref<1x1x125xi32, #tpu.memory_space<hbm>>
          %dma_wait3A_190 = tpu.memref_squeeze %dma_wait3A_189 : memref<1x1x125xi32, #tpu.memory_space<hbm>> -> memref<1x125xi32, #tpu.memory_space<hbm>>
          tpu.wait_dma2 semaphore(%run_scoped3A_158 : memref<!tpu.dma_semaphore, #tpu.memory_space<semaphore_mem>>) src(%dma_wait3A_190 : memref<1x125xi32, #tpu.memory_space<hbm>>) dst(%dma_wait3A_186 : memref<1x125xi32, #tpu.memory_space<vmem>>)
          tpu.yield
        }) : () -> ()
        %add3A_143 = arith.addi %mul3A_9, %add3A_140 : i32
        %run_scoped3A_144 = arith.constant 1 : i32
        "tpu.region"() ({
          %run_scoped3A_158 = tpu.sem_alloc : memref<!tpu.dma_semaphore, #tpu.memory_space<semaphore_mem>>
          %dma_start3A_159 = arith.constant 0 : i32
          %dma_start3A_160 = arith.constant 0 : i32
          %dma_start3A_161 = tpu.memref_slice %arg9[%run_scoped3A_144, %dma_start3A_159, %dma_start3A_160] : memref<2x1x125xi32, #tpu.memory_space<vmem>> -> memref<1x1x125xi32, #tpu.memory_space<vmem>>
          %dma_start3A_162 = tpu.memref_squeeze %dma_start3A_161 : memref<1x1x125xi32, #tpu.memory_space<vmem>> -> memref<1x125xi32, #tpu.memory_space<vmem>>
          %dma_start3A_163 = arith.constant 0 : i32
          %dma_start3A_164 = arith.constant 0 : i32
          %dma_start3A_165 = tpu.memref_slice %arg4[%add3A_143, %dma_start3A_163, %dma_start3A_164] : memref<1280x1x125xi32, #tpu.memory_space<hbm>> -> memref<1x1x125xi32, #tpu.memory_space<hbm>>
          %dma_start3A_166 = tpu.memref_squeeze %dma_start3A_165 : memref<1x1x125xi32, #tpu.memory_space<hbm>> -> memref<1x125xi32, #tpu.memory_space<hbm>>
          %dma_start3A_167 = arith.constant 0 : i32
          %dma_start3A_168 = arith.constant 0 : i32
          %dma_start3A_169 = tpu.memref_slice %arg9[%run_scoped3A_144, %dma_start3A_167, %dma_start3A_168] : memref<2x1x125xi32, #tpu.memory_space<vmem>> -> memref<1x1x125xi32, #tpu.memory_space<vmem>>
          %dma_start3A_170 = tpu.memref_squeeze %dma_start3A_169 : memref<1x1x125xi32, #tpu.memory_space<vmem>> -> memref<1x125xi32, #tpu.memory_space<vmem>>
          %dma_start3A_171 = arith.constant 0 : i32
          %dma_start3A_172 = arith.constant 0 : i32
          %dma_start3A_173 = tpu.memref_slice %arg4[%add3A_143, %dma_start3A_171, %dma_start3A_172] : memref<1280x1x125xi32, #tpu.memory_space<hbm>> -> memref<1x1x125xi32, #tpu.memory_space<hbm>>
          %dma_start3A_174 = tpu.memref_squeeze %dma_start3A_173 : memref<1x1x125xi32, #tpu.memory_space<hbm>> -> memref<1x125xi32, #tpu.memory_space<hbm>>
          tpu.enqueue_dma source(%dma_start3A_174 : memref<1x125xi32, #tpu.memory_space<hbm>>) target(%dma_start3A_170 : memref<1x125xi32, #tpu.memory_space<vmem>>) target_semaphore(%run_scoped3A_158 : memref<!tpu.dma_semaphore, #tpu.memory_space<semaphore_mem>>)
          %dma_wait3A_175 = arith.constant 0 : i32
          %dma_wait3A_176 = arith.constant 0 : i32
          %dma_wait3A_177 = tpu.memref_slice %arg9[%run_scoped3A_144, %dma_wait3A_175, %dma_wait3A_176] : memref<2x1x125xi32, #tpu.memory_space<vmem>> -> memref<1x1x125xi32, #tpu.memory_space<vmem>>
          %dma_wait3A_178 = tpu.memref_squeeze %dma_wait3A_177 : memref<1x1x125xi32, #tpu.memory_space<vmem>> -> memref<1x125xi32, #tpu.memory_space<vmem>>
          %dma_wait3A_179 = arith.constant 0 : i32
          %dma_wait3A_180 = arith.constant 0 : i32
          %dma_wait3A_181 = tpu.memref_slice %arg4[%add3A_143, %dma_wait3A_179, %dma_wait3A_180] : memref<1280x1x125xi32, #tpu.memory_space<hbm>> -> memref<1x1x125xi32, #tpu.memory_space<hbm>>
          %dma_wait3A_182 = tpu.memref_squeeze %dma_wait3A_181 : memref<1x1x125xi32, #tpu.memory_space<hbm>> -> memref<1x125xi32, #tpu.memory_space<hbm>>
          %dma_wait3A_183 = arith.constant 0 : i32
          %dma_wait3A_184 = arith.constant 0 : i32
          %dma_wait3A_185 = tpu.memref_slice %arg9[%run_scoped3A_144, %dma_wait3A_183, %dma_wait3A_184] : memref<2x1x125xi32, #tpu.memory_space<vmem>> -> memref<1x1x125xi32, #tpu.memory_space<vmem>>
          %dma_wait3A_186 = tpu.memref_squeeze %dma_wait3A_185 : memref<1x1x125xi32, #tpu.memory_space<vmem>> -> memref<1x125xi32, #tpu.memory_space<vmem>>
          %dma_wait3A_187 = arith.constant 0 : i32
          %dma_wait3A_188 = arith.constant 0 : i32
          %dma_wait3A_189 = tpu.memref_slice %arg4[%add3A_143, %dma_wait3A_187, %dma_wait3A_188] : memref<1280x1x125xi32, #tpu.memory_space<hbm>> -> memref<1x1x125xi32, #tpu.memory_space<hbm>>
          %dma_wait3A_190 = tpu.memref_squeeze %dma_wait3A_189 : memref<1x1x125xi32, #tpu.memory_space<hbm>> -> memref<1x125xi32, #tpu.memory_space<hbm>>
          tpu.wait_dma2 semaphore(%run_scoped3A_158 : memref<!tpu.dma_semaphore, #tpu.memory_space<semaphore_mem>>) src(%dma_wait3A_190 : memref<1x125xi32, #tpu.memory_space<hbm>>) dst(%dma_wait3A_186 : memref<1x125xi32, #tpu.memory_space<vmem>>)
          tpu.yield
        }) : () -> ()
        %dma_start3A_145 = arith.constant 1 : i32
        %dma_start3A_146 = arith.constant 0 : i32
        %dma_start3A_147 = arith.constant 1 : i32
        %dma_start3A_148 = arith.constant 0 : i32
        %dma_start3A_149 = arith.constant 0 : i32
        %dma_start3A_150 = tpu.memref_slice %arg10[%dma_start3A_147, %dma_start3A_148, %dma_start3A_149] : memref<2x125x128xf32, #tpu.memory_space<vmem>> -> memref<1x125x128xf32, #tpu.memory_space<vmem>>
        %dma_start3A_151 = tpu.memref_squeeze %dma_start3A_150 : memref<1x125x128xf32, #tpu.memory_space<vmem>> -> memref<125x128xf32, #tpu.memory_space<vmem>>
        %dma_start3A_152 = arith.constant 0 : i32
        %dma_start3A_153 = tpu.memref_slice %arg8[%dma_start3A_145, %dma_start3A_146, %dma_start3A_152] : memref<2x1x125xi32, #tpu.memory_space<vmem>> -> memref<1x1x125xi32, #tpu.memory_space<vmem>>
        %dma_start3A_154 = tpu.memref_squeeze %dma_start3A_153 : memref<1x1x125xi32, #tpu.memory_space<vmem>> -> memref<125xi32, #tpu.memory_space<vmem>>
        %dma_start3A_155 = arith.constant 0 : i32
        %dma_start3A_156 = arith.constant 0 : i32
        %dma_start3A_157 = tpu.memref_slice %arg2[%dma_start3A_155, %dma_start3A_156] : memref<10000x128xf32, #tpu.memory_space<hbm>> -> memref<10000x128xf32, #tpu.memory_space<hbm>>
        tpu.enqueue_indirect_dma source(%dma_start3A_157 : memref<10000x128xf32, #tpu.memory_space<hbm>>) target(%dma_start3A_151 : memref<125x128xf32, #tpu.memory_space<vmem>>) offsets(%dma_start3A_154 : memref<125xi32, #tpu.memory_space<vmem>>) semaphore(%arg13 : memref<!tpu.dma_semaphore, #tpu.memory_space<semaphore_mem>>)
      } else {
      }
      %scan3A_134 = arith.constant 0 : i32
      scf.yield %scan3A_134 : i32
    }
    %scan3A_54 = arith.constant 20 : i32
    %barrier3A_55 = arith.constant 0 : index
    tpu.barrier barrier_id(%barrier3A_55)
    %lt3A_56 = arith.constant 10 : i32
    %lt3A_57 = arith.cmpi slt, %arg1, %lt3A_56 : i32
    %convert_element_type3A_58 = arith.extui %lt3A_57 : i1 to i32
    %cond3A_59 = arith.constant 0 : i32
    %cond3A_60 = arith.cmpi ne, %convert_element_type3A_58, %cond3A_59 : i32
    scf.if %cond3A_60 {
      %mul3A_61 = arith.constant 1000 : i32
      %mul3A_62 = arith.muli %arg1, %mul3A_61 : i32
      %mul3A_63 = arith.constant 1000 : i32
      %mul3A_64 = arith.muli %arg1, %mul3A_63 : i32
      "tpu.region"() ({
        %run_scoped3A_65 = tpu.sem_alloc : memref<!tpu.dma_semaphore, #tpu.memory_space<semaphore_mem>>
        %dma_start3A_66 = arith.constant 0 : i32
        %dma_start3A_67 = tpu.memref_slice %arg6[%arg0, %mul3A_64, %dma_start3A_66] : memref<2x10000x128xf32, #tpu.memory_space<hbm>> -> memref<1x1000x128xf32, #tpu.memory_space<hbm>>
        %dma_start3A_68 = tpu.memref_squeeze %dma_start3A_67 : memref<1x1000x128xf32, #tpu.memory_space<hbm>> -> memref<1000x128xf32, #tpu.memory_space<hbm>>
        %dma_start3A_69 = arith.constant 0 : i32
        %dma_start3A_70 = tpu.memref_slice %arg7[%mul3A_62, %dma_start3A_69] : memref<10000x128xf32, #tpu.memory_space<vmem_shared>> -> memref<1000x128xf32, #tpu.memory_space<vmem_shared>>
        tpu.enqueue_dma source(%dma_start3A_70 : memref<1000x128xf32, #tpu.memory_space<vmem_shared>>) target(%dma_start3A_68 : memref<1000x128xf32, #tpu.memory_space<hbm>>) target_semaphore(%run_scoped3A_65 : memref<!tpu.dma_semaphore, #tpu.memory_space<semaphore_mem>>)
        %dma_wait3A = arith.constant 0 : i32
        %dma_wait3A_71 = tpu.memref_slice %arg6[%arg0, %mul3A_64, %dma_wait3A] : memref<2x10000x128xf32, #tpu.memory_space<hbm>> -> memref<1x1000x128xf32, #tpu.memory_space<hbm>>
        %dma_wait3A_72 = tpu.memref_squeeze %dma_wait3A_71 : memref<1x1000x128xf32, #tpu.memory_space<hbm>> -> memref<1000x128xf32, #tpu.memory_space<hbm>>
        %dma_wait3A_73 = arith.constant 0 : i32
        %dma_wait3A_74 = tpu.memref_slice %arg7[%mul3A_62, %dma_wait3A_73] : memref<10000x128xf32, #tpu.memory_space<vmem_shared>> -> memref<1000x128xf32, #tpu.memory_space<vmem_shared>>
        tpu.wait_dma2 semaphore(%run_scoped3A_65 : memref<!tpu.dma_semaphore, #tpu.memory_space<semaphore_mem>>) src(%dma_wait3A_74 : memref<1000x128xf32, #tpu.memory_space<vmem_shared>>) dst(%dma_wait3A_72 : memref<1000x128xf32, #tpu.memory_space<hbm>>)
        tpu.yield
      }) : () -> ()
    } else {
    }
    return
  }
}

module attributes {stable_mosaic.version = 14 : i64} {
  func.func @_stage_a(%arg0: i32, %arg1: memref<2x1000x128xf32, #tpu.memory_space<vmem>>, %arg2: memref<1000x256xf32, #tpu.memory_space<vmem>>, %arg3: memref<2x1000x128xf32, #tpu.memory_space<vmem>>) attributes {dimension_semantics = [#tpu.dimension_semantics<arbitrary>], iteration_bounds = array<i64: 10>, scalar_prefetch = 0 : i64, scratch_operands = 0 : i64, tpu.core_type = #tpu.core_type<tc>, window_params = [{transform_indices = @transform_0, window_bounds = array<i64: 2, 1000, 128>}, {transform_indices = @transform_1, window_bounds = array<i64: 1000, 256>}, {transform_indices = @transform_2, window_bounds = array<i64: 2, 1000, 128>}]} {
    %get3A = arith.constant 0 : index
    %get3A_0 = arith.constant 0 : index
    %get3A_1 = arith.constant 0 : index
    %get3A_2 = vector.load %arg1[%get3A, %get3A_0, %get3A_1] : memref<2x1000x128xf32, #tpu.memory_space<vmem>>, vector<1x1000x128xf32>
    %get3A_3 = vector.shape_cast %get3A_2 : vector<1x1000x128xf32> to vector<1000x128xf32>
    %slice3A = vector.extract_strided_slice %get3A_3 {offsets = [0, 0], sizes = [1000, 1], strides = [1, 1]} : vector<1000x128xf32> to vector<1000x1xf32>
    %max3A = arith.constant 1.000000e+00 : f32
    %max3A_4 = vector.broadcast %max3A : f32 to vector<1000x1xf32>
    %max3A_5 = arith.maximumf %slice3A, %max3A_4 : vector<1000x1xf32>
    %rsqrt3A = math.rsqrt %max3A_5 : vector<1000x1xf32>
    %get3A_6 = arith.constant 0 : index
    %get3A_7 = arith.constant 0 : index
    %get3A_8 = vector.load %arg2[%get3A_6, %get3A_7] : memref<1000x256xf32, #tpu.memory_space<vmem>>, vector<1000x256xf32>
    %mul3A = vector.broadcast %rsqrt3A : vector<1000x1xf32> to vector<1000x256xf32>
    %mul3A_9 = arith.mulf %get3A_8, %mul3A : vector<1000x256xf32>
    %slice3A_10 = vector.extract_strided_slice %mul3A_9 {offsets = [0, 0], sizes = [1000, 128], strides = [1, 1]} : vector<1000x256xf32> to vector<1000x128xf32>
    %swap3A = arith.constant 0 : index
    %swap3A_11 = arith.constant 0 : index
    %swap3A_12 = arith.constant 0 : index
    %swap3A_13 = vector.load %arg3[%swap3A, %swap3A_11, %swap3A_12] : memref<2x1000x128xf32, #tpu.memory_space<vmem>>, vector<1x1000x128xf32>
    %swap3A_14 = vector.shape_cast %swap3A_13 : vector<1x1000x128xf32> to vector<1000x128xf32>
    %swap3A_15 = vector.shape_cast %slice3A_10 : vector<1000x128xf32> to vector<1x1000x128xf32>
    tpu.vector_store %arg3[%swap3A, %swap3A_11, %swap3A_12], %swap3A_15 {strides = array<i32>} : memref<2x1000x128xf32, #tpu.memory_space<vmem>>, vector<1x1000x128xf32>,
    %slice3A_16 = vector.extract_strided_slice %mul3A_9 {offsets = [0, 128], sizes = [1000, 128], strides = [1, 1]} : vector<1000x256xf32> to vector<1000x128xf32>
    %swap3A_17 = arith.constant 1 : index
    %swap3A_18 = arith.constant 0 : index
    %swap3A_19 = arith.constant 0 : index
    %swap3A_20 = vector.load %arg3[%swap3A_17, %swap3A_18, %swap3A_19] : memref<2x1000x128xf32, #tpu.memory_space<vmem>>, vector<1x1000x128xf32>
    %swap3A_21 = vector.shape_cast %swap3A_20 : vector<1x1000x128xf32> to vector<1000x128xf32>
    %swap3A_22 = vector.shape_cast %slice3A_16 : vector<1000x128xf32> to vector<1x1000x128xf32>
    tpu.vector_store %arg3[%swap3A_17, %swap3A_18, %swap3A_19], %swap3A_22 {strides = array<i32>} : memref<2x1000x128xf32, #tpu.memory_space<vmem>>, vector<1x1000x128xf32>,
    return
  }
  func.func @transform_0(%arg0: i32) -> (i32, i32, i32) {
    %c0_i32 = arith.constant 0 : i32
    %c0_i32_0 = arith.constant 0 : i32
    %c0_i32_1 = arith.constant 0 : i32
    return %c0_i32, %arg0, %c0_i32_0 : i32, i32, i32
  }
  func.func @transform_1(%arg0: i32) -> (i32, i32) {
    %c0_i32 = arith.constant 0 : i32
    %c0_i32_0 = arith.constant 0 : i32
    return %arg0, %c0_i32 : i32, i32
  }
  func.func @transform_2(%arg0: i32) -> (i32, i32, i32) {
    %c0_i32 = arith.constant 0 : i32
    %c0_i32_0 = arith.constant 0 : i32
    %c0_i32_1 = arith.constant 0 : i32
    return %c0_i32, %arg0, %c0_i32_0 : i32, i32, i32
  }
}

module attributes {stable_mosaic.version = 14 : i64} {
  func.func @wrapped(%arg0: i32, %arg1: memref<2x1000x128xf32, #tpu.memory_space<vmem>>, %arg2: memref<2x1000x128xf32, #tpu.memory_space<vmem>>, %arg3: memref<256x256xf32, #tpu.memory_space<vmem>>, %arg4: memref<1x256xf32, #tpu.memory_space<vmem>>, %arg5: memref<2x1000x128xf32, #tpu.memory_space<vmem>>) attributes {dimension_semantics = [#tpu.dimension_semantics<arbitrary>], iteration_bounds = array<i64: 10>, scalar_prefetch = 0 : i64, scratch_operands = 0 : i64, tpu.core_type = #tpu.core_type<tc>, window_params = [{transform_indices = @transform_0, window_bounds = array<i64: 2, 1000, 128>}, {transform_indices = @transform_1, window_bounds = array<i64: 2, 1000, 128>}, {pipeline_mode = #tpu.pipeline_mode<synchronous>, transform_indices = @transform_2, window_bounds = array<i64: 256, 256>}, {pipeline_mode = #tpu.pipeline_mode<synchronous>, transform_indices = @transform_3, window_bounds = array<i64: 1, 256>}, {transform_indices = @transform_4, window_bounds = array<i64: 2, 1000, 128>}]} {
    %get3A = arith.constant 0 : index
    %get3A_0 = arith.constant 0 : index
    %get3A_1 = arith.constant 0 : index
    %get3A_2 = vector.load %arg1[%get3A, %get3A_0, %get3A_1] : memref<2x1000x128xf32, #tpu.memory_space<vmem>>, vector<1x1000x128xf32>
    %get3A_3 = vector.shape_cast %get3A_2 : vector<1x1000x128xf32> to vector<1000x128xf32>
    %slice3A = vector.extract_strided_slice %get3A_3 {offsets = [0, 0], sizes = [1000, 1], strides = [1, 1]} : vector<1000x128xf32> to vector<1000x1xf32>
    %max3A = arith.constant 1.000000e+00 : f32
    %max3A_4 = vector.broadcast %max3A : f32 to vector<1000x1xf32>
    %max3A_5 = arith.maximumf %slice3A, %max3A_4 : vector<1000x1xf32>
    %rsqrt3A = math.rsqrt %max3A_5 : vector<1000x1xf32>
    %get3A_6 = arith.constant 1 : index
    %get3A_7 = arith.constant 0 : index
    %get3A_8 = arith.constant 0 : index
    %get3A_9 = vector.load %arg1[%get3A_6, %get3A_7, %get3A_8] : memref<2x1000x128xf32, #tpu.memory_space<vmem>>, vector<1x1000x128xf32>
    %get3A_10 = vector.shape_cast %get3A_9 : vector<1x1000x128xf32> to vector<1000x128xf32>
    %slice3A_11 = vector.extract_strided_slice %get3A_10 {offsets = [0, 0], sizes = [1000, 1], strides = [1, 1]} : vector<1000x128xf32> to vector<1000x1xf32>
    %max3A_12 = arith.constant 1.000000e+00 : f32
    %max3A_13 = vector.broadcast %max3A_12 : f32 to vector<1000x1xf32>
    %max3A_14 = arith.maximumf %slice3A_11, %max3A_13 : vector<1000x1xf32>
    %rsqrt3A_15 = math.rsqrt %max3A_14 : vector<1000x1xf32>
    %get3A_16 = arith.constant 0 : index
    %get3A_17 = arith.constant 0 : index
    %get3A_18 = arith.constant 0 : index
    %get3A_19 = vector.load %arg2[%get3A_16, %get3A_17, %get3A_18] : memref<2x1000x128xf32, #tpu.memory_space<vmem>>, vector<1x1000x128xf32>
    %get3A_20 = vector.shape_cast %get3A_19 : vector<1x1000x128xf32> to vector<1000x128xf32>
    %get3A_21 = arith.constant 0 : index
    %get3A_22 = arith.constant 0 : index
    %get3A_23 = vector.load %arg3[%get3A_21, %get3A_22] : memref<256x256xf32, #tpu.memory_space<vmem>>, vector<128x256xf32>
    %dot_general3A = arith.constant dense<0.000000e+00> : vector<1000x256xf32>
    %dot_general3A_24 = tpu.matmul %get3A_20, %get3A_23, %dot_general3A {dimension_numbers = #tpu.dot_dimension_numbers<[1], [0], [0], [1], [0, 0, 1, 1], [], []>, transpose_lhs_hint = false} : vector<1000x128xf32>, vector<128x256xf32>, vector<1000x256xf32> -> vector<1000x256xf32>
    %get3A_25 = arith.constant 1 : index
    %get3A_26 = arith.constant 0 : index
    %get3A_27 = arith.constant 0 : index
    %get3A_28 = vector.load %arg2[%get3A_25, %get3A_26, %get3A_27] : memref<2x1000x128xf32, #tpu.memory_space<vmem>>, vector<1x1000x128xf32>
    %get3A_29 = vector.shape_cast %get3A_28 : vector<1x1000x128xf32> to vector<1000x128xf32>
    %get3A_30 = arith.constant 128 : index
    %get3A_31 = arith.constant 0 : index
    %get3A_32 = vector.load %arg3[%get3A_30, %get3A_31] : memref<256x256xf32, #tpu.memory_space<vmem>>, vector<128x256xf32>
    %dot_general3A_33 = arith.constant dense<0.000000e+00> : vector<1000x256xf32>
    %dot_general3A_34 = tpu.matmul %get3A_29, %get3A_32, %dot_general3A_33 {dimension_numbers = #tpu.dot_dimension_numbers<[1], [0], [0], [1], [0, 0, 1, 1], [], []>, transpose_lhs_hint = false} : vector<1000x128xf32>, vector<128x256xf32>, vector<1000x256xf32> -> vector<1000x256xf32>
    %add3A = arith.addf %dot_general3A_24, %dot_general3A_34 : vector<1000x256xf32>
    %mul3A = vector.broadcast %rsqrt3A_15 : vector<1000x1xf32> to vector<1000x256xf32>
    %mul3A_35 = arith.mulf %add3A, %mul3A : vector<1000x256xf32>
    %get3A_36 = arith.constant 0 : index
    %get3A_37 = arith.constant 0 : index
    %get3A_38 = vector.load %arg4[%get3A_36, %get3A_37] : memref<1x256xf32, #tpu.memory_space<vmem>>, vector<1x256xf32>
    %add3A_39 = vector.broadcast %get3A_38 : vector<1x256xf32> to vector<1000x256xf32>
    %add3A_40 = arith.addf %mul3A_35, %add3A_39 : vector<1000x256xf32>
    %max3A_41 = arith.constant 0.000000e+00 : f32
    %max3A_42 = vector.broadcast %max3A_41 : f32 to vector<1000x256xf32>
    %max3A_43 = arith.maximumf %add3A_40, %max3A_42 : vector<1000x256xf32>
    %mul3A_44 = vector.broadcast %rsqrt3A : vector<1000x1xf32> to vector<1000x256xf32>
    %mul3A_45 = arith.mulf %max3A_43, %mul3A_44 : vector<1000x256xf32>
    %slice3A_46 = vector.extract_strided_slice %mul3A_45 {offsets = [0, 0], sizes = [1000, 128], strides = [1, 1]} : vector<1000x256xf32> to vector<1000x128xf32>
    %swap3A = arith.constant 0 : index
    %swap3A_47 = arith.constant 0 : index
    %swap3A_48 = arith.constant 0 : index
    %swap3A_49 = vector.load %arg5[%swap3A, %swap3A_47, %swap3A_48] : memref<2x1000x128xf32, #tpu.memory_space<vmem>>, vector<1x1000x128xf32>
    %swap3A_50 = vector.shape_cast %swap3A_49 : vector<1x1000x128xf32> to vector<1000x128xf32>
    %swap3A_51 = vector.shape_cast %slice3A_46 : vector<1000x128xf32> to vector<1x1000x128xf32>
    tpu.vector_store %arg5[%swap3A, %swap3A_47, %swap3A_48], %swap3A_51 {strides = array<i32>} : memref<2x1000x128xf32, #tpu.memory_space<vmem>>, vector<1x1000x128xf32>,
    %slice3A_52 = vector.extract_strided_slice %mul3A_45 {offsets = [0, 128], sizes = [1000, 128], strides = [1, 1]} : vector<1000x256xf32> to vector<1000x128xf32>
    %swap3A_53 = arith.constant 1 : index
    %swap3A_54 = arith.constant 0 : index
    %swap3A_55 = arith.constant 0 : index
    %swap3A_56 = vector.load %arg5[%swap3A_53, %swap3A_54, %swap3A_55] : memref<2x1000x128xf32, #tpu.memory_space<vmem>>, vector<1x1000x128xf32>
    %swap3A_57 = vector.shape_cast %swap3A_56 : vector<1x1000x128xf32> to vector<1000x128xf32>
    %swap3A_58 = vector.shape_cast %slice3A_52 : vector<1000x128xf32> to vector<1x1000x128xf32>
    tpu.vector_store %arg5[%swap3A_53, %swap3A_54, %swap3A_55], %swap3A_58 {strides = array<i32>} : memref<2x1000x128xf32, #tpu.memory_space<vmem>>, vector<1x1000x128xf32>,
    return
  }
  func.func @transform_0(%arg0: i32) -> (i32, i32, i32) {
    %c0_i32 = arith.constant 0 : i32
    %c0_i32_0 = arith.constant 0 : i32
    %c0_i32_1 = arith.constant 0 : i32
    return %c0_i32, %arg0, %c0_i32_0 : i32, i32, i32
  }
  func.func @transform_1(%arg0: i32) -> (i32, i32, i32) {
    %c0_i32 = arith.constant 0 : i32
    %c0_i32_0 = arith.constant 0 : i32
    %c0_i32_1 = arith.constant 0 : i32
    return %c0_i32, %arg0, %c0_i32_0 : i32, i32, i32
  }
  func.func @transform_2(%arg0: i32) -> (i32, i32) {
    %c0_i32 = arith.constant 0 : i32
    %c0_i32_0 = arith.constant 0 : i32
    %c0_i32_1 = arith.constant 0 : i32
    return %c0_i32, %c0_i32_0 : i32, i32
  }
  func.func @transform_3(%arg0: i32) -> (i32, i32) {
    %c0_i32 = arith.constant 0 : i32
    %c0_i32_0 = arith.constant 0 : i32
    %c0_i32_1 = arith.constant 0 : i32
    return %c0_i32, %c0_i32_0 : i32, i32
  }
  func.func @transform_4(%arg0: i32) -> (i32, i32, i32) {
    %c0_i32 = arith.constant 0 : i32
    %c0_i32_0 = arith.constant 0 : i32
    %c0_i32_1 = arith.constant 0 : i32
    return %c0_i32, %arg0, %c0_i32_0 : i32, i32, i32
  }
}

module attributes {stable_mosaic.version = 14 : i64} {
  func.func @_stage_bc(%arg0: i32, %arg1: memref<2x1000x128xf32, #tpu.memory_space<vmem>>, %arg2: memref<2x1000x128xf32, #tpu.memory_space<vmem>>, %arg3: memref<256x256xf32, #tpu.memory_space<vmem>>, %arg4: memref<1x256xf32, #tpu.memory_space<vmem>>, %arg5: memref<256x128xf32, #tpu.memory_space<vmem>>, %arg6: memref<1000x128xf32, #tpu.memory_space<vmem>>) attributes {dimension_semantics = [#tpu.dimension_semantics<arbitrary>], iteration_bounds = array<i64: 10>, scalar_prefetch = 0 : i64, scratch_operands = 0 : i64, tpu.core_type = #tpu.core_type<tc>, window_params = [{transform_indices = @transform_0, window_bounds = array<i64: 2, 1000, 128>}, {transform_indices = @transform_1, window_bounds = array<i64: 2, 1000, 128>}, {pipeline_mode = #tpu.pipeline_mode<synchronous>, transform_indices = @transform_2, window_bounds = array<i64: 256, 256>}, {pipeline_mode = #tpu.pipeline_mode<synchronous>, transform_indices = @transform_3, window_bounds = array<i64: 1, 256>}, {pipeline_mode = #tpu.pipeline_mode<synchronous>, transform_indices = @transform_4, window_bounds = array<i64: 256, 128>}, {transform_indices = @transform_5, window_bounds = array<i64: 1000, 128>}]} {
    %get3A = arith.constant 0 : index
    %get3A_0 = arith.constant 0 : index
    %get3A_1 = arith.constant 0 : index
    %get3A_2 = vector.load %arg1[%get3A, %get3A_0, %get3A_1] : memref<2x1000x128xf32, #tpu.memory_space<vmem>>, vector<1x1000x128xf32>
    %get3A_3 = vector.shape_cast %get3A_2 : vector<1x1000x128xf32> to vector<1000x128xf32>
    %slice3A = vector.extract_strided_slice %get3A_3 {offsets = [0, 0], sizes = [1000, 1], strides = [1, 1]} : vector<1000x128xf32> to vector<1000x1xf32>
    %max3A = arith.constant 1.000000e+00 : f32
    %max3A_4 = vector.broadcast %max3A : f32 to vector<1000x1xf32>
    %max3A_5 = arith.maximumf %slice3A, %max3A_4 : vector<1000x1xf32>
    %rsqrt3A = math.rsqrt %max3A_5 : vector<1000x1xf32>
    %get3A_6 = arith.constant 1 : index
    %get3A_7 = arith.constant 0 : index
    %get3A_8 = arith.constant 0 : index
    %get3A_9 = vector.load %arg1[%get3A_6, %get3A_7, %get3A_8] : memref<2x1000x128xf32, #tpu.memory_space<vmem>>, vector<1x1000x128xf32>
    %get3A_10 = vector.shape_cast %get3A_9 : vector<1x1000x128xf32> to vector<1000x128xf32>
    %slice3A_11 = vector.extract_strided_slice %get3A_10 {offsets = [0, 0], sizes = [1000, 1], strides = [1, 1]} : vector<1000x128xf32> to vector<1000x1xf32>
    %max3A_12 = arith.constant 1.000000e+00 : f32
    %max3A_13 = vector.broadcast %max3A_12 : f32 to vector<1000x1xf32>
    %max3A_14 = arith.maximumf %slice3A_11, %max3A_13 : vector<1000x1xf32>
    %rsqrt3A_15 = math.rsqrt %max3A_14 : vector<1000x1xf32>
    %get3A_16 = arith.constant 0 : index
    %get3A_17 = arith.constant 0 : index
    %get3A_18 = arith.constant 0 : index
    %get3A_19 = vector.load %arg2[%get3A_16, %get3A_17, %get3A_18] : memref<2x1000x128xf32, #tpu.memory_space<vmem>>, vector<1x1000x128xf32>
    %get3A_20 = vector.shape_cast %get3A_19 : vector<1x1000x128xf32> to vector<1000x128xf32>
    %get3A_21 = arith.constant 0 : index
    %get3A_22 = arith.constant 0 : index
    %get3A_23 = vector.load %arg3[%get3A_21, %get3A_22] : memref<256x256xf32, #tpu.memory_space<vmem>>, vector<128x256xf32>
    %dot_general3A = arith.constant dense<0.000000e+00> : vector<1000x256xf32>
    %dot_general3A_24 = tpu.matmul %get3A_20, %get3A_23, %dot_general3A {dimension_numbers = #tpu.dot_dimension_numbers<[1], [0], [0], [1], [0, 0, 1, 1], [], []>, transpose_lhs_hint = false} : vector<1000x128xf32>, vector<128x256xf32>, vector<1000x256xf32> -> vector<1000x256xf32>
    %get3A_25 = arith.constant 1 : index
    %get3A_26 = arith.constant 0 : index
    %get3A_27 = arith.constant 0 : index
    %get3A_28 = vector.load %arg2[%get3A_25, %get3A_26, %get3A_27] : memref<2x1000x128xf32, #tpu.memory_space<vmem>>, vector<1x1000x128xf32>
    %get3A_29 = vector.shape_cast %get3A_28 : vector<1x1000x128xf32> to vector<1000x128xf32>
    %get3A_30 = arith.constant 128 : index
    %get3A_31 = arith.constant 0 : index
    %get3A_32 = vector.load %arg3[%get3A_30, %get3A_31] : memref<256x256xf32, #tpu.memory_space<vmem>>, vector<128x256xf32>
    %dot_general3A_33 = arith.constant dense<0.000000e+00> : vector<1000x256xf32>
    %dot_general3A_34 = tpu.matmul %get3A_29, %get3A_32, %dot_general3A_33 {dimension_numbers = #tpu.dot_dimension_numbers<[1], [0], [0], [1], [0, 0, 1, 1], [], []>, transpose_lhs_hint = false} : vector<1000x128xf32>, vector<128x256xf32>, vector<1000x256xf32> -> vector<1000x256xf32>
    %add3A = arith.addf %dot_general3A_24, %dot_general3A_34 : vector<1000x256xf32>
    %mul3A = vector.broadcast %rsqrt3A_15 : vector<1000x1xf32> to vector<1000x256xf32>
    %mul3A_35 = arith.mulf %add3A, %mul3A : vector<1000x256xf32>
    %get3A_36 = arith.constant 0 : index
    %get3A_37 = arith.constant 0 : index
    %get3A_38 = vector.load %arg4[%get3A_36, %get3A_37] : memref<1x256xf32, #tpu.memory_space<vmem>>, vector<1x256xf32>
    %add3A_39 = vector.broadcast %get3A_38 : vector<1x256xf32> to vector<1000x256xf32>
    %add3A_40 = arith.addf %mul3A_35, %add3A_39 : vector<1000x256xf32>
    %max3A_41 = arith.constant 0.000000e+00 : f32
    %max3A_42 = vector.broadcast %max3A_41 : f32 to vector<1000x256xf32>
    %max3A_43 = arith.maximumf %add3A_40, %max3A_42 : vector<1000x256xf32>
    %mul3A_44 = vector.broadcast %rsqrt3A : vector<1000x1xf32> to vector<1000x256xf32>
    %mul3A_45 = arith.mulf %max3A_43, %mul3A_44 : vector<1000x256xf32>
    %get3A_46 = arith.constant 0 : index
    %get3A_47 = arith.constant 0 : index
    %get3A_48 = vector.load %arg5[%get3A_46, %get3A_47] : memref<256x128xf32, #tpu.memory_space<vmem>>, vector<256x128xf32>
    %dot_general3A_49 = arith.constant dense<0.000000e+00> : vector<1000x128xf32>
    %dot_general3A_50 = tpu.matmul %mul3A_45, %get3A_48, %dot_general3A_49 {dimension_numbers = #tpu.dot_dimension_numbers<[1], [0], [0], [1], [0, 0, 1, 1], [], []>, transpose_lhs_hint = false} : vector<1000x256xf32>, vector<256x128xf32>, vector<1000x128xf32> -> vector<1000x128xf32>
    %swap3A = arith.constant 0 : index
    %swap3A_51 = arith.constant 0 : index
    %swap3A_52 = vector.load %arg6[%swap3A, %swap3A_51] : memref<1000x128xf32, #tpu.memory_space<vmem>>, vector<1000x128xf32>
    tpu.vector_store %arg6[%swap3A, %swap3A_51], %dot_general3A_50 {strides = array<i32>} : memref<1000x128xf32, #tpu.memory_space<vmem>>, vector<1000x128xf32>,
    return
  }
  func.func @transform_0(%arg0: i32) -> (i32, i32, i32) {
    %c0_i32 = arith.constant 0 : i32
    %c0_i32_0 = arith.constant 0 : i32
    %c0_i32_1 = arith.constant 0 : i32
    return %c0_i32, %arg0, %c0_i32_0 : i32, i32, i32
  }
  func.func @transform_1(%arg0: i32) -> (i32, i32, i32) {
    %c0_i32 = arith.constant 0 : i32
    %c0_i32_0 = arith.constant 0 : i32
    %c0_i32_1 = arith.constant 0 : i32
    return %c0_i32, %arg0, %c0_i32_0 : i32, i32, i32
  }
  func.func @transform_2(%arg0: i32) -> (i32, i32) {
    %c0_i32 = arith.constant 0 : i32
    %c0_i32_0 = arith.constant 0 : i32
    %c0_i32_1 = arith.constant 0 : i32
    return %c0_i32, %c0_i32_0 : i32, i32
  }
  func.func @transform_3(%arg0: i32) -> (i32, i32) {
    %c0_i32 = arith.constant 0 : i32
    %c0_i32_0 = arith.constant 0 : i32
    %c0_i32_1 = arith.constant 0 : i32
    return %c0_i32, %c0_i32_0 : i32, i32
  }
  func.func @transform_4(%arg0: i32) -> (i32, i32) {
    %c0_i32 = arith.constant 0 : i32
    %c0_i32_0 = arith.constant 0 : i32
    %c0_i32_1 = arith.constant 0 : i32
    return %c0_i32, %c0_i32_0 : i32, i32
  }
  func.func @transform_5(%arg0: i32) -> (i32, i32) {
    %c0_i32 = arith.constant 0 : i32
    %c0_i32_0 = arith.constant 0 : i32
    return %arg0, %c0_i32 : i32, i32
  }
}

module attributes {stable_mosaic.version = 14 : i64} {
  func.func @_stage_d(%arg0: i32, %arg1: memref<2x1000x128xf32, #tpu.memory_space<vmem>>, %arg2: memref<2x1000x128xf32, #tpu.memory_space<vmem>>, %arg3: memref<1x64xf32, #tpu.memory_space<vmem>>, %arg4: memref<1000x64xf32, #tpu.memory_space<vmem>>) attributes {dimension_semantics = [#tpu.dimension_semantics<arbitrary>], iteration_bounds = array<i64: 10>, scalar_prefetch = 0 : i64, scratch_operands = 0 : i64, tpu.core_type = #tpu.core_type<tc>, window_params = [{transform_indices = @transform_0, window_bounds = array<i64: 2, 1000, 128>}, {transform_indices = @transform_1, window_bounds = array<i64: 2, 1000, 128>}, {pipeline_mode = #tpu.pipeline_mode<synchronous>, transform_indices = @transform_2, window_bounds = array<i64: 1, 64>}, {transform_indices = @transform_3, window_bounds = array<i64: 1000, 64>}]} {
    %get3A = arith.constant 1 : index
    %get3A_0 = arith.constant 0 : index
    %get3A_1 = arith.constant 0 : index
    %get3A_2 = vector.load %arg1[%get3A, %get3A_0, %get3A_1] : memref<2x1000x128xf32, #tpu.memory_space<vmem>>, vector<1x1000x128xf32>
    %get3A_3 = vector.shape_cast %get3A_2 : vector<1x1000x128xf32> to vector<1000x128xf32>
    %slice3A = vector.extract_strided_slice %get3A_3 {offsets = [0, 0], sizes = [1000, 1], strides = [1, 1]} : vector<1000x128xf32> to vector<1000x1xf32>
    %max3A = arith.constant 1.000000e+00 : f32
    %max3A_4 = vector.broadcast %max3A : f32 to vector<1000x1xf32>
    %max3A_5 = arith.maximumf %slice3A, %max3A_4 : vector<1000x1xf32>
    %rsqrt3A = math.rsqrt %max3A_5 : vector<1000x1xf32>
    %get3A_6 = arith.constant 0 : index
    %get3A_7 = arith.constant 0 : index
    %get3A_8 = arith.constant 0 : index
    %get3A_9 = vector.load %arg2[%get3A_6, %get3A_7, %get3A_8] : memref<2x1000x128xf32, #tpu.memory_space<vmem>>, vector<1x1000x128xf32>
    %get3A_10 = vector.shape_cast %get3A_9 : vector<1x1000x128xf32> to vector<1000x128xf32>
    %get3A_11 = arith.constant 1 : index
    %get3A_12 = arith.constant 0 : index
    %get3A_13 = arith.constant 0 : index
    %get3A_14 = vector.load %arg2[%get3A_11, %get3A_12, %get3A_13] : memref<2x1000x128xf32, #tpu.memory_space<vmem>>, vector<1x1000x128xf32>
    %get3A_15 = vector.shape_cast %get3A_14 : vector<1x1000x128xf32> to vector<1000x128xf32>
    %add3A = arith.addf %get3A_10, %get3A_15 : vector<1000x128xf32>
    %slice3A_16 = vector.extract_strided_slice %add3A {offsets = [0, 0], sizes = [1000, 64], strides = [1, 1]} : vector<1000x128xf32> to vector<1000x64xf32>
    %mul3A = vector.broadcast %rsqrt3A : vector<1000x1xf32> to vector<1000x64xf32>
    %mul3A_17 = arith.mulf %slice3A_16, %mul3A : vector<1000x64xf32>
    %get3A_18 = arith.constant 0 : index
    %get3A_19 = arith.constant 0 : index
    %get3A_20 = vector.load %arg3[%get3A_18, %get3A_19] : memref<1x64xf32, #tpu.memory_space<vmem>>, vector<1x64xf32>
    %add3A_21 = vector.broadcast %get3A_20 : vector<1x64xf32> to vector<1000x64xf32>
    %add3A_22 = arith.addf %mul3A_17, %add3A_21 : vector<1000x64xf32>
    %swap3A = arith.constant 0 : index
    %swap3A_23 = arith.constant 0 : index
    %swap3A_24 = vector.load %arg4[%swap3A, %swap3A_23] : memref<1000x64xf32, #tpu.memory_space<vmem>>, vector<1000x64xf32>
    tpu.vector_store %arg4[%swap3A, %swap3A_23], %add3A_22 {strides = array<i32>} : memref<1000x64xf32, #tpu.memory_space<vmem>>, vector<1000x64xf32>,
    return
  }
  func.func @transform_0(%arg0: i32) -> (i32, i32, i32) {
    %c0_i32 = arith.constant 0 : i32
    %c0_i32_0 = arith.constant 0 : i32
    %c0_i32_1 = arith.constant 0 : i32
    return %c0_i32, %arg0, %c0_i32_0 : i32, i32, i32
  }
  func.func @transform_1(%arg0: i32) -> (i32, i32, i32) {
    %c0_i32 = arith.constant 0 : i32
    %c0_i32_0 = arith.constant 0 : i32
    %c0_i32_1 = arith.constant 0 : i32
    return %c0_i32, %arg0, %c0_i32_0 : i32, i32, i32
  }
  func.func @transform_2(%arg0: i32) -> (i32, i32) {
    %c0_i32 = arith.constant 0 : i32
    %c0_i32_0 = arith.constant 0 : i32
    %c0_i32_1 = arith.constant 0 : i32
    return %c0_i32, %c0_i32_0 : i32, i32
  }
  func.func @transform_3(%arg0: i32) -> (i32, i32) {
    %c0_i32 = arith.constant 0 : i32
    %c0_i32_0 = arith.constant 0 : i32
    return %arg0, %c0_i32 : i32, i32
  }
}

</mosaic_0001>

<sc_bundles>
// kernel: kernel.10.cloned.1.call-start
scs
__scs_entry_jumppad:
0x0: {  	(pc) =	sbr.rel $0x88, $3  }
0x1: {  	(tag) =	ssettag $0x0;
	lr =	simm.s32 $0x1  }
0x2: {  	[smem:$0x3F99] =	sst lr;
	_ =	strace $0xD0000000  }
0x3: {  	_ = 	snop  }
0x4: {  	_ = 	snop  }
0x5: {  	_ = 	snop  }
0x6: {  	_ = 	snop  }
0x7: {  	_ = 	snop  }
__scs_overlays_trampoline_lowered:
0x8: {  	[smem:$0x3FA8] =	sst s0  }
0x9: {  	[smem:$0x3FA9] =	sst s1  }
0xa: {  	[smem:$0x3FAA] =	sst s2  }
0xb: {  	[smem:$0x3FAB] =	sst s3  }
0xc: {  	[smem:$0x3FAC] =	sst s4  }
0xd: {  	[smem:$0x3FAD] =	sst s5  }
0xe: {  	[smem:$0x3FAE] =	sst s6  }
0xf: {  	[smem:$0x3FAF] =	sst s7  }
0x10: {  	[smem:$0x3FB0] =	sst s8  }
0x11: {  	[smem:$0x3FB1] =	sst s9;
	s0 =	simm.s32 @!p0 $0x0  }
0x12: {  	s1 =	sld [smem:$0x3F97];
	s0 =	simm.s32 @p0 $0x1  }
0x13: {  	[smem:$0x3FB2] =	sst s0;
	s0 =	simm.s32 @!p1 $0x0  }
0x14: {  	s2 =	sld [smem:$0x3F96];
	s0 =	simm.s32 @p1 $0x1  }
0x15: {  	[smem:$0x3FB3] =	sst s0;
	s0 =	simm.s32 @!p2 $0x0  }
0x16: {  	s3 =	sld [smem:$0x3FDB];
	s0 =	simm.s32 @p2 $0x1  }
0x17: {  	s4 =	simm.s32 $0x1BF5;
	[smem:$0x3FB5] =	sst s0  }
0x18: {  	s0 =	sld [smem:$0x3F98];
	_ =	swait.ge [sflag:s4], $0x0  }
0x19: {  	s7 =	sld [smem:$0x3F99]  }
0x1a: {  	s8 =	sadd.s32 $0xFFFFE003, lr  }
0x1b: {  	s9 =	sadd.s32 $0xFFFFFEF7, lr;
	s5 =	simm.s32 $0xFFFFFFFF;
	p2 =	slt.u32 s8, $0xFFFFF086  }
0x1c: {  	p1 =	slt.u32 s9, $0xF7A;
	s5 =	simm.s32 @!p2 $0x0  }
0x1d: {  	s5 =	simm.s32 @p1 $0x1;
	p0 =	seq.s32 s7, s2  }
0x1e: {  	s7 =	smul.u32 @!p0 $0xF7A, s2;
	p2 =	seq.s32 @!p0 s5, $0x0  }
0x1f: {  	s9 =	smul.u32 $0xF7A, s1;
	s8 =	simm.s32 @!p0 $0x1BF5;
	p2 =	por !p2, p0  }
0x20: {  	[sflag:s8] =	ssyncset.s32 @!p0 $0xFFFFF086;
	s6 =	sadd.s32 @!p0 s3, s7;
	s7 =	simm.s32 @!p0 $0x108  }
0x21: {  	s3 =	sadd.s32 s3, s9;
	s6 =	sadd.s32 @!p0 $0x88, s6;
	s7 =	simm.s32 @p2 $0x1082  }
0x22: {  	[simem:s7], [sflag:s8] =	dma.local @!p0 [hbm:s6], $0xF7A  }
0x23: {  	s9 =	sor.u32 $0xD0000000, s2;
	s6 =	simm.s32 $0x108;
	_ =	swait.ge @!p0 [sflag:s8], $0x0  }
0x24: {  	s3 =	sadd.s32 $0x88, s3;
	s6 =	simm.s32 @!p1 $0x1082;
	[sflag:s4] =	ssyncset.s32 $0xFFFFF086  }
0x25: {  	[simem:s6], [sflag:s4] =	dma.local [hbm:s3], $0xF7A  }
0x26: {  	[smem:$0x3F99] =	sst s1;
	(tag) =	ssettag s2;
	_ =	strace s9  }
0x27: {  	s1 =	sld [smem:$0x3FA9]  }
0x28: {  	s2 =	sld [smem:$0x3FAA]  }
0x29: {  	s4 =	sld [smem:$0x3FAC]  }
0x2a: {  	p0 =	seq.s32 s5, $0x0;
	s5 =	sld [smem:$0x3FAD]  }
0x2b: {  	s6 =	sld [smem:$0x3FAE]  }
0x2c: {  	s7 =	sld [smem:$0x3FAF]  }
0x2d: {  	s3 =	simm.s32 $0x108;
	s8 =	sld [smem:$0x3FB0]  }
0x2e: {  	s3 =	simm.s32 @!p0 $0x1082;
	s9 =	sld [smem:$0x3FB1]  }
0x2f: {  	lr =	sadd.s32 s0, s3;
	s0 =	sld [smem:$0x3FA8]  }
0x30: {  	s3 =	sld [smem:$0x3FAB]  }
0x31: {  	[smem:$0x3FB4] =	sst s10  }
0x32: {  	s10 =	sld [smem:$0x3FB2];
	_ =	sdelay $0x3  }
0x33: {  	p0 =	seq.s32 s10, $0x1;
	s10 =	sld [smem:$0x3FB4];
	_ =	sdelay $0x3  }
0x34: {  	[smem:$0x3FB4] =	sst s10  }
0x35: {  	s10 =	sld [smem:$0x3FB3];
	_ =	sdelay $0x3  }
0x36: {  	p1 =	seq.s32 s10, $0x1;
	s10 =	sld [smem:$0x3FB4];
	_ =	sdelay $0x3  }
0x37: {  	[smem:$0x3FB4] =	sst s10  }
0x38: {  	s10 =	sld [smem:$0x3FB5]  }
0x39: {  	_ = 	snop;
	(pc) =	sbr.ind lr, $3  }
0x3a: {  	_ = 	snop  }
0x3b: {  	_ = 	snop  }
0x3c: {  	p2 =	seq.s32 s10, $0x1;
	s10 =	sld [smem:$0x3FB4]  }
0x3d: {  	_ =	shalt  }
0x3e: {  	_ =	shalt  }
0x3f: {  	_ =	shalt  }
0x40: {  	_ =	shalt  }
0x41: {  	_ =	shalt  }
0x42: {  	_ =	shalt  }
0x43: {  	_ =	shalt  }
0x44: {  	_ =	shalt  }
0x45: {  	_ =	shalt  }
0x46: {  	_ =	shalt  }
0x47: {  	_ =	shalt  }
0x48: {  	_ =	shalt  }
0x49: {  	_ =	shalt  }
0x4a: {  	_ =	shalt  }
0x4b: {  	_ =	shalt  }
0x4c: {  	_ =	shalt  }
0x4d: {  	_ =	shalt  }
0x4e: {  	_ =	shalt  }
0x4f: {  	_ =	shalt  }
0x50: {  	_ =	shalt  }
0x51: {  	_ =	shalt  }
0x52: {  	_ =	shalt  }
0x53: {  	_ =	shalt  }
0x54: {  	_ =	shalt  }
0x55: {  	_ =	shalt  }
0x56: {  	_ =	shalt  }
0x57: {  	_ =	shalt  }
0x58: {  	_ =	shalt  }
0x59: {  	_ =	shalt  }
0x5a: {  	_ =	shalt  }
0x5b: {  	_ =	shalt  }
0x5c: {  	_ =	shalt  }
0x5d: {  	_ =	shalt  }
0x5e: {  	_ =	shalt  }
0x5f: {  	_ =	shalt  }
0x60: {  	_ =	shalt  }
0x61: {  	_ =	shalt  }
0x62: {  	_ =	shalt  }
0x63: {  	_ =	shalt  }
0x64: {  	_ =	shalt  }
0x65: {  	_ =	shalt  }
0x66: {  	_ =	shalt  }
0x67: {  	_ =	shalt  }
0x68: {  	_ =	shalt  }
0x69: {  	_ =	shalt  }
0x6a: {  	_ =	shalt  }
0x6b: {  	_ =	shalt  }
0x6c: {  	_ =	shalt  }
0x6d: {  	_ =	shalt  }
0x6e: {  	_ =	shalt  }
0x6f: {  	_ =	shalt  }
0x70: {  	_ =	shalt  }
0x71: {  	_ =	shalt  }
0x72: {  	_ =	shalt  }
0x73: {  	_ =	shalt  }
0x74: {  	_ =	shalt  }
0x75: {  	_ =	shalt  }
0x76: {  	_ =	shalt  }
0x77: {  	_ =	shalt  }
0x78: {  	_ =	shalt  }
0x79: {  	_ =	shalt  }
0x7a: {  	_ =	shalt  }
0x7b: {  	_ =	shalt  }
0x7c: {  	_ =	shalt  }
0x7d: {  	_ =	shalt  }
0x7e: {  	_ =	shalt  }
0x7f: {  	_ =	shalt  }
0x80: {  	_ =	shalt  }
0x81: {  	_ =	shalt  }
0x82: {  	_ =	shalt  }
0x83: {  	_ =	shalt  }
0x84: {  	_ =	shalt  }
0x85: {  	_ =	shalt  }
0x86: {  	_ =	shalt  }
0x87: {  	_ =	shalt  }
.Lfunc_end0:
.L_simem_size_0:
called_computation_lowered:
.L_overlay_start_0:
0x88: {  	s2 =	sld [smem:$0x3FD9]  }
0x89: {  	s3 =	sld [smem:$0x3FFE];
	_ =	sdelay $0x1  }
0x8a: {  	s1 =	srdreg.scid  }
0x8b: {  	s0 =	sand.u32 $0x1, s1  }
0x8c: {  	s17 =	sshll.u32 s0, $0xA;
	s2 =	sadd.s32 s3, s2  }
0x8d: {  	s2 =	sadd.s32 s2, s17  }
0x8e: {  	[smem:$0x3FC0] =	sst s2  }
0x8f: {  	_ = 	snop  }
0x90: {  	s2 =	sld [smem:$0x3FD0];
	(tm) =	ssettm $0x1  }
0x91: {  	s18 =	sld [smem:$0x3FFB];
	_ =	sdelay $0x3  }
0x92: {  	_ =	strace s18  }
0x93: {  	s3 =	sld [smem:$0x3FFC];
	_ =	sdelay $0x3  }
0x94: {  	_ =	strace s3  }
0x95: {  	s3 =	sld [smem:$0x3FFD];
	_ =	sdelay $0x3  }
0x96: {  	_ =	strace s3  }
0x97: {  	_ =	strace $0x8FFFFFFF  }
0x98: {  	s19 =	sld [smem:$0x3FDB];
	_ =	sdelay $0x1  }
0x99: {  	s4 =	simm.s32 $_scs_section_size  }
0x9a: {  	s5 =	simm.s32 $_size__tile_overlayer_lowered;
	s6 =	simm.s32 $_tile_overlayer_lowered  }
0x9b: {  	s22 =	simm.s32 $0x1BFF;
	s21 =	sshll.u32 s6, $0x1;
	s3 =	sadd.s32 s4, s19  }
0x9c: {  	s7 =	simm.s32 $0x0;
	s20 =	sshll.u32 s5, $0x1;
	s5 =	sadd.s32 s21, s3  }
0x9d: {  	[timem:s7], [sflag:s22] =	dma.local [hbm:s5], s20  }
0x9e: {  	_ =	swait.ge [sflag:s22], s20  }
0x9f: {  	s4 =	ssub.s32 $0x0, s20;
	[sflag:s22] =	ssyncset.done $0x0  }
0xa0: {  	[sflag:s22] =	ssyncadd.s32 s4;
	_ =	sdelay $0x1  }
0xa1: {  	s23 =	simm.s32 $0x1B8B  }
0xa2: {  	_ =	swait.ge [sflag:s23], $0x1  }
0xa3: {  	[sflag:s23] =	ssyncset.done $0x0  }
0xa4: {  	s25 =	simm.s32 $0x1B8E;
	s24 =	sld [smem:$0x3FFE];
	[sflag:s23] =	ssyncadd.s32 $0xFFFFFFFF  }
0xa5: {  	s26 =	simm.s32 $execute0_lowered;
	[smem:$0x3FD2] =	sst s25  }
0xa6: {  	s5 =	sshll.u32 s26, $0x1;
	_ =	strace $0x80000046;
	[dreg:$0x1] =	wrdreg $0xFFFFFFFF  }
0xa7: {  	s28 =	simm.s32 $_size_execute0_lowered;
	s3 =	sadd.s32 s3, s5;
	[dreg:$0x0] =	wrdreg $0x0  }
0xa8: {  	s5 =	sshll.u32 s28, $0x1;
	[dreg:$0x2] =	wrdreg s3  }
0xa9: {  	[dreg:$0x3] =	wrdreg s5  }
0xaa: {  	[dreg:$0x4] =	wrdreg $0xC0  }
0xab: {  	_ =	task [dreg:s7], $0x5FFFF  }
0xac: {  	[dreg:$0x1] =	wrdreg $0xFFFFFFFF  }
0xad: {  	[dreg:$0x0] =	wrdreg $0x60  }
0xae: {  	[dreg:$0x2] =	wrdreg s2  }
0xaf: {  	[dreg:$0x3] =	wrdreg s24  }
0xb0: {  	[dreg:$0x4] =	wrdreg $0x0  }
0xb1: {  	[dreg:$0x5] =	wrdreg $0x9  }
0xb2: {  	_ =	task.clear_ibuf [dreg:s7], $0x6FFFF;
	_ =	strace $0x90000046  }
0xb3: {  	s29 =	simm.s32 $0x9;
	_ =	strace $0x80000048  }
0xb4: {  	_ =	swait.ge [sflag:s29], $0x1  }
0xb5: {  	[sflag:s29] =	ssyncadd.s32 $0xFFFFFFFF  }
0xb6: {  	_ =	strace $0x90000048  }
0xb7: {  	_ =	sfence  }
0xb8: {  	s30 =	sld [smem:$0x0];
	_ =	sdelay $0x2  }
0xb9: {  	s31 =	sshll.u32 s1, $0xD;
	s1 =	sshrl.u32 s1, $0x2  }
0xba: {  	s3 =	sand.u32 $0x4000, s31;
	s1 =	sadd.s32 s1, s30  }
0xbb: {  	s0 =	sor.u32 s3, s0;
	s1 =	sshll.u32 s1, $0x11  }
0xbc: {  	s0 =	sor.u32 s1, s0  }
0xbd: {  	s0 =	sadd.s32 $0x8F2B, s0  }
0xbe: {  	[sflag:s0] =	ssyncadd.remote.s32 $0x1  }
0xbf: {  	_ =	sfence.sel $0xFFFF  }
0xc0: {  	[dreg:$0x0] =	wrdreg $0xFFFFFFFF;
	(pc) =	sbr.abs _section_cstart, $3  }
0xc1: {  	[dreg:$0x1] =	wrdreg $0xFFFFFFFF  }
0xc2: {  	_ =	task.clear_ibuf [dreg:s7], $0x2FFFF;
	_ =	strace $0x9FFFFFFF  }
0xc3: {  	(tm) =	ssettm $0x7FFFFFFF  }
tec
execute0_lowered:
.L_overlay_start_1:
0x0: {  	(tag) =	ssettag $0x1  }
0x1: {  	s8 =	rddreg [dreg:$0x0]  }
0x2: {  	s0 =	srdreg.scid;
	s4 =	rddreg [dreg:$0x1]  }
0x3: {  	s2 =	rddreg [dreg:$0x2];
	s5 =	sand.u32 $0x1, s0  }
0x4: {  	s0 =	stileid.u32;
	s6 =	smul.u32 $0x138800, s5  }
0x5: {  	s1 =	rddreg [dreg:$0x3];
	s3 =	simm.s32 $0x0;
	s7 =	smul.u32 $0x1F400, s0  }
0x6: {  	s12 =	simm.s32 $0x13880;
	s13 =	simm.s32 $0x7D;
	s9 =	smul.u32 $0x500, s5  }
0x7: {  	s14 =	simm.s32 $0x13980;
	s15 =	simm.s32 $0x13900;
	s26 =	smul.u32 $0x50, s0  }
0x8: {  	s16 =	simm.s32 $0x1;
	s17 =	simm.s32 $0x2;
	s10 =	smul.u32 $0x7D000, s0  }
0x9: {  	s18 =	simm.s32 $0x0;
	[smem:$0x7FF] =	sst s3;
	s11 =	smul.u32 $0x5000, s5  }
0xa: {  	_ =	strace $0x80000047;
	s28 =	ssub.s32 $0x2, s5;
	s31 =	smul.u32 $0x500, s0  }
0xb: {  	p0 =	sgt.u32 s0, $0x9;
	s29 =	sshrl.u32 s28, $0x1;
	s6 =	sadd.s32 s7, s6  }
0xc: {  	s7 =	sadd.s32 s26, s9;
	s9 =	ssub.s32 s28, s29;
	s30 =	sshrl.u32 s10, $0x2  }
0xd: {  	s11 =	sadd.s32 s11, s8;
	s6 =	sshrl.u32 s6, $0x3;
	s7 =	sshll.u32 s7, $0x4  }
0xe: {  	s10 =	simm.s32 $0x17980;
	s6 =	sadd.s32 s6, s4;
	s4 =	sadd.s32 s8, s7  }
0xf: {  	s7 =	sadd.s32 s30, s2;
	s8 =	smax.u32 s9, $0x1;
	s9 =	sadd.s32 s31, s11  }
0x10: {  	v0 =	vimm.f32 $1.000000000e+00;
	v1 =	vimm.f32 $0.0e+00;
	s11 =	simm.s32 $0x3;
	s5 =	sadd.s32 $0x10, s4;
	s6 =	sadd.s32 $0x2600, s6  }
.LBB2_1:
0x11: {  	s19 =	simm.s32 $0x0;
	s20 =	simm.s32 $0x200  }
.LBB2_2:
0x12: {  	p1 =	sne.s32 s20, $0xF800;
	[tilespmem:s19+$0x139F0] =	vst v0  }
0x13: {  	[tilespmem:s19+$0x13980] =	vst v0  }
0x14: {  	[tilespmem:s19+$0x13990] =	vst v0  }
.Ltmp0:
0x15: {  	[tilespmem:s19+$0x139A0] =	vst v0;
	(pc) =	sbr.rel @p1 .LBB2_2-.Ltmp0, $4  }
0x16: {  	[tilespmem:s19+$0x139B0] =	vst v0  }
0x17: {  	[tilespmem:s19+$0x139C0] =	vst v0  }
0x18: {  	[tilespmem:s19+$0x139D0] =	vst v0  }
0x19: {  	[tilespmem:s19+$0x139E0] =	vst v0;
	s19 =	sshra.s32 s20, $0x2;
	s20 =	sadd.s32 $0x200, s20  }
0x1a: {  	[tilespmem:s19+$0x139F0] =	vst v0  }
0x1b: {  	[tilespmem:s19+$0x13980] =	vst v0  }
0x1c: {  	[tilespmem:s19+$0x13990] =	vst v0  }
0x1d: {  	[tilespmem:s19+$0x139A0] =	vst v0  }
0x1e: {  	[tilespmem:s19+$0x139B0] =	vst v0  }
0x1f: {  	[tilespmem:s19+$0x139C0] =	vst v0  }
0x20: {  	[tilespmem:s19+$0x139D0] =	vst v0  }
0x21: {  	[tilespmem:s19+$0x139E0] =	vst v0;
	s19 =	simm.s32 $0x0;
	s20 =	simm.s32 $0x200  }
.LBB2_4:
0x22: {  	p1 =	sne.s32 s20, $0x4E00;
	[tilespmem:s19+$0x179F0] =	vst v1  }
0x23: {  	[tilespmem:s19+$0x17980] =	vst v1  }
0x24: {  	[tilespmem:s19+$0x17990] =	vst v1  }
.Ltmp1:
0x25: {  	[tilespmem:s19+$0x179A0] =	vst v1;
	(pc) =	sbr.rel @p1 .LBB2_4-.Ltmp1, $4  }
0x26: {  	[tilespmem:s19+$0x179B0] =	vst v1  }
0x27: {  	[tilespmem:s19+$0x179C0] =	vst v1  }
0x28: {  	[tilespmem:s19+$0x179D0] =	vst v1  }
0x29: {  	[tilespmem:s19+$0x179E0] =	vst v1;
	s19 =	sshra.s32 s20, $0x2;
	s20 =	sadd.s32 $0x200, s20  }
0x2a: {  	[tilespmem:s19+$0x179F0] =	vst v1  }
0x2b: {  	[tilespmem:s19+$0x17980] =	vst v1  }
0x2c: {  	[tilespmem:s19+$0x17990] =	vst v1  }
.Ltmp2:
0x2d: {  	[tilespmem:s19+$0x179A0] =	vst v1;
	(pc) =	sbr.rel @p0 .LBB2_9-.Ltmp2, $4  }
0x2e: {  	[tilespmem:s19+$0x179B0] =	vst v1  }
0x2f: {  	[tilespmem:s19+$0x179C0] =	vst v1  }
0x30: {  	[tilespmem:s19+$0x179D0] =	vst v1  }
0x31: {  	[tilespmem:s19+$0x179E0] =	vst v1  }
0x32: {  	s19 =	sadd.s32 $0x0, s7  }
0x33: {  	[spmem:s19] =	stream.linear.scatter [tilespmem:s10], [sflag:$0x3], $0x1400, $0x38;
	[tilespmem:$0x18D80] =	vst v63  }
0x34: {  	s19 =	simm.s32 $0x5000;
	_ =	swait.ge [sflag:s11], $0x1400  }
.LBB2_7:
0x35: {  	s20 =	sshra.s32 s19, $0x2;
	[sflag:s11] =	ssyncset.done $0x0;
	p1 =	sne.s32 s19, $0x78000  }
.Ltmp3:
0x36: {  	s20 =	sadd.s32 s20, s7;
	[sflag:s11] =	ssyncadd.s32 $0xFFFFEC00;
	(pc) =	sbr.rel @p1 .LBB2_7-.Ltmp3, $3  }
0x37: {  	[spmem:s20] =	stream.linear.scatter [tilespmem:s10], [sflag:$0x3], $0x1400, $0x38;
	[tilespmem:$0x18D80] =	vst v63  }
0x38: {  	s19 =	sadd.s32 $0x5000, s19;
	_ =	sdelay $0x1  }
0x39: {  	_ =	swait.ge [sflag:s11], $0x1400  }
0x3a: {  	[sflag:s11] =	ssyncset.done $0x0  }
0x3b: {  	[sflag:s11] =	ssyncadd.s32 $0xFFFFEC00  }
.LBB2_9:
0x3c: {  	[bflag:$0x0] =	sbarrier.arrive $0xFFFF  }
0x3d: {  	[tilespmem:s12], [sflag:$0x3] =	stream.linear.gather [hbm4b:s4+s3], $0x80, $0x38;
	[tilespmem:$0x18D80] =	vst v63  }
0x3e: {  	_ =	swait.ge [sflag:s11], $0x80  }
0x3f: {  	[sflag:s11] =	ssyncset.done $0x0  }
0x40: {  	[sflag:s11] =	ssyncadd.s32 $0xFFFFFF80  }
0x41: {  	[spmem:s2] =	stream.indirect.scatter.add.f32 [tilespmem:s14], [sflag:$0x1], $0x80, s12, s13, $0xb8;
	[tilespmem:$0x18D80] =	vst v63  }
0x42: {  	_ = 	snop  }
0x43: {  	[tilespmem:s15], [sflag:$0x3] =	stream.linear.gather [hbm4b:s5+s3], $0x80, $0x38;
	[tilespmem:$0x18D80] =	vst v63  }
0x44: {  	_ =	swait.ge [sflag:s11], $0x80  }
0x45: {  	[sflag:s11] =	ssyncset.done $0x0  }
0x46: {  	[sflag:s11] =	ssyncadd.s32 $0xFFFFFF80  }
0x47: {  	[spmem:s2] =	stream.indirect.scatter.add.f32 [tilespmem:s14], [sflag:$0x2], $0x80, s15, s13, $0xb8;
	[tilespmem:$0x18D80] =	vst v63  }
0x48: {  	_ =	swait.ge [sflag:s16], $0x3E80  }
0x49: {  	s19 =	sadd.s32 $0xFFFFFB20, s9;
	[sflag:s16] =	ssyncset.done $0x0  }
0x4a: {  	s20 =	sadd.s32 $0x500, s19;
	[sflag:s16] =	ssyncadd.s32 $0xFFFFC180  }
0x4b: {  	[tilespmem:s12], [sflag:$0x3] =	stream.linear.gather [hbm4b:s20+s3], $0x80, $0x38;
	[tilespmem:$0x18D80] =	vst v63  }
0x4c: {  	_ =	swait.ge [sflag:s11], $0x80  }
0x4d: {  	[sflag:s11] =	ssyncset.done $0x0  }
0x4e: {  	[sflag:s11] =	ssyncadd.s32 $0xFFFFFF80  }
0x4f: {  	[spmem:s2] =	stream.indirect.scatter.add.f32 [tilespmem:s14], [sflag:$0x1], $0x80, s12, s13, $0xb8;
	[tilespmem:$0x18D80] =	vst v63  }
0x50: {  	_ =	swait.ge [sflag:s17], $0x3E80  }
0x51: {  	[sflag:s17] =	ssyncset.done $0x0  }
0x52: {  	s19 =	sadd.s32 $0x510, s19;
	[sflag:s17] =	ssyncadd.s32 $0xFFFFC180  }
0x53: {  	[tilespmem:s15], [sflag:$0x3] =	stream.linear.gather [hbm4b:s19+s3], $0x80, $0x38;
	[tilespmem:$0x18D80] =	vst v63  }
0x54: {  	_ =	swait.ge [sflag:s11], $0x80  }
0x55: {  	[sflag:s11] =	ssyncset.done $0x0  }
0x56: {  	s19 =	simm.s32 $0xFFFFFB40;
	[sflag:s11] =	ssyncadd.s32 $0xFFFFFF80  }
.LBB2_10:
0x57: {  	[spmem:s2] =	stream.indirect.scatter.add.f32 [tilespmem:s14], [sflag:$0x2], $0x80, s15, s13, $0xb8;
	[tilespmem:$0x18D80] =	vst v63  }
0x58: {  	s20 =	smov.u32 s19  }
0x59: {  	p1 =	sne.s32 s19, $0xFFFFFFE0;
	s19 =	sadd.s32 $0x20, s19;
	_ =	swait.ge [sflag:s16], $0x3E80  }
0x5a: {  	s20 =	sadd.s32 s20, s9;
	[sflag:s16] =	ssyncset.done $0x0  }
0x5b: {  	s21 =	sadd.s32 $0x500, s20;
	[sflag:s16] =	ssyncadd.s32 $0xFFFFC180  }
0x5c: {  	[tilespmem:s12], [sflag:$0x3] =	stream.linear.gather [hbm4b:s21+s3], $0x80, $0x38;
	[tilespmem:$0x18D80] =	vst v63  }
0x5d: {  	_ =	swait.ge [sflag:s11], $0x80  }
0x5e: {  	[sflag:s11] =	ssyncset.done $0x0  }
0x5f: {  	[sflag:s11] =	ssyncadd.s32 $0xFFFFFF80  }
0x60: {  	[spmem:s2] =	stream.indirect.scatter.add.f32 [tilespmem:s14], [sflag:$0x1], $0x80, s12, s13, $0xb8;
	[tilespmem:$0x18D80] =	vst v63  }
0x61: {  	_ =	swait.ge [sflag:s17], $0x3E80  }
0x62: {  	[sflag:s17] =	ssyncset.done $0x0  }
.Ltmp4:
0x63: {  	s20 =	sadd.s32 $0x510, s20;
	[sflag:s17] =	ssyncadd.s32 $0xFFFFC180;
	(pc) =	sbr.rel @p1 .LBB2_10-.Ltmp4, $4  }
0x64: {  	[tilespmem:s15], [sflag:$0x3] =	stream.linear.gather [hbm4b:s20+s3], $0x80, $0x38;
	[tilespmem:$0x18D80] =	vst v63  }
0x65: {  	_ =	swait.ge [sflag:s11], $0x80  }
0x66: {  	[sflag:s11] =	ssyncset.done $0x0  }
0x67: {  	[sflag:s11] =	ssyncadd.s32 $0xFFFFFF80  }
0x68: {  	[spmem:s2] =	stream.indirect.scatter.add.f32 [tilespmem:s14], [sflag:$0x2], $0x80, s15, s13, $0xb8;
	[tilespmem:$0x18D80] =	vst v63  }
0x69: {  	_ =	swait.ge [sflag:s16], $0x3E80  }
0x6a: {  	[sflag:s16] =	ssyncset.done $0x0  }
0x6b: {  	[sflag:s16] =	ssyncadd.s32 $0xFFFFC180  }
0x6c: {  	_ =	swait.ge [sflag:s17], $0x3E80  }
0x6d: {  	s19 =	sshll.u32 @!p0 s0, $0x6;
	[sflag:s17] =	ssyncset.done $0x0  }
0x6e: {  	s20 =	sshrl.u32 @!p0 s7, $0x3;
	s18 =	sadd.s32 $0x1, s18;
	[sflag:s17] =	ssyncadd.s32 $0xFFFFC180  }
0x6f: {  	s19 =	sor.u32 @!p0 $0x1C03, s19;
	p1 =	sne.s32 s18, s8;
	[bflag:$0x0] =	sbarrier.arrive $0xFFFF  }
0x70: {  	[hbm:s6], [sflag:s19] =	dma.local @!p0 [spmem:s20], $0x3E80  }
.Ltmp5:
0x71: {  	_ = 	snop;
	(pc) =	sbr.rel @p1 .LBB2_1-.Ltmp5, $4  }
0x72: {  	s19 =	simm.s32 @!p0 $0x3  }
0x73: {  	_ =	swait.ge @!p0 [sflag:s19], $0x3E80  }
0x74: {  	[sflag:s19] =	ssyncset.done @!p0 $0x0  }
0x75: {  	[sflag:s19] =	ssyncadd.s32 @!p0 $0xFFFFC180  }
0x76: {  	_ =	sfence.sel $0x180000  }
0x77: {  	[bflag:$0x0] =	sbarrier.arrive $0xFFFF  }
0x78: {  	p0 =	sne.s32 s0, $0x0;
	_ =	strace $0x90000047  }
0x79: {  	s0 =	sadd.s32 @!p0 $0x100000, s1;
	[bflag:$0x2] =	sbarrier.arrive $0xFFFF  }
0x7a: {  	[sflag:s0] =	ssyncadd.tile.s32 @!p0 $0x1;
	_ =	shalt  }
.Lfunc_end2:
_tile_overlayer_lowered:
.L_overlay_start_2:
0x7b: {  	(tag) =	ssettag $0x2  }
0x7c: {  	s0 =	rddreg [dreg:$0x0];
	s2 =	stileid.u32  }
0x7d: {  	s1 =	rddreg [dreg:$0x1];
	p0 =	sne.s32 s2, $0x0  }
0x7e: {  	s3 =	rddreg [dreg:$0x2];
	[bflag:$0x3] =	sbarrier.arrive $0xFFFF;
	s2 =	simm.s32 @!p0 $0x1C03  }
0x7f: {  	[timem:s3], [sflag:s2] =	dma.local @!p0 [hbm:s0], s1  }
0x80: {  	s0 =	simm.s32 @!p0 $0x3  }
0x81: {  	_ =	swait.ge @!p0 [sflag:s0], s1  }
0x82: {  	s1 =	ssub.s32 @!p0 $0x0, s1;
	[sflag:s0] =	ssyncset.done @!p0 $0x0  }
0x83: {  	[sflag:s0] =	ssyncadd.s32 @!p0 s1  }
0x84: {  	[bflag:$0x3] =	sbarrier.arrive $0xFFFF  }
0x85: {  	_ =	shalt  }

// kernel: kernel.13.cloned.1.call-start
scs
__scs_entry_jumppad:
0x0: {  	(pc) =	sbr.rel $0x88, $3  }
0x1: {  	(tag) =	ssettag $0x0;
	lr =	simm.s32 $0x1  }
0x2: {  	[smem:$0x3F99] =	sst lr;
	_ =	strace $0xD0000000  }
0x3: {  	_ = 	snop  }
0x4: {  	_ = 	snop  }
0x5: {  	_ = 	snop  }
0x6: {  	_ = 	snop  }
0x7: {  	_ = 	snop  }
__scs_overlays_trampoline_lowered:
0x8: {  	[smem:$0x3FA8] =	sst s0  }
0x9: {  	[smem:$0x3FA9] =	sst s1  }
0xa: {  	[smem:$0x3FAA] =	sst s2  }
0xb: {  	[smem:$0x3FAB] =	sst s3  }
0xc: {  	[smem:$0x3FAC] =	sst s4  }
0xd: {  	[smem:$0x3FAD] =	sst s5  }
0xe: {  	[smem:$0x3FAE] =	sst s6  }
0xf: {  	[smem:$0x3FAF] =	sst s7  }
0x10: {  	[smem:$0x3FB0] =	sst s8  }
0x11: {  	[smem:$0x3FB1] =	sst s9;
	s0 =	simm.s32 @!p0 $0x0  }
0x12: {  	s1 =	sld [smem:$0x3F97];
	s0 =	simm.s32 @p0 $0x1  }
0x13: {  	[smem:$0x3FB2] =	sst s0;
	s0 =	simm.s32 @!p1 $0x0  }
0x14: {  	s2 =	sld [smem:$0x3F96];
	s0 =	simm.s32 @p1 $0x1  }
0x15: {  	[smem:$0x3FB3] =	sst s0;
	s0 =	simm.s32 @!p2 $0x0  }
0x16: {  	s3 =	sld [smem:$0x3FDB];
	s0 =	simm.s32 @p2 $0x1  }
0x17: {  	s4 =	simm.s32 $0x1BF5;
	[smem:$0x3FB5] =	sst s0  }
0x18: {  	s0 =	sld [smem:$0x3F98];
	_ =	swait.ge [sflag:s4], $0x0  }
0x19: {  	s7 =	sld [smem:$0x3F99]  }
0x1a: {  	s8 =	sadd.s32 $0xFFFFE003, lr  }
0x1b: {  	s9 =	sadd.s32 $0xFFFFFEF7, lr;
	s5 =	simm.s32 $0xFFFFFFFF;
	p2 =	slt.u32 s8, $0xFFFFF086  }
0x1c: {  	p1 =	slt.u32 s9, $0xF7A;
	s5 =	simm.s32 @!p2 $0x0  }
0x1d: {  	s5 =	simm.s32 @p1 $0x1;
	p0 =	seq.s32 s7, s2  }
0x1e: {  	s7 =	smul.u32 @!p0 $0xF7A, s2;
	p2 =	seq.s32 @!p0 s5, $0x0  }
0x1f: {  	s9 =	smul.u32 $0xF7A, s1;
	s8 =	simm.s32 @!p0 $0x1BF5;
	p2 =	por !p2, p0  }
0x20: {  	[sflag:s8] =	ssyncset.s32 @!p0 $0xFFFFF086;
	s6 =	sadd.s32 @!p0 s3, s7;
	s7 =	simm.s32 @!p0 $0x108  }
0x21: {  	s3 =	sadd.s32 s3, s9;
	s6 =	sadd.s32 @!p0 $0x88, s6;
	s7 =	simm.s32 @p2 $0x1082  }
0x22: {  	[simem:s7], [sflag:s8] =	dma.local @!p0 [hbm:s6], $0xF7A  }
0x23: {  	s9 =	sor.u32 $0xD0000000, s2;
	s6 =	simm.s32 $0x108;
	_ =	swait.ge @!p0 [sflag:s8], $0x0  }
0x24: {  	s3 =	sadd.s32 $0x88, s3;
	s6 =	simm.s32 @!p1 $0x1082;
	[sflag:s4] =	ssyncset.s32 $0xFFFFF086  }
0x25: {  	[simem:s6], [sflag:s4] =	dma.local [hbm:s3], $0xF7A  }
0x26: {  	[smem:$0x3F99] =	sst s1;
	(tag) =	ssettag s2;
	_ =	strace s9  }
0x27: {  	s1 =	sld [smem:$0x3FA9]  }
0x28: {  	s2 =	sld [smem:$0x3FAA]  }
0x29: {  	s4 =	sld [smem:$0x3FAC]  }
0x2a: {  	p0 =	seq.s32 s5, $0x0;
	s5 =	sld [smem:$0x3FAD]  }
0x2b: {  	s6 =	sld [smem:$0x3FAE]  }
0x2c: {  	s7 =	sld [smem:$0x3FAF]  }
0x2d: {  	s3 =	simm.s32 $0x108;
	s8 =	sld [smem:$0x3FB0]  }
0x2e: {  	s3 =	simm.s32 @!p0 $0x1082;
	s9 =	sld [smem:$0x3FB1]  }
0x2f: {  	lr =	sadd.s32 s0, s3;
	s0 =	sld [smem:$0x3FA8]  }
0x30: {  	s3 =	sld [smem:$0x3FAB]  }
0x31: {  	[smem:$0x3FB4] =	sst s10  }
0x32: {  	s10 =	sld [smem:$0x3FB2];
	_ =	sdelay $0x3  }
0x33: {  	p0 =	seq.s32 s10, $0x1;
	s10 =	sld [smem:$0x3FB4];
	_ =	sdelay $0x3  }
0x34: {  	[smem:$0x3FB4] =	sst s10  }
0x35: {  	s10 =	sld [smem:$0x3FB3];
	_ =	sdelay $0x3  }
0x36: {  	p1 =	seq.s32 s10, $0x1;
	s10 =	sld [smem:$0x3FB4];
	_ =	sdelay $0x3  }
0x37: {  	[smem:$0x3FB4] =	sst s10  }
0x38: {  	s10 =	sld [smem:$0x3FB5]  }
0x39: {  	_ = 	snop;
	(pc) =	sbr.ind lr, $3  }
0x3a: {  	_ = 	snop  }
0x3b: {  	_ = 	snop  }
0x3c: {  	p2 =	seq.s32 s10, $0x1;
	s10 =	sld [smem:$0x3FB4]  }
0x3d: {  	_ =	shalt  }
0x3e: {  	_ =	shalt  }
0x3f: {  	_ =	shalt  }
0x40: {  	_ =	shalt  }
0x41: {  	_ =	shalt  }
0x42: {  	_ =	shalt  }
0x43: {  	_ =	shalt  }
0x44: {  	_ =	shalt  }
0x45: {  	_ =	shalt  }
0x46: {  	_ =	shalt  }
0x47: {  	_ =	shalt  }
0x48: {  	_ =	shalt  }
0x49: {  	_ =	shalt  }
0x4a: {  	_ =	shalt  }
0x4b: {  	_ =	shalt  }
0x4c: {  	_ =	shalt  }
0x4d: {  	_ =	shalt  }
0x4e: {  	_ =	shalt  }
0x4f: {  	_ =	shalt  }
0x50: {  	_ =	shalt  }
0x51: {  	_ =	shalt  }
0x52: {  	_ =	shalt  }
0x53: {  	_ =	shalt  }
0x54: {  	_ =	shalt  }
0x55: {  	_ =	shalt  }
0x56: {  	_ =	shalt  }
0x57: {  	_ =	shalt  }
0x58: {  	_ =	shalt  }
0x59: {  	_ =	shalt  }
0x5a: {  	_ =	shalt  }
0x5b: {  	_ =	shalt  }
0x5c: {  	_ =	shalt  }
0x5d: {  	_ =	shalt  }
0x5e: {  	_ =	shalt  }
0x5f: {  	_ =	shalt  }
0x60: {  	_ =	shalt  }
0x61: {  	_ =	shalt  }
0x62: {  	_ =	shalt  }
0x63: {  	_ =	shalt  }
0x64: {  	_ =	shalt  }
0x65: {  	_ =	shalt  }
0x66: {  	_ =	shalt  }
0x67: {  	_ =	shalt  }
0x68: {  	_ =	shalt  }
0x69: {  	_ =	shalt  }
0x6a: {  	_ =	shalt  }
0x6b: {  	_ =	shalt  }
0x6c: {  	_ =	shalt  }
0x6d: {  	_ =	shalt  }
0x6e: {  	_ =	shalt  }
0x6f: {  	_ =	shalt  }
0x70: {  	_ =	shalt  }
0x71: {  	_ =	shalt  }
0x72: {  	_ =	shalt  }
0x73: {  	_ =	shalt  }
0x74: {  	_ =	shalt  }
0x75: {  	_ =	shalt  }
0x76: {  	_ =	shalt  }
0x77: {  	_ =	shalt  }
0x78: {  	_ =	shalt  }
0x79: {  	_ =	shalt  }
0x7a: {  	_ =	shalt  }
0x7b: {  	_ =	shalt  }
0x7c: {  	_ =	shalt  }
0x7d: {  	_ =	shalt  }
0x7e: {  	_ =	shalt  }
0x7f: {  	_ =	shalt  }
0x80: {  	_ =	shalt  }
0x81: {  	_ =	shalt  }
0x82: {  	_ =	shalt  }
0x83: {  	_ =	shalt  }
0x84: {  	_ =	shalt  }
0x85: {  	_ =	shalt  }
0x86: {  	_ =	shalt  }
0x87: {  	_ =	shalt  }
.Lfunc_end0:
.L_simem_size_0:
called_computation.1_lowered:
.L_overlay_start_0:
0x88: {  	s2 =	sld [smem:$0x3FD9]  }
0x89: {  	s3 =	sld [smem:$0x3FFE];
	_ =	sdelay $0x1  }
0x8a: {  	s1 =	srdreg.scid  }
0x8b: {  	s0 =	sand.u32 $0x1, s1  }
0x8c: {  	s16 =	sshll.u32 s0, $0xA;
	s2 =	sadd.s32 s3, s2  }
0x8d: {  	s2 =	sadd.s32 s2, s16  }
0x8e: {  	[smem:$0x3FC0] =	sst s2  }
0x8f: {  	_ = 	snop  }
0x90: {  	(tm) =	ssettm $0x1  }
0x91: {  	s17 =	sld [smem:$0x3FFB];
	_ =	sdelay $0x3  }
0x92: {  	_ =	strace s17  }
0x93: {  	s2 =	sld [smem:$0x3FFC];
	_ =	sdelay $0x3  }
0x94: {  	_ =	strace s2  }
0x95: {  	s2 =	sld [smem:$0x3FFD];
	_ =	sdelay $0x3  }
0x96: {  	_ =	strace s2  }
0x97: {  	_ =	strace $0x8FFFFFFF  }
0x98: {  	s18 =	sld [smem:$0x3FDB];
	_ =	sdelay $0x1  }
0x99: {  	s19 =	simm.s32 $_scs_section_size  }
0x9a: {  	s4 =	simm.s32 $_size__tile_overlayer_lowered;
	s5 =	simm.s32 $_tile_overlayer_lowered  }
0x9b: {  	s22 =	simm.s32 $0x1BFF;
	s21 =	sshll.u32 s5, $0x1;
	s2 =	sadd.s32 s19, s18  }
0x9c: {  	s6 =	simm.s32 $0x0;
	s20 =	sshll.u32 s4, $0x1;
	s4 =	sadd.s32 s21, s2  }
0x9d: {  	[timem:s6], [sflag:s22] =	dma.local [hbm:s4], s20  }
0x9e: {  	_ =	swait.ge [sflag:s22], s20  }
0x9f: {  	s3 =	ssub.s32 $0x0, s20;
	[sflag:s22] =	ssyncset.done $0x0  }
0xa0: {  	[sflag:s22] =	ssyncadd.s32 s3;
	_ =	sdelay $0x1  }
0xa1: {  	s23 =	simm.s32 $0x1B8B  }
0xa2: {  	_ =	swait.ge [sflag:s23], $0x1  }
0xa3: {  	[sflag:s23] =	ssyncset.done $0x0  }
0xa4: {  	s25 =	simm.s32 $0x1B8E;
	s24 =	sld [smem:$0x3FFE];
	[sflag:s23] =	ssyncadd.s32 $0xFFFFFFFF  }
0xa5: {  	s26 =	simm.s32 $execute0_lowered;
	[smem:$0x3FD2] =	sst s25  }
0xa6: {  	s4 =	sshll.u32 s26, $0x1;
	_ =	strace $0x80000049;
	[dreg:$0x1] =	wrdreg $0xFFFFFFFF  }
0xa7: {  	s28 =	simm.s32 $_size_execute0_lowered;
	s2 =	sadd.s32 s2, s4;
	[dreg:$0x0] =	wrdreg $0x0  }
0xa8: {  	s4 =	sshll.u32 s28, $0x1;
	[dreg:$0x2] =	wrdreg s2  }
0xa9: {  	[dreg:$0x3] =	wrdreg s4  }
0xaa: {  	[dreg:$0x4] =	wrdreg $0xC0  }
0xab: {  	_ =	task [dreg:s6], $0x5FFFF  }
0xac: {  	[dreg:$0x1] =	wrdreg $0xFFFFFFFF  }
0xad: {  	[dreg:$0x0] =	wrdreg $0x60  }
0xae: {  	[dreg:$0x2] =	wrdreg s24  }
0xaf: {  	[dreg:$0x3] =	wrdreg $0x0  }
0xb0: {  	[dreg:$0x4] =	wrdreg $0x9  }
0xb1: {  	_ =	task.clear_ibuf [dreg:s6], $0x5FFFF;
	_ =	strace $0x90000049  }
0xb2: {  	s29 =	simm.s32 $0x9;
	_ =	strace $0x8000004B  }
0xb3: {  	_ =	swait.ge [sflag:s29], $0x1  }
0xb4: {  	[sflag:s29] =	ssyncadd.s32 $0xFFFFFFFF  }
0xb5: {  	_ =	strace $0x9000004B  }
0xb6: {  	_ =	sfence  }
0xb7: {  	s30 =	sld [smem:$0x0];
	_ =	sdelay $0x2  }
0xb8: {  	s31 =	sshll.u32 s1, $0xD;
	s1 =	sshrl.u32 s1, $0x2  }
0xb9: {  	s3 =	sand.u32 $0x4000, s31;
	s1 =	sadd.s32 s1, s30  }
0xba: {  	s0 =	sor.u32 s3, s0;
	s1 =	sshll.u32 s1, $0x11  }
0xbb: {  	s0 =	sor.u32 s1, s0  }
0xbc: {  	s0 =	sadd.s32 $0x8F2B, s0  }
0xbd: {  	[sflag:s0] =	ssyncadd.remote.s32 $0x1  }
0xbe: {  	_ =	sfence.sel $0xFFFF  }
0xbf: {  	[dreg:$0x0] =	wrdreg $0xFFFFFFFF;
	(pc) =	sbr.abs _section_cstart, $3  }
0xc0: {  	[dreg:$0x1] =	wrdreg $0xFFFFFFFF  }
0xc1: {  	_ =	task.clear_ibuf [dreg:s6], $0x2FFFF;
	_ =	strace $0x9FFFFFFF  }
0xc2: {  	(tm) =	ssettm $0x7FFFFFFF  }
0xc3: {  	_ =	shalt  }
tec
execute0_lowered:
.L_overlay_start_1:
0x0: {  	(tag) =	ssettag $0x1  }
0x1: {  	s4 =	rddreg [dreg:$0x0]  }
0x2: {  	s1 =	rddreg [dreg:$0x1];
	s2 =	srdreg.scid  }
0x3: {  	s0 =	rddreg [dreg:$0x2];
	s3 =	simm.s32 $0x0;
	s14 =	simm.s32 $0x13980  }
0x4: {  	s15 =	simm.s32 $0x7D;
	s16 =	simm.s32 $0x13A80;
	s17 =	simm.s32 $0x13900  }
0x5: {  	s18 =	simm.s32 $0x13A00;
	s19 =	simm.s32 $0x17A80;
	s20 =	simm.s32 $0x1BA80  }
0x6: {  	s21 =	simm.s32 $0x1;
	s22 =	simm.s32 $0x3;
	s23 =	simm.s32 $0x2  }
0x7: {  	s24 =	simm.s32 $0x4;
	s5 =	sand.u32 $0x1, s2;
	s2 =	stileid.u32  }
0x8: {  	s25 =	simm.s32 $0x0;
	[smem:$0x7FF] =	sst s3;
	s6 =	smul.u32 $0x138800, s5  }
0x9: {  	s9 =	sadd.s32 $0x50800, s4;
	s10 =	sadd.s32 $0x55800, s4;
	s7 =	smul.u32 $0x1F400, s2  }
0xa: {  	_ =	strace $0x8000004A;
	s5 =	ssub.s32 $0x2, s5;
	s28 =	smul.u32 $0x500, s2  }
0xb: {  	s13 =	smul.u32 $0x7D000, s2;
	p0 =	sgt.u32 s2, $0x9;
	s29 =	sshrl.u32 s5, $0x1  }
0xc: {  	s8 =	sshrl.u32 s6, $0x3;
	s6 =	sadd.s32 s7, s6;
	s12 =	ssub.s32 s5, s29  }
0xd: {  	s5 =	sadd.s32 s10, s28;
	s30 =	sor.u32 $0x10, s28;
	s31 =	sshrl.u32 s13, $0x2  }
0xe: {  	s13 =	simm.s32 $0x5;
	s8 =	sadd.s32 s8, s4;
	s6 =	sshrl.u32 s6, $0x3  }
0xf: {  	s7 =	sadd.s32 s9, s30;
	s11 =	sadd.s32 s6, s4;
	s4 =	sadd.s32 s9, s28  }
0x10: {  	s6 =	sadd.s32 $0x2600, s8;
	s8 =	sadd.s32 s10, s30;
	s10 =	sadd.s32 s31, s1  }
0x11: {  	v0 =	vimm.f32 $0.0e+00;
	s9 =	sadd.s32 $0x5A800, s11;
	s11 =	smax.u32 s12, $0x1;
	s12 =	simm.s32 $0x13880  }
.LBB2_1:
0x12: {  	s26 =	simm.s32 $0x0;
	s28 =	simm.s32 $0x200  }
.LBB2_2:
0x13: {  	p1 =	sne.s32 s28, $0x4E00;
	[tilespmem:s26+$0x1BAF0] =	vst v0  }
0x14: {  	[tilespmem:s26+$0x1BA80] =	vst v0  }
0x15: {  	[tilespmem:s26+$0x1BA90] =	vst v0  }
.Ltmp0:
0x16: {  	[tilespmem:s26+$0x1BAA0] =	vst v0;
	(pc) =	sbr.rel @p1 .LBB2_2-.Ltmp0, $4  }
0x17: {  	[tilespmem:s26+$0x1BAB0] =	vst v0  }
0x18: {  	[tilespmem:s26+$0x1BAC0] =	vst v0  }
0x19: {  	[tilespmem:s26+$0x1BAD0] =	vst v0  }
0x1a: {  	[tilespmem:s26+$0x1BAE0] =	vst v0;
	s26 =	sshra.s32 s28, $0x2;
	s28 =	sadd.s32 $0x200, s28  }
0x1b: {  	[tilespmem:s26+$0x1BAF0] =	vst v0  }
0x1c: {  	[tilespmem:s26+$0x1BA80] =	vst v0  }
0x1d: {  	[tilespmem:s26+$0x1BA90] =	vst v0  }
0x1e: {  	[tilespmem:s26+$0x1BAA0] =	vst v0  }
0x1f: {  	[tilespmem:s26+$0x1BAB0] =	vst v0  }
0x20: {  	[tilespmem:s26+$0x1BAC0] =	vst v0  }
0x21: {  	[tilespmem:s26+$0x1BAD0] =	vst v0  }
0x22: {  	[tilespmem:s26+$0x1BAE0] =	vst v0;
	s26 =	simm.s32 $0x0  }
0x23: {  	[tilespmem:s12], [sflag:$0x5] =	stream.linear.gather [hbm4b:s4+s26], $0x80, $0x38;
	[tilespmem:$0x1CE80] =	vst v63  }
0x24: {  	_ =	swait.ge [sflag:s13], $0x80  }
0x25: {  	[sflag:s13] =	ssyncset.done $0x0  }
0x26: {  	[sflag:s13] =	ssyncadd.s32 $0xFFFFFF80  }
0x27: {  	[tilespmem:s14], [sflag:$0x5] =	stream.linear.gather [hbm4b:s5+s26], $0x80, $0x38;
	[tilespmem:$0x1CE80] =	vst v63  }
0x28: {  	_ =	swait.ge [sflag:s13], $0x80  }
0x29: {  	[sflag:s13] =	ssyncset.done $0x0  }
0x2a: {  	[sflag:s13] =	ssyncadd.s32 $0xFFFFFF80  }
0x2b: {  	[tilespmem:s16], [sflag:$0x1] =	stream.indirect.gather [hbm4b:s6+s15], $0x80, s12, s15, $0xb8;
	[tilespmem:$0x1CE80] =	vst v63  }
0x2c: {  	_ = 	snop  }
0x2d: {  	[tilespmem:s17], [sflag:$0x5] =	stream.linear.gather [hbm4b:s7+s26], $0x80, $0x38;
	[tilespmem:$0x1CE80] =	vst v63  }
0x2e: {  	_ =	swait.ge [sflag:s13], $0x80  }
0x2f: {  	[sflag:s13] =	ssyncset.done $0x0  }
0x30: {  	[sflag:s13] =	ssyncadd.s32 $0xFFFFFF80  }
0x31: {  	[tilespmem:s18], [sflag:$0x5] =	stream.linear.gather [hbm4b:s8+s26], $0x80, $0x38;
	[tilespmem:$0x1CE80] =	vst v63  }
.Ltmp1:
0x32: {  	_ = 	snop;
	(pc) =	sbr.rel @p0 .LBB2_7-.Ltmp1, $4  }
0x33: {  	_ =	swait.ge [sflag:s13], $0x80  }
0x34: {  	[sflag:s13] =	ssyncset.done $0x0  }
0x35: {  	[sflag:s13] =	ssyncadd.s32 $0xFFFFFF80  }
0x36: {  	[tilespmem:s19], [sflag:$0x2] =	stream.indirect.gather [hbm4b:s6+s15], $0x80, s17, s15, $0xb8;
	[tilespmem:$0x1CE80] =	vst v63  }
0x37: {  	s28 =	sshra.s32 s26, $0x2  }
0x38: {  	s28 =	sadd.s32 s28, s10  }
0x39: {  	[spmem:s28] =	stream.linear.scatter [tilespmem:s20], [sflag:$0x5], $0x1400, $0x38;
	[tilespmem:$0x1CE80] =	vst v63  }
0x3a: {  	s26 =	sadd.s32 $0x5000, s26;
	_ =	swait.ge [sflag:s13], $0x1400  }
.LBB2_5:
0x3b: {  	s28 =	sshra.s32 s26, $0x2;
	[sflag:s13] =	ssyncset.done $0x0;
	p1 =	sne.s32 s26, $0x78000  }
.Ltmp2:
0x3c: {  	s28 =	sadd.s32 s28, s10;
	[sflag:s13] =	ssyncadd.s32 $0xFFFFEC00;
	(pc) =	sbr.rel @p1 .LBB2_5-.Ltmp2, $3  }
0x3d: {  	[spmem:s28] =	stream.linear.scatter [tilespmem:s20], [sflag:$0x5], $0x1400, $0x38;
	[tilespmem:$0x1CE80] =	vst v63  }
0x3e: {  	s26 =	sadd.s32 $0x5000, s26;
	_ =	sdelay $0x1  }
0x3f: {  	_ =	swait.ge [sflag:s13], $0x1400  }
0x40: {  	[sflag:s13] =	ssyncset.done $0x0  }
0x41: {  	[sflag:s13] =	ssyncadd.s32 $0xFFFFEC00  }
.LBB2_7:
0x42: {  	[bflag:$0x0] =	sbarrier.arrive $0xFFFF  }
0x43: {  	_ =	swait.ge [sflag:s21], $0x3E80  }
0x44: {  	[sflag:s21] =	ssyncset.done $0x0  }
0x45: {  	[sflag:s21] =	ssyncadd.s32 $0xFFFFC180  }
0x46: {  	[spmem:s1] =	stream.indirect.scatter.add.f32 [tilespmem:s16], [sflag:$0x3], $0x80, s14, s15, $0xb8;
	[tilespmem:$0x1CE80] =	vst v63  }
0x47: {  	_ =	swait.ge [sflag:s22], $0x3E80  }
0x48: {  	s26 =	sadd.s32 $0xFFFFFB20, s4;
	[sflag:s22] =	ssyncset.done $0x0  }
0x49: {  	s28 =	sadd.s32 $0x500, s26;
	[sflag:s22] =	ssyncadd.s32 $0xFFFFC180  }
0x4a: {  	[tilespmem:s12], [sflag:$0x5] =	stream.linear.gather [hbm4b:s28+s3], $0x80, $0x38;
	[tilespmem:$0x1CE80] =	vst v63  }
0x4b: {  	_ =	swait.ge [sflag:s13], $0x80  }
0x4c: {  	s30 =	sadd.s32 $0xFFFFFB20, s5;
	[sflag:s13] =	ssyncset.done $0x0  }
0x4d: {  	s29 =	sadd.s32 $0x500, s30;
	[sflag:s13] =	ssyncadd.s32 $0xFFFFFF80  }
0x4e: {  	[tilespmem:s14], [sflag:$0x5] =	stream.linear.gather [hbm4b:s29+s3], $0x80, $0x38;
	[tilespmem:$0x1CE80] =	vst v63  }
0x4f: {  	_ =	swait.ge [sflag:s13], $0x80  }
0x50: {  	[sflag:s13] =	ssyncset.done $0x0  }
0x51: {  	[sflag:s13] =	ssyncadd.s32 $0xFFFFFF80  }
0x52: {  	[tilespmem:s16], [sflag:$0x1] =	stream.indirect.gather [hbm4b:s6+s15], $0x80, s12, s15, $0xb8;
	[tilespmem:$0x1CE80] =	vst v63  }
0x53: {  	_ =	swait.ge [sflag:s23], $0x3E80  }
0x54: {  	[sflag:s23] =	ssyncset.done $0x0  }
0x55: {  	[sflag:s23] =	ssyncadd.s32 $0xFFFFC180  }
0x56: {  	[spmem:s1] =	stream.indirect.scatter.add.f32 [tilespmem:s19], [sflag:$0x4], $0x80, s18, s15, $0xb8;
	[tilespmem:$0x1CE80] =	vst v63  }
0x57: {  	_ =	swait.ge [sflag:s24], $0x3E80  }
0x58: {  	[sflag:s24] =	ssyncset.done $0x0  }
0x59: {  	s26 =	sadd.s32 $0x510, s26;
	[sflag:s24] =	ssyncadd.s32 $0xFFFFC180  }
0x5a: {  	[tilespmem:s17], [sflag:$0x5] =	stream.linear.gather [hbm4b:s26+s3], $0x80, $0x38;
	[tilespmem:$0x1CE80] =	vst v63  }
0x5b: {  	_ =	swait.ge [sflag:s13], $0x80  }
0x5c: {  	[sflag:s13] =	ssyncset.done $0x0  }
0x5d: {  	s31 =	sadd.s32 $0x510, s30;
	[sflag:s13] =	ssyncadd.s32 $0xFFFFFF80  }
0x5e: {  	[tilespmem:s18], [sflag:$0x5] =	stream.linear.gather [hbm4b:s31+s3], $0x80, $0x38;
	[tilespmem:$0x1CE80] =	vst v63  }
0x5f: {  	_ =	swait.ge [sflag:s13], $0x80  }
0x60: {  	[sflag:s13] =	ssyncset.done $0x0  }
0x61: {  	s26 =	simm.s32 $0xFFFFFB40;
	[sflag:s13] =	ssyncadd.s32 $0xFFFFFF80  }
.LBB2_8:
0x62: {  	[tilespmem:s19], [sflag:$0x2] =	stream.indirect.gather [hbm4b:s6+s15], $0x80, s17, s15, $0xb8;
	[tilespmem:$0x1CE80] =	vst v63  }
0x63: {  	s28 =	smov.u32 s26  }
0x64: {  	p1 =	sne.s32 s26, $0xFFFFFFE0;
	s26 =	sadd.s32 $0x20, s26;
	_ =	swait.ge [sflag:s21], $0x3E80  }
0x65: {  	[sflag:s21] =	ssyncset.done $0x0  }
0x66: {  	[sflag:s21] =	ssyncadd.s32 $0xFFFFC180  }
0x67: {  	[spmem:s1] =	stream.indirect.scatter.add.f32 [tilespmem:s16], [sflag:$0x3], $0x80, s14, s15, $0xb8;
	[tilespmem:$0x1CE80] =	vst v63  }
0x68: {  	_ =	swait.ge [sflag:s22], $0x3E80  }
0x69: {  	s29 =	sadd.s32 s28, s4;
	[sflag:s22] =	ssyncset.done $0x0  }
0x6a: {  	s30 =	sadd.s32 $0x500, s29;
	[sflag:s22] =	ssyncadd.s32 $0xFFFFC180  }
0x6b: {  	[tilespmem:s12], [sflag:$0x5] =	stream.linear.gather [hbm4b:s30+s3], $0x80, $0x38;
	[tilespmem:$0x1CE80] =	vst v63  }
0x6c: {  	_ =	swait.ge [sflag:s13], $0x80  }
0x6d: {  	s28 =	sadd.s32 s28, s5;
	[sflag:s13] =	ssyncset.done $0x0  }
0x6e: {  	s30 =	sadd.s32 $0x500, s28;
	[sflag:s13] =	ssyncadd.s32 $0xFFFFFF80  }
0x6f: {  	[tilespmem:s14], [sflag:$0x5] =	stream.linear.gather [hbm4b:s30+s3], $0x80, $0x38;
	[tilespmem:$0x1CE80] =	vst v63  }
0x70: {  	_ =	swait.ge [sflag:s13], $0x80  }
0x71: {  	[sflag:s13] =	ssyncset.done $0x0  }
0x72: {  	[sflag:s13] =	ssyncadd.s32 $0xFFFFFF80  }
0x73: {  	[tilespmem:s16], [sflag:$0x1] =	stream.indirect.gather [hbm4b:s6+s15], $0x80, s12, s15, $0xb8;
	[tilespmem:$0x1CE80] =	vst v63  }
0x74: {  	_ =	swait.ge [sflag:s23], $0x3E80  }
0x75: {  	[sflag:s23] =	ssyncset.done $0x0  }
0x76: {  	[sflag:s23] =	ssyncadd.s32 $0xFFFFC180  }
0x77: {  	[spmem:s1] =	stream.indirect.scatter.add.f32 [tilespmem:s19], [sflag:$0x4], $0x80, s18, s15, $0xb8;
	[tilespmem:$0x1CE80] =	vst v63  }
0x78: {  	_ =	swait.ge [sflag:s24], $0x3E80  }
0x79: {  	[sflag:s24] =	ssyncset.done $0x0  }
0x7a: {  	s29 =	sadd.s32 $0x510, s29;
	[sflag:s24] =	ssyncadd.s32 $0xFFFFC180  }
0x7b: {  	[tilespmem:s17], [sflag:$0x5] =	stream.linear.gather [hbm4b:s29+s3], $0x80, $0x38;
	[tilespmem:$0x1CE80] =	vst v63  }
0x7c: {  	_ =	swait.ge [sflag:s13], $0x80  }
0x7d: {  	[sflag:s13] =	ssyncset.done $0x0  }
.Ltmp3:
0x7e: {  	s28 =	sadd.s32 $0x510, s28;
	[sflag:s13] =	ssyncadd.s32 $0xFFFFFF80;
	(pc) =	sbr.rel @p1 .LBB2_8-.Ltmp3, $4  }
0x7f: {  	[tilespmem:s18], [sflag:$0x5] =	stream.linear.gather [hbm4b:s28+s3], $0x80, $0x38;
	[tilespmem:$0x1CE80] =	vst v63  }
0x80: {  	_ =	swait.ge [sflag:s13], $0x80  }
0x81: {  	[sflag:s13] =	ssyncset.done $0x0  }
0x82: {  	[sflag:s13] =	ssyncadd.s32 $0xFFFFFF80  }
0x83: {  	[tilespmem:s19], [sflag:$0x2] =	stream.indirect.gather [hbm4b:s6+s15], $0x80, s17, s15, $0xb8;
	[tilespmem:$0x1CE80] =	vst v63  }
0x84: {  	_ =	swait.ge [sflag:s21], $0x3E80  }
0x85: {  	[sflag:s21] =	ssyncset.done $0x0  }
0x86: {  	[sflag:s21] =	ssyncadd.s32 $0xFFFFC180  }
0x87: {  	[spmem:s1] =	stream.indirect.scatter.add.f32 [tilespmem:s16], [sflag:$0x3], $0x80, s14, s15, $0xb8;
	[tilespmem:$0x1CE80] =	vst v63  }
0x88: {  	_ =	swait.ge [sflag:s22], $0x3E80  }
0x89: {  	[sflag:s22] =	ssyncset.done $0x0  }
0x8a: {  	[sflag:s22] =	ssyncadd.s32 $0xFFFFC180  }
0x8b: {  	_ =	swait.ge [sflag:s23], $0x3E80  }
0x8c: {  	[sflag:s23] =	ssyncset.done $0x0  }
0x8d: {  	[sflag:s23] =	ssyncadd.s32 $0xFFFFC180  }
0x8e: {  	[spmem:s1] =	stream.indirect.scatter.add.f32 [tilespmem:s19], [sflag:$0x4], $0x80, s18, s15, $0xb8;
	[tilespmem:$0x1CE80] =	vst v63  }
0x8f: {  	_ =	swait.ge [sflag:s24], $0x3E80  }
0x90: {  	s26 =	sshll.u32 @!p0 s2, $0x6;
	[sflag:s24] =	ssyncset.done $0x0  }
0x91: {  	s28 =	sshrl.u32 @!p0 s10, $0x3;
	s25 =	sadd.s32 $0x1, s25;
	[sflag:s24] =	ssyncadd.s32 $0xFFFFC180  }
0x92: {  	s26 =	sor.u32 @!p0 $0x1C05, s26;
	p1 =	sne.s32 s25, s11;
	[bflag:$0x0] =	sbarrier.arrive $0xFFFF  }
0x93: {  	[hbm:s9], [sflag:s26] =	dma.local @!p0 [spmem:s28], $0x3E80  }
.Ltmp4:
0x94: {  	_ = 	snop;
	(pc) =	sbr.rel @p1 .LBB2_1-.Ltmp4, $4  }
0x95: {  	s26 =	simm.s32 @!p0 $0x5  }
0x96: {  	_ =	swait.ge @!p0 [sflag:s26], $0x3E80  }
0x97: {  	[sflag:s26] =	ssyncset.done @!p0 $0x0  }
0x98: {  	[sflag:s26] =	ssyncadd.s32 @!p0 $0xFFFFC180  }
0x99: {  	_ =	sfence.sel $0x180000  }
0x9a: {  	[bflag:$0x0] =	sbarrier.arrive $0xFFFF  }
0x9b: {  	p0 =	sne.s32 s2, $0x0;
	_ =	strace $0x9000004A  }
0x9c: {  	s0 =	sadd.s32 @!p0 $0x100000, s0;
	[bflag:$0x2] =	sbarrier.arrive $0xFFFF  }
0x9d: {  	[sflag:s0] =	ssyncadd.tile.s32 @!p0 $0x1;
	_ =	shalt  }
.Lfunc_end2:
_tile_overlayer_lowered:
.L_overlay_start_2:
0x9e: {  	(tag) =	ssettag $0x2  }
0x9f: {  	s0 =	rddreg [dreg:$0x0];
	s2 =	stileid.u32  }
0xa0: {  	s1 =	rddreg [dreg:$0x1];
	p0 =	sne.s32 s2, $0x0  }
0xa1: {  	s3 =	rddreg [dreg:$0x2];
	[bflag:$0x3] =	sbarrier.arrive $0xFFFF;
	s2 =	simm.s32 @!p0 $0x1C05  }
0xa2: {  	[timem:s3], [sflag:s2] =	dma.local @!p0 [hbm:s0], s1  }
0xa3: {  	s0 =	simm.s32 @!p0 $0x5  }
0xa4: {  	_ =	swait.ge @!p0 [sflag:s0], s1  }
0xa5: {  	s1 =	ssub.s32 @!p0 $0x0, s1;
	[sflag:s0] =	ssyncset.done @!p0 $0x0  }
0xa6: {  	[sflag:s0] =	ssyncadd.s32 @!p0 s1  }
0xa7: {  	[bflag:$0x3] =	sbarrier.arrive $0xFFFF  }
0xa8: {  	_ =	shalt  }

// kernel: kernel.16.cloned.1.call-start
scs
__scs_entry_jumppad:
0x0: {  	(pc) =	sbr.rel $0x88, $3  }
0x1: {  	(tag) =	ssettag $0x0;
	lr =	simm.s32 $0x1  }
0x2: {  	[smem:$0x3F99] =	sst lr;
	_ =	strace $0xD0000000  }
0x3: {  	_ = 	snop  }
0x4: {  	_ = 	snop  }
0x5: {  	_ = 	snop  }
0x6: {  	_ = 	snop  }
0x7: {  	_ = 	snop  }
__scs_overlays_trampoline_lowered:
0x8: {  	[smem:$0x3FA8] =	sst s0  }
0x9: {  	[smem:$0x3FA9] =	sst s1  }
0xa: {  	[smem:$0x3FAA] =	sst s2  }
0xb: {  	[smem:$0x3FAB] =	sst s3  }
0xc: {  	[smem:$0x3FAC] =	sst s4  }
0xd: {  	[smem:$0x3FAD] =	sst s5  }
0xe: {  	[smem:$0x3FAE] =	sst s6  }
0xf: {  	[smem:$0x3FAF] =	sst s7  }
0x10: {  	[smem:$0x3FB0] =	sst s8  }
0x11: {  	[smem:$0x3FB1] =	sst s9;
	s0 =	simm.s32 @!p0 $0x0  }
0x12: {  	s1 =	sld [smem:$0x3F97];
	s0 =	simm.s32 @p0 $0x1  }
0x13: {  	[smem:$0x3FB2] =	sst s0;
	s0 =	simm.s32 @!p1 $0x0  }
0x14: {  	s2 =	sld [smem:$0x3F96];
	s0 =	simm.s32 @p1 $0x1  }
0x15: {  	[smem:$0x3FB3] =	sst s0;
	s0 =	simm.s32 @!p2 $0x0  }
0x16: {  	s3 =	sld [smem:$0x3FDB];
	s0 =	simm.s32 @p2 $0x1  }
0x17: {  	s4 =	simm.s32 $0x1BF5;
	[smem:$0x3FB5] =	sst s0  }
0x18: {  	s0 =	sld [smem:$0x3F98];
	_ =	swait.ge [sflag:s4], $0x0  }
0x19: {  	s7 =	sld [smem:$0x3F99]  }
0x1a: {  	s8 =	sadd.s32 $0xFFFFE003, lr  }
0x1b: {  	s9 =	sadd.s32 $0xFFFFFEF7, lr;
	s5 =	simm.s32 $0xFFFFFFFF;
	p2 =	slt.u32 s8, $0xFFFFF086  }
0x1c: {  	p1 =	slt.u32 s9, $0xF7A;
	s5 =	simm.s32 @!p2 $0x0  }
0x1d: {  	s5 =	simm.s32 @p1 $0x1;
	p0 =	seq.s32 s7, s2  }
0x1e: {  	s7 =	smul.u32 @!p0 $0xF7A, s2;
	p2 =	seq.s32 @!p0 s5, $0x0  }
0x1f: {  	s9 =	smul.u32 $0xF7A, s1;
	s8 =	simm.s32 @!p0 $0x1BF5;
	p2 =	por !p2, p0  }
0x20: {  	[sflag:s8] =	ssyncset.s32 @!p0 $0xFFFFF086;
	s6 =	sadd.s32 @!p0 s3, s7;
	s7 =	simm.s32 @!p0 $0x108  }
0x21: {  	s3 =	sadd.s32 s3, s9;
	s6 =	sadd.s32 @!p0 $0x88, s6;
	s7 =	simm.s32 @p2 $0x1082  }
0x22: {  	[simem:s7], [sflag:s8] =	dma.local @!p0 [hbm:s6], $0xF7A  }
0x23: {  	s9 =	sor.u32 $0xD0000000, s2;
	s6 =	simm.s32 $0x108;
	_ =	swait.ge @!p0 [sflag:s8], $0x0  }
0x24: {  	s3 =	sadd.s32 $0x88, s3;
	s6 =	simm.s32 @!p1 $0x1082;
	[sflag:s4] =	ssyncset.s32 $0xFFFFF086  }
0x25: {  	[simem:s6], [sflag:s4] =	dma.local [hbm:s3], $0xF7A  }
0x26: {  	[smem:$0x3F99] =	sst s1;
	(tag) =	ssettag s2;
	_ =	strace s9  }
0x27: {  	s1 =	sld [smem:$0x3FA9]  }
0x28: {  	s2 =	sld [smem:$0x3FAA]  }
0x29: {  	s4 =	sld [smem:$0x3FAC]  }
0x2a: {  	p0 =	seq.s32 s5, $0x0;
	s5 =	sld [smem:$0x3FAD]  }
0x2b: {  	s6 =	sld [smem:$0x3FAE]  }
0x2c: {  	s7 =	sld [smem:$0x3FAF]  }
0x2d: {  	s3 =	simm.s32 $0x108;
	s8 =	sld [smem:$0x3FB0]  }
0x2e: {  	s3 =	simm.s32 @!p0 $0x1082;
	s9 =	sld [smem:$0x3FB1]  }
0x2f: {  	lr =	sadd.s32 s0, s3;
	s0 =	sld [smem:$0x3FA8]  }
0x30: {  	s3 =	sld [smem:$0x3FAB]  }
0x31: {  	[smem:$0x3FB4] =	sst s10  }
0x32: {  	s10 =	sld [smem:$0x3FB2];
	_ =	sdelay $0x3  }
0x33: {  	p0 =	seq.s32 s10, $0x1;
	s10 =	sld [smem:$0x3FB4];
	_ =	sdelay $0x3  }
0x34: {  	[smem:$0x3FB4] =	sst s10  }
0x35: {  	s10 =	sld [smem:$0x3FB3];
	_ =	sdelay $0x3  }
0x36: {  	p1 =	seq.s32 s10, $0x1;
	s10 =	sld [smem:$0x3FB4];
	_ =	sdelay $0x3  }
0x37: {  	[smem:$0x3FB4] =	sst s10  }
0x38: {  	s10 =	sld [smem:$0x3FB5]  }
0x39: {  	_ = 	snop;
	(pc) =	sbr.ind lr, $3  }
0x3a: {  	_ = 	snop  }
0x3b: {  	_ = 	snop  }
0x3c: {  	p2 =	seq.s32 s10, $0x1;
	s10 =	sld [smem:$0x3FB4]  }
0x3d: {  	_ =	shalt  }
0x3e: {  	_ =	shalt  }
0x3f: {  	_ =	shalt  }
0x40: {  	_ =	shalt  }
0x41: {  	_ =	shalt  }
0x42: {  	_ =	shalt  }
0x43: {  	_ =	shalt  }
0x44: {  	_ =	shalt  }
0x45: {  	_ =	shalt  }
0x46: {  	_ =	shalt  }
0x47: {  	_ =	shalt  }
0x48: {  	_ =	shalt  }
0x49: {  	_ =	shalt  }
0x4a: {  	_ =	shalt  }
0x4b: {  	_ =	shalt  }
0x4c: {  	_ =	shalt  }
0x4d: {  	_ =	shalt  }
0x4e: {  	_ =	shalt  }
0x4f: {  	_ =	shalt  }
0x50: {  	_ =	shalt  }
0x51: {  	_ =	shalt  }
0x52: {  	_ =	shalt  }
0x53: {  	_ =	shalt  }
0x54: {  	_ =	shalt  }
0x55: {  	_ =	shalt  }
0x56: {  	_ =	shalt  }
0x57: {  	_ =	shalt  }
0x58: {  	_ =	shalt  }
0x59: {  	_ =	shalt  }
0x5a: {  	_ =	shalt  }
0x5b: {  	_ =	shalt  }
0x5c: {  	_ =	shalt  }
0x5d: {  	_ =	shalt  }
0x5e: {  	_ =	shalt  }
0x5f: {  	_ =	shalt  }
0x60: {  	_ =	shalt  }
0x61: {  	_ =	shalt  }
0x62: {  	_ =	shalt  }
0x63: {  	_ =	shalt  }
0x64: {  	_ =	shalt  }
0x65: {  	_ =	shalt  }
0x66: {  	_ =	shalt  }
0x67: {  	_ =	shalt  }
0x68: {  	_ =	shalt  }
0x69: {  	_ =	shalt  }
0x6a: {  	_ =	shalt  }
0x6b: {  	_ =	shalt  }
0x6c: {  	_ =	shalt  }
0x6d: {  	_ =	shalt  }
0x6e: {  	_ =	shalt  }
0x6f: {  	_ =	shalt  }
0x70: {  	_ =	shalt  }
0x71: {  	_ =	shalt  }
0x72: {  	_ =	shalt  }
0x73: {  	_ =	shalt  }
0x74: {  	_ =	shalt  }
0x75: {  	_ =	shalt  }
0x76: {  	_ =	shalt  }
0x77: {  	_ =	shalt  }
0x78: {  	_ =	shalt  }
0x79: {  	_ =	shalt  }
0x7a: {  	_ =	shalt  }
0x7b: {  	_ =	shalt  }
0x7c: {  	_ =	shalt  }
0x7d: {  	_ =	shalt  }
0x7e: {  	_ =	shalt  }
0x7f: {  	_ =	shalt  }
0x80: {  	_ =	shalt  }
0x81: {  	_ =	shalt  }
0x82: {  	_ =	shalt  }
0x83: {  	_ =	shalt  }
0x84: {  	_ =	shalt  }
0x85: {  	_ =	shalt  }
0x86: {  	_ =	shalt  }
0x87: {  	_ =	shalt  }
.Lfunc_end0:
.L_simem_size_0:
called_computation.2_lowered:
.L_overlay_start_0:
0x88: {  	s2 =	sld [smem:$0x3FD9]  }
0x89: {  	s3 =	sld [smem:$0x3FFE];
	_ =	sdelay $0x1  }
0x8a: {  	s1 =	srdreg.scid  }
0x8b: {  	s0 =	sand.u32 $0x1, s1  }
0x8c: {  	s16 =	sshll.u32 s0, $0xA;
	s2 =	sadd.s32 s3, s2  }
0x8d: {  	s2 =	sadd.s32 s2, s16  }
0x8e: {  	[smem:$0x3FC0] =	sst s2  }
0x8f: {  	_ = 	snop  }
0x90: {  	(tm) =	ssettm $0x1  }
0x91: {  	s17 =	sld [smem:$0x3FFB];
	_ =	sdelay $0x3  }
0x92: {  	_ =	strace s17  }
0x93: {  	s2 =	sld [smem:$0x3FFC];
	_ =	sdelay $0x3  }
0x94: {  	_ =	strace s2  }
0x95: {  	s2 =	sld [smem:$0x3FFD];
	_ =	sdelay $0x3  }
0x96: {  	_ =	strace s2  }
0x97: {  	_ =	strace $0x8FFFFFFF  }
0x98: {  	s18 =	sld [smem:$0x3FDB];
	_ =	sdelay $0x1  }
0x99: {  	s19 =	simm.s32 $_scs_section_size  }
0x9a: {  	s4 =	simm.s32 $_size__tile_overlayer_lowered;
	s5 =	simm.s32 $_tile_overlayer_lowered  }
0x9b: {  	s22 =	simm.s32 $0x1BFF;
	s21 =	sshll.u32 s5, $0x1;
	s2 =	sadd.s32 s19, s18  }
0x9c: {  	s6 =	simm.s32 $0x0;
	s20 =	sshll.u32 s4, $0x1;
	s4 =	sadd.s32 s21, s2  }
0x9d: {  	[timem:s6], [sflag:s22] =	dma.local [hbm:s4], s20  }
0x9e: {  	_ =	swait.ge [sflag:s22], s20  }
0x9f: {  	s3 =	ssub.s32 $0x0, s20;
	[sflag:s22] =	ssyncset.done $0x0  }
0xa0: {  	[sflag:s22] =	ssyncadd.s32 s3;
	_ =	sdelay $0x1  }
0xa1: {  	s23 =	simm.s32 $0x1B8B  }
0xa2: {  	_ =	swait.ge [sflag:s23], $0x1  }
0xa3: {  	[sflag:s23] =	ssyncset.done $0x0  }
0xa4: {  	s25 =	simm.s32 $0x1B8E;
	s24 =	sld [smem:$0x3FFE];
	[sflag:s23] =	ssyncadd.s32 $0xFFFFFFFF  }
0xa5: {  	s26 =	simm.s32 $execute0_lowered;
	[smem:$0x3FD2] =	sst s25  }
0xa6: {  	s4 =	sshll.u32 s26, $0x1;
	_ =	strace $0x8000004C;
	[dreg:$0x1] =	wrdreg $0xFFFFFFFF  }
0xa7: {  	s28 =	simm.s32 $_size_execute0_lowered;
	s2 =	sadd.s32 s2, s4;
	[dreg:$0x0] =	wrdreg $0x0  }
0xa8: {  	s4 =	sshll.u32 s28, $0x1;
	[dreg:$0x2] =	wrdreg s2  }
0xa9: {  	[dreg:$0x3] =	wrdreg s4  }
0xaa: {  	[dreg:$0x4] =	wrdreg $0xC0  }
0xab: {  	_ =	task [dreg:s6], $0x5FFFF  }
0xac: {  	[dreg:$0x1] =	wrdreg $0xFFFFFFFF  }
0xad: {  	[dreg:$0x0] =	wrdreg $0x60  }
0xae: {  	[dreg:$0x2] =	wrdreg s24  }
0xaf: {  	[dreg:$0x3] =	wrdreg $0x0  }
0xb0: {  	[dreg:$0x4] =	wrdreg $0x9  }
0xb1: {  	_ =	task.clear_ibuf [dreg:s6], $0x5FFFF;
	_ =	strace $0x9000004C  }
0xb2: {  	s29 =	simm.s32 $0x9;
	_ =	strace $0x8000004E  }
0xb3: {  	_ =	swait.ge [sflag:s29], $0x1  }
0xb4: {  	[sflag:s29] =	ssyncadd.s32 $0xFFFFFFFF  }
0xb5: {  	_ =	strace $0x9000004E  }
0xb6: {  	_ =	sfence  }
0xb7: {  	s30 =	sld [smem:$0x0];
	_ =	sdelay $0x2  }
0xb8: {  	s31 =	sshll.u32 s1, $0xD;
	s1 =	sshrl.u32 s1, $0x2  }
0xb9: {  	s3 =	sand.u32 $0x4000, s31;
	s1 =	sadd.s32 s1, s30  }
0xba: {  	s0 =	sor.u32 s3, s0;
	s1 =	sshll.u32 s1, $0x11  }
0xbb: {  	s0 =	sor.u32 s1, s0  }
0xbc: {  	s0 =	sadd.s32 $0x8F2B, s0  }
0xbd: {  	[sflag:s0] =	ssyncadd.remote.s32 $0x1  }
0xbe: {  	_ =	sfence.sel $0xFFFF  }
0xbf: {  	[dreg:$0x0] =	wrdreg $0xFFFFFFFF;
	(pc) =	sbr.abs _section_cstart, $3  }
0xc0: {  	[dreg:$0x1] =	wrdreg $0xFFFFFFFF  }
0xc1: {  	_ =	task.clear_ibuf [dreg:s6], $0x2FFFF;
	_ =	strace $0x9FFFFFFF  }
0xc2: {  	(tm) =	ssettm $0x7FFFFFFF  }
0xc3: {  	_ =	shalt  }
tec
execute0_lowered:
.L_overlay_start_1:
0x0: {  	(tag) =	ssettag $0x1  }
0x1: {  	s4 =	rddreg [dreg:$0x0]  }
0x2: {  	s1 =	rddreg [dreg:$0x1];
	s2 =	srdreg.scid  }
0x3: {  	s0 =	rddreg [dreg:$0x2];
	s3 =	simm.s32 $0x0;
	s14 =	simm.s32 $0x13980  }
0x4: {  	s15 =	simm.s32 $0x7D;
	s16 =	simm.s32 $0x13A80;
	s17 =	simm.s32 $0x13900  }
0x5: {  	s18 =	simm.s32 $0x13A00;
	s19 =	simm.s32 $0x17A80;
	s20 =	simm.s32 $0x1BA80  }
0x6: {  	s21 =	simm.s32 $0x1;
	s22 =	simm.s32 $0x3;
	s23 =	simm.s32 $0x2  }
0x7: {  	s24 =	simm.s32 $0x4;
	s5 =	sand.u32 $0x1, s2;
	s2 =	stileid.u32  }
0x8: {  	s25 =	simm.s32 $0x0;
	[smem:$0x7FF] =	sst s3;
	s6 =	smul.u32 $0x138800, s5  }
0x9: {  	s9 =	sadd.s32 $0x50800, s4;
	s10 =	sadd.s32 $0x55800, s4;
	s7 =	smul.u32 $0x1F400, s2  }
0xa: {  	_ =	strace $0x8000004D;
	s5 =	ssub.s32 $0x2, s5;
	s28 =	smul.u32 $0x500, s2  }
0xb: {  	s13 =	smul.u32 $0x7D000, s2;
	p0 =	sgt.u32 s2, $0x9;
	s29 =	sshrl.u32 s5, $0x1  }
0xc: {  	s8 =	sshrl.u32 s6, $0x3;
	s6 =	sadd.s32 s7, s6;
	s12 =	ssub.s32 s5, s29  }
0xd: {  	s5 =	sadd.s32 s10, s28;
	s30 =	sor.u32 $0x10, s28;
	s31 =	sshrl.u32 s13, $0x2  }
0xe: {  	s13 =	simm.s32 $0x5;
	s8 =	sadd.s32 s8, s4;
	s6 =	sshrl.u32 s6, $0x3  }
0xf: {  	s7 =	sadd.s32 s9, s30;
	s11 =	sadd.s32 s6, s4;
	s4 =	sadd.s32 s9, s28  }
0x10: {  	s6 =	sadd.s32 $0x2600, s8;
	s8 =	sadd.s32 s10, s30;
	s10 =	sadd.s32 s31, s1  }
0x11: {  	v0 =	vimm.f32 $0.0e+00;
	s9 =	sadd.s32 $0x5A800, s11;
	s11 =	smax.u32 s12, $0x1;
	s12 =	simm.s32 $0x13880  }
.LBB2_1:
0x12: {  	s26 =	simm.s32 $0x0;
	s28 =	simm.s32 $0x200  }
.LBB2_2:
0x13: {  	p1 =	sne.s32 s28, $0x4E00;
	[tilespmem:s26+$0x1BAF0] =	vst v0  }
0x14: {  	[tilespmem:s26+$0x1BA80] =	vst v0  }
0x15: {  	[tilespmem:s26+$0x1BA90] =	vst v0  }
.Ltmp0:
0x16: {  	[tilespmem:s26+$0x1BAA0] =	vst v0;
	(pc) =	sbr.rel @p1 .LBB2_2-.Ltmp0, $4  }
0x17: {  	[tilespmem:s26+$0x1BAB0] =	vst v0  }
0x18: {  	[tilespmem:s26+$0x1BAC0] =	vst v0  }
0x19: {  	[tilespmem:s26+$0x1BAD0] =	vst v0  }
0x1a: {  	[tilespmem:s26+$0x1BAE0] =	vst v0;
	s26 =	sshra.s32 s28, $0x2;
	s28 =	sadd.s32 $0x200, s28  }
0x1b: {  	[tilespmem:s26+$0x1BAF0] =	vst v0  }
0x1c: {  	[tilespmem:s26+$0x1BA80] =	vst v0  }
0x1d: {  	[tilespmem:s26+$0x1BA90] =	vst v0  }
0x1e: {  	[tilespmem:s26+$0x1BAA0] =	vst v0  }
0x1f: {  	[tilespmem:s26+$0x1BAB0] =	vst v0  }
0x20: {  	[tilespmem:s26+$0x1BAC0] =	vst v0  }
0x21: {  	[tilespmem:s26+$0x1BAD0] =	vst v0  }
0x22: {  	[tilespmem:s26+$0x1BAE0] =	vst v0;
	s26 =	simm.s32 $0x0  }
0x23: {  	[tilespmem:s12], [sflag:$0x5] =	stream.linear.gather [hbm4b:s4+s26], $0x80, $0x38;
	[tilespmem:$0x1CE80] =	vst v63  }
0x24: {  	_ =	swait.ge [sflag:s13], $0x80  }
0x25: {  	[sflag:s13] =	ssyncset.done $0x0  }
0x26: {  	[sflag:s13] =	ssyncadd.s32 $0xFFFFFF80  }
0x27: {  	[tilespmem:s14], [sflag:$0x5] =	stream.linear.gather [hbm4b:s5+s26], $0x80, $0x38;
	[tilespmem:$0x1CE80] =	vst v63  }
0x28: {  	_ =	swait.ge [sflag:s13], $0x80  }
0x29: {  	[sflag:s13] =	ssyncset.done $0x0  }
0x2a: {  	[sflag:s13] =	ssyncadd.s32 $0xFFFFFF80  }
0x2b: {  	[tilespmem:s16], [sflag:$0x1] =	stream.indirect.gather [hbm4b:s6+s15], $0x80, s12, s15, $0xb8;
	[tilespmem:$0x1CE80] =	vst v63  }
0x2c: {  	_ = 	snop  }
0x2d: {  	[tilespmem:s17], [sflag:$0x5] =	stream.linear.gather [hbm4b:s7+s26], $0x80, $0x38;
	[tilespmem:$0x1CE80] =	vst v63  }
0x2e: {  	_ =	swait.ge [sflag:s13], $0x80  }
0x2f: {  	[sflag:s13] =	ssyncset.done $0x0  }
0x30: {  	[sflag:s13] =	ssyncadd.s32 $0xFFFFFF80  }
0x31: {  	[tilespmem:s18], [sflag:$0x5] =	stream.linear.gather [hbm4b:s8+s26], $0x80, $0x38;
	[tilespmem:$0x1CE80] =	vst v63  }
.Ltmp1:
0x32: {  	_ = 	snop;
	(pc) =	sbr.rel @p0 .LBB2_7-.Ltmp1, $4  }
0x33: {  	_ =	swait.ge [sflag:s13], $0x80  }
0x34: {  	[sflag:s13] =	ssyncset.done $0x0  }
0x35: {  	[sflag:s13] =	ssyncadd.s32 $0xFFFFFF80  }
0x36: {  	[tilespmem:s19], [sflag:$0x2] =	stream.indirect.gather [hbm4b:s6+s15], $0x80, s17, s15, $0xb8;
	[tilespmem:$0x1CE80] =	vst v63  }
0x37: {  	s28 =	sshra.s32 s26, $0x2  }
0x38: {  	s28 =	sadd.s32 s28, s10  }
0x39: {  	[spmem:s28] =	stream.linear.scatter [tilespmem:s20], [sflag:$0x5], $0x1400, $0x38;
	[tilespmem:$0x1CE80] =	vst v63  }
0x3a: {  	s26 =	sadd.s32 $0x5000, s26;
	_ =	swait.ge [sflag:s13], $0x1400  }
.LBB2_5:
0x3b: {  	s28 =	sshra.s32 s26, $0x2;
	[sflag:s13] =	ssyncset.done $0x0;
	p1 =	sne.s32 s26, $0x78000  }
.Ltmp2:
0x3c: {  	s28 =	sadd.s32 s28, s10;
	[sflag:s13] =	ssyncadd.s32 $0xFFFFEC00;
	(pc) =	sbr.rel @p1 .LBB2_5-.Ltmp2, $3  }
0x3d: {  	[spmem:s28] =	stream.linear.scatter [tilespmem:s20], [sflag:$0x5], $0x1400, $0x38;
	[tilespmem:$0x1CE80] =	vst v63  }
0x3e: {  	s26 =	sadd.s32 $0x5000, s26;
	_ =	sdelay $0x1  }
0x3f: {  	_ =	swait.ge [sflag:s13], $0x1400  }
0x40: {  	[sflag:s13] =	ssyncset.done $0x0  }
0x41: {  	[sflag:s13] =	ssyncadd.s32 $0xFFFFEC00  }
.LBB2_7:
0x42: {  	[bflag:$0x0] =	sbarrier.arrive $0xFFFF  }
0x43: {  	_ =	swait.ge [sflag:s21], $0x3E80  }
0x44: {  	[sflag:s21] =	ssyncset.done $0x0  }
0x45: {  	[sflag:s21] =	ssyncadd.s32 $0xFFFFC180  }
0x46: {  	[spmem:s1] =	stream.indirect.scatter.add.f32 [tilespmem:s16], [sflag:$0x3], $0x80, s14, s15, $0xb8;
	[tilespmem:$0x1CE80] =	vst v63  }
0x47: {  	_ =	swait.ge [sflag:s22], $0x3E80  }
0x48: {  	s26 =	sadd.s32 $0xFFFFFB20, s4;
	[sflag:s22] =	ssyncset.done $0x0  }
0x49: {  	s28 =	sadd.s32 $0x500, s26;
	[sflag:s22] =	ssyncadd.s32 $0xFFFFC180  }
0x4a: {  	[tilespmem:s12], [sflag:$0x5] =	stream.linear.gather [hbm4b:s28+s3], $0x80, $0x38;
	[tilespmem:$0x1CE80] =	vst v63  }
0x4b: {  	_ =	swait.ge [sflag:s13], $0x80  }
0x4c: {  	s30 =	sadd.s32 $0xFFFFFB20, s5;
	[sflag:s13] =	ssyncset.done $0x0  }
0x4d: {  	s29 =	sadd.s32 $0x500, s30;
	[sflag:s13] =	ssyncadd.s32 $0xFFFFFF80  }
0x4e: {  	[tilespmem:s14], [sflag:$0x5] =	stream.linear.gather [hbm4b:s29+s3], $0x80, $0x38;
	[tilespmem:$0x1CE80] =	vst v63  }
0x4f: {  	_ =	swait.ge [sflag:s13], $0x80  }
0x50: {  	[sflag:s13] =	ssyncset.done $0x0  }
0x51: {  	[sflag:s13] =	ssyncadd.s32 $0xFFFFFF80  }
0x52: {  	[tilespmem:s16], [sflag:$0x1] =	stream.indirect.gather [hbm4b:s6+s15], $0x80, s12, s15, $0xb8;
	[tilespmem:$0x1CE80] =	vst v63  }
0x53: {  	_ =	swait.ge [sflag:s23], $0x3E80  }
0x54: {  	[sflag:s23] =	ssyncset.done $0x0  }
0x55: {  	[sflag:s23] =	ssyncadd.s32 $0xFFFFC180  }
0x56: {  	[spmem:s1] =	stream.indirect.scatter.add.f32 [tilespmem:s19], [sflag:$0x4], $0x80, s18, s15, $0xb8;
	[tilespmem:$0x1CE80] =	vst v63  }
0x57: {  	_ =	swait.ge [sflag:s24], $0x3E80  }
0x58: {  	[sflag:s24] =	ssyncset.done $0x0  }
0x59: {  	s26 =	sadd.s32 $0x510, s26;
	[sflag:s24] =	ssyncadd.s32 $0xFFFFC180  }
0x5a: {  	[tilespmem:s17], [sflag:$0x5] =	stream.linear.gather [hbm4b:s26+s3], $0x80, $0x38;
	[tilespmem:$0x1CE80] =	vst v63  }
0x5b: {  	_ =	swait.ge [sflag:s13], $0x80  }
0x5c: {  	[sflag:s13] =	ssyncset.done $0x0  }
0x5d: {  	s31 =	sadd.s32 $0x510, s30;
	[sflag:s13] =	ssyncadd.s32 $0xFFFFFF80  }
0x5e: {  	[tilespmem:s18], [sflag:$0x5] =	stream.linear.gather [hbm4b:s31+s3], $0x80, $0x38;
	[tilespmem:$0x1CE80] =	vst v63  }
0x5f: {  	_ =	swait.ge [sflag:s13], $0x80  }
0x60: {  	[sflag:s13] =	ssyncset.done $0x0  }
0x61: {  	s26 =	simm.s32 $0xFFFFFB40;
	[sflag:s13] =	ssyncadd.s32 $0xFFFFFF80  }
.LBB2_8:
0x62: {  	[tilespmem:s19], [sflag:$0x2] =	stream.indirect.gather [hbm4b:s6+s15], $0x80, s17, s15, $0xb8;
	[tilespmem:$0x1CE80] =	vst v63  }
0x63: {  	s28 =	smov.u32 s26  }
0x64: {  	p1 =	sne.s32 s26, $0xFFFFFFE0;
	s26 =	sadd.s32 $0x20, s26;
	_ =	swait.ge [sflag:s21], $0x3E80  }
0x65: {  	[sflag:s21] =	ssyncset.done $0x0  }
0x66: {  	[sflag:s21] =	ssyncadd.s32 $0xFFFFC180  }
0x67: {  	[spmem:s1] =	stream.indirect.scatter.add.f32 [tilespmem:s16], [sflag:$0x3], $0x80, s14, s15, $0xb8;
	[tilespmem:$0x1CE80] =	vst v63  }
0x68: {  	_ =	swait.ge [sflag:s22], $0x3E80  }
0x69: {  	s29 =	sadd.s32 s28, s4;
	[sflag:s22] =	ssyncset.done $0x0  }
0x6a: {  	s30 =	sadd.s32 $0x500, s29;
	[sflag:s22] =	ssyncadd.s32 $0xFFFFC180  }
0x6b: {  	[tilespmem:s12], [sflag:$0x5] =	stream.linear.gather [hbm4b:s30+s3], $0x80, $0x38;
	[tilespmem:$0x1CE80] =	vst v63  }
0x6c: {  	_ =	swait.ge [sflag:s13], $0x80  }
0x6d: {  	s28 =	sadd.s32 s28, s5;
	[sflag:s13] =	ssyncset.done $0x0  }
0x6e: {  	s30 =	sadd.s32 $0x500, s28;
	[sflag:s13] =	ssyncadd.s32 $0xFFFFFF80  }
0x6f: {  	[tilespmem:s14], [sflag:$0x5] =	stream.linear.gather [hbm4b:s30+s3], $0x80, $0x38;
	[tilespmem:$0x1CE80] =	vst v63  }
0x70: {  	_ =	swait.ge [sflag:s13], $0x80  }
0x71: {  	[sflag:s13] =	ssyncset.done $0x0  }
0x72: {  	[sflag:s13] =	ssyncadd.s32 $0xFFFFFF80  }
0x73: {  	[tilespmem:s16], [sflag:$0x1] =	stream.indirect.gather [hbm4b:s6+s15], $0x80, s12, s15, $0xb8;
	[tilespmem:$0x1CE80] =	vst v63  }
0x74: {  	_ =	swait.ge [sflag:s23], $0x3E80  }
0x75: {  	[sflag:s23] =	ssyncset.done $0x0  }
0x76: {  	[sflag:s23] =	ssyncadd.s32 $0xFFFFC180  }
0x77: {  	[spmem:s1] =	stream.indirect.scatter.add.f32 [tilespmem:s19], [sflag:$0x4], $0x80, s18, s15, $0xb8;
	[tilespmem:$0x1CE80] =	vst v63  }
0x78: {  	_ =	swait.ge [sflag:s24], $0x3E80  }
0x79: {  	[sflag:s24] =	ssyncset.done $0x0  }
0x7a: {  	s29 =	sadd.s32 $0x510, s29;
	[sflag:s24] =	ssyncadd.s32 $0xFFFFC180  }
0x7b: {  	[tilespmem:s17], [sflag:$0x5] =	stream.linear.gather [hbm4b:s29+s3], $0x80, $0x38;
	[tilespmem:$0x1CE80] =	vst v63  }
0x7c: {  	_ =	swait.ge [sflag:s13], $0x80  }
0x7d: {  	[sflag:s13] =	ssyncset.done $0x0  }
.Ltmp3:
0x7e: {  	s28 =	sadd.s32 $0x510, s28;
	[sflag:s13] =	ssyncadd.s32 $0xFFFFFF80;
	(pc) =	sbr.rel @p1 .LBB2_8-.Ltmp3, $4  }
0x7f: {  	[tilespmem:s18], [sflag:$0x5] =	stream.linear.gather [hbm4b:s28+s3], $0x80, $0x38;
	[tilespmem:$0x1CE80] =	vst v63  }
0x80: {  	_ =	swait.ge [sflag:s13], $0x80  }
0x81: {  	[sflag:s13] =	ssyncset.done $0x0  }
0x82: {  	[sflag:s13] =	ssyncadd.s32 $0xFFFFFF80  }
0x83: {  	[tilespmem:s19], [sflag:$0x2] =	stream.indirect.gather [hbm4b:s6+s15], $0x80, s17, s15, $0xb8;
	[tilespmem:$0x1CE80] =	vst v63  }
0x84: {  	_ =	swait.ge [sflag:s21], $0x3E80  }
0x85: {  	[sflag:s21] =	ssyncset.done $0x0  }
0x86: {  	[sflag:s21] =	ssyncadd.s32 $0xFFFFC180  }
0x87: {  	[spmem:s1] =	stream.indirect.scatter.add.f32 [tilespmem:s16], [sflag:$0x3], $0x80, s14, s15, $0xb8;
	[tilespmem:$0x1CE80] =	vst v63  }
0x88: {  	_ =	swait.ge [sflag:s22], $0x3E80  }
0x89: {  	[sflag:s22] =	ssyncset.done $0x0  }
0x8a: {  	[sflag:s22] =	ssyncadd.s32 $0xFFFFC180  }
0x8b: {  	_ =	swait.ge [sflag:s23], $0x3E80  }
0x8c: {  	[sflag:s23] =	ssyncset.done $0x0  }
0x8d: {  	[sflag:s23] =	ssyncadd.s32 $0xFFFFC180  }
0x8e: {  	[spmem:s1] =	stream.indirect.scatter.add.f32 [tilespmem:s19], [sflag:$0x4], $0x80, s18, s15, $0xb8;
	[tilespmem:$0x1CE80] =	vst v63  }
0x8f: {  	_ =	swait.ge [sflag:s24], $0x3E80  }
0x90: {  	s26 =	sshll.u32 @!p0 s2, $0x6;
	[sflag:s24] =	ssyncset.done $0x0  }
0x91: {  	s28 =	sshrl.u32 @!p0 s10, $0x3;
	s25 =	sadd.s32 $0x1, s25;
	[sflag:s24] =	ssyncadd.s32 $0xFFFFC180  }
0x92: {  	s26 =	sor.u32 @!p0 $0x1C05, s26;
	p1 =	sne.s32 s25, s11;
	[bflag:$0x0] =	sbarrier.arrive $0xFFFF  }
0x93: {  	[hbm:s9], [sflag:s26] =	dma.local @!p0 [spmem:s28], $0x3E80  }
.Ltmp4:
0x94: {  	_ = 	snop;
	(pc) =	sbr.rel @p1 .LBB2_1-.Ltmp4, $4  }
0x95: {  	s26 =	simm.s32 @!p0 $0x5  }
0x96: {  	_ =	swait.ge @!p0 [sflag:s26], $0x3E80  }
0x97: {  	[sflag:s26] =	ssyncset.done @!p0 $0x0  }
0x98: {  	[sflag:s26] =	ssyncadd.s32 @!p0 $0xFFFFC180  }
0x99: {  	_ =	sfence.sel $0x180000  }
0x9a: {  	[bflag:$0x0] =	sbarrier.arrive $0xFFFF  }
0x9b: {  	p0 =	sne.s32 s2, $0x0;
	_ =	strace $0x9000004D  }
0x9c: {  	s0 =	sadd.s32 @!p0 $0x100000, s0;
	[bflag:$0x2] =	sbarrier.arrive $0xFFFF  }
0x9d: {  	[sflag:s0] =	ssyncadd.tile.s32 @!p0 $0x1;
	_ =	shalt  }
.Lfunc_end2:
_tile_overlayer_lowered:
.L_overlay_start_2:
0x9e: {  	(tag) =	ssettag $0x2  }
0x9f: {  	s0 =	rddreg [dreg:$0x0];
	s2 =	stileid.u32  }
0xa0: {  	s1 =	rddreg [dreg:$0x1];
	p0 =	sne.s32 s2, $0x0  }
0xa1: {  	s3 =	rddreg [dreg:$0x2];
	[bflag:$0x3] =	sbarrier.arrive $0xFFFF;
	s2 =	simm.s32 @!p0 $0x1C05  }
0xa2: {  	[timem:s3], [sflag:s2] =	dma.local @!p0 [hbm:s0], s1  }
0xa3: {  	s0 =	simm.s32 @!p0 $0x5  }
0xa4: {  	_ =	swait.ge @!p0 [sflag:s0], s1  }
0xa5: {  	s1 =	ssub.s32 @!p0 $0x0, s1;
	[sflag:s0] =	ssyncset.done @!p0 $0x0  }
0xa6: {  	[sflag:s0] =	ssyncadd.s32 @!p0 s1  }
0xa7: {  	[bflag:$0x3] =	sbarrier.arrive $0xFFFF  }
0xa8: {  	_ =	shalt  }

// kernel: kernel.19.cloned.1.call-start
scs
__scs_entry_jumppad:
0x0: {  	(pc) =	sbr.rel $0x88, $3  }
0x1: {  	(tag) =	ssettag $0x0;
	lr =	simm.s32 $0x1  }
0x2: {  	[smem:$0x3F99] =	sst lr;
	_ =	strace $0xD0000000  }
0x3: {  	_ = 	snop  }
0x4: {  	_ = 	snop  }
0x5: {  	_ = 	snop  }
0x6: {  	_ = 	snop  }
0x7: {  	_ = 	snop  }
__scs_overlays_trampoline_lowered:
0x8: {  	[smem:$0x3FA8] =	sst s0  }
0x9: {  	[smem:$0x3FA9] =	sst s1  }
0xa: {  	[smem:$0x3FAA] =	sst s2  }
0xb: {  	[smem:$0x3FAB] =	sst s3  }
0xc: {  	[smem:$0x3FAC] =	sst s4  }
0xd: {  	[smem:$0x3FAD] =	sst s5  }
0xe: {  	[smem:$0x3FAE] =	sst s6  }
0xf: {  	[smem:$0x3FAF] =	sst s7  }
0x10: {  	[smem:$0x3FB0] =	sst s8  }
0x11: {  	[smem:$0x3FB1] =	sst s9;
	s0 =	simm.s32 @!p0 $0x0  }
0x12: {  	s1 =	sld [smem:$0x3F97];
	s0 =	simm.s32 @p0 $0x1  }
0x13: {  	[smem:$0x3FB2] =	sst s0;
	s0 =	simm.s32 @!p1 $0x0  }
0x14: {  	s2 =	sld [smem:$0x3F96];
	s0 =	simm.s32 @p1 $0x1  }
0x15: {  	[smem:$0x3FB3] =	sst s0;
	s0 =	simm.s32 @!p2 $0x0  }
0x16: {  	s3 =	sld [smem:$0x3FDB];
	s0 =	simm.s32 @p2 $0x1  }
0x17: {  	s4 =	simm.s32 $0x1BF5;
	[smem:$0x3FB5] =	sst s0  }
0x18: {  	s0 =	sld [smem:$0x3F98];
	_ =	swait.ge [sflag:s4], $0x0  }
0x19: {  	s7 =	sld [smem:$0x3F99]  }
0x1a: {  	s8 =	sadd.s32 $0xFFFFE003, lr  }
0x1b: {  	s9 =	sadd.s32 $0xFFFFFEF7, lr;
	s5 =	simm.s32 $0xFFFFFFFF;
	p2 =	slt.u32 s8, $0xFFFFF086  }
0x1c: {  	p1 =	slt.u32 s9, $0xF7A;
	s5 =	simm.s32 @!p2 $0x0  }
0x1d: {  	s5 =	simm.s32 @p1 $0x1;
	p0 =	seq.s32 s7, s2  }
0x1e: {  	s7 =	smul.u32 @!p0 $0xF7A, s2;
	p2 =	seq.s32 @!p0 s5, $0x0  }
0x1f: {  	s9 =	smul.u32 $0xF7A, s1;
	s8 =	simm.s32 @!p0 $0x1BF5;
	p2 =	por !p2, p0  }
0x20: {  	[sflag:s8] =	ssyncset.s32 @!p0 $0xFFFFF086;
	s6 =	sadd.s32 @!p0 s3, s7;
	s7 =	simm.s32 @!p0 $0x108  }
0x21: {  	s3 =	sadd.s32 s3, s9;
	s6 =	sadd.s32 @!p0 $0x88, s6;
	s7 =	simm.s32 @p2 $0x1082  }
0x22: {  	[simem:s7], [sflag:s8] =	dma.local @!p0 [hbm:s6], $0xF7A  }
0x23: {  	s9 =	sor.u32 $0xD0000000, s2;
	s6 =	simm.s32 $0x108;
	_ =	swait.ge @!p0 [sflag:s8], $0x0  }
0x24: {  	s3 =	sadd.s32 $0x88, s3;
	s6 =	simm.s32 @!p1 $0x1082;
	[sflag:s4] =	ssyncset.s32 $0xFFFFF086  }
0x25: {  	[simem:s6], [sflag:s4] =	dma.local [hbm:s3], $0xF7A  }
0x26: {  	[smem:$0x3F99] =	sst s1;
	(tag) =	ssettag s2;
	_ =	strace s9  }
0x27: {  	s1 =	sld [smem:$0x3FA9]  }
0x28: {  	s2 =	sld [smem:$0x3FAA]  }
0x29: {  	s4 =	sld [smem:$0x3FAC]  }
0x2a: {  	p0 =	seq.s32 s5, $0x0;
	s5 =	sld [smem:$0x3FAD]  }
0x2b: {  	s6 =	sld [smem:$0x3FAE]  }
0x2c: {  	s7 =	sld [smem:$0x3FAF]  }
0x2d: {  	s3 =	simm.s32 $0x108;
	s8 =	sld [smem:$0x3FB0]  }
0x2e: {  	s3 =	simm.s32 @!p0 $0x1082;
	s9 =	sld [smem:$0x3FB1]  }
0x2f: {  	lr =	sadd.s32 s0, s3;
	s0 =	sld [smem:$0x3FA8]  }
0x30: {  	s3 =	sld [smem:$0x3FAB]  }
0x31: {  	[smem:$0x3FB4] =	sst s10  }
0x32: {  	s10 =	sld [smem:$0x3FB2];
	_ =	sdelay $0x3  }
0x33: {  	p0 =	seq.s32 s10, $0x1;
	s10 =	sld [smem:$0x3FB4];
	_ =	sdelay $0x3  }
0x34: {  	[smem:$0x3FB4] =	sst s10  }
0x35: {  	s10 =	sld [smem:$0x3FB3];
	_ =	sdelay $0x3  }
0x36: {  	p1 =	seq.s32 s10, $0x1;
	s10 =	sld [smem:$0x3FB4];
	_ =	sdelay $0x3  }
0x37: {  	[smem:$0x3FB4] =	sst s10  }
0x38: {  	s10 =	sld [smem:$0x3FB5]  }
0x39: {  	_ = 	snop;
	(pc) =	sbr.ind lr, $3  }
0x3a: {  	_ = 	snop  }
0x3b: {  	_ = 	snop  }
0x3c: {  	p2 =	seq.s32 s10, $0x1;
	s10 =	sld [smem:$0x3FB4]  }
0x3d: {  	_ =	shalt  }
0x3e: {  	_ =	shalt  }
0x3f: {  	_ =	shalt  }
0x40: {  	_ =	shalt  }
0x41: {  	_ =	shalt  }
0x42: {  	_ =	shalt  }
0x43: {  	_ =	shalt  }
0x44: {  	_ =	shalt  }
0x45: {  	_ =	shalt  }
0x46: {  	_ =	shalt  }
0x47: {  	_ =	shalt  }
0x48: {  	_ =	shalt  }
0x49: {  	_ =	shalt  }
0x4a: {  	_ =	shalt  }
0x4b: {  	_ =	shalt  }
0x4c: {  	_ =	shalt  }
0x4d: {  	_ =	shalt  }
0x4e: {  	_ =	shalt  }
0x4f: {  	_ =	shalt  }
0x50: {  	_ =	shalt  }
0x51: {  	_ =	shalt  }
0x52: {  	_ =	shalt  }
0x53: {  	_ =	shalt  }
0x54: {  	_ =	shalt  }
0x55: {  	_ =	shalt  }
0x56: {  	_ =	shalt  }
0x57: {  	_ =	shalt  }
0x58: {  	_ =	shalt  }
0x59: {  	_ =	shalt  }
0x5a: {  	_ =	shalt  }
0x5b: {  	_ =	shalt  }
0x5c: {  	_ =	shalt  }
0x5d: {  	_ =	shalt  }
0x5e: {  	_ =	shalt  }
0x5f: {  	_ =	shalt  }
0x60: {  	_ =	shalt  }
0x61: {  	_ =	shalt  }
0x62: {  	_ =	shalt  }
0x63: {  	_ =	shalt  }
0x64: {  	_ =	shalt  }
0x65: {  	_ =	shalt  }
0x66: {  	_ =	shalt  }
0x67: {  	_ =	shalt  }
0x68: {  	_ =	shalt  }
0x69: {  	_ =	shalt  }
0x6a: {  	_ =	shalt  }
0x6b: {  	_ =	shalt  }
0x6c: {  	_ =	shalt  }
0x6d: {  	_ =	shalt  }
0x6e: {  	_ =	shalt  }
0x6f: {  	_ =	shalt  }
0x70: {  	_ =	shalt  }
0x71: {  	_ =	shalt  }
0x72: {  	_ =	shalt  }
0x73: {  	_ =	shalt  }
0x74: {  	_ =	shalt  }
0x75: {  	_ =	shalt  }
0x76: {  	_ =	shalt  }
0x77: {  	_ =	shalt  }
0x78: {  	_ =	shalt  }
0x79: {  	_ =	shalt  }
0x7a: {  	_ =	shalt  }
0x7b: {  	_ =	shalt  }
0x7c: {  	_ =	shalt  }
0x7d: {  	_ =	shalt  }
0x7e: {  	_ =	shalt  }
0x7f: {  	_ =	shalt  }
0x80: {  	_ =	shalt  }
0x81: {  	_ =	shalt  }
0x82: {  	_ =	shalt  }
0x83: {  	_ =	shalt  }
0x84: {  	_ =	shalt  }
0x85: {  	_ =	shalt  }
0x86: {  	_ =	shalt  }
0x87: {  	_ =	shalt  }
.Lfunc_end0:
.L_simem_size_0:
called_computation.3_lowered:
.L_overlay_start_0:
0x88: {  	s2 =	sld [smem:$0x3FD9]  }
0x89: {  	s3 =	sld [smem:$0x3FFE];
	_ =	sdelay $0x1  }
0x8a: {  	s1 =	srdreg.scid  }
0x8b: {  	s0 =	sand.u32 $0x1, s1  }
0x8c: {  	s16 =	sshll.u32 s0, $0xA;
	s2 =	sadd.s32 s3, s2  }
0x8d: {  	s2 =	sadd.s32 s2, s16  }
0x8e: {  	[smem:$0x3FC0] =	sst s2  }
0x8f: {  	_ = 	snop  }
0x90: {  	(tm) =	ssettm $0x1  }
0x91: {  	s17 =	sld [smem:$0x3FFB];
	_ =	sdelay $0x3  }
0x92: {  	_ =	strace s17  }
0x93: {  	s2 =	sld [smem:$0x3FFC];
	_ =	sdelay $0x3  }
0x94: {  	_ =	strace s2  }
0x95: {  	s2 =	sld [smem:$0x3FFD];
	_ =	sdelay $0x3  }
0x96: {  	_ =	strace s2  }
0x97: {  	_ =	strace $0x8FFFFFFF  }
0x98: {  	s18 =	sld [smem:$0x3FDB];
	_ =	sdelay $0x1  }
0x99: {  	s19 =	simm.s32 $_scs_section_size  }
0x9a: {  	s4 =	simm.s32 $_size__tile_overlayer_lowered;
	s5 =	simm.s32 $_tile_overlayer_lowered  }
0x9b: {  	s22 =	simm.s32 $0x1BFF;
	s21 =	sshll.u32 s5, $0x1;
	s2 =	sadd.s32 s19, s18  }
0x9c: {  	s6 =	simm.s32 $0x0;
	s20 =	sshll.u32 s4, $0x1;
	s4 =	sadd.s32 s21, s2  }
0x9d: {  	[timem:s6], [sflag:s22] =	dma.local [hbm:s4], s20  }
0x9e: {  	_ =	swait.ge [sflag:s22], s20  }
0x9f: {  	s3 =	ssub.s32 $0x0, s20;
	[sflag:s22] =	ssyncset.done $0x0  }
0xa0: {  	[sflag:s22] =	ssyncadd.s32 s3;
	_ =	sdelay $0x1  }
0xa1: {  	s23 =	simm.s32 $0x1B8B  }
0xa2: {  	_ =	swait.ge [sflag:s23], $0x1  }
0xa3: {  	[sflag:s23] =	ssyncset.done $0x0  }
0xa4: {  	s25 =	simm.s32 $0x1B8E;
	s24 =	sld [smem:$0x3FFE];
	[sflag:s23] =	ssyncadd.s32 $0xFFFFFFFF  }
0xa5: {  	s26 =	simm.s32 $execute0_lowered;
	[smem:$0x3FD2] =	sst s25  }
0xa6: {  	s4 =	sshll.u32 s26, $0x1;
	_ =	strace $0x8000004F;
	[dreg:$0x1] =	wrdreg $0xFFFFFFFF  }
0xa7: {  	s28 =	simm.s32 $_size_execute0_lowered;
	s2 =	sadd.s32 s2, s4;
	[dreg:$0x0] =	wrdreg $0x0  }
0xa8: {  	s4 =	sshll.u32 s28, $0x1;
	[dreg:$0x2] =	wrdreg s2  }
0xa9: {  	[dreg:$0x3] =	wrdreg s4  }
0xaa: {  	[dreg:$0x4] =	wrdreg $0xC0  }
0xab: {  	_ =	task [dreg:s6], $0x5FFFF  }
0xac: {  	[dreg:$0x1] =	wrdreg $0xFFFFFFFF  }
0xad: {  	[dreg:$0x0] =	wrdreg $0x60  }
0xae: {  	[dreg:$0x2] =	wrdreg s24  }
0xaf: {  	[dreg:$0x3] =	wrdreg $0x0  }
0xb0: {  	[dreg:$0x4] =	wrdreg $0x9  }
0xb1: {  	_ =	task.clear_ibuf [dreg:s6], $0x5FFFF;
	_ =	strace $0x9000004F  }
0xb2: {  	s29 =	simm.s32 $0x9;
	_ =	strace $0x80000051  }
0xb3: {  	_ =	swait.ge [sflag:s29], $0x1  }
0xb4: {  	[sflag:s29] =	ssyncadd.s32 $0xFFFFFFFF  }
0xb5: {  	_ =	strace $0x90000051  }
0xb6: {  	_ =	sfence  }
0xb7: {  	s30 =	sld [smem:$0x0];
	_ =	sdelay $0x2  }
0xb8: {  	s31 =	sshll.u32 s1, $0xD;
	s1 =	sshrl.u32 s1, $0x2  }
0xb9: {  	s3 =	sand.u32 $0x4000, s31;
	s1 =	sadd.s32 s1, s30  }
0xba: {  	s0 =	sor.u32 s3, s0;
	s1 =	sshll.u32 s1, $0x11  }
0xbb: {  	s0 =	sor.u32 s1, s0  }
0xbc: {  	s0 =	sadd.s32 $0x8F2B, s0  }
0xbd: {  	[sflag:s0] =	ssyncadd.remote.s32 $0x1  }
0xbe: {  	_ =	sfence.sel $0xFFFF  }
0xbf: {  	[dreg:$0x0] =	wrdreg $0xFFFFFFFF;
	(pc) =	sbr.abs _section_cstart, $3  }
0xc0: {  	[dreg:$0x1] =	wrdreg $0xFFFFFFFF  }
0xc1: {  	_ =	task.clear_ibuf [dreg:s6], $0x2FFFF;
	_ =	strace $0x9FFFFFFF  }
0xc2: {  	(tm) =	ssettm $0x7FFFFFFF  }
0xc3: {  	_ =	shalt  }
tec
execute0_lowered:
.L_overlay_start_1:
0x0: {  	(tag) =	ssettag $0x1  }
0x1: {  	s0 =	rddreg [dreg:$0x0]  }
0x2: {  	s1 =	rddreg [dreg:$0x1];
	s3 =	simm.s32 $0x0;
	s2 =	srdreg.scid  }
0x3: {  	s20 =	stileid.u32;
	s17 =	simm.s32 $0x5;
	s18 =	simm.s32 $0x13980  }
0x4: {  	s19 =	simm.s32 $0x7D;
	s28 =	simm.s32 $0x2;
	s29 =	simm.s32 $0x4  }
0x5: {  	[smem:$0x7FF] =	sst s3;
	s5 =	sand.u32 $0x1, s2;
	s7 =	smul.u32 $0x1F400, s20  }
0x6: {  	s4 =	sadd.s32 $0x2600, s0;
	s14 =	sadd.s32 $0x50800, s0;
	s10 =	smul.u32 $0x28, s20  }
0x7: {  	s15 =	sadd.s32 $0x55800, s0;
	s12 =	smul.u32 $0x7D000, s20;
	p0 =	sgt.u32 s20, $0x9  }
0x8: {  	s30 =	simm.s32 $0x0;
	s6 =	smul.u32 $0x138800, s5;
	_ =	strace $0x80000050  }
0x9: {  	s8 =	sshll.u32 s5, $0x4;
	s22 =	ssub.s32 $0x2, s5;
	s9 =	smul.u32 $0x280, s5  }
0xa: {  	s21 =	sor.u32 s20, s8;
	s23 =	sshrl.u32 s22, $0x1;
	s25 =	sshrl.u32 s12, $0x2  }
0xb: {  	s20 =	simm.s32 $0x13A80;
	s6 =	sadd.s32 s7, s6;
	s7 =	smul.u32 $0x280, s21  }
0xc: {  	s11 =	ssub.s32 s22, s23;
	s10 =	sadd.s32 s10, s9;
	s21 =	simm.s32 $0x13900  }
0xd: {  	s22 =	simm.s32 $0x13A00;
	s23 =	simm.s32 $0x17A80;
	s6 =	sshrl.u32 s6, $0x3  }
0xe: {  	s13 =	sshll.u32 s10, $0x4;
	s10 =	sadd.s32 s25, s1;
	s11 =	smax.u32 s11, $0x1  }
0xf: {  	s25 =	simm.s32 $0x1;
	s0 =	sadd.s32 s6, s0;
	s5 =	sadd.s32 s14, s7  }
0x10: {  	s6 =	sadd.s32 s15, s7;
	s24 =	sor.u32 $0x10, s7;
	s26 =	sadd.s32 s13, s14  }
0x11: {  	s31 =	sadd.s32 s13, s15;
	s16 =	sor.u32 $0x20, s13;
	s7 =	sadd.s32 s14, s24  }
0x12: {  	s8 =	sadd.s32 s15, s24;
	s9 =	sadd.s32 $0x5A800, s0;
	s12 =	sadd.s32 $0x30, s26  }
0x13: {  	s13 =	sadd.s32 $0x30, s31;
	s14 =	sadd.s32 s16, s14;
	s15 =	sadd.s32 s16, s15  }
0x14: {  	v0 =	vimm.f32 $0.0e+00;
	s16 =	simm.s32 $0x13880;
	s24 =	simm.s32 $0x1BA80;
	s26 =	simm.s32 $0x3  }
.LBB2_1:
0x15: {  	s31 =	simm.s32 $0x0;
	s0 =	simm.s32 $0x200  }
.LBB2_2:
0x16: {  	p1 =	sne.s32 s0, $0x4E00;
	[tilespmem:s31+$0x1BAF0] =	vst v0  }
0x17: {  	[tilespmem:s31+$0x1BA80] =	vst v0  }
0x18: {  	[tilespmem:s31+$0x1BA90] =	vst v0  }
.Ltmp0:
0x19: {  	[tilespmem:s31+$0x1BAA0] =	vst v0;
	(pc) =	sbr.rel @p1 .LBB2_2-.Ltmp0, $4  }
0x1a: {  	[tilespmem:s31+$0x1BAB0] =	vst v0  }
0x1b: {  	[tilespmem:s31+$0x1BAC0] =	vst v0  }
0x1c: {  	[tilespmem:s31+$0x1BAD0] =	vst v0  }
0x1d: {  	[tilespmem:s31+$0x1BAE0] =	vst v0;
	s31 =	sshra.s32 s0, $0x2;
	s0 =	sadd.s32 $0x200, s0  }
0x1e: {  	[tilespmem:s31+$0x1BAF0] =	vst v0  }
0x1f: {  	[tilespmem:s31+$0x1BA80] =	vst v0  }
0x20: {  	[tilespmem:s31+$0x1BA90] =	vst v0  }
0x21: {  	[tilespmem:s31+$0x1BAA0] =	vst v0  }
0x22: {  	[tilespmem:s31+$0x1BAB0] =	vst v0  }
0x23: {  	[tilespmem:s31+$0x1BAC0] =	vst v0  }
0x24: {  	[tilespmem:s31+$0x1BAD0] =	vst v0  }
0x25: {  	[tilespmem:s31+$0x1BAE0] =	vst v0;
	s31 =	simm.s32 $0x0  }
0x26: {  	[tilespmem:s16], [sflag:$0x5] =	stream.linear.gather [hbm4b:s5+s31], $0x80, $0x38;
	[tilespmem:$0x1CE80] =	vst v63  }
0x27: {  	_ =	swait.ge [sflag:s17], $0x80  }
0x28: {  	[sflag:s17] =	ssyncset.done $0x0  }
0x29: {  	[sflag:s17] =	ssyncadd.s32 $0xFFFFFF80  }
0x2a: {  	[tilespmem:s18], [sflag:$0x5] =	stream.linear.gather [hbm4b:s6+s31], $0x80, $0x38;
	[tilespmem:$0x1CE80] =	vst v63  }
0x2b: {  	_ =	swait.ge [sflag:s17], $0x80  }
0x2c: {  	[sflag:s17] =	ssyncset.done $0x0  }
0x2d: {  	[sflag:s17] =	ssyncadd.s32 $0xFFFFFF80  }
0x2e: {  	[tilespmem:s20], [sflag:$0x1] =	stream.indirect.gather [hbm4b:s4+s19], $0x80, s16, s19, $0xb8;
	[tilespmem:$0x1CE80] =	vst v63  }
0x2f: {  	_ = 	snop  }
0x30: {  	[tilespmem:s21], [sflag:$0x5] =	stream.linear.gather [hbm4b:s7+s31], $0x80, $0x38;
	[tilespmem:$0x1CE80] =	vst v63  }
0x31: {  	_ =	swait.ge [sflag:s17], $0x80  }
0x32: {  	[sflag:s17] =	ssyncset.done $0x0  }
0x33: {  	[sflag:s17] =	ssyncadd.s32 $0xFFFFFF80  }
0x34: {  	[tilespmem:s22], [sflag:$0x5] =	stream.linear.gather [hbm4b:s8+s31], $0x80, $0x38;
	[tilespmem:$0x1CE80] =	vst v63  }
.Ltmp1:
0x35: {  	_ = 	snop;
	(pc) =	sbr.rel @p0 .LBB2_7-.Ltmp1, $4  }
0x36: {  	_ =	swait.ge [sflag:s17], $0x80  }
0x37: {  	[sflag:s17] =	ssyncset.done $0x0  }
0x38: {  	[sflag:s17] =	ssyncadd.s32 $0xFFFFFF80  }
0x39: {  	[tilespmem:s23], [sflag:$0x2] =	stream.indirect.gather [hbm4b:s4+s19], $0x80, s21, s19, $0xb8;
	[tilespmem:$0x1CE80] =	vst v63  }
0x3a: {  	s0 =	sshra.s32 s31, $0x2  }
0x3b: {  	s0 =	sadd.s32 s0, s10  }
0x3c: {  	[spmem:s0] =	stream.linear.scatter [tilespmem:s24], [sflag:$0x5], $0x1400, $0x38;
	[tilespmem:$0x1CE80] =	vst v63  }
0x3d: {  	s0 =	sadd.s32 $0x5000, s31;
	_ =	swait.ge [sflag:s17], $0x1400  }
.LBB2_5:
0x3e: {  	s31 =	sshra.s32 s0, $0x2;
	[sflag:s17] =	ssyncset.done $0x0;
	p1 =	sne.s32 s0, $0x78000  }
.Ltmp2:
0x3f: {  	s31 =	sadd.s32 s31, s10;
	[sflag:s17] =	ssyncadd.s32 $0xFFFFEC00;
	(pc) =	sbr.rel @p1 .LBB2_5-.Ltmp2, $3  }
0x40: {  	[spmem:s31] =	stream.linear.scatter [tilespmem:s24], [sflag:$0x5], $0x1400, $0x38;
	[tilespmem:$0x1CE80] =	vst v63  }
0x41: {  	s0 =	sadd.s32 $0x5000, s0;
	_ =	sdelay $0x1  }
0x42: {  	_ =	swait.ge [sflag:s17], $0x1400  }
0x43: {  	[sflag:s17] =	ssyncset.done $0x0  }
0x44: {  	[sflag:s17] =	ssyncadd.s32 $0xFFFFEC00  }
.LBB2_7:
0x45: {  	[bflag:$0x0] =	sbarrier.arrive $0xFFFF  }
0x46: {  	_ =	swait.ge [sflag:s25], $0x3E80  }
0x47: {  	[sflag:s25] =	ssyncset.done $0x0  }
0x48: {  	[sflag:s25] =	ssyncadd.s32 $0xFFFFC180  }
0x49: {  	[spmem:s1] =	stream.indirect.scatter.add.f32 [tilespmem:s20], [sflag:$0x3], $0x80, s18, s19, $0xb8;
	[tilespmem:$0x1CE80] =	vst v63  }
0x4a: {  	_ =	swait.ge [sflag:s26], $0x3E80  }
0x4b: {  	[sflag:s26] =	ssyncset.done $0x0  }
0x4c: {  	s0 =	sadd.s32 $0x0, s14;
	[sflag:s26] =	ssyncadd.s32 $0xFFFFC180  }
0x4d: {  	[tilespmem:s16], [sflag:$0x5] =	stream.linear.gather [hbm4b:s0+s3], $0x80, $0x38;
	[tilespmem:$0x1CE80] =	vst v63  }
0x4e: {  	_ =	swait.ge [sflag:s17], $0x80  }
0x4f: {  	[sflag:s17] =	ssyncset.done $0x0  }
0x50: {  	s2 =	sadd.s32 $0x0, s15;
	[sflag:s17] =	ssyncadd.s32 $0xFFFFFF80  }
0x51: {  	[tilespmem:s18], [sflag:$0x5] =	stream.linear.gather [hbm4b:s2+s3], $0x80, $0x38;
	[tilespmem:$0x1CE80] =	vst v63  }
0x52: {  	_ =	swait.ge [sflag:s17], $0x80  }
0x53: {  	[sflag:s17] =	ssyncset.done $0x0  }
0x54: {  	[sflag:s17] =	ssyncadd.s32 $0xFFFFFF80  }
0x55: {  	[tilespmem:s20], [sflag:$0x1] =	stream.indirect.gather [hbm4b:s4+s19], $0x80, s16, s19, $0xb8;
	[tilespmem:$0x1CE80] =	vst v63  }
0x56: {  	_ =	swait.ge [sflag:s28], $0x3E80  }
0x57: {  	[sflag:s28] =	ssyncset.done $0x0  }
0x58: {  	[sflag:s28] =	ssyncadd.s32 $0xFFFFC180  }
0x59: {  	[spmem:s1] =	stream.indirect.scatter.add.f32 [tilespmem:s23], [sflag:$0x4], $0x80, s22, s19, $0xb8;
	[tilespmem:$0x1CE80] =	vst v63  }
0x5a: {  	_ =	swait.ge [sflag:s29], $0x3E80  }
0x5b: {  	[sflag:s29] =	ssyncset.done $0x0  }
0x5c: {  	s2 =	sadd.s32 $0x0, s12;
	[sflag:s29] =	ssyncadd.s32 $0xFFFFC180  }
0x5d: {  	[tilespmem:s21], [sflag:$0x5] =	stream.linear.gather [hbm4b:s2+s3], $0x80, $0x38;
	[tilespmem:$0x1CE80] =	vst v63  }
0x5e: {  	_ =	swait.ge [sflag:s17], $0x80  }
0x5f: {  	[sflag:s17] =	ssyncset.done $0x0  }
0x60: {  	s2 =	sadd.s32 $0x0, s13;
	[sflag:s17] =	ssyncadd.s32 $0xFFFFFF80  }
0x61: {  	[tilespmem:s22], [sflag:$0x5] =	stream.linear.gather [hbm4b:s2+s3], $0x80, $0x38;
	[tilespmem:$0x1CE80] =	vst v63  }
0x62: {  	_ =	swait.ge [sflag:s17], $0x80  }
0x63: {  	[sflag:s17] =	ssyncset.done $0x0  }
0x64: {  	s31 =	simm.s32 $0x20;
	[sflag:s17] =	ssyncadd.s32 $0xFFFFFF80  }
.LBB2_8:
0x65: {  	[tilespmem:s23], [sflag:$0x2] =	stream.indirect.gather [hbm4b:s4+s19], $0x80, s21, s19, $0xb8;
	[tilespmem:$0x1CE80] =	vst v63  }
0x66: {  	s0 =	smov.u32 s31  }
0x67: {  	p1 =	sne.s32 s31, $0x240;
	s31 =	sadd.s32 $0x20, s31;
	_ =	swait.ge [sflag:s25], $0x3E80  }
0x68: {  	[sflag:s25] =	ssyncset.done $0x0  }
0x69: {  	[sflag:s25] =	ssyncadd.s32 $0xFFFFC180  }
0x6a: {  	[spmem:s1] =	stream.indirect.scatter.add.f32 [tilespmem:s20], [sflag:$0x3], $0x80, s18, s19, $0xb8;
	[tilespmem:$0x1CE80] =	vst v63  }
0x6b: {  	_ =	swait.ge [sflag:s26], $0x3E80  }
0x6c: {  	[sflag:s26] =	ssyncset.done $0x0  }
0x6d: {  	s2 =	sadd.s32 s0, s14;
	[sflag:s26] =	ssyncadd.s32 $0xFFFFC180  }
0x6e: {  	[tilespmem:s16], [sflag:$0x5] =	stream.linear.gather [hbm4b:s2+s3], $0x80, $0x38;
	[tilespmem:$0x1CE80] =	vst v63  }
0x6f: {  	_ =	swait.ge [sflag:s17], $0x80  }
0x70: {  	[sflag:s17] =	ssyncset.done $0x0  }
0x71: {  	s2 =	sadd.s32 s0, s15;
	[sflag:s17] =	ssyncadd.s32 $0xFFFFFF80  }
0x72: {  	[tilespmem:s18], [sflag:$0x5] =	stream.linear.gather [hbm4b:s2+s3], $0x80, $0x38;
	[tilespmem:$0x1CE80] =	vst v63  }
0x73: {  	_ =	swait.ge [sflag:s17], $0x80  }
0x74: {  	[sflag:s17] =	ssyncset.done $0x0  }
0x75: {  	[sflag:s17] =	ssyncadd.s32 $0xFFFFFF80  }
0x76: {  	[tilespmem:s20], [sflag:$0x1] =	stream.indirect.gather [hbm4b:s4+s19], $0x80, s16, s19, $0xb8;
	[tilespmem:$0x1CE80] =	vst v63  }
0x77: {  	_ =	swait.ge [sflag:s28], $0x3E80  }
0x78: {  	[sflag:s28] =	ssyncset.done $0x0  }
0x79: {  	[sflag:s28] =	ssyncadd.s32 $0xFFFFC180  }
0x7a: {  	[spmem:s1] =	stream.indirect.scatter.add.f32 [tilespmem:s23], [sflag:$0x4], $0x80, s22, s19, $0xb8;
	[tilespmem:$0x1CE80] =	vst v63  }
0x7b: {  	_ =	swait.ge [sflag:s29], $0x3E80  }
0x7c: {  	[sflag:s29] =	ssyncset.done $0x0  }
0x7d: {  	s2 =	sadd.s32 s0, s12;
	[sflag:s29] =	ssyncadd.s32 $0xFFFFC180  }
0x7e: {  	[tilespmem:s21], [sflag:$0x5] =	stream.linear.gather [hbm4b:s2+s3], $0x80, $0x38;
	[tilespmem:$0x1CE80] =	vst v63  }
0x7f: {  	_ =	swait.ge [sflag:s17], $0x80  }
0x80: {  	[sflag:s17] =	ssyncset.done $0x0  }
.Ltmp3:
0x81: {  	s0 =	sadd.s32 s0, s13;
	[sflag:s17] =	ssyncadd.s32 $0xFFFFFF80;
	(pc) =	sbr.rel @p1 .LBB2_8-.Ltmp3, $4  }
0x82: {  	[tilespmem:s22], [sflag:$0x5] =	stream.linear.gather [hbm4b:s0+s3], $0x80, $0x38;
	[tilespmem:$0x1CE80] =	vst v63  }
0x83: {  	_ =	swait.ge [sflag:s17], $0x80  }
0x84: {  	[sflag:s17] =	ssyncset.done $0x0  }
0x85: {  	[sflag:s17] =	ssyncadd.s32 $0xFFFFFF80  }
0x86: {  	[tilespmem:s23], [sflag:$0x2] =	stream.indirect.gather [hbm4b:s4+s19], $0x80, s21, s19, $0xb8;
	[tilespmem:$0x1CE80] =	vst v63  }
0x87: {  	_ =	swait.ge [sflag:s25], $0x3E80  }
0x88: {  	[sflag:s25] =	ssyncset.done $0x0  }
0x89: {  	[sflag:s25] =	ssyncadd.s32 $0xFFFFC180  }
0x8a: {  	[spmem:s1] =	stream.indirect.scatter.add.f32 [tilespmem:s20], [sflag:$0x3], $0x80, s18, s19, $0xb8;
	[tilespmem:$0x1CE80] =	vst v63  }
0x8b: {  	_ =	swait.ge [sflag:s26], $0x3E80  }
0x8c: {  	[sflag:s26] =	ssyncset.done $0x0  }
0x8d: {  	[sflag:s26] =	ssyncadd.s32 $0xFFFFC180  }
0x8e: {  	_ =	swait.ge [sflag:s28], $0x3E80  }
0x8f: {  	[sflag:s28] =	ssyncset.done $0x0  }
0x90: {  	[sflag:s28] =	ssyncadd.s32 $0xFFFFC180  }
0x91: {  	[spmem:s1] =	stream.indirect.scatter.add.f32 [tilespmem:s23], [sflag:$0x4], $0x80, s22, s19, $0xb8;
	[tilespmem:$0x1CE80] =	vst v63  }
0x92: {  	_ =	swait.ge [sflag:s29], $0x3E80  }
0x93: {  	s0 =	stileid.u32;
	s2 =	sshrl.u32 @!p0 s10, $0x3;
	[sflag:s29] =	ssyncset.done $0x0  }
0x94: {  	s30 =	sadd.s32 $0x1, s30;
	s0 =	sshll.u32 @!p0 s0, $0x6;
	[sflag:s29] =	ssyncadd.s32 $0xFFFFC180  }
0x95: {  	p1 =	sne.s32 s30, s11;
	s0 =	sor.u32 @!p0 $0x1C05, s0;
	[bflag:$0x0] =	sbarrier.arrive $0xFFFF  }
0x96: {  	[hbm:s9], [sflag:s0] =	dma.local @!p0 [spmem:s2], $0x3E80  }
.Ltmp4:
0x97: {  	_ = 	snop;
	(pc) =	sbr.rel @p1 .LBB2_1-.Ltmp4, $4  }
0x98: {  	s0 =	simm.s32 @!p0 $0x5  }
0x99: {  	_ =	swait.ge @!p0 [sflag:s0], $0x3E80  }
0x9a: {  	[sflag:s0] =	ssyncset.done @!p0 $0x0  }
0x9b: {  	[sflag:s0] =	ssyncadd.s32 @!p0 $0xFFFFC180  }
0x9c: {  	_ =	sfence.sel $0x180000  }
0x9d: {  	[bflag:$0x0] =	sbarrier.arrive $0xFFFF  }
0x9e: {  	_ =	strace $0x90000050  }
0x9f: {  	s0 =	stileid.u32;
	[bflag:$0x2] =	sbarrier.arrive $0xFFFF  }
0xa0: {  	p0 =	sne.s32 s0, $0x0;
	s0 =	rddreg [dreg:$0x2]  }
0xa1: {  	s0 =	sadd.s32 @!p0 $0x100000, s0  }
0xa2: {  	[sflag:s0] =	ssyncadd.tile.s32 @!p0 $0x1;
	_ =	shalt  }
.Lfunc_end2:
_tile_overlayer_lowered:
.L_overlay_start_2:
0xa3: {  	(tag) =	ssettag $0x2  }
0xa4: {  	s0 =	rddreg [dreg:$0x0];
	s2 =	stileid.u32  }
0xa5: {  	s1 =	rddreg [dreg:$0x1];
	p0 =	sne.s32 s2, $0x0  }
0xa6: {  	s3 =	rddreg [dreg:$0x2];
	[bflag:$0x3] =	sbarrier.arrive $0xFFFF;
	s2 =	simm.s32 @!p0 $0x1C05  }
0xa7: {  	[timem:s3], [sflag:s2] =	dma.local @!p0 [hbm:s0], s1  }
0xa8: {  	s0 =	simm.s32 @!p0 $0x5  }
0xa9: {  	_ =	swait.ge @!p0 [sflag:s0], s1  }
0xaa: {  	s1 =	ssub.s32 @!p0 $0x0, s1;
	[sflag:s0] =	ssyncset.done @!p0 $0x0  }
0xab: {  	[sflag:s0] =	ssyncadd.s32 @!p0 s1  }
0xac: {  	[bflag:$0x3] =	sbarrier.arrive $0xFFFF  }
0xad: {  	_ =	shalt  }

</sc_bundles>
